<compile_context>
chip_gen: v7x
topology: tpu7x:2x2x1
jax: 0.10.2.dev20260603
libtpu: 0.0.44.dev20260713+nightly
codegen_flags: <defaults>
</compile_context>

<pallas_src>
import functools

import jax
import jax.numpy as jnp
from jax import lax
from jax.experimental import pallas as pl
from jax.experimental.pallas import tpu as pltpu
from jax.experimental.pallas import tpu_sc as plsc

N = 10000
D = 128
H = 128
O = 128

NS = 16
HD = 64
G = 128
SB = 512
ACC_ROWS = 3 * N + 16
DUMP = 3 * N
ZR = ACC_ROWS // NS


def _sc_aggregate(xlo, xhi, src, dst, etype, upper, zrows):
    E = src.shape[0]
    assert E % SB == 0
    nsb = E // SB

    mesh = plsc.VectorSubcoreMesh(core_axis_name="c", subcore_axis_name="s")

    @functools.partial(
        pl.kernel,
        out_type=jax.ShapeDtypeStruct((4 * N, D), jnp.float32),
        mesh=mesh,
        scratch_types=[
            pltpu.VMEM_SHARED((ACC_ROWS, HD), jnp.float32),
            pltpu.VMEM((SB,), jnp.int32),
            pltpu.VMEM((SB,), jnp.int32),
            pltpu.VMEM((SB,), jnp.int32),
            pltpu.VMEM((SB // G, G), jnp.int32),
            pltpu.VMEM((G, HD), jnp.float32),
            pltpu.SemaphoreType.DMA,
            pltpu.SemaphoreType.DMA,
        ],
        compiler_params=pltpu.CompilerParams(use_tc_tiling_on_sc=False,
                                             needs_layout_passes=False),
    )
    def body(xlo_hbm, xhi_hbm, src_hbm, dst_hbm, et_hbm, up_hbm, z_hbm,
             out_hbm, acc, gbuf, tbuf, dbuf, sidx, rows, semi, semg):
        core = lax.axis_index("c")
        tid = lax.axis_index("s")
        lo = tid * nsb // NS
        hi = (tid + 1) * nsb // NS

        def sweep(x_half, g_arr, col, masked):

            def sb_body(b, c):
                s = b * SB
                cp1 = pltpu.async_copy(g_arr.at[pl.ds(s, SB)], gbuf, semi)
                cp2 = pltpu.async_copy(et_hbm.at[pl.ds(s, SB)], tbuf, semi)
                cp3 = pltpu.async_copy(dst_hbm.at[pl.ds(s, SB)], dbuf, semi)
                cp1.wait()
                cp2.wait()
                cp3.wait()
                for i in range(SB // 16):
                    tv = tbuf[pl.ds(i * 16, 16)]
                    dv = dbuf[pl.ds(i * 16, 16)]
                    if masked:
                        sv = jnp.where(tv == 2, dv, N)
                    else:
                        sv = dv + tv * N
                    sidx[i // 8, pl.ds((i % 8) * 16, 16)] = sv
                for k in range(SB // G):
                    pltpu.async_copy(
                        x_half.at[gbuf.at[pl.ds(k * G, G)]], rows,
                        semg).wait()
                    pltpu.sync_copy(rows, acc.at[sidx.at[k]], add=True)
                return c

            lax.fori_loop(lo, hi, sb_body, 0)
            plsc.subcore_barrier()

        for c in range(2):
            x_half = xlo_hbm if c == 0 else xhi_hbm
            col = c * HD

            @pl.when(core == c)
            def _():
                pltpu.sync_copy(z_hbm, acc.at[pl.ds(tid * ZR, ZR)])
                plsc.subcore_barrier()
                sweep(x_half, src_hbm, col, masked=False)
                wb = tid * 1872
                pltpu.sync_copy(
                    acc.at[pl.ds(wb, 1872)],
                    out_hbm.at[pl.ds(wb, 1872), pl.ds(col, HD)])

                @pl.when(tid == 0)
                def _():
                    pltpu.sync_copy(
                        acc.at[pl.ds(16 * 1872, 3 * N - 16 * 1872)],
                        out_hbm.at[pl.ds(16 * 1872, 3 * N - 16 * 1872),
                                   pl.ds(col, HD)])

                plsc.subcore_barrier()

                pltpu.sync_copy(z_hbm.at[pl.ds(0, 626)],
                                acc.at[pl.ds(tid * 626, 626)])
                plsc.subcore_barrier()
                sweep(x_half, up_hbm, col, masked=True)
                wb2 = tid * 624
                pltpu.sync_copy(
                    acc.at[pl.ds(wb2, 624)],
                    out_hbm.at[pl.ds(3 * N + wb2, 624), pl.ds(col, HD)])

                @pl.when(tid == 0)
                def _():
                    pltpu.sync_copy(
                        acc.at[pl.ds(16 * 624, N - 16 * 624)],
                        out_hbm.at[pl.ds(3 * N + 16 * 624, N - 16 * 624),
                                   pl.ds(col, HD)])

                plsc.subcore_barrier()

    return body(xlo, xhi, src, dst, etype, upper, zrows)


def _tc_dense(x, A, Wb, bb, Wr, br, Wm, bm, Wu, bu, Wo, bo):
    BN = 1000
    nblk = N // BN
    f32 = jnp.float32

    def body(x_ref, a_ref, wb_ref, bb_ref, wr_ref, br_ref, wm_ref, bm_ref,
             wu_ref, bu_ref, wo_ref, bo_ref, o_ref):
        xb = x_ref[...]
        a0 = a_ref[0]
        a1 = a_ref[1]
        a2 = a_ref[2]
        a3 = a_ref[3]
        bnd = jnp.maximum(
            jnp.dot(xb + a0, wb_ref[...], preferred_element_type=f32)
            + bb_ref[...], 0.0)
        rew = jnp.maximum(
            jnp.dot(xb + a1, wr_ref[...], preferred_element_type=f32)
            + br_ref[...], 0.0)
        u = (xb
             + jnp.dot(a2, wm_ref[0:D], preferred_element_type=f32)
             + jnp.dot(a3, wm_ref[D:2 * D], preferred_element_type=f32)
             + bm_ref[...])
        upp = jnp.maximum(
            jnp.dot(u, wu_ref[...], preferred_element_type=f32)
            + bu_ref[...], 0.0)
        o = jnp.maximum(
            jnp.dot(bnd, wo_ref[0:H], preferred_element_type=f32)
            + jnp.dot(rew, wo_ref[H:2 * H], preferred_element_type=f32)
            + jnp.dot(upp, wo_ref[2 * H:3 * H], preferred_element_type=f32)
            + bo_ref[...], 0.0)
        o_ref[...] = o

    full = lambda a: pl.BlockSpec(a.shape, lambda i: (0,) * a.ndim)
    return pl.pallas_call(
        body,
        grid=(nblk,),
        in_specs=[
            pl.BlockSpec((BN, D), lambda i: (i, 0)),
            pl.BlockSpec((4, BN, D), lambda i: (0, i, 0)),
            full(Wb), full(bb), full(Wr), full(br), full(Wm), full(bm),
            full(Wu), full(bu), full(Wo), full(bo),
        ],
        out_specs=pl.BlockSpec((BN, O), lambda i: (i, 0)),
        out_shape=jax.ShapeDtypeStruct((N, O), f32),
    )(x, A, Wb, bb, Wr, br, Wm, bm, Wu, bu, Wo, bo)


def kernel(x, edge_index, edge_type, upper_ind, cell_dimension,
           W_bnd, b_bnd, W_rew, b_rew, W_msg, b_msg, W_upd, b_upd,
           W_out, b_out):
    del cell_dimension
    src = edge_index[0]
    dst = edge_index[1]
    xlo = x[:, :HD]
    xhi = x[:, HD:]
    zrows = jnp.zeros((ZR, HD), jnp.float32)
    agg = _sc_aggregate(xlo, xhi, src, dst, edge_type, upper_ind, zrows)
    A = agg.reshape(4, N, D)
    return _tc_dense(x, A,
                     W_bnd, b_bnd.reshape(1, H),
                     W_rew, b_rew.reshape(1, H),
                     W_msg, b_msg.reshape(1, D),
                     W_upd, b_upd.reshape(1, H),
                     W_out, b_out.reshape(1, O))

# --- scband reference (transcript-rebuilt; emitter-appended) ---
"""Pipeline reference for scband-cinconv-2688649527597 (READ-ONLY COPY).

The authoritative reference and input builder live on the scoring server;
editing this copy changes nothing except your own understanding.
"""

import jax, jax.numpy as jnp
import numpy as np

N = 10000
E = 320000
D = 128
H = 128
O = 128
EPS = 0.0

# Adjacency enum assumed: BOUNDARY=0, REWIRE=1, UPPER=2
# make_base_net(in, out) assumed: Linear(in, out) + ReLU

def _lin_init(k, fan_in, fan_out):
    s = 1.0 / np.sqrt(fan_in)
    kw, kb = jax.random.split(k)
    W = jax.random.uniform(kw, (fan_in, fan_out), minval=-s, maxval=s, dtype=jnp.float32)
    b = jax.random.uniform(kb, (fan_out,), minval=-s, maxval=s, dtype=jnp.float32)
    return W, b


def setup_inputs(seed: int = 0) -> dict:
    key = jax.random.key(seed)
    ks = jax.random.split(key, 12)
    x = jax.random.normal(ks[0], (N, D), dtype=jnp.float32)
    edge_index = jax.random.randint(ks[1], (2, E), 0, N)
    edge_type = jax.random.randint(ks[2], (E,), 0, 3)
    upper_ind = jax.random.randint(ks[3], (E,), 0, N)
    cell_dimension = jax.random.randint(ks[4], (N,), 0, 2)
    W_bnd, b_bnd = _lin_init(ks[5], D, H)
    W_rew, b_rew = _lin_init(ks[6], D, H)
    W_msg, b_msg = _lin_init(ks[7], 2 * D, D)
    W_upd, b_upd = _lin_init(ks[8], D, H)
    W_out, b_out = _lin_init(ks[9], 3 * H, O)
    return {
        'x': x, 'edge_index': edge_index, 'edge_type': edge_type,
        'upper_ind': upper_ind, 'cell_dimension': cell_dimension,
        'W_bnd': W_bnd, 'b_bnd': b_bnd, 'W_rew': W_rew, 'b_rew': b_rew,
        'W_msg': W_msg, 'b_msg': b_msg, 'W_upd': W_upd, 'b_upd': b_upd,
        'W_out': W_out, 'b_out': b_out,
    }


def reference(x, edge_index, edge_type, upper_ind, cell_dimension,
              W_bnd, b_bnd, W_rew, b_rew, W_msg, b_msg, W_upd, b_upd, W_out, b_out):
    src = edge_index[0]
    dst = edge_index[1]
    xj = x[src]  # gather source features for all edges

    # GINConv with Identity nn: out = (1+eps)*x + segment_sum over selected edges.
    # Edge selection (edge_type mask) implemented as multiplicative masking, which is
    # mathematically identical to compacting the edge list as in the torch code.
    mask_b = (edge_type == 0).astype(x.dtype)[:, None]
    agg_b = jax.ops.segment_sum(xj * mask_b, dst, num_segments=N)
    boundary = (1.0 + EPS) * x + agg_b
    boundary = jax.nn.relu(boundary @ W_bnd + b_bnd)

    mask_r = (edge_type == 1).astype(x.dtype)[:, None]
    agg_r = jax.ops.segment_sum(xj * mask_r, dst, num_segments=N)
    rewire = (1.0 + EPS) * x + agg_r
    rewire = jax.nn.relu(rewire @ W_rew + b_rew)

    # UpDownConv on UPPER edges: message = concat([x_j, x[common_ind]]), sum-aggregated at dst
    mask_u = (edge_type == 2).astype(x.dtype)[:, None]
    edge_attr = x[upper_ind]
    msg = jnp.concatenate([xj, edge_attr], axis=-1) * mask_u
    agg_u = jax.ops.segment_sum(msg, dst, num_segments=N)  # [N, 2D]
    up = (1.0 + EPS) * x + (agg_u @ W_msg + b_msg)
    upper = jax.nn.relu(up @ W_upd + b_upd)

    comb = jnp.concatenate([boundary, rewire, upper], axis=-1)
    out = jax.nn.relu(comb @ W_out + b_out)
    return out

if __name__ == "__main__":
    import jax
    _d = setup_inputs()
    print(jax.jit(kernel)(*tuple(_d.values())))

</pallas_src>

<mosaic_0001>
#map = affine_map<(d0, d1) -> (0, 0)>
#map1 = affine_map<(d0, d1) -> (0)>
module attributes {stable_mosaic.version = 14 : i64} {
  func.func @body(%arg0: i32, %arg1: i32, %arg2: memref<10000x64xf32, #tpu.memory_space<hbm>>, %arg3: memref<10000x64xf32, #tpu.memory_space<hbm>>, %arg4: memref<320000xi32, #tpu.memory_space<hbm>>, %arg5: memref<320000xi32, #tpu.memory_space<hbm>>, %arg6: memref<320000xi32, #tpu.memory_space<hbm>>, %arg7: memref<320000xi32, #tpu.memory_space<hbm>>, %arg8: memref<1876x64xf32, #tpu.memory_space<hbm>>, %arg9: memref<40000x128xf32, #tpu.memory_space<hbm>>, %arg10: memref<30016x64xf32, #tpu.memory_space<vmem_shared>>, %arg11: memref<512xi32, #tpu.memory_space<vmem>>, %arg12: memref<512xi32, #tpu.memory_space<vmem>>, %arg13: memref<512xi32, #tpu.memory_space<vmem>>, %arg14: memref<4x128xi32, #tpu.memory_space<vmem>>, %arg15: memref<128x64xf32, #tpu.memory_space<vmem>>, %arg16: memref<!tpu.dma_semaphore, #tpu.memory_space<semaphore_mem>>, %arg17: memref<!tpu.dma_semaphore, #tpu.memory_space<semaphore_mem>>) attributes {dimension_semantics = [#tpu.dimension_semantics<core_parallel>, #tpu.dimension_semantics<subcore_parallel>], iteration_bounds = array<i64: 2, 16>, scalar_prefetch = 0 : i64, scratch_operands = 8 : i64, tpu.core_type = #tpu.core_type<sc_vector_subcore>, window_params = [{transform_indices = #map}, {transform_indices = #map}, {transform_indices = #map1}, {transform_indices = #map1}, {transform_indices = #map1}, {transform_indices = #map1}, {transform_indices = #map}, {transform_indices = #map}]} {
    %mul3A = arith.constant 625 : i32
    %mul3A_0 = arith.muli %arg1, %mul3A : i32
    %jit3A = arith.constant 16 : i32
    %div3A = arith.divsi %mul3A_0, %jit3A : i32
    %sign3A = arith.constant 0 : i32
    %sign3A_1 = arith.cmpi sgt, %mul3A_0, %sign3A : i32
    %sign3A_2 = arith.extui %sign3A_1 : i1 to i32
    %sign3A_3 = arith.constant 0 : i32
    %sign3A_4 = arith.cmpi slt, %mul3A_0, %sign3A_3 : i32
    %sign3A_5 = arith.extui %sign3A_4 : i1 to i32
    %sign3A_6 = arith.subi %sign3A_2, %sign3A_5 : i32
    %sign3A_7 = arith.constant 0 : i32
    %sign3A_8 = arith.cmpi sgt, %jit3A, %sign3A_7 : i32
    %sign3A_9 = arith.extui %sign3A_8 : i1 to i32
    %sign3A_10 = arith.constant 0 : i32
    %sign3A_11 = arith.cmpi slt, %jit3A, %sign3A_10 : i32
    %sign3A_12 = arith.extui %sign3A_11 : i1 to i32
    %sign3A_13 = arith.subi %sign3A_9, %sign3A_12 : i32
    %ne3A = arith.cmpi ne, %sign3A_6, %sign3A_13 : i32
    %rem3A = arith.remsi %mul3A_0, %jit3A : i32
    %ne3A_14 = arith.constant 0 : i32
    %ne3A_15 = arith.cmpi ne, %rem3A, %ne3A_14 : i32
    %and3A = arith.andi %ne3A, %ne3A_15 : i1
    %sub3A = arith.constant 1 : i32
    %sub3A_16 = arith.subi %div3A, %sub3A : i32
    %select_n3A = arith.select %and3A, %sub3A_16, %div3A : i32
    %add3A = arith.constant 1 : i32
    %add3A_17 = arith.addi %arg1, %add3A : i32
    %mul3A_18 = arith.constant 625 : i32
    %mul3A_19 = arith.muli %add3A_17, %mul3A_18 : i32
    %jit3A_20 = arith.constant 16 : i32
    %div3A_21 = arith.divsi %mul3A_19, %jit3A_20 : i32
    %sign3A_22 = arith.constant 0 : i32
    %sign3A_23 = arith.cmpi sgt, %mul3A_19, %sign3A_22 : i32
    %sign3A_24 = arith.extui %sign3A_23 : i1 to i32
    %sign3A_25 = arith.constant 0 : i32
    %sign3A_26 = arith.cmpi slt, %mul3A_19, %sign3A_25 : i32
    %sign3A_27 = arith.extui %sign3A_26 : i1 to i32
    %sign3A_28 = arith.subi %sign3A_24, %sign3A_27 : i32
    %sign3A_29 = arith.constant 0 : i32
    %sign3A_30 = arith.cmpi sgt, %jit3A_20, %sign3A_29 : i32
    %sign3A_31 = arith.extui %sign3A_30 : i1 to i32
    %sign3A_32 = arith.constant 0 : i32
    %sign3A_33 = arith.cmpi slt, %jit3A_20, %sign3A_32 : i32
    %sign3A_34 = arith.extui %sign3A_33 : i1 to i32
    %sign3A_35 = arith.subi %sign3A_31, %sign3A_34 : i32
    %ne3A_36 = arith.cmpi ne, %sign3A_28, %sign3A_35 : i32
    %rem3A_37 = arith.remsi %mul3A_19, %jit3A_20 : i32
    %ne3A_38 = arith.constant 0 : i32
    %ne3A_39 = arith.cmpi ne, %rem3A_37, %ne3A_38 : i32
    %and3A_40 = arith.andi %ne3A_36, %ne3A_39 : i1
    %sub3A_41 = arith.constant 1 : i32
    %sub3A_42 = arith.subi %div3A_21, %sub3A_41 : i32
    %select_n3A_43 = arith.select %and3A_40, %sub3A_42, %div3A_21 : i32
    %eq3A = arith.constant 0 : i32
    %eq3A_44 = arith.cmpi eq, %arg0, %eq3A : i32
    %convert_element_type3A = arith.extui %eq3A_44 : i1 to i32
    %cond3A = arith.constant 0 : i32
    %cond3A_45 = arith.cmpi ne, %convert_element_type3A, %cond3A : i32
    scf.if %cond3A_45 {
      %mul3A_51 = arith.constant 1876 : i32
      %mul3A_52 = arith.muli %arg1, %mul3A_51 : i32
      "tpu.region"() ({
        %run_scoped3A = tpu.sem_alloc : memref<!tpu.dma_semaphore, #tpu.memory_space<semaphore_mem>>
        %dma_start3A = arith.constant 0 : i32
        %dma_start3A_93 = tpu.memref_slice %arg10[%mul3A_52, %dma_start3A] : memref<30016x64xf32, #tpu.memory_space<vmem_shared>> -> memref<1876x64xf32, #tpu.memory_space<vmem_shared>>
        tpu.enqueue_dma source(%arg8 : memref<1876x64xf32, #tpu.memory_space<hbm>>) target(%dma_start3A_93 : memref<1876x64xf32, #tpu.memory_space<vmem_shared>>) target_semaphore(%run_scoped3A : memref<!tpu.dma_semaphore, #tpu.memory_space<semaphore_mem>>)
        %dma_wait3A = arith.constant 0 : i32
        %dma_wait3A_94 = tpu.memref_slice %arg10[%mul3A_52, %dma_wait3A] : memref<30016x64xf32, #tpu.memory_space<vmem_shared>> -> memref<1876x64xf32, #tpu.memory_space<vmem_shared>>
        tpu.wait_dma2 semaphore(%run_scoped3A : memref<!tpu.dma_semaphore, #tpu.memory_space<semaphore_mem>>) src(%arg8 : memref<1876x64xf32, #tpu.memory_space<hbm>>) dst(%dma_wait3A_94 : memref<1876x64xf32, #tpu.memory_space<vmem_shared>>)
        tpu.yield
      }) : () -> ()
      %barrier3A = arith.constant 0 : index
      tpu.barrier barrier_id(%barrier3A)
      %while3A = arith.constant 0 : i32
      %while3A_53 = arith.subi %select_n3A_43, %select_n3A : i32
      %while3A_54 = arith.addi %select_n3A, %while3A_53 : i32
      %while3A_55 = arith.constant 1 : i32
      %while3A_56 = arith.divsi %while3A_53, %while3A_55 : i32
      %while3A_57 = arith.muli %while3A_56, %while3A_55 : i32
      %while3A_58 = arith.addi %select_n3A, %while3A_57 : i32
      %while3A_59 = arith.constant 1 : i32
      scf.for %while3A_93 = %select_n3A to %while3A_58 step %while3A_59  : i32 {
        %mul3A_94 = arith.constant 512 : i32
        %mul3A_95 = arith.muli %while3A_93, %mul3A_94 : i32
        %dma_start3A = tpu.memref_slice %arg4[%mul3A_95] : memref<320000xi32, #tpu.memory_space<hbm>> -> memref<512xi32, #tpu.memory_space<hbm>>
        %dma_start3A_96 = tpu.memref_slice %arg4[%mul3A_95] : memref<320000xi32, #tpu.memory_space<hbm>> -> memref<512xi32, #tpu.memory_space<hbm>>
        tpu.enqueue_dma source(%dma_start3A_96 : memref<512xi32, #tpu.memory_space<hbm>>) target(%arg11 : memref<512xi32, #tpu.memory_space<vmem>>) target_semaphore(%arg16 : memref<!tpu.dma_semaphore, #tpu.memory_space<semaphore_mem>>)
        %dma_start3A_97 = tpu.memref_slice %arg6[%mul3A_95] : memref<320000xi32, #tpu.memory_space<hbm>> -> memref<512xi32, #tpu.memory_space<hbm>>
        %dma_start3A_98 = tpu.memref_slice %arg6[%mul3A_95] : memref<320000xi32, #tpu.memory_space<hbm>> -> memref<512xi32, #tpu.memory_space<hbm>>
        tpu.enqueue_dma source(%dma_start3A_98 : memref<512xi32, #tpu.memory_space<hbm>>) target(%arg12 : memref<512xi32, #tpu.memory_space<vmem>>) target_semaphore(%arg16 : memref<!tpu.dma_semaphore, #tpu.memory_space<semaphore_mem>>)
        %dma_start3A_99 = tpu.memref_slice %arg5[%mul3A_95] : memref<320000xi32, #tpu.memory_space<hbm>> -> memref<512xi32, #tpu.memory_space<hbm>>
        %dma_start3A_100 = tpu.memref_slice %arg5[%mul3A_95] : memref<320000xi32, #tpu.memory_space<hbm>> -> memref<512xi32, #tpu.memory_space<hbm>>
        tpu.enqueue_dma source(%dma_start3A_100 : memref<512xi32, #tpu.memory_space<hbm>>) target(%arg13 : memref<512xi32, #tpu.memory_space<vmem>>) target_semaphore(%arg16 : memref<!tpu.dma_semaphore, #tpu.memory_space<semaphore_mem>>)
        %dma_wait3A = tpu.memref_slice %arg4[%mul3A_95] : memref<320000xi32, #tpu.memory_space<hbm>> -> memref<512xi32, #tpu.memory_space<hbm>>
        %dma_wait3A_101 = tpu.memref_slice %arg4[%mul3A_95] : memref<320000xi32, #tpu.memory_space<hbm>> -> memref<512xi32, #tpu.memory_space<hbm>>
        tpu.wait_dma2 semaphore(%arg16 : memref<!tpu.dma_semaphore, #tpu.memory_space<semaphore_mem>>) src(%dma_wait3A_101 : memref<512xi32, #tpu.memory_space<hbm>>) dst(%arg11 : memref<512xi32, #tpu.memory_space<vmem>>)
        %dma_wait3A_102 = tpu.memref_slice %arg6[%mul3A_95] : memref<320000xi32, #tpu.memory_space<hbm>> -> memref<512xi32, #tpu.memory_space<hbm>>
        %dma_wait3A_103 = tpu.memref_slice %arg6[%mul3A_95] : memref<320000xi32, #tpu.memory_space<hbm>> -> memref<512xi32, #tpu.memory_space<hbm>>
        tpu.wait_dma2 semaphore(%arg16 : memref<!tpu.dma_semaphore, #tpu.memory_space<semaphore_mem>>) src(%dma_wait3A_103 : memref<512xi32, #tpu.memory_space<hbm>>) dst(%arg12 : memref<512xi32, #tpu.memory_space<vmem>>)
        %dma_wait3A_104 = tpu.memref_slice %arg5[%mul3A_95] : memref<320000xi32, #tpu.memory_space<hbm>> -> memref<512xi32, #tpu.memory_space<hbm>>
        %dma_wait3A_105 = tpu.memref_slice %arg5[%mul3A_95] : memref<320000xi32, #tpu.memory_space<hbm>> -> memref<512xi32, #tpu.memory_space<hbm>>
        tpu.wait_dma2 semaphore(%arg16 : memref<!tpu.dma_semaphore, #tpu.memory_space<semaphore_mem>>) src(%dma_wait3A_105 : memref<512xi32, #tpu.memory_space<hbm>>) dst(%arg13 : memref<512xi32, #tpu.memory_space<vmem>>)
        %get3A = arith.constant 0 : index
        %get3A_106 = tpu.vector_load %arg12[%get3A] {strides = array<i32>} : memref<512xi32, #tpu.memory_space<vmem>>, vector<16xi32>,
        %get3A_107 = arith.constant 0 : index
        %get3A_108 = tpu.vector_load %arg13[%get3A_107] {strides = array<i32>} : memref<512xi32, #tpu.memory_space<vmem>>, vector<16xi32>,
        %mul3A_109 = arith.constant 10000 : i32
        %mul3A_110 = vector.broadcast %mul3A_109 : i32 to vector<16xi32>
        %mul3A_111 = arith.muli %get3A_106, %mul3A_110 : vector<16xi32>
        %add3A_112 = arith.addi %get3A_108, %mul3A_111 : vector<16xi32>
        %swap3A = arith.constant 0 : i32
        %swap3A_113 = arith.index_cast %swap3A : i32 to index
        %swap3A_114 = arith.constant 0 : index
        %swap3A_115 = tpu.vector_load %arg14[%swap3A_113, %swap3A_114] {strides = array<i32>} : memref<4x128xi32, #tpu.memory_space<vmem>>, vector<16xi32>,
        tpu.vector_store %arg14[%swap3A_113, %swap3A_114], %add3A_112 {strides = array<i32>} : memref<4x128xi32, #tpu.memory_space<vmem>>, vector<16xi32>,
        %get3A_116 = arith.constant 16 : index
        %get3A_117 = tpu.vector_load %arg12[%get3A_116] {strides = array<i32>} : memref<512xi32, #tpu.memory_space<vmem>>, vector<16xi32>,
        %get3A_118 = arith.constant 16 : index
        %get3A_119 = tpu.vector_load %arg13[%get3A_118] {strides = array<i32>} : memref<512xi32, #tpu.memory_space<vmem>>, vector<16xi32>,
        %mul3A_120 = arith.constant 10000 : i32
        %mul3A_121 = vector.broadcast %mul3A_120 : i32 to vector<16xi32>
        %mul3A_122 = arith.muli %get3A_117, %mul3A_121 : vector<16xi32>
        %add3A_123 = arith.addi %get3A_119, %mul3A_122 : vector<16xi32>
        %swap3A_124 = arith.constant 0 : i32
        %swap3A_125 = arith.index_cast %swap3A_124 : i32 to index
        %swap3A_126 = arith.constant 16 : index
        %swap3A_127 = tpu.vector_load %arg14[%swap3A_125, %swap3A_126] {strides = array<i32>} : memref<4x128xi32, #tpu.memory_space<vmem>>, vector<16xi32>,
        tpu.vector_store %arg14[%swap3A_125, %swap3A_126], %add3A_123 {strides = array<i32>} : memref<4x128xi32, #tpu.memory_space<vmem>>, vector<16xi32>,
        %get3A_128 = arith.constant 32 : index
        %get3A_129 = tpu.vector_load %arg12[%get3A_128] {strides = array<i32>} : memref<512xi32, #tpu.memory_space<vmem>>, vector<16xi32>,
        %get3A_130 = arith.constant 32 : index
        %get3A_131 = tpu.vector_load %arg13[%get3A_130] {strides = array<i32>} : memref<512xi32, #tpu.memory_space<vmem>>, vector<16xi32>,
        %mul3A_132 = arith.constant 10000 : i32
        %mul3A_133 = vector.broadcast %mul3A_132 : i32 to vector<16xi32>
        %mul3A_134 = arith.muli %get3A_129, %mul3A_133 : vector<16xi32>
        %add3A_135 = arith.addi %get3A_131, %mul3A_134 : vector<16xi32>
        %swap3A_136 = arith.constant 0 : i32
        %swap3A_137 = arith.index_cast %swap3A_136 : i32 to index
        %swap3A_138 = arith.constant 32 : index
        %swap3A_139 = tpu.vector_load %arg14[%swap3A_137, %swap3A_138] {strides = array<i32>} : memref<4x128xi32, #tpu.memory_space<vmem>>, vector<16xi32>,
        tpu.vector_store %arg14[%swap3A_137, %swap3A_138], %add3A_135 {strides = array<i32>} : memref<4x128xi32, #tpu.memory_space<vmem>>, vector<16xi32>,
        %get3A_140 = arith.constant 48 : index
        %get3A_141 = tpu.vector_load %arg12[%get3A_140] {strides = array<i32>} : memref<512xi32, #tpu.memory_space<vmem>>, vector<16xi32>,
        %get3A_142 = arith.constant 48 : index
        %get3A_143 = tpu.vector_load %arg13[%get3A_142] {strides = array<i32>} : memref<512xi32, #tpu.memory_space<vmem>>, vector<16xi32>,
        %mul3A_144 = arith.constant 10000 : i32
        %mul3A_145 = vector.broadcast %mul3A_144 : i32 to vector<16xi32>
        %mul3A_146 = arith.muli %get3A_141, %mul3A_145 : vector<16xi32>
        %add3A_147 = arith.addi %get3A_143, %mul3A_146 : vector<16xi32>
        %swap3A_148 = arith.constant 0 : i32
        %swap3A_149 = arith.index_cast %swap3A_148 : i32 to index
        %swap3A_150 = arith.constant 48 : index
        %swap3A_151 = tpu.vector_load %arg14[%swap3A_149, %swap3A_150] {strides = array<i32>} : memref<4x128xi32, #tpu.memory_space<vmem>>, vector<16xi32>,
        tpu.vector_store %arg14[%swap3A_149, %swap3A_150], %add3A_147 {strides = array<i32>} : memref<4x128xi32, #tpu.memory_space<vmem>>, vector<16xi32>,
        %get3A_152 = arith.constant 64 : index
        %get3A_153 = tpu.vector_load %arg12[%get3A_152] {strides = array<i32>} : memref<512xi32, #tpu.memory_space<vmem>>, vector<16xi32>,
        %get3A_154 = arith.constant 64 : index
        %get3A_155 = tpu.vector_load %arg13[%get3A_154] {strides = array<i32>} : memref<512xi32, #tpu.memory_space<vmem>>, vector<16xi32>,
        %mul3A_156 = arith.constant 10000 : i32
        %mul3A_157 = vector.broadcast %mul3A_156 : i32 to vector<16xi32>
        %mul3A_158 = arith.muli %get3A_153, %mul3A_157 : vector<16xi32>
        %add3A_159 = arith.addi %get3A_155, %mul3A_158 : vector<16xi32>
        %swap3A_160 = arith.constant 0 : i32
        %swap3A_161 = arith.index_cast %swap3A_160 : i32 to index
        %swap3A_162 = arith.constant 64 : index
        %swap3A_163 = tpu.vector_load %arg14[%swap3A_161, %swap3A_162] {strides = array<i32>} : memref<4x128xi32, #tpu.memory_space<vmem>>, vector<16xi32>,
        tpu.vector_store %arg14[%swap3A_161, %swap3A_162], %add3A_159 {strides = array<i32>} : memref<4x128xi32, #tpu.memory_space<vmem>>, vector<16xi32>,
        %get3A_164 = arith.constant 80 : index
        %get3A_165 = tpu.vector_load %arg12[%get3A_164] {strides = array<i32>} : memref<512xi32, #tpu.memory_space<vmem>>, vector<16xi32>,
        %get3A_166 = arith.constant 80 : index
        %get3A_167 = tpu.vector_load %arg13[%get3A_166] {strides = array<i32>} : memref<512xi32, #tpu.memory_space<vmem>>, vector<16xi32>,
        %mul3A_168 = arith.constant 10000 : i32
        %mul3A_169 = vector.broadcast %mul3A_168 : i32 to vector<16xi32>
        %mul3A_170 = arith.muli %get3A_165, %mul3A_169 : vector<16xi32>
        %add3A_171 = arith.addi %get3A_167, %mul3A_170 : vector<16xi32>
        %swap3A_172 = arith.constant 0 : i32
        %swap3A_173 = arith.index_cast %swap3A_172 : i32 to index
        %swap3A_174 = arith.constant 80 : index
        %swap3A_175 = tpu.vector_load %arg14[%swap3A_173, %swap3A_174] {strides = array<i32>} : memref<4x128xi32, #tpu.memory_space<vmem>>, vector<16xi32>,
        tpu.vector_store %arg14[%swap3A_173, %swap3A_174], %add3A_171 {strides = array<i32>} : memref<4x128xi32, #tpu.memory_space<vmem>>, vector<16xi32>,
        %get3A_176 = arith.constant 96 : index
        %get3A_177 = tpu.vector_load %arg12[%get3A_176] {strides = array<i32>} : memref<512xi32, #tpu.memory_space<vmem>>, vector<16xi32>,
        %get3A_178 = arith.constant 96 : index
        %get3A_179 = tpu.vector_load %arg13[%get3A_178] {strides = array<i32>} : memref<512xi32, #tpu.memory_space<vmem>>, vector<16xi32>,
        %mul3A_180 = arith.constant 10000 : i32
        %mul3A_181 = vector.broadcast %mul3A_180 : i32 to vector<16xi32>
        %mul3A_182 = arith.muli %get3A_177, %mul3A_181 : vector<16xi32>
        %add3A_183 = arith.addi %get3A_179, %mul3A_182 : vector<16xi32>
        %swap3A_184 = arith.constant 0 : i32
        %swap3A_185 = arith.index_cast %swap3A_184 : i32 to index
        %swap3A_186 = arith.constant 96 : index
        %swap3A_187 = tpu.vector_load %arg14[%swap3A_185, %swap3A_186] {strides = array<i32>} : memref<4x128xi32, #tpu.memory_space<vmem>>, vector<16xi32>,
        tpu.vector_store %arg14[%swap3A_185, %swap3A_186], %add3A_183 {strides = array<i32>} : memref<4x128xi32, #tpu.memory_space<vmem>>, vector<16xi32>,
        %get3A_188 = arith.constant 112 : index
        %get3A_189 = tpu.vector_load %arg12[%get3A_188] {strides = array<i32>} : memref<512xi32, #tpu.memory_space<vmem>>, vector<16xi32>,
        %get3A_190 = arith.constant 112 : index
        %get3A_191 = tpu.vector_load %arg13[%get3A_190] {strides = array<i32>} : memref<512xi32, #tpu.memory_space<vmem>>, vector<16xi32>,
        %mul3A_192 = arith.constant 10000 : i32
        %mul3A_193 = vector.broadcast %mul3A_192 : i32 to vector<16xi32>
        %mul3A_194 = arith.muli %get3A_189, %mul3A_193 : vector<16xi32>
        %add3A_195 = arith.addi %get3A_191, %mul3A_194 : vector<16xi32>
        %swap3A_196 = arith.constant 0 : i32
        %swap3A_197 = arith.index_cast %swap3A_196 : i32 to index
        %swap3A_198 = arith.constant 112 : index
        %swap3A_199 = tpu.vector_load %arg14[%swap3A_197, %swap3A_198] {strides = array<i32>} : memref<4x128xi32, #tpu.memory_space<vmem>>, vector<16xi32>,
        tpu.vector_store %arg14[%swap3A_197, %swap3A_198], %add3A_195 {strides = array<i32>} : memref<4x128xi32, #tpu.memory_space<vmem>>, vector<16xi32>,
        %get3A_200 = arith.constant 128 : index
        %get3A_201 = tpu.vector_load %arg12[%get3A_200] {strides = array<i32>} : memref<512xi32, #tpu.memory_space<vmem>>, vector<16xi32>,
        %get3A_202 = arith.constant 128 : index
        %get3A_203 = tpu.vector_load %arg13[%get3A_202] {strides = array<i32>} : memref<512xi32, #tpu.memory_space<vmem>>, vector<16xi32>,
        %mul3A_204 = arith.constant 10000 : i32
        %mul3A_205 = vector.broadcast %mul3A_204 : i32 to vector<16xi32>
        %mul3A_206 = arith.muli %get3A_201, %mul3A_205 : vector<16xi32>
        %add3A_207 = arith.addi %get3A_203, %mul3A_206 : vector<16xi32>
        %swap3A_208 = arith.constant 1 : i32
        %swap3A_209 = arith.index_cast %swap3A_208 : i32 to index
        %swap3A_210 = arith.constant 0 : index
        %swap3A_211 = tpu.vector_load %arg14[%swap3A_209, %swap3A_210] {strides = array<i32>} : memref<4x128xi32, #tpu.memory_space<vmem>>, vector<16xi32>,
        tpu.vector_store %arg14[%swap3A_209, %swap3A_210], %add3A_207 {strides = array<i32>} : memref<4x128xi32, #tpu.memory_space<vmem>>, vector<16xi32>,
        %get3A_212 = arith.constant 144 : index
        %get3A_213 = tpu.vector_load %arg12[%get3A_212] {strides = array<i32>} : memref<512xi32, #tpu.memory_space<vmem>>, vector<16xi32>,
        %get3A_214 = arith.constant 144 : index
        %get3A_215 = tpu.vector_load %arg13[%get3A_214] {strides = array<i32>} : memref<512xi32, #tpu.memory_space<vmem>>, vector<16xi32>,
        %mul3A_216 = arith.constant 10000 : i32
        %mul3A_217 = vector.broadcast %mul3A_216 : i32 to vector<16xi32>
        %mul3A_218 = arith.muli %get3A_213, %mul3A_217 : vector<16xi32>
        %add3A_219 = arith.addi %get3A_215, %mul3A_218 : vector<16xi32>
        %swap3A_220 = arith.constant 1 : i32
        %swap3A_221 = arith.index_cast %swap3A_220 : i32 to index
        %swap3A_222 = arith.constant 16 : index
        %swap3A_223 = tpu.vector_load %arg14[%swap3A_221, %swap3A_222] {strides = array<i32>} : memref<4x128xi32, #tpu.memory_space<vmem>>, vector<16xi32>,
        tpu.vector_store %arg14[%swap3A_221, %swap3A_222], %add3A_219 {strides = array<i32>} : memref<4x128xi32, #tpu.memory_space<vmem>>, vector<16xi32>,
        %get3A_224 = arith.constant 160 : index
        %get3A_225 = tpu.vector_load %arg12[%get3A_224] {strides = array<i32>} : memref<512xi32, #tpu.memory_space<vmem>>, vector<16xi32>,
        %get3A_226 = arith.constant 160 : index
        %get3A_227 = tpu.vector_load %arg13[%get3A_226] {strides = array<i32>} : memref<512xi32, #tpu.memory_space<vmem>>, vector<16xi32>,
        %mul3A_228 = arith.constant 10000 : i32
        %mul3A_229 = vector.broadcast %mul3A_228 : i32 to vector<16xi32>
        %mul3A_230 = arith.muli %get3A_225, %mul3A_229 : vector<16xi32>
        %add3A_231 = arith.addi %get3A_227, %mul3A_230 : vector<16xi32>
        %swap3A_232 = arith.constant 1 : i32
        %swap3A_233 = arith.index_cast %swap3A_232 : i32 to index
        %swap3A_234 = arith.constant 32 : index
        %swap3A_235 = tpu.vector_load %arg14[%swap3A_233, %swap3A_234] {strides = array<i32>} : memref<4x128xi32, #tpu.memory_space<vmem>>, vector<16xi32>,
        tpu.vector_store %arg14[%swap3A_233, %swap3A_234], %add3A_231 {strides = array<i32>} : memref<4x128xi32, #tpu.memory_space<vmem>>, vector<16xi32>,
        %get3A_236 = arith.constant 176 : index
        %get3A_237 = tpu.vector_load %arg12[%get3A_236] {strides = array<i32>} : memref<512xi32, #tpu.memory_space<vmem>>, vector<16xi32>,
        %get3A_238 = arith.constant 176 : index
        %get3A_239 = tpu.vector_load %arg13[%get3A_238] {strides = array<i32>} : memref<512xi32, #tpu.memory_space<vmem>>, vector<16xi32>,
        %mul3A_240 = arith.constant 10000 : i32
        %mul3A_241 = vector.broadcast %mul3A_240 : i32 to vector<16xi32>
        %mul3A_242 = arith.muli %get3A_237, %mul3A_241 : vector<16xi32>
        %add3A_243 = arith.addi %get3A_239, %mul3A_242 : vector<16xi32>
        %swap3A_244 = arith.constant 1 : i32
        %swap3A_245 = arith.index_cast %swap3A_244 : i32 to index
        %swap3A_246 = arith.constant 48 : index
        %swap3A_247 = tpu.vector_load %arg14[%swap3A_245, %swap3A_246] {strides = array<i32>} : memref<4x128xi32, #tpu.memory_space<vmem>>, vector<16xi32>,
        tpu.vector_store %arg14[%swap3A_245, %swap3A_246], %add3A_243 {strides = array<i32>} : memref<4x128xi32, #tpu.memory_space<vmem>>, vector<16xi32>,
        %get3A_248 = arith.constant 192 : index
        %get3A_249 = tpu.vector_load %arg12[%get3A_248] {strides = array<i32>} : memref<512xi32, #tpu.memory_space<vmem>>, vector<16xi32>,
        %get3A_250 = arith.constant 192 : index
        %get3A_251 = tpu.vector_load %arg13[%get3A_250] {strides = array<i32>} : memref<512xi32, #tpu.memory_space<vmem>>, vector<16xi32>,
        %mul3A_252 = arith.constant 10000 : i32
        %mul3A_253 = vector.broadcast %mul3A_252 : i32 to vector<16xi32>
        %mul3A_254 = arith.muli %get3A_249, %mul3A_253 : vector<16xi32>
        %add3A_255 = arith.addi %get3A_251, %mul3A_254 : vector<16xi32>
        %swap3A_256 = arith.constant 1 : i32
        %swap3A_257 = arith.index_cast %swap3A_256 : i32 to index
        %swap3A_258 = arith.constant 64 : index
        %swap3A_259 = tpu.vector_load %arg14[%swap3A_257, %swap3A_258] {strides = array<i32>} : memref<4x128xi32, #tpu.memory_space<vmem>>, vector<16xi32>,
        tpu.vector_store %arg14[%swap3A_257, %swap3A_258], %add3A_255 {strides = array<i32>} : memref<4x128xi32, #tpu.memory_space<vmem>>, vector<16xi32>,
        %get3A_260 = arith.constant 208 : index
        %get3A_261 = tpu.vector_load %arg12[%get3A_260] {strides = array<i32>} : memref<512xi32, #tpu.memory_space<vmem>>, vector<16xi32>,
        %get3A_262 = arith.constant 208 : index
        %get3A_263 = tpu.vector_load %arg13[%get3A_262] {strides = array<i32>} : memref<512xi32, #tpu.memory_space<vmem>>, vector<16xi32>,
        %mul3A_264 = arith.constant 10000 : i32
        %mul3A_265 = vector.broadcast %mul3A_264 : i32 to vector<16xi32>
        %mul3A_266 = arith.muli %get3A_261, %mul3A_265 : vector<16xi32>
        %add3A_267 = arith.addi %get3A_263, %mul3A_266 : vector<16xi32>
        %swap3A_268 = arith.constant 1 : i32
        %swap3A_269 = arith.index_cast %swap3A_268 : i32 to index
        %swap3A_270 = arith.constant 80 : index
        %swap3A_271 = tpu.vector_load %arg14[%swap3A_269, %swap3A_270] {strides = array<i32>} : memref<4x128xi32, #tpu.memory_space<vmem>>, vector<16xi32>,
        tpu.vector_store %arg14[%swap3A_269, %swap3A_270], %add3A_267 {strides = array<i32>} : memref<4x128xi32, #tpu.memory_space<vmem>>, vector<16xi32>,
        %get3A_272 = arith.constant 224 : index
        %get3A_273 = tpu.vector_load %arg12[%get3A_272] {strides = array<i32>} : memref<512xi32, #tpu.memory_space<vmem>>, vector<16xi32>,
        %get3A_274 = arith.constant 224 : index
        %get3A_275 = tpu.vector_load %arg13[%get3A_274] {strides = array<i32>} : memref<512xi32, #tpu.memory_space<vmem>>, vector<16xi32>,
        %mul3A_276 = arith.constant 10000 : i32
        %mul3A_277 = vector.broadcast %mul3A_276 : i32 to vector<16xi32>
        %mul3A_278 = arith.muli %get3A_273, %mul3A_277 : vector<16xi32>
        %add3A_279 = arith.addi %get3A_275, %mul3A_278 : vector<16xi32>
        %swap3A_280 = arith.constant 1 : i32
        %swap3A_281 = arith.index_cast %swap3A_280 : i32 to index
        %swap3A_282 = arith.constant 96 : index
        %swap3A_283 = tpu.vector_load %arg14[%swap3A_281, %swap3A_282] {strides = array<i32>} : memref<4x128xi32, #tpu.memory_space<vmem>>, vector<16xi32>,
        tpu.vector_store %arg14[%swap3A_281, %swap3A_282], %add3A_279 {strides = array<i32>} : memref<4x128xi32, #tpu.memory_space<vmem>>, vector<16xi32>,
        %get3A_284 = arith.constant 240 : index
        %get3A_285 = tpu.vector_load %arg12[%get3A_284] {strides = array<i32>} : memref<512xi32, #tpu.memory_space<vmem>>, vector<16xi32>,
        %get3A_286 = arith.constant 240 : index
        %get3A_287 = tpu.vector_load %arg13[%get3A_286] {strides = array<i32>} : memref<512xi32, #tpu.memory_space<vmem>>, vector<16xi32>,
        %mul3A_288 = arith.constant 10000 : i32
        %mul3A_289 = vector.broadcast %mul3A_288 : i32 to vector<16xi32>
        %mul3A_290 = arith.muli %get3A_285, %mul3A_289 : vector<16xi32>
        %add3A_291 = arith.addi %get3A_287, %mul3A_290 : vector<16xi32>
        %swap3A_292 = arith.constant 1 : i32
        %swap3A_293 = arith.index_cast %swap3A_292 : i32 to index
        %swap3A_294 = arith.constant 112 : index
        %swap3A_295 = tpu.vector_load %arg14[%swap3A_293, %swap3A_294] {strides = array<i32>} : memref<4x128xi32, #tpu.memory_space<vmem>>, vector<16xi32>,
        tpu.vector_store %arg14[%swap3A_293, %swap3A_294], %add3A_291 {strides = array<i32>} : memref<4x128xi32, #tpu.memory_space<vmem>>, vector<16xi32>,
        %get3A_296 = arith.constant 256 : index
        %get3A_297 = tpu.vector_load %arg12[%get3A_296] {strides = array<i32>} : memref<512xi32, #tpu.memory_space<vmem>>, vector<16xi32>,
        %get3A_298 = arith.constant 256 : index
        %get3A_299 = tpu.vector_load %arg13[%get3A_298] {strides = array<i32>} : memref<512xi32, #tpu.memory_space<vmem>>, vector<16xi32>,
        %mul3A_300 = arith.constant 10000 : i32
        %mul3A_301 = vector.broadcast %mul3A_300 : i32 to vector<16xi32>
        %mul3A_302 = arith.muli %get3A_297, %mul3A_301 : vector<16xi32>
        %add3A_303 = arith.addi %get3A_299, %mul3A_302 : vector<16xi32>
        %swap3A_304 = arith.constant 2 : i32
        %swap3A_305 = arith.index_cast %swap3A_304 : i32 to index
        %swap3A_306 = arith.constant 0 : index
        %swap3A_307 = tpu.vector_load %arg14[%swap3A_305, %swap3A_306] {strides = array<i32>} : memref<4x128xi32, #tpu.memory_space<vmem>>, vector<16xi32>,
        tpu.vector_store %arg14[%swap3A_305, %swap3A_306], %add3A_303 {strides = array<i32>} : memref<4x128xi32, #tpu.memory_space<vmem>>, vector<16xi32>,
        %get3A_308 = arith.constant 272 : index
        %get3A_309 = tpu.vector_load %arg12[%get3A_308] {strides = array<i32>} : memref<512xi32, #tpu.memory_space<vmem>>, vector<16xi32>,
        %get3A_310 = arith.constant 272 : index
        %get3A_311 = tpu.vector_load %arg13[%get3A_310] {strides = array<i32>} : memref<512xi32, #tpu.memory_space<vmem>>, vector<16xi32>,
        %mul3A_312 = arith.constant 10000 : i32
        %mul3A_313 = vector.broadcast %mul3A_312 : i32 to vector<16xi32>
        %mul3A_314 = arith.muli %get3A_309, %mul3A_313 : vector<16xi32>
        %add3A_315 = arith.addi %get3A_311, %mul3A_314 : vector<16xi32>
        %swap3A_316 = arith.constant 2 : i32
        %swap3A_317 = arith.index_cast %swap3A_316 : i32 to index
        %swap3A_318 = arith.constant 16 : index
        %swap3A_319 = tpu.vector_load %arg14[%swap3A_317, %swap3A_318] {strides = array<i32>} : memref<4x128xi32, #tpu.memory_space<vmem>>, vector<16xi32>,
        tpu.vector_store %arg14[%swap3A_317, %swap3A_318], %add3A_315 {strides = array<i32>} : memref<4x128xi32, #tpu.memory_space<vmem>>, vector<16xi32>,
        %get3A_320 = arith.constant 288 : index
        %get3A_321 = tpu.vector_load %arg12[%get3A_320] {strides = array<i32>} : memref<512xi32, #tpu.memory_space<vmem>>, vector<16xi32>,
        %get3A_322 = arith.constant 288 : index
        %get3A_323 = tpu.vector_load %arg13[%get3A_322] {strides = array<i32>} : memref<512xi32, #tpu.memory_space<vmem>>, vector<16xi32>,
        %mul3A_324 = arith.constant 10000 : i32
        %mul3A_325 = vector.broadcast %mul3A_324 : i32 to vector<16xi32>
        %mul3A_326 = arith.muli %get3A_321, %mul3A_325 : vector<16xi32>
        %add3A_327 = arith.addi %get3A_323, %mul3A_326 : vector<16xi32>
        %swap3A_328 = arith.constant 2 : i32
        %swap3A_329 = arith.index_cast %swap3A_328 : i32 to index
        %swap3A_330 = arith.constant 32 : index
        %swap3A_331 = tpu.vector_load %arg14[%swap3A_329, %swap3A_330] {strides = array<i32>} : memref<4x128xi32, #tpu.memory_space<vmem>>, vector<16xi32>,
        tpu.vector_store %arg14[%swap3A_329, %swap3A_330], %add3A_327 {strides = array<i32>} : memref<4x128xi32, #tpu.memory_space<vmem>>, vector<16xi32>,
        %get3A_332 = arith.constant 304 : index
        %get3A_333 = tpu.vector_load %arg12[%get3A_332] {strides = array<i32>} : memref<512xi32, #tpu.memory_space<vmem>>, vector<16xi32>,
        %get3A_334 = arith.constant 304 : index
        %get3A_335 = tpu.vector_load %arg13[%get3A_334] {strides = array<i32>} : memref<512xi32, #tpu.memory_space<vmem>>, vector<16xi32>,
        %mul3A_336 = arith.constant 10000 : i32
        %mul3A_337 = vector.broadcast %mul3A_336 : i32 to vector<16xi32>
        %mul3A_338 = arith.muli %get3A_333, %mul3A_337 : vector<16xi32>
        %add3A_339 = arith.addi %get3A_335, %mul3A_338 : vector<16xi32>
        %swap3A_340 = arith.constant 2 : i32
        %swap3A_341 = arith.index_cast %swap3A_340 : i32 to index
        %swap3A_342 = arith.constant 48 : index
        %swap3A_343 = tpu.vector_load %arg14[%swap3A_341, %swap3A_342] {strides = array<i32>} : memref<4x128xi32, #tpu.memory_space<vmem>>, vector<16xi32>,
        tpu.vector_store %arg14[%swap3A_341, %swap3A_342], %add3A_339 {strides = array<i32>} : memref<4x128xi32, #tpu.memory_space<vmem>>, vector<16xi32>,
        %get3A_344 = arith.constant 320 : index
        %get3A_345 = tpu.vector_load %arg12[%get3A_344] {strides = array<i32>} : memref<512xi32, #tpu.memory_space<vmem>>, vector<16xi32>,
        %get3A_346 = arith.constant 320 : index
        %get3A_347 = tpu.vector_load %arg13[%get3A_346] {strides = array<i32>} : memref<512xi32, #tpu.memory_space<vmem>>, vector<16xi32>,
        %mul3A_348 = arith.constant 10000 : i32
        %mul3A_349 = vector.broadcast %mul3A_348 : i32 to vector<16xi32>
        %mul3A_350 = arith.muli %get3A_345, %mul3A_349 : vector<16xi32>
        %add3A_351 = arith.addi %get3A_347, %mul3A_350 : vector<16xi32>
        %swap3A_352 = arith.constant 2 : i32
        %swap3A_353 = arith.index_cast %swap3A_352 : i32 to index
        %swap3A_354 = arith.constant 64 : index
        %swap3A_355 = tpu.vector_load %arg14[%swap3A_353, %swap3A_354] {strides = array<i32>} : memref<4x128xi32, #tpu.memory_space<vmem>>, vector<16xi32>,
        tpu.vector_store %arg14[%swap3A_353, %swap3A_354], %add3A_351 {strides = array<i32>} : memref<4x128xi32, #tpu.memory_space<vmem>>, vector<16xi32>,
        %get3A_356 = arith.constant 336 : index
        %get3A_357 = tpu.vector_load %arg12[%get3A_356] {strides = array<i32>} : memref<512xi32, #tpu.memory_space<vmem>>, vector<16xi32>,
        %get3A_358 = arith.constant 336 : index
        %get3A_359 = tpu.vector_load %arg13[%get3A_358] {strides = array<i32>} : memref<512xi32, #tpu.memory_space<vmem>>, vector<16xi32>,
        %mul3A_360 = arith.constant 10000 : i32
        %mul3A_361 = vector.broadcast %mul3A_360 : i32 to vector<16xi32>
        %mul3A_362 = arith.muli %get3A_357, %mul3A_361 : vector<16xi32>
        %add3A_363 = arith.addi %get3A_359, %mul3A_362 : vector<16xi32>
        %swap3A_364 = arith.constant 2 : i32
        %swap3A_365 = arith.index_cast %swap3A_364 : i32 to index
        %swap3A_366 = arith.constant 80 : index
        %swap3A_367 = tpu.vector_load %arg14[%swap3A_365, %swap3A_366] {strides = array<i32>} : memref<4x128xi32, #tpu.memory_space<vmem>>, vector<16xi32>,
        tpu.vector_store %arg14[%swap3A_365, %swap3A_366], %add3A_363 {strides = array<i32>} : memref<4x128xi32, #tpu.memory_space<vmem>>, vector<16xi32>,
        %get3A_368 = arith.constant 352 : index
        %get3A_369 = tpu.vector_load %arg12[%get3A_368] {strides = array<i32>} : memref<512xi32, #tpu.memory_space<vmem>>, vector<16xi32>,
        %get3A_370 = arith.constant 352 : index
        %get3A_371 = tpu.vector_load %arg13[%get3A_370] {strides = array<i32>} : memref<512xi32, #tpu.memory_space<vmem>>, vector<16xi32>,
        %mul3A_372 = arith.constant 10000 : i32
        %mul3A_373 = vector.broadcast %mul3A_372 : i32 to vector<16xi32>
        %mul3A_374 = arith.muli %get3A_369, %mul3A_373 : vector<16xi32>
        %add3A_375 = arith.addi %get3A_371, %mul3A_374 : vector<16xi32>
        %swap3A_376 = arith.constant 2 : i32
        %swap3A_377 = arith.index_cast %swap3A_376 : i32 to index
        %swap3A_378 = arith.constant 96 : index
        %swap3A_379 = tpu.vector_load %arg14[%swap3A_377, %swap3A_378] {strides = array<i32>} : memref<4x128xi32, #tpu.memory_space<vmem>>, vector<16xi32>,
        tpu.vector_store %arg14[%swap3A_377, %swap3A_378], %add3A_375 {strides = array<i32>} : memref<4x128xi32, #tpu.memory_space<vmem>>, vector<16xi32>,
        %get3A_380 = arith.constant 368 : index
        %get3A_381 = tpu.vector_load %arg12[%get3A_380] {strides = array<i32>} : memref<512xi32, #tpu.memory_space<vmem>>, vector<16xi32>,
        %get3A_382 = arith.constant 368 : index
        %get3A_383 = tpu.vector_load %arg13[%get3A_382] {strides = array<i32>} : memref<512xi32, #tpu.memory_space<vmem>>, vector<16xi32>,
        %mul3A_384 = arith.constant 10000 : i32
        %mul3A_385 = vector.broadcast %mul3A_384 : i32 to vector<16xi32>
        %mul3A_386 = arith.muli %get3A_381, %mul3A_385 : vector<16xi32>
        %add3A_387 = arith.addi %get3A_383, %mul3A_386 : vector<16xi32>
        %swap3A_388 = arith.constant 2 : i32
        %swap3A_389 = arith.index_cast %swap3A_388 : i32 to index
        %swap3A_390 = arith.constant 112 : index
        %swap3A_391 = tpu.vector_load %arg14[%swap3A_389, %swap3A_390] {strides = array<i32>} : memref<4x128xi32, #tpu.memory_space<vmem>>, vector<16xi32>,
        tpu.vector_store %arg14[%swap3A_389, %swap3A_390], %add3A_387 {strides = array<i32>} : memref<4x128xi32, #tpu.memory_space<vmem>>, vector<16xi32>,
        %get3A_392 = arith.constant 384 : index
        %get3A_393 = tpu.vector_load %arg12[%get3A_392] {strides = array<i32>} : memref<512xi32, #tpu.memory_space<vmem>>, vector<16xi32>,
        %get3A_394 = arith.constant 384 : index
        %get3A_395 = tpu.vector_load %arg13[%get3A_394] {strides = array<i32>} : memref<512xi32, #tpu.memory_space<vmem>>, vector<16xi32>,
        %mul3A_396 = arith.constant 10000 : i32
        %mul3A_397 = vector.broadcast %mul3A_396 : i32 to vector<16xi32>
        %mul3A_398 = arith.muli %get3A_393, %mul3A_397 : vector<16xi32>
        %add3A_399 = arith.addi %get3A_395, %mul3A_398 : vector<16xi32>
        %swap3A_400 = arith.constant 3 : i32
        %swap3A_401 = arith.index_cast %swap3A_400 : i32 to index
        %swap3A_402 = arith.constant 0 : index
        %swap3A_403 = tpu.vector_load %arg14[%swap3A_401, %swap3A_402] {strides = array<i32>} : memref<4x128xi32, #tpu.memory_space<vmem>>, vector<16xi32>,
        tpu.vector_store %arg14[%swap3A_401, %swap3A_402], %add3A_399 {strides = array<i32>} : memref<4x128xi32, #tpu.memory_space<vmem>>, vector<16xi32>,
        %get3A_404 = arith.constant 400 : index
        %get3A_405 = tpu.vector_load %arg12[%get3A_404] {strides = array<i32>} : memref<512xi32, #tpu.memory_space<vmem>>, vector<16xi32>,
        %get3A_406 = arith.constant 400 : index
        %get3A_407 = tpu.vector_load %arg13[%get3A_406] {strides = array<i32>} : memref<512xi32, #tpu.memory_space<vmem>>, vector<16xi32>,
        %mul3A_408 = arith.constant 10000 : i32
        %mul3A_409 = vector.broadcast %mul3A_408 : i32 to vector<16xi32>
        %mul3A_410 = arith.muli %get3A_405, %mul3A_409 : vector<16xi32>
        %add3A_411 = arith.addi %get3A_407, %mul3A_410 : vector<16xi32>
        %swap3A_412 = arith.constant 3 : i32
        %swap3A_413 = arith.index_cast %swap3A_412 : i32 to index
        %swap3A_414 = arith.constant 16 : index
        %swap3A_415 = tpu.vector_load %arg14[%swap3A_413, %swap3A_414] {strides = array<i32>} : memref<4x128xi32, #tpu.memory_space<vmem>>, vector<16xi32>,
        tpu.vector_store %arg14[%swap3A_413, %swap3A_414], %add3A_411 {strides = array<i32>} : memref<4x128xi32, #tpu.memory_space<vmem>>, vector<16xi32>,
        %get3A_416 = arith.constant 416 : index
        %get3A_417 = tpu.vector_load %arg12[%get3A_416] {strides = array<i32>} : memref<512xi32, #tpu.memory_space<vmem>>, vector<16xi32>,
        %get3A_418 = arith.constant 416 : index
        %get3A_419 = tpu.vector_load %arg13[%get3A_418] {strides = array<i32>} : memref<512xi32, #tpu.memory_space<vmem>>, vector<16xi32>,
        %mul3A_420 = arith.constant 10000 : i32
        %mul3A_421 = vector.broadcast %mul3A_420 : i32 to vector<16xi32>
        %mul3A_422 = arith.muli %get3A_417, %mul3A_421 : vector<16xi32>
        %add3A_423 = arith.addi %get3A_419, %mul3A_422 : vector<16xi32>
        %swap3A_424 = arith.constant 3 : i32
        %swap3A_425 = arith.index_cast %swap3A_424 : i32 to index
        %swap3A_426 = arith.constant 32 : index
        %swap3A_427 = tpu.vector_load %arg14[%swap3A_425, %swap3A_426] {strides = array<i32>} : memref<4x128xi32, #tpu.memory_space<vmem>>, vector<16xi32>,
        tpu.vector_store %arg14[%swap3A_425, %swap3A_426], %add3A_423 {strides = array<i32>} : memref<4x128xi32, #tpu.memory_space<vmem>>, vector<16xi32>,
        %get3A_428 = arith.constant 432 : index
        %get3A_429 = tpu.vector_load %arg12[%get3A_428] {strides = array<i32>} : memref<512xi32, #tpu.memory_space<vmem>>, vector<16xi32>,
        %get3A_430 = arith.constant 432 : index
        %get3A_431 = tpu.vector_load %arg13[%get3A_430] {strides = array<i32>} : memref<512xi32, #tpu.memory_space<vmem>>, vector<16xi32>,
        %mul3A_432 = arith.constant 10000 : i32
        %mul3A_433 = vector.broadcast %mul3A_432 : i32 to vector<16xi32>
        %mul3A_434 = arith.muli %get3A_429, %mul3A_433 : vector<16xi32>
        %add3A_435 = arith.addi %get3A_431, %mul3A_434 : vector<16xi32>
        %swap3A_436 = arith.constant 3 : i32
        %swap3A_437 = arith.index_cast %swap3A_436 : i32 to index
        %swap3A_438 = arith.constant 48 : index
        %swap3A_439 = tpu.vector_load %arg14[%swap3A_437, %swap3A_438] {strides = array<i32>} : memref<4x128xi32, #tpu.memory_space<vmem>>, vector<16xi32>,
        tpu.vector_store %arg14[%swap3A_437, %swap3A_438], %add3A_435 {strides = array<i32>} : memref<4x128xi32, #tpu.memory_space<vmem>>, vector<16xi32>,
        %get3A_440 = arith.constant 448 : index
        %get3A_441 = tpu.vector_load %arg12[%get3A_440] {strides = array<i32>} : memref<512xi32, #tpu.memory_space<vmem>>, vector<16xi32>,
        %get3A_442 = arith.constant 448 : index
        %get3A_443 = tpu.vector_load %arg13[%get3A_442] {strides = array<i32>} : memref<512xi32, #tpu.memory_space<vmem>>, vector<16xi32>,
        %mul3A_444 = arith.constant 10000 : i32
        %mul3A_445 = vector.broadcast %mul3A_444 : i32 to vector<16xi32>
        %mul3A_446 = arith.muli %get3A_441, %mul3A_445 : vector<16xi32>
        %add3A_447 = arith.addi %get3A_443, %mul3A_446 : vector<16xi32>
        %swap3A_448 = arith.constant 3 : i32
        %swap3A_449 = arith.index_cast %swap3A_448 : i32 to index
        %swap3A_450 = arith.constant 64 : index
        %swap3A_451 = tpu.vector_load %arg14[%swap3A_449, %swap3A_450] {strides = array<i32>} : memref<4x128xi32, #tpu.memory_space<vmem>>, vector<16xi32>,
        tpu.vector_store %arg14[%swap3A_449, %swap3A_450], %add3A_447 {strides = array<i32>} : memref<4x128xi32, #tpu.memory_space<vmem>>, vector<16xi32>,
        %get3A_452 = arith.constant 464 : index
        %get3A_453 = tpu.vector_load %arg12[%get3A_452] {strides = array<i32>} : memref<512xi32, #tpu.memory_space<vmem>>, vector<16xi32>,
        %get3A_454 = arith.constant 464 : index
        %get3A_455 = tpu.vector_load %arg13[%get3A_454] {strides = array<i32>} : memref<512xi32, #tpu.memory_space<vmem>>, vector<16xi32>,
        %mul3A_456 = arith.constant 10000 : i32
        %mul3A_457 = vector.broadcast %mul3A_456 : i32 to vector<16xi32>
        %mul3A_458 = arith.muli %get3A_453, %mul3A_457 : vector<16xi32>
        %add3A_459 = arith.addi %get3A_455, %mul3A_458 : vector<16xi32>
        %swap3A_460 = arith.constant 3 : i32
        %swap3A_461 = arith.index_cast %swap3A_460 : i32 to index
        %swap3A_462 = arith.constant 80 : index
        %swap3A_463 = tpu.vector_load %arg14[%swap3A_461, %swap3A_462] {strides = array<i32>} : memref<4x128xi32, #tpu.memory_space<vmem>>, vector<16xi32>,
        tpu.vector_store %arg14[%swap3A_461, %swap3A_462], %add3A_459 {strides = array<i32>} : memref<4x128xi32, #tpu.memory_space<vmem>>, vector<16xi32>,
        %get3A_464 = arith.constant 480 : index
        %get3A_465 = tpu.vector_load %arg12[%get3A_464] {strides = array<i32>} : memref<512xi32, #tpu.memory_space<vmem>>, vector<16xi32>,
        %get3A_466 = arith.constant 480 : index
        %get3A_467 = tpu.vector_load %arg13[%get3A_466] {strides = array<i32>} : memref<512xi32, #tpu.memory_space<vmem>>, vector<16xi32>,
        %mul3A_468 = arith.constant 10000 : i32
        %mul3A_469 = vector.broadcast %mul3A_468 : i32 to vector<16xi32>
        %mul3A_470 = arith.muli %get3A_465, %mul3A_469 : vector<16xi32>
        %add3A_471 = arith.addi %get3A_467, %mul3A_470 : vector<16xi32>
        %swap3A_472 = arith.constant 3 : i32
        %swap3A_473 = arith.index_cast %swap3A_472 : i32 to index
        %swap3A_474 = arith.constant 96 : index
        %swap3A_475 = tpu.vector_load %arg14[%swap3A_473, %swap3A_474] {strides = array<i32>} : memref<4x128xi32, #tpu.memory_space<vmem>>, vector<16xi32>,
        tpu.vector_store %arg14[%swap3A_473, %swap3A_474], %add3A_471 {strides = array<i32>} : memref<4x128xi32, #tpu.memory_space<vmem>>, vector<16xi32>,
        %get3A_476 = arith.constant 496 : index
        %get3A_477 = tpu.vector_load %arg12[%get3A_476] {strides = array<i32>} : memref<512xi32, #tpu.memory_space<vmem>>, vector<16xi32>,
        %get3A_478 = arith.constant 496 : index
        %get3A_479 = tpu.vector_load %arg13[%get3A_478] {strides = array<i32>} : memref<512xi32, #tpu.memory_space<vmem>>, vector<16xi32>,
        %mul3A_480 = arith.constant 10000 : i32
        %mul3A_481 = vector.broadcast %mul3A_480 : i32 to vector<16xi32>
        %mul3A_482 = arith.muli %get3A_477, %mul3A_481 : vector<16xi32>
        %add3A_483 = arith.addi %get3A_479, %mul3A_482 : vector<16xi32>
        %swap3A_484 = arith.constant 3 : i32
        %swap3A_485 = arith.index_cast %swap3A_484 : i32 to index
        %swap3A_486 = arith.constant 112 : index
        %swap3A_487 = tpu.vector_load %arg14[%swap3A_485, %swap3A_486] {strides = array<i32>} : memref<4x128xi32, #tpu.memory_space<vmem>>, vector<16xi32>,
        tpu.vector_store %arg14[%swap3A_485, %swap3A_486], %add3A_483 {strides = array<i32>} : memref<4x128xi32, #tpu.memory_space<vmem>>, vector<16xi32>,
        %dma_start3A_488 = arith.constant 0 : i32
        %dma_start3A_489 = tpu.memref_slice %arg11[%dma_start3A_488] : memref<512xi32, #tpu.memory_space<vmem>> -> memref<128xi32, #tpu.memory_space<vmem>>
        %dma_start3A_490 = arith.constant 0 : i32
        %dma_start3A_491 = arith.constant 0 : i32
        %dma_start3A_492 = tpu.memref_slice %arg2[%dma_start3A_490, %dma_start3A_491] : memref<10000x64xf32, #tpu.memory_space<hbm>> -> memref<10000x64xf32, #tpu.memory_space<hbm>>
        tpu.enqueue_indirect_dma source(%dma_start3A_492 : memref<10000x64xf32, #tpu.memory_space<hbm>>) target(%arg15 : memref<128x64xf32, #tpu.memory_space<vmem>>) offsets(%dma_start3A_489 : memref<128xi32, #tpu.memory_space<vmem>>) semaphore(%arg17 : memref<!tpu.dma_semaphore, #tpu.memory_space<semaphore_mem>>)
        %dma_wait3A_493 = arith.constant 0 : i32
        %dma_wait3A_494 = tpu.memref_slice %arg11[%dma_wait3A_493] : memref<512xi32, #tpu.memory_space<vmem>> -> memref<128xi32, #tpu.memory_space<vmem>>
        %dma_wait3A_495 = arith.constant 0 : i32
        %dma_wait3A_496 = arith.constant 0 : i32
        %dma_wait3A_497 = tpu.memref_slice %arg2[%dma_wait3A_495, %dma_wait3A_496] : memref<10000x64xf32, #tpu.memory_space<hbm>> -> memref<10000x64xf32, #tpu.memory_space<hbm>>
        tpu.wait_indirect_dma semaphore(%arg17 : memref<!tpu.dma_semaphore, #tpu.memory_space<semaphore_mem>>) src(%dma_wait3A_497 : memref<10000x64xf32, #tpu.memory_space<hbm>>) dst(%arg15 : memref<128x64xf32, #tpu.memory_space<vmem>>)
        %run_scoped3A = arith.constant 0 : i32
        "tpu.region"() ({
          %run_scoped3A_531 = tpu.sem_alloc : memref<!tpu.dma_semaphore, #tpu.memory_space<semaphore_mem>>
          %dma_start3A_532 = arith.constant 0 : i32
          %dma_start3A_533 = tpu.memref_slice %arg14[%run_scoped3A, %dma_start3A_532] : memref<4x128xi32, #tpu.memory_space<vmem>> -> memref<1x128xi32, #tpu.memory_space<vmem>>
          %dma_start3A_534 = tpu.memref_squeeze %dma_start3A_533 : memref<1x128xi32, #tpu.memory_space<vmem>> -> memref<128xi32, #tpu.memory_space<vmem>>
          %dma_start3A_535 = arith.constant 0 : i32
          %dma_start3A_536 = arith.constant 0 : i32
          %dma_start3A_537 = tpu.memref_slice %arg10[%dma_start3A_535, %dma_start3A_536] : memref<30016x64xf32, #tpu.memory_space<vmem_shared>> -> memref<30016x64xf32, #tpu.memory_space<vmem_shared>>
          tpu.enqueue_indirect_dma source(%arg15 : memref<128x64xf32, #tpu.memory_space<vmem>>) target(%dma_start3A_537 : memref<30016x64xf32, #tpu.memory_space<vmem_shared>>) offsets(%dma_start3A_534 : memref<128xi32, #tpu.memory_space<vmem>>) semaphore(%run_scoped3A_531 : memref<!tpu.dma_semaphore, #tpu.memory_space<semaphore_mem>>) {add = true}
          %dma_wait3A_538 = arith.constant 0 : i32
          %dma_wait3A_539 = tpu.memref_slice %arg14[%run_scoped3A, %dma_wait3A_538] : memref<4x128xi32, #tpu.memory_space<vmem>> -> memref<1x128xi32, #tpu.memory_space<vmem>>
          %dma_wait3A_540 = tpu.memref_squeeze %dma_wait3A_539 : memref<1x128xi32, #tpu.memory_space<vmem>> -> memref<128xi32, #tpu.memory_space<vmem>>
          %dma_wait3A_541 = arith.constant 0 : i32
          %dma_wait3A_542 = arith.constant 0 : i32
          %dma_wait3A_543 = tpu.memref_slice %arg10[%dma_wait3A_541, %dma_wait3A_542] : memref<30016x64xf32, #tpu.memory_space<vmem_shared>> -> memref<30016x64xf32, #tpu.memory_space<vmem_shared>>
          tpu.wait_indirect_dma semaphore(%run_scoped3A_531 : memref<!tpu.dma_semaphore, #tpu.memory_space<semaphore_mem>>) src(%arg15 : memref<128x64xf32, #tpu.memory_space<vmem>>) dst(%dma_wait3A_543 : memref<30016x64xf32, #tpu.memory_space<vmem_shared>>)
          tpu.yield
        }) : () -> ()
        %dma_start3A_498 = arith.constant 128 : i32
        %dma_start3A_499 = tpu.memref_slice %arg11[%dma_start3A_498] : memref<512xi32, #tpu.memory_space<vmem>> -> memref<128xi32, #tpu.memory_space<vmem>>
        %dma_start3A_500 = arith.constant 0 : i32
        %dma_start3A_501 = arith.constant 0 : i32
        %dma_start3A_502 = tpu.memref_slice %arg2[%dma_start3A_500, %dma_start3A_501] : memref<10000x64xf32, #tpu.memory_space<hbm>> -> memref<10000x64xf32, #tpu.memory_space<hbm>>
        tpu.enqueue_indirect_dma source(%dma_start3A_502 : memref<10000x64xf32, #tpu.memory_space<hbm>>) target(%arg15 : memref<128x64xf32, #tpu.memory_space<vmem>>) offsets(%dma_start3A_499 : memref<128xi32, #tpu.memory_space<vmem>>) semaphore(%arg17 : memref<!tpu.dma_semaphore, #tpu.memory_space<semaphore_mem>>)
        %dma_wait3A_503 = arith.constant 128 : i32
        %dma_wait3A_504 = tpu.memref_slice %arg11[%dma_wait3A_503] : memref<512xi32, #tpu.memory_space<vmem>> -> memref<128xi32, #tpu.memory_space<vmem>>
        %dma_wait3A_505 = arith.constant 0 : i32
        %dma_wait3A_506 = arith.constant 0 : i32
        %dma_wait3A_507 = tpu.memref_slice %arg2[%dma_wait3A_505, %dma_wait3A_506] : memref<10000x64xf32, #tpu.memory_space<hbm>> -> memref<10000x64xf32, #tpu.memory_space<hbm>>
        tpu.wait_indirect_dma semaphore(%arg17 : memref<!tpu.dma_semaphore, #tpu.memory_space<semaphore_mem>>) src(%dma_wait3A_507 : memref<10000x64xf32, #tpu.memory_space<hbm>>) dst(%arg15 : memref<128x64xf32, #tpu.memory_space<vmem>>)
        %run_scoped3A_508 = arith.constant 1 : i32
        "tpu.region"() ({
          %run_scoped3A_531 = tpu.sem_alloc : memref<!tpu.dma_semaphore, #tpu.memory_space<semaphore_mem>>
          %dma_start3A_532 = arith.constant 0 : i32
          %dma_start3A_533 = tpu.memref_slice %arg14[%run_scoped3A_508, %dma_start3A_532] : memref<4x128xi32, #tpu.memory_space<vmem>> -> memref<1x128xi32, #tpu.memory_space<vmem>>
          %dma_start3A_534 = tpu.memref_squeeze %dma_start3A_533 : memref<1x128xi32, #tpu.memory_space<vmem>> -> memref<128xi32, #tpu.memory_space<vmem>>
          %dma_start3A_535 = arith.constant 0 : i32
          %dma_start3A_536 = arith.constant 0 : i32
          %dma_start3A_537 = tpu.memref_slice %arg10[%dma_start3A_535, %dma_start3A_536] : memref<30016x64xf32, #tpu.memory_space<vmem_shared>> -> memref<30016x64xf32, #tpu.memory_space<vmem_shared>>
          tpu.enqueue_indirect_dma source(%arg15 : memref<128x64xf32, #tpu.memory_space<vmem>>) target(%dma_start3A_537 : memref<30016x64xf32, #tpu.memory_space<vmem_shared>>) offsets(%dma_start3A_534 : memref<128xi32, #tpu.memory_space<vmem>>) semaphore(%run_scoped3A_531 : memref<!tpu.dma_semaphore, #tpu.memory_space<semaphore_mem>>) {add = true}
          %dma_wait3A_538 = arith.constant 0 : i32
          %dma_wait3A_539 = tpu.memref_slice %arg14[%run_scoped3A_508, %dma_wait3A_538] : memref<4x128xi32, #tpu.memory_space<vmem>> -> memref<1x128xi32, #tpu.memory_space<vmem>>
          %dma_wait3A_540 = tpu.memref_squeeze %dma_wait3A_539 : memref<1x128xi32, #tpu.memory_space<vmem>> -> memref<128xi32, #tpu.memory_space<vmem>>
          %dma_wait3A_541 = arith.constant 0 : i32
          %dma_wait3A_542 = arith.constant 0 : i32
          %dma_wait3A_543 = tpu.memref_slice %arg10[%dma_wait3A_541, %dma_wait3A_542] : memref<30016x64xf32, #tpu.memory_space<vmem_shared>> -> memref<30016x64xf32, #tpu.memory_space<vmem_shared>>
          tpu.wait_indirect_dma semaphore(%run_scoped3A_531 : memref<!tpu.dma_semaphore, #tpu.memory_space<semaphore_mem>>) src(%arg15 : memref<128x64xf32, #tpu.memory_space<vmem>>) dst(%dma_wait3A_543 : memref<30016x64xf32, #tpu.memory_space<vmem_shared>>)
          tpu.yield
        }) : () -> ()
        %dma_start3A_509 = arith.constant 256 : i32
        %dma_start3A_510 = tpu.memref_slice %arg11[%dma_start3A_509] : memref<512xi32, #tpu.memory_space<vmem>> -> memref<128xi32, #tpu.memory_space<vmem>>
        %dma_start3A_511 = arith.constant 0 : i32
        %dma_start3A_512 = arith.constant 0 : i32
        %dma_start3A_513 = tpu.memref_slice %arg2[%dma_start3A_511, %dma_start3A_512] : memref<10000x64xf32, #tpu.memory_space<hbm>> -> memref<10000x64xf32, #tpu.memory_space<hbm>>
        tpu.enqueue_indirect_dma source(%dma_start3A_513 : memref<10000x64xf32, #tpu.memory_space<hbm>>) target(%arg15 : memref<128x64xf32, #tpu.memory_space<vmem>>) offsets(%dma_start3A_510 : memref<128xi32, #tpu.memory_space<vmem>>) semaphore(%arg17 : memref<!tpu.dma_semaphore, #tpu.memory_space<semaphore_mem>>)
        %dma_wait3A_514 = arith.constant 256 : i32
        %dma_wait3A_515 = tpu.memref_slice %arg11[%dma_wait3A_514] : memref<512xi32, #tpu.memory_space<vmem>> -> memref<128xi32, #tpu.memory_space<vmem>>
        %dma_wait3A_516 = arith.constant 0 : i32
        %dma_wait3A_517 = arith.constant 0 : i32
        %dma_wait3A_518 = tpu.memref_slice %arg2[%dma_wait3A_516, %dma_wait3A_517] : memref<10000x64xf32, #tpu.memory_space<hbm>> -> memref<10000x64xf32, #tpu.memory_space<hbm>>
        tpu.wait_indirect_dma semaphore(%arg17 : memref<!tpu.dma_semaphore, #tpu.memory_space<semaphore_mem>>) src(%dma_wait3A_518 : memref<10000x64xf32, #tpu.memory_space<hbm>>) dst(%arg15 : memref<128x64xf32, #tpu.memory_space<vmem>>)
        %run_scoped3A_519 = arith.constant 2 : i32
        "tpu.region"() ({
          %run_scoped3A_531 = tpu.sem_alloc : memref<!tpu.dma_semaphore, #tpu.memory_space<semaphore_mem>>
          %dma_start3A_532 = arith.constant 0 : i32
          %dma_start3A_533 = tpu.memref_slice %arg14[%run_scoped3A_519, %dma_start3A_532] : memref<4x128xi32, #tpu.memory_space<vmem>> -> memref<1x128xi32, #tpu.memory_space<vmem>>
          %dma_start3A_534 = tpu.memref_squeeze %dma_start3A_533 : memref<1x128xi32, #tpu.memory_space<vmem>> -> memref<128xi32, #tpu.memory_space<vmem>>
          %dma_start3A_535 = arith.constant 0 : i32
          %dma_start3A_536 = arith.constant 0 : i32
          %dma_start3A_537 = tpu.memref_slice %arg10[%dma_start3A_535, %dma_start3A_536] : memref<30016x64xf32, #tpu.memory_space<vmem_shared>> -> memref<30016x64xf32, #tpu.memory_space<vmem_shared>>
          tpu.enqueue_indirect_dma source(%arg15 : memref<128x64xf32, #tpu.memory_space<vmem>>) target(%dma_start3A_537 : memref<30016x64xf32, #tpu.memory_space<vmem_shared>>) offsets(%dma_start3A_534 : memref<128xi32, #tpu.memory_space<vmem>>) semaphore(%run_scoped3A_531 : memref<!tpu.dma_semaphore, #tpu.memory_space<semaphore_mem>>) {add = true}
          %dma_wait3A_538 = arith.constant 0 : i32
          %dma_wait3A_539 = tpu.memref_slice %arg14[%run_scoped3A_519, %dma_wait3A_538] : memref<4x128xi32, #tpu.memory_space<vmem>> -> memref<1x128xi32, #tpu.memory_space<vmem>>
          %dma_wait3A_540 = tpu.memref_squeeze %dma_wait3A_539 : memref<1x128xi32, #tpu.memory_space<vmem>> -> memref<128xi32, #tpu.memory_space<vmem>>
          %dma_wait3A_541 = arith.constant 0 : i32
          %dma_wait3A_542 = arith.constant 0 : i32
          %dma_wait3A_543 = tpu.memref_slice %arg10[%dma_wait3A_541, %dma_wait3A_542] : memref<30016x64xf32, #tpu.memory_space<vmem_shared>> -> memref<30016x64xf32, #tpu.memory_space<vmem_shared>>
          tpu.wait_indirect_dma semaphore(%run_scoped3A_531 : memref<!tpu.dma_semaphore, #tpu.memory_space<semaphore_mem>>) src(%arg15 : memref<128x64xf32, #tpu.memory_space<vmem>>) dst(%dma_wait3A_543 : memref<30016x64xf32, #tpu.memory_space<vmem_shared>>)
          tpu.yield
        }) : () -> ()
        %dma_start3A_520 = arith.constant 384 : i32
        %dma_start3A_521 = tpu.memref_slice %arg11[%dma_start3A_520] : memref<512xi32, #tpu.memory_space<vmem>> -> memref<128xi32, #tpu.memory_space<vmem>>
        %dma_start3A_522 = arith.constant 0 : i32
        %dma_start3A_523 = arith.constant 0 : i32
        %dma_start3A_524 = tpu.memref_slice %arg2[%dma_start3A_522, %dma_start3A_523] : memref<10000x64xf32, #tpu.memory_space<hbm>> -> memref<10000x64xf32, #tpu.memory_space<hbm>>
        tpu.enqueue_indirect_dma source(%dma_start3A_524 : memref<10000x64xf32, #tpu.memory_space<hbm>>) target(%arg15 : memref<128x64xf32, #tpu.memory_space<vmem>>) offsets(%dma_start3A_521 : memref<128xi32, #tpu.memory_space<vmem>>) semaphore(%arg17 : memref<!tpu.dma_semaphore, #tpu.memory_space<semaphore_mem>>)
        %dma_wait3A_525 = arith.constant 384 : i32
        %dma_wait3A_526 = tpu.memref_slice %arg11[%dma_wait3A_525] : memref<512xi32, #tpu.memory_space<vmem>> -> memref<128xi32, #tpu.memory_space<vmem>>
        %dma_wait3A_527 = arith.constant 0 : i32
        %dma_wait3A_528 = arith.constant 0 : i32
        %dma_wait3A_529 = tpu.memref_slice %arg2[%dma_wait3A_527, %dma_wait3A_528] : memref<10000x64xf32, #tpu.memory_space<hbm>> -> memref<10000x64xf32, #tpu.memory_space<hbm>>
        tpu.wait_indirect_dma semaphore(%arg17 : memref<!tpu.dma_semaphore, #tpu.memory_space<semaphore_mem>>) src(%dma_wait3A_529 : memref<10000x64xf32, #tpu.memory_space<hbm>>) dst(%arg15 : memref<128x64xf32, #tpu.memory_space<vmem>>)
        %run_scoped3A_530 = arith.constant 3 : i32
        "tpu.region"() ({
          %run_scoped3A_531 = tpu.sem_alloc : memref<!tpu.dma_semaphore, #tpu.memory_space<semaphore_mem>>
          %dma_start3A_532 = arith.constant 0 : i32
          %dma_start3A_533 = tpu.memref_slice %arg14[%run_scoped3A_530, %dma_start3A_532] : memref<4x128xi32, #tpu.memory_space<vmem>> -> memref<1x128xi32, #tpu.memory_space<vmem>>
          %dma_start3A_534 = tpu.memref_squeeze %dma_start3A_533 : memref<1x128xi32, #tpu.memory_space<vmem>> -> memref<128xi32, #tpu.memory_space<vmem>>
          %dma_start3A_535 = arith.constant 0 : i32
          %dma_start3A_536 = arith.constant 0 : i32
          %dma_start3A_537 = tpu.memref_slice %arg10[%dma_start3A_535, %dma_start3A_536] : memref<30016x64xf32, #tpu.memory_space<vmem_shared>> -> memref<30016x64xf32, #tpu.memory_space<vmem_shared>>
          tpu.enqueue_indirect_dma source(%arg15 : memref<128x64xf32, #tpu.memory_space<vmem>>) target(%dma_start3A_537 : memref<30016x64xf32, #tpu.memory_space<vmem_shared>>) offsets(%dma_start3A_534 : memref<128xi32, #tpu.memory_space<vmem>>) semaphore(%run_scoped3A_531 : memref<!tpu.dma_semaphore, #tpu.memory_space<semaphore_mem>>) {add = true}
          %dma_wait3A_538 = arith.constant 0 : i32
          %dma_wait3A_539 = tpu.memref_slice %arg14[%run_scoped3A_530, %dma_wait3A_538] : memref<4x128xi32, #tpu.memory_space<vmem>> -> memref<1x128xi32, #tpu.memory_space<vmem>>
          %dma_wait3A_540 = tpu.memref_squeeze %dma_wait3A_539 : memref<1x128xi32, #tpu.memory_space<vmem>> -> memref<128xi32, #tpu.memory_space<vmem>>
          %dma_wait3A_541 = arith.constant 0 : i32
          %dma_wait3A_542 = arith.constant 0 : i32
          %dma_wait3A_543 = tpu.memref_slice %arg10[%dma_wait3A_541, %dma_wait3A_542] : memref<30016x64xf32, #tpu.memory_space<vmem_shared>> -> memref<30016x64xf32, #tpu.memory_space<vmem_shared>>
          tpu.wait_indirect_dma semaphore(%run_scoped3A_531 : memref<!tpu.dma_semaphore, #tpu.memory_space<semaphore_mem>>) src(%arg15 : memref<128x64xf32, #tpu.memory_space<vmem>>) dst(%dma_wait3A_543 : memref<30016x64xf32, #tpu.memory_space<vmem_shared>>)
          tpu.yield
        }) : () -> ()
      }
      %while3A_60 = arith.constant 1 : i32
      scf.for %while3A_93 = %while3A_58 to %while3A_54 step %while3A_60  : i32 {
        %mul3A_94 = arith.constant 512 : i32
        %mul3A_95 = arith.muli %while3A_93, %mul3A_94 : i32
        %dma_start3A = tpu.memref_slice %arg4[%mul3A_95] : memref<320000xi32, #tpu.memory_space<hbm>> -> memref<512xi32, #tpu.memory_space<hbm>>
        %dma_start3A_96 = tpu.memref_slice %arg4[%mul3A_95] : memref<320000xi32, #tpu.memory_space<hbm>> -> memref<512xi32, #tpu.memory_space<hbm>>
        tpu.enqueue_dma source(%dma_start3A_96 : memref<512xi32, #tpu.memory_space<hbm>>) target(%arg11 : memref<512xi32, #tpu.memory_space<vmem>>) target_semaphore(%arg16 : memref<!tpu.dma_semaphore, #tpu.memory_space<semaphore_mem>>)
        %dma_start3A_97 = tpu.memref_slice %arg6[%mul3A_95] : memref<320000xi32, #tpu.memory_space<hbm>> -> memref<512xi32, #tpu.memory_space<hbm>>
        %dma_start3A_98 = tpu.memref_slice %arg6[%mul3A_95] : memref<320000xi32, #tpu.memory_space<hbm>> -> memref<512xi32, #tpu.memory_space<hbm>>
        tpu.enqueue_dma source(%dma_start3A_98 : memref<512xi32, #tpu.memory_space<hbm>>) target(%arg12 : memref<512xi32, #tpu.memory_space<vmem>>) target_semaphore(%arg16 : memref<!tpu.dma_semaphore, #tpu.memory_space<semaphore_mem>>)
        %dma_start3A_99 = tpu.memref_slice %arg5[%mul3A_95] : memref<320000xi32, #tpu.memory_space<hbm>> -> memref<512xi32, #tpu.memory_space<hbm>>
        %dma_start3A_100 = tpu.memref_slice %arg5[%mul3A_95] : memref<320000xi32, #tpu.memory_space<hbm>> -> memref<512xi32, #tpu.memory_space<hbm>>
        tpu.enqueue_dma source(%dma_start3A_100 : memref<512xi32, #tpu.memory_space<hbm>>) target(%arg13 : memref<512xi32, #tpu.memory_space<vmem>>) target_semaphore(%arg16 : memref<!tpu.dma_semaphore, #tpu.memory_space<semaphore_mem>>)
        %dma_wait3A = tpu.memref_slice %arg4[%mul3A_95] : memref<320000xi32, #tpu.memory_space<hbm>> -> memref<512xi32, #tpu.memory_space<hbm>>
        %dma_wait3A_101 = tpu.memref_slice %arg4[%mul3A_95] : memref<320000xi32, #tpu.memory_space<hbm>> -> memref<512xi32, #tpu.memory_space<hbm>>
        tpu.wait_dma2 semaphore(%arg16 : memref<!tpu.dma_semaphore, #tpu.memory_space<semaphore_mem>>) src(%dma_wait3A_101 : memref<512xi32, #tpu.memory_space<hbm>>) dst(%arg11 : memref<512xi32, #tpu.memory_space<vmem>>)
        %dma_wait3A_102 = tpu.memref_slice %arg6[%mul3A_95] : memref<320000xi32, #tpu.memory_space<hbm>> -> memref<512xi32, #tpu.memory_space<hbm>>
        %dma_wait3A_103 = tpu.memref_slice %arg6[%mul3A_95] : memref<320000xi32, #tpu.memory_space<hbm>> -> memref<512xi32, #tpu.memory_space<hbm>>
        tpu.wait_dma2 semaphore(%arg16 : memref<!tpu.dma_semaphore, #tpu.memory_space<semaphore_mem>>) src(%dma_wait3A_103 : memref<512xi32, #tpu.memory_space<hbm>>) dst(%arg12 : memref<512xi32, #tpu.memory_space<vmem>>)
        %dma_wait3A_104 = tpu.memref_slice %arg5[%mul3A_95] : memref<320000xi32, #tpu.memory_space<hbm>> -> memref<512xi32, #tpu.memory_space<hbm>>
        %dma_wait3A_105 = tpu.memref_slice %arg5[%mul3A_95] : memref<320000xi32, #tpu.memory_space<hbm>> -> memref<512xi32, #tpu.memory_space<hbm>>
        tpu.wait_dma2 semaphore(%arg16 : memref<!tpu.dma_semaphore, #tpu.memory_space<semaphore_mem>>) src(%dma_wait3A_105 : memref<512xi32, #tpu.memory_space<hbm>>) dst(%arg13 : memref<512xi32, #tpu.memory_space<vmem>>)
        %get3A = arith.constant 0 : index
        %get3A_106 = tpu.vector_load %arg12[%get3A] {strides = array<i32>} : memref<512xi32, #tpu.memory_space<vmem>>, vector<16xi32>,
        %get3A_107 = arith.constant 0 : index
        %get3A_108 = tpu.vector_load %arg13[%get3A_107] {strides = array<i32>} : memref<512xi32, #tpu.memory_space<vmem>>, vector<16xi32>,
        %mul3A_109 = arith.constant 10000 : i32
        %mul3A_110 = vector.broadcast %mul3A_109 : i32 to vector<16xi32>
        %mul3A_111 = arith.muli %get3A_106, %mul3A_110 : vector<16xi32>
        %add3A_112 = arith.addi %get3A_108, %mul3A_111 : vector<16xi32>
        %swap3A = arith.constant 0 : i32
        %swap3A_113 = arith.index_cast %swap3A : i32 to index
        %swap3A_114 = arith.constant 0 : index
        %swap3A_115 = tpu.vector_load %arg14[%swap3A_113, %swap3A_114] {strides = array<i32>} : memref<4x128xi32, #tpu.memory_space<vmem>>, vector<16xi32>,
        tpu.vector_store %arg14[%swap3A_113, %swap3A_114], %add3A_112 {strides = array<i32>} : memref<4x128xi32, #tpu.memory_space<vmem>>, vector<16xi32>,
        %get3A_116 = arith.constant 16 : index
        %get3A_117 = tpu.vector_load %arg12[%get3A_116] {strides = array<i32>} : memref<512xi32, #tpu.memory_space<vmem>>, vector<16xi32>,
        %get3A_118 = arith.constant 16 : index
        %get3A_119 = tpu.vector_load %arg13[%get3A_118] {strides = array<i32>} : memref<512xi32, #tpu.memory_space<vmem>>, vector<16xi32>,
        %mul3A_120 = arith.constant 10000 : i32
        %mul3A_121 = vector.broadcast %mul3A_120 : i32 to vector<16xi32>
        %mul3A_122 = arith.muli %get3A_117, %mul3A_121 : vector<16xi32>
        %add3A_123 = arith.addi %get3A_119, %mul3A_122 : vector<16xi32>
        %swap3A_124 = arith.constant 0 : i32
        %swap3A_125 = arith.index_cast %swap3A_124 : i32 to index
        %swap3A_126 = arith.constant 16 : index
        %swap3A_127 = tpu.vector_load %arg14[%swap3A_125, %swap3A_126] {strides = array<i32>} : memref<4x128xi32, #tpu.memory_space<vmem>>, vector<16xi32>,
        tpu.vector_store %arg14[%swap3A_125, %swap3A_126], %add3A_123 {strides = array<i32>} : memref<4x128xi32, #tpu.memory_space<vmem>>, vector<16xi32>,
        %get3A_128 = arith.constant 32 : index
        %get3A_129 = tpu.vector_load %arg12[%get3A_128] {strides = array<i32>} : memref<512xi32, #tpu.memory_space<vmem>>, vector<16xi32>,
        %get3A_130 = arith.constant 32 : index
        %get3A_131 = tpu.vector_load %arg13[%get3A_130] {strides = array<i32>} : memref<512xi32, #tpu.memory_space<vmem>>, vector<16xi32>,
        %mul3A_132 = arith.constant 10000 : i32
        %mul3A_133 = vector.broadcast %mul3A_132 : i32 to vector<16xi32>
        %mul3A_134 = arith.muli %get3A_129, %mul3A_133 : vector<16xi32>
        %add3A_135 = arith.addi %get3A_131, %mul3A_134 : vector<16xi32>
        %swap3A_136 = arith.constant 0 : i32
        %swap3A_137 = arith.index_cast %swap3A_136 : i32 to index
        %swap3A_138 = arith.constant 32 : index
        %swap3A_139 = tpu.vector_load %arg14[%swap3A_137, %swap3A_138] {strides = array<i32>} : memref<4x128xi32, #tpu.memory_space<vmem>>, vector<16xi32>,
        tpu.vector_store %arg14[%swap3A_137, %swap3A_138], %add3A_135 {strides = array<i32>} : memref<4x128xi32, #tpu.memory_space<vmem>>, vector<16xi32>,
        %get3A_140 = arith.constant 48 : index
        %get3A_141 = tpu.vector_load %arg12[%get3A_140] {strides = array<i32>} : memref<512xi32, #tpu.memory_space<vmem>>, vector<16xi32>,
        %get3A_142 = arith.constant 48 : index
        %get3A_143 = tpu.vector_load %arg13[%get3A_142] {strides = array<i32>} : memref<512xi32, #tpu.memory_space<vmem>>, vector<16xi32>,
        %mul3A_144 = arith.constant 10000 : i32
        %mul3A_145 = vector.broadcast %mul3A_144 : i32 to vector<16xi32>
        %mul3A_146 = arith.muli %get3A_141, %mul3A_145 : vector<16xi32>
        %add3A_147 = arith.addi %get3A_143, %mul3A_146 : vector<16xi32>
        %swap3A_148 = arith.constant 0 : i32
        %swap3A_149 = arith.index_cast %swap3A_148 : i32 to index
        %swap3A_150 = arith.constant 48 : index
        %swap3A_151 = tpu.vector_load %arg14[%swap3A_149, %swap3A_150] {strides = array<i32>} : memref<4x128xi32, #tpu.memory_space<vmem>>, vector<16xi32>,
        tpu.vector_store %arg14[%swap3A_149, %swap3A_150], %add3A_147 {strides = array<i32>} : memref<4x128xi32, #tpu.memory_space<vmem>>, vector<16xi32>,
        %get3A_152 = arith.constant 64 : index
        %get3A_153 = tpu.vector_load %arg12[%get3A_152] {strides = array<i32>} : memref<512xi32, #tpu.memory_space<vmem>>, vector<16xi32>,
        %get3A_154 = arith.constant 64 : index
        %get3A_155 = tpu.vector_load %arg13[%get3A_154] {strides = array<i32>} : memref<512xi32, #tpu.memory_space<vmem>>, vector<16xi32>,
        %mul3A_156 = arith.constant 10000 : i32
        %mul3A_157 = vector.broadcast %mul3A_156 : i32 to vector<16xi32>
        %mul3A_158 = arith.muli %get3A_153, %mul3A_157 : vector<16xi32>
        %add3A_159 = arith.addi %get3A_155, %mul3A_158 : vector<16xi32>
        %swap3A_160 = arith.constant 0 : i32
        %swap3A_161 = arith.index_cast %swap3A_160 : i32 to index
        %swap3A_162 = arith.constant 64 : index
        %swap3A_163 = tpu.vector_load %arg14[%swap3A_161, %swap3A_162] {strides = array<i32>} : memref<4x128xi32, #tpu.memory_space<vmem>>, vector<16xi32>,
        tpu.vector_store %arg14[%swap3A_161, %swap3A_162], %add3A_159 {strides = array<i32>} : memref<4x128xi32, #tpu.memory_space<vmem>>, vector<16xi32>,
        %get3A_164 = arith.constant 80 : index
        %get3A_165 = tpu.vector_load %arg12[%get3A_164] {strides = array<i32>} : memref<512xi32, #tpu.memory_space<vmem>>, vector<16xi32>,
        %get3A_166 = arith.constant 80 : index
        %get3A_167 = tpu.vector_load %arg13[%get3A_166] {strides = array<i32>} : memref<512xi32, #tpu.memory_space<vmem>>, vector<16xi32>,
        %mul3A_168 = arith.constant 10000 : i32
        %mul3A_169 = vector.broadcast %mul3A_168 : i32 to vector<16xi32>
        %mul3A_170 = arith.muli %get3A_165, %mul3A_169 : vector<16xi32>
        %add3A_171 = arith.addi %get3A_167, %mul3A_170 : vector<16xi32>
        %swap3A_172 = arith.constant 0 : i32
        %swap3A_173 = arith.index_cast %swap3A_172 : i32 to index
        %swap3A_174 = arith.constant 80 : index
        %swap3A_175 = tpu.vector_load %arg14[%swap3A_173, %swap3A_174] {strides = array<i32>} : memref<4x128xi32, #tpu.memory_space<vmem>>, vector<16xi32>,
        tpu.vector_store %arg14[%swap3A_173, %swap3A_174], %add3A_171 {strides = array<i32>} : memref<4x128xi32, #tpu.memory_space<vmem>>, vector<16xi32>,
        %get3A_176 = arith.constant 96 : index
        %get3A_177 = tpu.vector_load %arg12[%get3A_176] {strides = array<i32>} : memref<512xi32, #tpu.memory_space<vmem>>, vector<16xi32>,
        %get3A_178 = arith.constant 96 : index
        %get3A_179 = tpu.vector_load %arg13[%get3A_178] {strides = array<i32>} : memref<512xi32, #tpu.memory_space<vmem>>, vector<16xi32>,
        %mul3A_180 = arith.constant 10000 : i32
        %mul3A_181 = vector.broadcast %mul3A_180 : i32 to vector<16xi32>
        %mul3A_182 = arith.muli %get3A_177, %mul3A_181 : vector<16xi32>
        %add3A_183 = arith.addi %get3A_179, %mul3A_182 : vector<16xi32>
        %swap3A_184 = arith.constant 0 : i32
        %swap3A_185 = arith.index_cast %swap3A_184 : i32 to index
        %swap3A_186 = arith.constant 96 : index
        %swap3A_187 = tpu.vector_load %arg14[%swap3A_185, %swap3A_186] {strides = array<i32>} : memref<4x128xi32, #tpu.memory_space<vmem>>, vector<16xi32>,
        tpu.vector_store %arg14[%swap3A_185, %swap3A_186], %add3A_183 {strides = array<i32>} : memref<4x128xi32, #tpu.memory_space<vmem>>, vector<16xi32>,
        %get3A_188 = arith.constant 112 : index
        %get3A_189 = tpu.vector_load %arg12[%get3A_188] {strides = array<i32>} : memref<512xi32, #tpu.memory_space<vmem>>, vector<16xi32>,
        %get3A_190 = arith.constant 112 : index
        %get3A_191 = tpu.vector_load %arg13[%get3A_190] {strides = array<i32>} : memref<512xi32, #tpu.memory_space<vmem>>, vector<16xi32>,
        %mul3A_192 = arith.constant 10000 : i32
        %mul3A_193 = vector.broadcast %mul3A_192 : i32 to vector<16xi32>
        %mul3A_194 = arith.muli %get3A_189, %mul3A_193 : vector<16xi32>
        %add3A_195 = arith.addi %get3A_191, %mul3A_194 : vector<16xi32>
        %swap3A_196 = arith.constant 0 : i32
        %swap3A_197 = arith.index_cast %swap3A_196 : i32 to index
        %swap3A_198 = arith.constant 112 : index
        %swap3A_199 = tpu.vector_load %arg14[%swap3A_197, %swap3A_198] {strides = array<i32>} : memref<4x128xi32, #tpu.memory_space<vmem>>, vector<16xi32>,
        tpu.vector_store %arg14[%swap3A_197, %swap3A_198], %add3A_195 {strides = array<i32>} : memref<4x128xi32, #tpu.memory_space<vmem>>, vector<16xi32>,
        %get3A_200 = arith.constant 128 : index
        %get3A_201 = tpu.vector_load %arg12[%get3A_200] {strides = array<i32>} : memref<512xi32, #tpu.memory_space<vmem>>, vector<16xi32>,
        %get3A_202 = arith.constant 128 : index
        %get3A_203 = tpu.vector_load %arg13[%get3A_202] {strides = array<i32>} : memref<512xi32, #tpu.memory_space<vmem>>, vector<16xi32>,
        %mul3A_204 = arith.constant 10000 : i32
        %mul3A_205 = vector.broadcast %mul3A_204 : i32 to vector<16xi32>
        %mul3A_206 = arith.muli %get3A_201, %mul3A_205 : vector<16xi32>
        %add3A_207 = arith.addi %get3A_203, %mul3A_206 : vector<16xi32>
        %swap3A_208 = arith.constant 1 : i32
        %swap3A_209 = arith.index_cast %swap3A_208 : i32 to index
        %swap3A_210 = arith.constant 0 : index
        %swap3A_211 = tpu.vector_load %arg14[%swap3A_209, %swap3A_210] {strides = array<i32>} : memref<4x128xi32, #tpu.memory_space<vmem>>, vector<16xi32>,
        tpu.vector_store %arg14[%swap3A_209, %swap3A_210], %add3A_207 {strides = array<i32>} : memref<4x128xi32, #tpu.memory_space<vmem>>, vector<16xi32>,
        %get3A_212 = arith.constant 144 : index
        %get3A_213 = tpu.vector_load %arg12[%get3A_212] {strides = array<i32>} : memref<512xi32, #tpu.memory_space<vmem>>, vector<16xi32>,
        %get3A_214 = arith.constant 144 : index
        %get3A_215 = tpu.vector_load %arg13[%get3A_214] {strides = array<i32>} : memref<512xi32, #tpu.memory_space<vmem>>, vector<16xi32>,
        %mul3A_216 = arith.constant 10000 : i32
        %mul3A_217 = vector.broadcast %mul3A_216 : i32 to vector<16xi32>
        %mul3A_218 = arith.muli %get3A_213, %mul3A_217 : vector<16xi32>
        %add3A_219 = arith.addi %get3A_215, %mul3A_218 : vector<16xi32>
        %swap3A_220 = arith.constant 1 : i32
        %swap3A_221 = arith.index_cast %swap3A_220 : i32 to index
        %swap3A_222 = arith.constant 16 : index
        %swap3A_223 = tpu.vector_load %arg14[%swap3A_221, %swap3A_222] {strides = array<i32>} : memref<4x128xi32, #tpu.memory_space<vmem>>, vector<16xi32>,
        tpu.vector_store %arg14[%swap3A_221, %swap3A_222], %add3A_219 {strides = array<i32>} : memref<4x128xi32, #tpu.memory_space<vmem>>, vector<16xi32>,
        %get3A_224 = arith.constant 160 : index
        %get3A_225 = tpu.vector_load %arg12[%get3A_224] {strides = array<i32>} : memref<512xi32, #tpu.memory_space<vmem>>, vector<16xi32>,
        %get3A_226 = arith.constant 160 : index
        %get3A_227 = tpu.vector_load %arg13[%get3A_226] {strides = array<i32>} : memref<512xi32, #tpu.memory_space<vmem>>, vector<16xi32>,
        %mul3A_228 = arith.constant 10000 : i32
        %mul3A_229 = vector.broadcast %mul3A_228 : i32 to vector<16xi32>
        %mul3A_230 = arith.muli %get3A_225, %mul3A_229 : vector<16xi32>
        %add3A_231 = arith.addi %get3A_227, %mul3A_230 : vector<16xi32>
        %swap3A_232 = arith.constant 1 : i32
        %swap3A_233 = arith.index_cast %swap3A_232 : i32 to index
        %swap3A_234 = arith.constant 32 : index
        %swap3A_235 = tpu.vector_load %arg14[%swap3A_233, %swap3A_234] {strides = array<i32>} : memref<4x128xi32, #tpu.memory_space<vmem>>, vector<16xi32>,
        tpu.vector_store %arg14[%swap3A_233, %swap3A_234], %add3A_231 {strides = array<i32>} : memref<4x128xi32, #tpu.memory_space<vmem>>, vector<16xi32>,
        %get3A_236 = arith.constant 176 : index
        %get3A_237 = tpu.vector_load %arg12[%get3A_236] {strides = array<i32>} : memref<512xi32, #tpu.memory_space<vmem>>, vector<16xi32>,
        %get3A_238 = arith.constant 176 : index
        %get3A_239 = tpu.vector_load %arg13[%get3A_238] {strides = array<i32>} : memref<512xi32, #tpu.memory_space<vmem>>, vector<16xi32>,
        %mul3A_240 = arith.constant 10000 : i32
        %mul3A_241 = vector.broadcast %mul3A_240 : i32 to vector<16xi32>
        %mul3A_242 = arith.muli %get3A_237, %mul3A_241 : vector<16xi32>
        %add3A_243 = arith.addi %get3A_239, %mul3A_242 : vector<16xi32>
        %swap3A_244 = arith.constant 1 : i32
        %swap3A_245 = arith.index_cast %swap3A_244 : i32 to index
        %swap3A_246 = arith.constant 48 : index
        %swap3A_247 = tpu.vector_load %arg14[%swap3A_245, %swap3A_246] {strides = array<i32>} : memref<4x128xi32, #tpu.memory_space<vmem>>, vector<16xi32>,
        tpu.vector_store %arg14[%swap3A_245, %swap3A_246], %add3A_243 {strides = array<i32>} : memref<4x128xi32, #tpu.memory_space<vmem>>, vector<16xi32>,
        %get3A_248 = arith.constant 192 : index
        %get3A_249 = tpu.vector_load %arg12[%get3A_248] {strides = array<i32>} : memref<512xi32, #tpu.memory_space<vmem>>, vector<16xi32>,
        %get3A_250 = arith.constant 192 : index
        %get3A_251 = tpu.vector_load %arg13[%get3A_250] {strides = array<i32>} : memref<512xi32, #tpu.memory_space<vmem>>, vector<16xi32>,
        %mul3A_252 = arith.constant 10000 : i32
        %mul3A_253 = vector.broadcast %mul3A_252 : i32 to vector<16xi32>
        %mul3A_254 = arith.muli %get3A_249, %mul3A_253 : vector<16xi32>
        %add3A_255 = arith.addi %get3A_251, %mul3A_254 : vector<16xi32>
        %swap3A_256 = arith.constant 1 : i32
        %swap3A_257 = arith.index_cast %swap3A_256 : i32 to index
        %swap3A_258 = arith.constant 64 : index
        %swap3A_259 = tpu.vector_load %arg14[%swap3A_257, %swap3A_258] {strides = array<i32>} : memref<4x128xi32, #tpu.memory_space<vmem>>, vector<16xi32>,
        tpu.vector_store %arg14[%swap3A_257, %swap3A_258], %add3A_255 {strides = array<i32>} : memref<4x128xi32, #tpu.memory_space<vmem>>, vector<16xi32>,
        %get3A_260 = arith.constant 208 : index
        %get3A_261 = tpu.vector_load %arg12[%get3A_260] {strides = array<i32>} : memref<512xi32, #tpu.memory_space<vmem>>, vector<16xi32>,
        %get3A_262 = arith.constant 208 : index
        %get3A_263 = tpu.vector_load %arg13[%get3A_262] {strides = array<i32>} : memref<512xi32, #tpu.memory_space<vmem>>, vector<16xi32>,
        %mul3A_264 = arith.constant 10000 : i32
        %mul3A_265 = vector.broadcast %mul3A_264 : i32 to vector<16xi32>
        %mul3A_266 = arith.muli %get3A_261, %mul3A_265 : vector<16xi32>
        %add3A_267 = arith.addi %get3A_263, %mul3A_266 : vector<16xi32>
        %swap3A_268 = arith.constant 1 : i32
        %swap3A_269 = arith.index_cast %swap3A_268 : i32 to index
        %swap3A_270 = arith.constant 80 : index
        %swap3A_271 = tpu.vector_load %arg14[%swap3A_269, %swap3A_270] {strides = array<i32>} : memref<4x128xi32, #tpu.memory_space<vmem>>, vector<16xi32>,
        tpu.vector_store %arg14[%swap3A_269, %swap3A_270], %add3A_267 {strides = array<i32>} : memref<4x128xi32, #tpu.memory_space<vmem>>, vector<16xi32>,
        %get3A_272 = arith.constant 224 : index
        %get3A_273 = tpu.vector_load %arg12[%get3A_272] {strides = array<i32>} : memref<512xi32, #tpu.memory_space<vmem>>, vector<16xi32>,
        %get3A_274 = arith.constant 224 : index
        %get3A_275 = tpu.vector_load %arg13[%get3A_274] {strides = array<i32>} : memref<512xi32, #tpu.memory_space<vmem>>, vector<16xi32>,
        %mul3A_276 = arith.constant 10000 : i32
        %mul3A_277 = vector.broadcast %mul3A_276 : i32 to vector<16xi32>
        %mul3A_278 = arith.muli %get3A_273, %mul3A_277 : vector<16xi32>
        %add3A_279 = arith.addi %get3A_275, %mul3A_278 : vector<16xi32>
        %swap3A_280 = arith.constant 1 : i32
        %swap3A_281 = arith.index_cast %swap3A_280 : i32 to index
        %swap3A_282 = arith.constant 96 : index
        %swap3A_283 = tpu.vector_load %arg14[%swap3A_281, %swap3A_282] {strides = array<i32>} : memref<4x128xi32, #tpu.memory_space<vmem>>, vector<16xi32>,
        tpu.vector_store %arg14[%swap3A_281, %swap3A_282], %add3A_279 {strides = array<i32>} : memref<4x128xi32, #tpu.memory_space<vmem>>, vector<16xi32>,
        %get3A_284 = arith.constant 240 : index
        %get3A_285 = tpu.vector_load %arg12[%get3A_284] {strides = array<i32>} : memref<512xi32, #tpu.memory_space<vmem>>, vector<16xi32>,
        %get3A_286 = arith.constant 240 : index
        %get3A_287 = tpu.vector_load %arg13[%get3A_286] {strides = array<i32>} : memref<512xi32, #tpu.memory_space<vmem>>, vector<16xi32>,
        %mul3A_288 = arith.constant 10000 : i32
        %mul3A_289 = vector.broadcast %mul3A_288 : i32 to vector<16xi32>
        %mul3A_290 = arith.muli %get3A_285, %mul3A_289 : vector<16xi32>
        %add3A_291 = arith.addi %get3A_287, %mul3A_290 : vector<16xi32>
        %swap3A_292 = arith.constant 1 : i32
        %swap3A_293 = arith.index_cast %swap3A_292 : i32 to index
        %swap3A_294 = arith.constant 112 : index
        %swap3A_295 = tpu.vector_load %arg14[%swap3A_293, %swap3A_294] {strides = array<i32>} : memref<4x128xi32, #tpu.memory_space<vmem>>, vector<16xi32>,
        tpu.vector_store %arg14[%swap3A_293, %swap3A_294], %add3A_291 {strides = array<i32>} : memref<4x128xi32, #tpu.memory_space<vmem>>, vector<16xi32>,
        %get3A_296 = arith.constant 256 : index
        %get3A_297 = tpu.vector_load %arg12[%get3A_296] {strides = array<i32>} : memref<512xi32, #tpu.memory_space<vmem>>, vector<16xi32>,
        %get3A_298 = arith.constant 256 : index
        %get3A_299 = tpu.vector_load %arg13[%get3A_298] {strides = array<i32>} : memref<512xi32, #tpu.memory_space<vmem>>, vector<16xi32>,
        %mul3A_300 = arith.constant 10000 : i32
        %mul3A_301 = vector.broadcast %mul3A_300 : i32 to vector<16xi32>
        %mul3A_302 = arith.muli %get3A_297, %mul3A_301 : vector<16xi32>
        %add3A_303 = arith.addi %get3A_299, %mul3A_302 : vector<16xi32>
        %swap3A_304 = arith.constant 2 : i32
        %swap3A_305 = arith.index_cast %swap3A_304 : i32 to index
        %swap3A_306 = arith.constant 0 : index
        %swap3A_307 = tpu.vector_load %arg14[%swap3A_305, %swap3A_306] {strides = array<i32>} : memref<4x128xi32, #tpu.memory_space<vmem>>, vector<16xi32>,
        tpu.vector_store %arg14[%swap3A_305, %swap3A_306], %add3A_303 {strides = array<i32>} : memref<4x128xi32, #tpu.memory_space<vmem>>, vector<16xi32>,
        %get3A_308 = arith.constant 272 : index
        %get3A_309 = tpu.vector_load %arg12[%get3A_308] {strides = array<i32>} : memref<512xi32, #tpu.memory_space<vmem>>, vector<16xi32>,
        %get3A_310 = arith.constant 272 : index
        %get3A_311 = tpu.vector_load %arg13[%get3A_310] {strides = array<i32>} : memref<512xi32, #tpu.memory_space<vmem>>, vector<16xi32>,
        %mul3A_312 = arith.constant 10000 : i32
        %mul3A_313 = vector.broadcast %mul3A_312 : i32 to vector<16xi32>
        %mul3A_314 = arith.muli %get3A_309, %mul3A_313 : vector<16xi32>
        %add3A_315 = arith.addi %get3A_311, %mul3A_314 : vector<16xi32>
        %swap3A_316 = arith.constant 2 : i32
        %swap3A_317 = arith.index_cast %swap3A_316 : i32 to index
        %swap3A_318 = arith.constant 16 : index
        %swap3A_319 = tpu.vector_load %arg14[%swap3A_317, %swap3A_318] {strides = array<i32>} : memref<4x128xi32, #tpu.memory_space<vmem>>, vector<16xi32>,
        tpu.vector_store %arg14[%swap3A_317, %swap3A_318], %add3A_315 {strides = array<i32>} : memref<4x128xi32, #tpu.memory_space<vmem>>, vector<16xi32>,
        %get3A_320 = arith.constant 288 : index
        %get3A_321 = tpu.vector_load %arg12[%get3A_320] {strides = array<i32>} : memref<512xi32, #tpu.memory_space<vmem>>, vector<16xi32>,
        %get3A_322 = arith.constant 288 : index
        %get3A_323 = tpu.vector_load %arg13[%get3A_322] {strides = array<i32>} : memref<512xi32, #tpu.memory_space<vmem>>, vector<16xi32>,
        %mul3A_324 = arith.constant 10000 : i32
        %mul3A_325 = vector.broadcast %mul3A_324 : i32 to vector<16xi32>
        %mul3A_326 = arith.muli %get3A_321, %mul3A_325 : vector<16xi32>
        %add3A_327 = arith.addi %get3A_323, %mul3A_326 : vector<16xi32>
        %swap3A_328 = arith.constant 2 : i32
        %swap3A_329 = arith.index_cast %swap3A_328 : i32 to index
        %swap3A_330 = arith.constant 32 : index
        %swap3A_331 = tpu.vector_load %arg14[%swap3A_329, %swap3A_330] {strides = array<i32>} : memref<4x128xi32, #tpu.memory_space<vmem>>, vector<16xi32>,
        tpu.vector_store %arg14[%swap3A_329, %swap3A_330], %add3A_327 {strides = array<i32>} : memref<4x128xi32, #tpu.memory_space<vmem>>, vector<16xi32>,
        %get3A_332 = arith.constant 304 : index
        %get3A_333 = tpu.vector_load %arg12[%get3A_332] {strides = array<i32>} : memref<512xi32, #tpu.memory_space<vmem>>, vector<16xi32>,
        %get3A_334 = arith.constant 304 : index
        %get3A_335 = tpu.vector_load %arg13[%get3A_334] {strides = array<i32>} : memref<512xi32, #tpu.memory_space<vmem>>, vector<16xi32>,
        %mul3A_336 = arith.constant 10000 : i32
        %mul3A_337 = vector.broadcast %mul3A_336 : i32 to vector<16xi32>
        %mul3A_338 = arith.muli %get3A_333, %mul3A_337 : vector<16xi32>
        %add3A_339 = arith.addi %get3A_335, %mul3A_338 : vector<16xi32>
        %swap3A_340 = arith.constant 2 : i32
        %swap3A_341 = arith.index_cast %swap3A_340 : i32 to index
        %swap3A_342 = arith.constant 48 : index
        %swap3A_343 = tpu.vector_load %arg14[%swap3A_341, %swap3A_342] {strides = array<i32>} : memref<4x128xi32, #tpu.memory_space<vmem>>, vector<16xi32>,
        tpu.vector_store %arg14[%swap3A_341, %swap3A_342], %add3A_339 {strides = array<i32>} : memref<4x128xi32, #tpu.memory_space<vmem>>, vector<16xi32>,
        %get3A_344 = arith.constant 320 : index
        %get3A_345 = tpu.vector_load %arg12[%get3A_344] {strides = array<i32>} : memref<512xi32, #tpu.memory_space<vmem>>, vector<16xi32>,
        %get3A_346 = arith.constant 320 : index
        %get3A_347 = tpu.vector_load %arg13[%get3A_346] {strides = array<i32>} : memref<512xi32, #tpu.memory_space<vmem>>, vector<16xi32>,
        %mul3A_348 = arith.constant 10000 : i32
        %mul3A_349 = vector.broadcast %mul3A_348 : i32 to vector<16xi32>
        %mul3A_350 = arith.muli %get3A_345, %mul3A_349 : vector<16xi32>
        %add3A_351 = arith.addi %get3A_347, %mul3A_350 : vector<16xi32>
        %swap3A_352 = arith.constant 2 : i32
        %swap3A_353 = arith.index_cast %swap3A_352 : i32 to index
        %swap3A_354 = arith.constant 64 : index
        %swap3A_355 = tpu.vector_load %arg14[%swap3A_353, %swap3A_354] {strides = array<i32>} : memref<4x128xi32, #tpu.memory_space<vmem>>, vector<16xi32>,
        tpu.vector_store %arg14[%swap3A_353, %swap3A_354], %add3A_351 {strides = array<i32>} : memref<4x128xi32, #tpu.memory_space<vmem>>, vector<16xi32>,
        %get3A_356 = arith.constant 336 : index
        %get3A_357 = tpu.vector_load %arg12[%get3A_356] {strides = array<i32>} : memref<512xi32, #tpu.memory_space<vmem>>, vector<16xi32>,
        %get3A_358 = arith.constant 336 : index
        %get3A_359 = tpu.vector_load %arg13[%get3A_358] {strides = array<i32>} : memref<512xi32, #tpu.memory_space<vmem>>, vector<16xi32>,
        %mul3A_360 = arith.constant 10000 : i32
        %mul3A_361 = vector.broadcast %mul3A_360 : i32 to vector<16xi32>
        %mul3A_362 = arith.muli %get3A_357, %mul3A_361 : vector<16xi32>
        %add3A_363 = arith.addi %get3A_359, %mul3A_362 : vector<16xi32>
        %swap3A_364 = arith.constant 2 : i32
        %swap3A_365 = arith.index_cast %swap3A_364 : i32 to index
        %swap3A_366 = arith.constant 80 : index
        %swap3A_367 = tpu.vector_load %arg14[%swap3A_365, %swap3A_366] {strides = array<i32>} : memref<4x128xi32, #tpu.memory_space<vmem>>, vector<16xi32>,
        tpu.vector_store %arg14[%swap3A_365, %swap3A_366], %add3A_363 {strides = array<i32>} : memref<4x128xi32, #tpu.memory_space<vmem>>, vector<16xi32>,
        %get3A_368 = arith.constant 352 : index
        %get3A_369 = tpu.vector_load %arg12[%get3A_368] {strides = array<i32>} : memref<512xi32, #tpu.memory_space<vmem>>, vector<16xi32>,
        %get3A_370 = arith.constant 352 : index
        %get3A_371 = tpu.vector_load %arg13[%get3A_370] {strides = array<i32>} : memref<512xi32, #tpu.memory_space<vmem>>, vector<16xi32>,
        %mul3A_372 = arith.constant 10000 : i32
        %mul3A_373 = vector.broadcast %mul3A_372 : i32 to vector<16xi32>
        %mul3A_374 = arith.muli %get3A_369, %mul3A_373 : vector<16xi32>
        %add3A_375 = arith.addi %get3A_371, %mul3A_374 : vector<16xi32>
        %swap3A_376 = arith.constant 2 : i32
        %swap3A_377 = arith.index_cast %swap3A_376 : i32 to index
        %swap3A_378 = arith.constant 96 : index
        %swap3A_379 = tpu.vector_load %arg14[%swap3A_377, %swap3A_378] {strides = array<i32>} : memref<4x128xi32, #tpu.memory_space<vmem>>, vector<16xi32>,
        tpu.vector_store %arg14[%swap3A_377, %swap3A_378], %add3A_375 {strides = array<i32>} : memref<4x128xi32, #tpu.memory_space<vmem>>, vector<16xi32>,
        %get3A_380 = arith.constant 368 : index
        %get3A_381 = tpu.vector_load %arg12[%get3A_380] {strides = array<i32>} : memref<512xi32, #tpu.memory_space<vmem>>, vector<16xi32>,
        %get3A_382 = arith.constant 368 : index
        %get3A_383 = tpu.vector_load %arg13[%get3A_382] {strides = array<i32>} : memref<512xi32, #tpu.memory_space<vmem>>, vector<16xi32>,
        %mul3A_384 = arith.constant 10000 : i32
        %mul3A_385 = vector.broadcast %mul3A_384 : i32 to vector<16xi32>
        %mul3A_386 = arith.muli %get3A_381, %mul3A_385 : vector<16xi32>
        %add3A_387 = arith.addi %get3A_383, %mul3A_386 : vector<16xi32>
        %swap3A_388 = arith.constant 2 : i32
        %swap3A_389 = arith.index_cast %swap3A_388 : i32 to index
        %swap3A_390 = arith.constant 112 : index
        %swap3A_391 = tpu.vector_load %arg14[%swap3A_389, %swap3A_390] {strides = array<i32>} : memref<4x128xi32, #tpu.memory_space<vmem>>, vector<16xi32>,
        tpu.vector_store %arg14[%swap3A_389, %swap3A_390], %add3A_387 {strides = array<i32>} : memref<4x128xi32, #tpu.memory_space<vmem>>, vector<16xi32>,
        %get3A_392 = arith.constant 384 : index
        %get3A_393 = tpu.vector_load %arg12[%get3A_392] {strides = array<i32>} : memref<512xi32, #tpu.memory_space<vmem>>, vector<16xi32>,
        %get3A_394 = arith.constant 384 : index
        %get3A_395 = tpu.vector_load %arg13[%get3A_394] {strides = array<i32>} : memref<512xi32, #tpu.memory_space<vmem>>, vector<16xi32>,
        %mul3A_396 = arith.constant 10000 : i32
        %mul3A_397 = vector.broadcast %mul3A_396 : i32 to vector<16xi32>
        %mul3A_398 = arith.muli %get3A_393, %mul3A_397 : vector<16xi32>
        %add3A_399 = arith.addi %get3A_395, %mul3A_398 : vector<16xi32>
        %swap3A_400 = arith.constant 3 : i32
        %swap3A_401 = arith.index_cast %swap3A_400 : i32 to index
        %swap3A_402 = arith.constant 0 : index
        %swap3A_403 = tpu.vector_load %arg14[%swap3A_401, %swap3A_402] {strides = array<i32>} : memref<4x128xi32, #tpu.memory_space<vmem>>, vector<16xi32>,
        tpu.vector_store %arg14[%swap3A_401, %swap3A_402], %add3A_399 {strides = array<i32>} : memref<4x128xi32, #tpu.memory_space<vmem>>, vector<16xi32>,
        %get3A_404 = arith.constant 400 : index
        %get3A_405 = tpu.vector_load %arg12[%get3A_404] {strides = array<i32>} : memref<512xi32, #tpu.memory_space<vmem>>, vector<16xi32>,
        %get3A_406 = arith.constant 400 : index
        %get3A_407 = tpu.vector_load %arg13[%get3A_406] {strides = array<i32>} : memref<512xi32, #tpu.memory_space<vmem>>, vector<16xi32>,
        %mul3A_408 = arith.constant 10000 : i32
        %mul3A_409 = vector.broadcast %mul3A_408 : i32 to vector<16xi32>
        %mul3A_410 = arith.muli %get3A_405, %mul3A_409 : vector<16xi32>
        %add3A_411 = arith.addi %get3A_407, %mul3A_410 : vector<16xi32>
        %swap3A_412 = arith.constant 3 : i32
        %swap3A_413 = arith.index_cast %swap3A_412 : i32 to index
        %swap3A_414 = arith.constant 16 : index
        %swap3A_415 = tpu.vector_load %arg14[%swap3A_413, %swap3A_414] {strides = array<i32>} : memref<4x128xi32, #tpu.memory_space<vmem>>, vector<16xi32>,
        tpu.vector_store %arg14[%swap3A_413, %swap3A_414], %add3A_411 {strides = array<i32>} : memref<4x128xi32, #tpu.memory_space<vmem>>, vector<16xi32>,
        %get3A_416 = arith.constant 416 : index
        %get3A_417 = tpu.vector_load %arg12[%get3A_416] {strides = array<i32>} : memref<512xi32, #tpu.memory_space<vmem>>, vector<16xi32>,
        %get3A_418 = arith.constant 416 : index
        %get3A_419 = tpu.vector_load %arg13[%get3A_418] {strides = array<i32>} : memref<512xi32, #tpu.memory_space<vmem>>, vector<16xi32>,
        %mul3A_420 = arith.constant 10000 : i32
        %mul3A_421 = vector.broadcast %mul3A_420 : i32 to vector<16xi32>
        %mul3A_422 = arith.muli %get3A_417, %mul3A_421 : vector<16xi32>
        %add3A_423 = arith.addi %get3A_419, %mul3A_422 : vector<16xi32>
        %swap3A_424 = arith.constant 3 : i32
        %swap3A_425 = arith.index_cast %swap3A_424 : i32 to index
        %swap3A_426 = arith.constant 32 : index
        %swap3A_427 = tpu.vector_load %arg14[%swap3A_425, %swap3A_426] {strides = array<i32>} : memref<4x128xi32, #tpu.memory_space<vmem>>, vector<16xi32>,
        tpu.vector_store %arg14[%swap3A_425, %swap3A_426], %add3A_423 {strides = array<i32>} : memref<4x128xi32, #tpu.memory_space<vmem>>, vector<16xi32>,
        %get3A_428 = arith.constant 432 : index
        %get3A_429 = tpu.vector_load %arg12[%get3A_428] {strides = array<i32>} : memref<512xi32, #tpu.memory_space<vmem>>, vector<16xi32>,
        %get3A_430 = arith.constant 432 : index
        %get3A_431 = tpu.vector_load %arg13[%get3A_430] {strides = array<i32>} : memref<512xi32, #tpu.memory_space<vmem>>, vector<16xi32>,
        %mul3A_432 = arith.constant 10000 : i32
        %mul3A_433 = vector.broadcast %mul3A_432 : i32 to vector<16xi32>
        %mul3A_434 = arith.muli %get3A_429, %mul3A_433 : vector<16xi32>
        %add3A_435 = arith.addi %get3A_431, %mul3A_434 : vector<16xi32>
        %swap3A_436 = arith.constant 3 : i32
        %swap3A_437 = arith.index_cast %swap3A_436 : i32 to index
        %swap3A_438 = arith.constant 48 : index
        %swap3A_439 = tpu.vector_load %arg14[%swap3A_437, %swap3A_438] {strides = array<i32>} : memref<4x128xi32, #tpu.memory_space<vmem>>, vector<16xi32>,
        tpu.vector_store %arg14[%swap3A_437, %swap3A_438], %add3A_435 {strides = array<i32>} : memref<4x128xi32, #tpu.memory_space<vmem>>, vector<16xi32>,
        %get3A_440 = arith.constant 448 : index
        %get3A_441 = tpu.vector_load %arg12[%get3A_440] {strides = array<i32>} : memref<512xi32, #tpu.memory_space<vmem>>, vector<16xi32>,
        %get3A_442 = arith.constant 448 : index
        %get3A_443 = tpu.vector_load %arg13[%get3A_442] {strides = array<i32>} : memref<512xi32, #tpu.memory_space<vmem>>, vector<16xi32>,
        %mul3A_444 = arith.constant 10000 : i32
        %mul3A_445 = vector.broadcast %mul3A_444 : i32 to vector<16xi32>
        %mul3A_446 = arith.muli %get3A_441, %mul3A_445 : vector<16xi32>
        %add3A_447 = arith.addi %get3A_443, %mul3A_446 : vector<16xi32>
        %swap3A_448 = arith.constant 3 : i32
        %swap3A_449 = arith.index_cast %swap3A_448 : i32 to index
        %swap3A_450 = arith.constant 64 : index
        %swap3A_451 = tpu.vector_load %arg14[%swap3A_449, %swap3A_450] {strides = array<i32>} : memref<4x128xi32, #tpu.memory_space<vmem>>, vector<16xi32>,
        tpu.vector_store %arg14[%swap3A_449, %swap3A_450], %add3A_447 {strides = array<i32>} : memref<4x128xi32, #tpu.memory_space<vmem>>, vector<16xi32>,
        %get3A_452 = arith.constant 464 : index
        %get3A_453 = tpu.vector_load %arg12[%get3A_452] {strides = array<i32>} : memref<512xi32, #tpu.memory_space<vmem>>, vector<16xi32>,
        %get3A_454 = arith.constant 464 : index
        %get3A_455 = tpu.vector_load %arg13[%get3A_454] {strides = array<i32>} : memref<512xi32, #tpu.memory_space<vmem>>, vector<16xi32>,
        %mul3A_456 = arith.constant 10000 : i32
        %mul3A_457 = vector.broadcast %mul3A_456 : i32 to vector<16xi32>
        %mul3A_458 = arith.muli %get3A_453, %mul3A_457 : vector<16xi32>
        %add3A_459 = arith.addi %get3A_455, %mul3A_458 : vector<16xi32>
        %swap3A_460 = arith.constant 3 : i32
        %swap3A_461 = arith.index_cast %swap3A_460 : i32 to index
        %swap3A_462 = arith.constant 80 : index
        %swap3A_463 = tpu.vector_load %arg14[%swap3A_461, %swap3A_462] {strides = array<i32>} : memref<4x128xi32, #tpu.memory_space<vmem>>, vector<16xi32>,
        tpu.vector_store %arg14[%swap3A_461, %swap3A_462], %add3A_459 {strides = array<i32>} : memref<4x128xi32, #tpu.memory_space<vmem>>, vector<16xi32>,
        %get3A_464 = arith.constant 480 : index
        %get3A_465 = tpu.vector_load %arg12[%get3A_464] {strides = array<i32>} : memref<512xi32, #tpu.memory_space<vmem>>, vector<16xi32>,
        %get3A_466 = arith.constant 480 : index
        %get3A_467 = tpu.vector_load %arg13[%get3A_466] {strides = array<i32>} : memref<512xi32, #tpu.memory_space<vmem>>, vector<16xi32>,
        %mul3A_468 = arith.constant 10000 : i32
        %mul3A_469 = vector.broadcast %mul3A_468 : i32 to vector<16xi32>
        %mul3A_470 = arith.muli %get3A_465, %mul3A_469 : vector<16xi32>
        %add3A_471 = arith.addi %get3A_467, %mul3A_470 : vector<16xi32>
        %swap3A_472 = arith.constant 3 : i32
        %swap3A_473 = arith.index_cast %swap3A_472 : i32 to index
        %swap3A_474 = arith.constant 96 : index
        %swap3A_475 = tpu.vector_load %arg14[%swap3A_473, %swap3A_474] {strides = array<i32>} : memref<4x128xi32, #tpu.memory_space<vmem>>, vector<16xi32>,
        tpu.vector_store %arg14[%swap3A_473, %swap3A_474], %add3A_471 {strides = array<i32>} : memref<4x128xi32, #tpu.memory_space<vmem>>, vector<16xi32>,
        %get3A_476 = arith.constant 496 : index
        %get3A_477 = tpu.vector_load %arg12[%get3A_476] {strides = array<i32>} : memref<512xi32, #tpu.memory_space<vmem>>, vector<16xi32>,
        %get3A_478 = arith.constant 496 : index
        %get3A_479 = tpu.vector_load %arg13[%get3A_478] {strides = array<i32>} : memref<512xi32, #tpu.memory_space<vmem>>, vector<16xi32>,
        %mul3A_480 = arith.constant 10000 : i32
        %mul3A_481 = vector.broadcast %mul3A_480 : i32 to vector<16xi32>
        %mul3A_482 = arith.muli %get3A_477, %mul3A_481 : vector<16xi32>
        %add3A_483 = arith.addi %get3A_479, %mul3A_482 : vector<16xi32>
        %swap3A_484 = arith.constant 3 : i32
        %swap3A_485 = arith.index_cast %swap3A_484 : i32 to index
        %swap3A_486 = arith.constant 112 : index
        %swap3A_487 = tpu.vector_load %arg14[%swap3A_485, %swap3A_486] {strides = array<i32>} : memref<4x128xi32, #tpu.memory_space<vmem>>, vector<16xi32>,
        tpu.vector_store %arg14[%swap3A_485, %swap3A_486], %add3A_483 {strides = array<i32>} : memref<4x128xi32, #tpu.memory_space<vmem>>, vector<16xi32>,
        %dma_start3A_488 = arith.constant 0 : i32
        %dma_start3A_489 = tpu.memref_slice %arg11[%dma_start3A_488] : memref<512xi32, #tpu.memory_space<vmem>> -> memref<128xi32, #tpu.memory_space<vmem>>
        %dma_start3A_490 = arith.constant 0 : i32
        %dma_start3A_491 = arith.constant 0 : i32
        %dma_start3A_492 = tpu.memref_slice %arg2[%dma_start3A_490, %dma_start3A_491] : memref<10000x64xf32, #tpu.memory_space<hbm>> -> memref<10000x64xf32, #tpu.memory_space<hbm>>
        tpu.enqueue_indirect_dma source(%dma_start3A_492 : memref<10000x64xf32, #tpu.memory_space<hbm>>) target(%arg15 : memref<128x64xf32, #tpu.memory_space<vmem>>) offsets(%dma_start3A_489 : memref<128xi32, #tpu.memory_space<vmem>>) semaphore(%arg17 : memref<!tpu.dma_semaphore, #tpu.memory_space<semaphore_mem>>)
        %dma_wait3A_493 = arith.constant 0 : i32
        %dma_wait3A_494 = tpu.memref_slice %arg11[%dma_wait3A_493] : memref<512xi32, #tpu.memory_space<vmem>> -> memref<128xi32, #tpu.memory_space<vmem>>
        %dma_wait3A_495 = arith.constant 0 : i32
        %dma_wait3A_496 = arith.constant 0 : i32
        %dma_wait3A_497 = tpu.memref_slice %arg2[%dma_wait3A_495, %dma_wait3A_496] : memref<10000x64xf32, #tpu.memory_space<hbm>> -> memref<10000x64xf32, #tpu.memory_space<hbm>>
        tpu.wait_indirect_dma semaphore(%arg17 : memref<!tpu.dma_semaphore, #tpu.memory_space<semaphore_mem>>) src(%dma_wait3A_497 : memref<10000x64xf32, #tpu.memory_space<hbm>>) dst(%arg15 : memref<128x64xf32, #tpu.memory_space<vmem>>)
        %run_scoped3A = arith.constant 0 : i32
        "tpu.region"() ({
          %run_scoped3A_531 = tpu.sem_alloc : memref<!tpu.dma_semaphore, #tpu.memory_space<semaphore_mem>>
          %dma_start3A_532 = arith.constant 0 : i32
          %dma_start3A_533 = tpu.memref_slice %arg14[%run_scoped3A, %dma_start3A_532] : memref<4x128xi32, #tpu.memory_space<vmem>> -> memref<1x128xi32, #tpu.memory_space<vmem>>
          %dma_start3A_534 = tpu.memref_squeeze %dma_start3A_533 : memref<1x128xi32, #tpu.memory_space<vmem>> -> memref<128xi32, #tpu.memory_space<vmem>>
          %dma_start3A_535 = arith.constant 0 : i32
          %dma_start3A_536 = arith.constant 0 : i32
          %dma_start3A_537 = tpu.memref_slice %arg10[%dma_start3A_535, %dma_start3A_536] : memref<30016x64xf32, #tpu.memory_space<vmem_shared>> -> memref<30016x64xf32, #tpu.memory_space<vmem_shared>>
          tpu.enqueue_indirect_dma source(%arg15 : memref<128x64xf32, #tpu.memory_space<vmem>>) target(%dma_start3A_537 : memref<30016x64xf32, #tpu.memory_space<vmem_shared>>) offsets(%dma_start3A_534 : memref<128xi32, #tpu.memory_space<vmem>>) semaphore(%run_scoped3A_531 : memref<!tpu.dma_semaphore, #tpu.memory_space<semaphore_mem>>) {add = true}
          %dma_wait3A_538 = arith.constant 0 : i32
          %dma_wait3A_539 = tpu.memref_slice %arg14[%run_scoped3A, %dma_wait3A_538] : memref<4x128xi32, #tpu.memory_space<vmem>> -> memref<1x128xi32, #tpu.memory_space<vmem>>
          %dma_wait3A_540 = tpu.memref_squeeze %dma_wait3A_539 : memref<1x128xi32, #tpu.memory_space<vmem>> -> memref<128xi32, #tpu.memory_space<vmem>>
          %dma_wait3A_541 = arith.constant 0 : i32
          %dma_wait3A_542 = arith.constant 0 : i32
          %dma_wait3A_543 = tpu.memref_slice %arg10[%dma_wait3A_541, %dma_wait3A_542] : memref<30016x64xf32, #tpu.memory_space<vmem_shared>> -> memref<30016x64xf32, #tpu.memory_space<vmem_shared>>
          tpu.wait_indirect_dma semaphore(%run_scoped3A_531 : memref<!tpu.dma_semaphore, #tpu.memory_space<semaphore_mem>>) src(%arg15 : memref<128x64xf32, #tpu.memory_space<vmem>>) dst(%dma_wait3A_543 : memref<30016x64xf32, #tpu.memory_space<vmem_shared>>)
          tpu.yield
        }) : () -> ()
        %dma_start3A_498 = arith.constant 128 : i32
        %dma_start3A_499 = tpu.memref_slice %arg11[%dma_start3A_498] : memref<512xi32, #tpu.memory_space<vmem>> -> memref<128xi32, #tpu.memory_space<vmem>>
        %dma_start3A_500 = arith.constant 0 : i32
        %dma_start3A_501 = arith.constant 0 : i32
        %dma_start3A_502 = tpu.memref_slice %arg2[%dma_start3A_500, %dma_start3A_501] : memref<10000x64xf32, #tpu.memory_space<hbm>> -> memref<10000x64xf32, #tpu.memory_space<hbm>>
        tpu.enqueue_indirect_dma source(%dma_start3A_502 : memref<10000x64xf32, #tpu.memory_space<hbm>>) target(%arg15 : memref<128x64xf32, #tpu.memory_space<vmem>>) offsets(%dma_start3A_499 : memref<128xi32, #tpu.memory_space<vmem>>) semaphore(%arg17 : memref<!tpu.dma_semaphore, #tpu.memory_space<semaphore_mem>>)
        %dma_wait3A_503 = arith.constant 128 : i32
        %dma_wait3A_504 = tpu.memref_slice %arg11[%dma_wait3A_503] : memref<512xi32, #tpu.memory_space<vmem>> -> memref<128xi32, #tpu.memory_space<vmem>>
        %dma_wait3A_505 = arith.constant 0 : i32
        %dma_wait3A_506 = arith.constant 0 : i32
        %dma_wait3A_507 = tpu.memref_slice %arg2[%dma_wait3A_505, %dma_wait3A_506] : memref<10000x64xf32, #tpu.memory_space<hbm>> -> memref<10000x64xf32, #tpu.memory_space<hbm>>
        tpu.wait_indirect_dma semaphore(%arg17 : memref<!tpu.dma_semaphore, #tpu.memory_space<semaphore_mem>>) src(%dma_wait3A_507 : memref<10000x64xf32, #tpu.memory_space<hbm>>) dst(%arg15 : memref<128x64xf32, #tpu.memory_space<vmem>>)
        %run_scoped3A_508 = arith.constant 1 : i32
        "tpu.region"() ({
          %run_scoped3A_531 = tpu.sem_alloc : memref<!tpu.dma_semaphore, #tpu.memory_space<semaphore_mem>>
          %dma_start3A_532 = arith.constant 0 : i32
          %dma_start3A_533 = tpu.memref_slice %arg14[%run_scoped3A_508, %dma_start3A_532] : memref<4x128xi32, #tpu.memory_space<vmem>> -> memref<1x128xi32, #tpu.memory_space<vmem>>
          %dma_start3A_534 = tpu.memref_squeeze %dma_start3A_533 : memref<1x128xi32, #tpu.memory_space<vmem>> -> memref<128xi32, #tpu.memory_space<vmem>>
          %dma_start3A_535 = arith.constant 0 : i32
          %dma_start3A_536 = arith.constant 0 : i32
          %dma_start3A_537 = tpu.memref_slice %arg10[%dma_start3A_535, %dma_start3A_536] : memref<30016x64xf32, #tpu.memory_space<vmem_shared>> -> memref<30016x64xf32, #tpu.memory_space<vmem_shared>>
          tpu.enqueue_indirect_dma source(%arg15 : memref<128x64xf32, #tpu.memory_space<vmem>>) target(%dma_start3A_537 : memref<30016x64xf32, #tpu.memory_space<vmem_shared>>) offsets(%dma_start3A_534 : memref<128xi32, #tpu.memory_space<vmem>>) semaphore(%run_scoped3A_531 : memref<!tpu.dma_semaphore, #tpu.memory_space<semaphore_mem>>) {add = true}
          %dma_wait3A_538 = arith.constant 0 : i32
          %dma_wait3A_539 = tpu.memref_slice %arg14[%run_scoped3A_508, %dma_wait3A_538] : memref<4x128xi32, #tpu.memory_space<vmem>> -> memref<1x128xi32, #tpu.memory_space<vmem>>
          %dma_wait3A_540 = tpu.memref_squeeze %dma_wait3A_539 : memref<1x128xi32, #tpu.memory_space<vmem>> -> memref<128xi32, #tpu.memory_space<vmem>>
          %dma_wait3A_541 = arith.constant 0 : i32
          %dma_wait3A_542 = arith.constant 0 : i32
          %dma_wait3A_543 = tpu.memref_slice %arg10[%dma_wait3A_541, %dma_wait3A_542] : memref<30016x64xf32, #tpu.memory_space<vmem_shared>> -> memref<30016x64xf32, #tpu.memory_space<vmem_shared>>
          tpu.wait_indirect_dma semaphore(%run_scoped3A_531 : memref<!tpu.dma_semaphore, #tpu.memory_space<semaphore_mem>>) src(%arg15 : memref<128x64xf32, #tpu.memory_space<vmem>>) dst(%dma_wait3A_543 : memref<30016x64xf32, #tpu.memory_space<vmem_shared>>)
          tpu.yield
        }) : () -> ()
        %dma_start3A_509 = arith.constant 256 : i32
        %dma_start3A_510 = tpu.memref_slice %arg11[%dma_start3A_509] : memref<512xi32, #tpu.memory_space<vmem>> -> memref<128xi32, #tpu.memory_space<vmem>>
        %dma_start3A_511 = arith.constant 0 : i32
        %dma_start3A_512 = arith.constant 0 : i32
        %dma_start3A_513 = tpu.memref_slice %arg2[%dma_start3A_511, %dma_start3A_512] : memref<10000x64xf32, #tpu.memory_space<hbm>> -> memref<10000x64xf32, #tpu.memory_space<hbm>>
        tpu.enqueue_indirect_dma source(%dma_start3A_513 : memref<10000x64xf32, #tpu.memory_space<hbm>>) target(%arg15 : memref<128x64xf32, #tpu.memory_space<vmem>>) offsets(%dma_start3A_510 : memref<128xi32, #tpu.memory_space<vmem>>) semaphore(%arg17 : memref<!tpu.dma_semaphore, #tpu.memory_space<semaphore_mem>>)
        %dma_wait3A_514 = arith.constant 256 : i32
        %dma_wait3A_515 = tpu.memref_slice %arg11[%dma_wait3A_514] : memref<512xi32, #tpu.memory_space<vmem>> -> memref<128xi32, #tpu.memory_space<vmem>>
        %dma_wait3A_516 = arith.constant 0 : i32
        %dma_wait3A_517 = arith.constant 0 : i32
        %dma_wait3A_518 = tpu.memref_slice %arg2[%dma_wait3A_516, %dma_wait3A_517] : memref<10000x64xf32, #tpu.memory_space<hbm>> -> memref<10000x64xf32, #tpu.memory_space<hbm>>
        tpu.wait_indirect_dma semaphore(%arg17 : memref<!tpu.dma_semaphore, #tpu.memory_space<semaphore_mem>>) src(%dma_wait3A_518 : memref<10000x64xf32, #tpu.memory_space<hbm>>) dst(%arg15 : memref<128x64xf32, #tpu.memory_space<vmem>>)
        %run_scoped3A_519 = arith.constant 2 : i32
        "tpu.region"() ({
          %run_scoped3A_531 = tpu.sem_alloc : memref<!tpu.dma_semaphore, #tpu.memory_space<semaphore_mem>>
          %dma_start3A_532 = arith.constant 0 : i32
          %dma_start3A_533 = tpu.memref_slice %arg14[%run_scoped3A_519, %dma_start3A_532] : memref<4x128xi32, #tpu.memory_space<vmem>> -> memref<1x128xi32, #tpu.memory_space<vmem>>
          %dma_start3A_534 = tpu.memref_squeeze %dma_start3A_533 : memref<1x128xi32, #tpu.memory_space<vmem>> -> memref<128xi32, #tpu.memory_space<vmem>>
          %dma_start3A_535 = arith.constant 0 : i32
          %dma_start3A_536 = arith.constant 0 : i32
          %dma_start3A_537 = tpu.memref_slice %arg10[%dma_start3A_535, %dma_start3A_536] : memref<30016x64xf32, #tpu.memory_space<vmem_shared>> -> memref<30016x64xf32, #tpu.memory_space<vmem_shared>>
          tpu.enqueue_indirect_dma source(%arg15 : memref<128x64xf32, #tpu.memory_space<vmem>>) target(%dma_start3A_537 : memref<30016x64xf32, #tpu.memory_space<vmem_shared>>) offsets(%dma_start3A_534 : memref<128xi32, #tpu.memory_space<vmem>>) semaphore(%run_scoped3A_531 : memref<!tpu.dma_semaphore, #tpu.memory_space<semaphore_mem>>) {add = true}
          %dma_wait3A_538 = arith.constant 0 : i32
          %dma_wait3A_539 = tpu.memref_slice %arg14[%run_scoped3A_519, %dma_wait3A_538] : memref<4x128xi32, #tpu.memory_space<vmem>> -> memref<1x128xi32, #tpu.memory_space<vmem>>
          %dma_wait3A_540 = tpu.memref_squeeze %dma_wait3A_539 : memref<1x128xi32, #tpu.memory_space<vmem>> -> memref<128xi32, #tpu.memory_space<vmem>>
          %dma_wait3A_541 = arith.constant 0 : i32
          %dma_wait3A_542 = arith.constant 0 : i32
          %dma_wait3A_543 = tpu.memref_slice %arg10[%dma_wait3A_541, %dma_wait3A_542] : memref<30016x64xf32, #tpu.memory_space<vmem_shared>> -> memref<30016x64xf32, #tpu.memory_space<vmem_shared>>
          tpu.wait_indirect_dma semaphore(%run_scoped3A_531 : memref<!tpu.dma_semaphore, #tpu.memory_space<semaphore_mem>>) src(%arg15 : memref<128x64xf32, #tpu.memory_space<vmem>>) dst(%dma_wait3A_543 : memref<30016x64xf32, #tpu.memory_space<vmem_shared>>)
          tpu.yield
        }) : () -> ()
        %dma_start3A_520 = arith.constant 384 : i32
        %dma_start3A_521 = tpu.memref_slice %arg11[%dma_start3A_520] : memref<512xi32, #tpu.memory_space<vmem>> -> memref<128xi32, #tpu.memory_space<vmem>>
        %dma_start3A_522 = arith.constant 0 : i32
        %dma_start3A_523 = arith.constant 0 : i32
        %dma_start3A_524 = tpu.memref_slice %arg2[%dma_start3A_522, %dma_start3A_523] : memref<10000x64xf32, #tpu.memory_space<hbm>> -> memref<10000x64xf32, #tpu.memory_space<hbm>>
        tpu.enqueue_indirect_dma source(%dma_start3A_524 : memref<10000x64xf32, #tpu.memory_space<hbm>>) target(%arg15 : memref<128x64xf32, #tpu.memory_space<vmem>>) offsets(%dma_start3A_521 : memref<128xi32, #tpu.memory_space<vmem>>) semaphore(%arg17 : memref<!tpu.dma_semaphore, #tpu.memory_space<semaphore_mem>>)
        %dma_wait3A_525 = arith.constant 384 : i32
        %dma_wait3A_526 = tpu.memref_slice %arg11[%dma_wait3A_525] : memref<512xi32, #tpu.memory_space<vmem>> -> memref<128xi32, #tpu.memory_space<vmem>>
        %dma_wait3A_527 = arith.constant 0 : i32
        %dma_wait3A_528 = arith.constant 0 : i32
        %dma_wait3A_529 = tpu.memref_slice %arg2[%dma_wait3A_527, %dma_wait3A_528] : memref<10000x64xf32, #tpu.memory_space<hbm>> -> memref<10000x64xf32, #tpu.memory_space<hbm>>
        tpu.wait_indirect_dma semaphore(%arg17 : memref<!tpu.dma_semaphore, #tpu.memory_space<semaphore_mem>>) src(%dma_wait3A_529 : memref<10000x64xf32, #tpu.memory_space<hbm>>) dst(%arg15 : memref<128x64xf32, #tpu.memory_space<vmem>>)
        %run_scoped3A_530 = arith.constant 3 : i32
        "tpu.region"() ({
          %run_scoped3A_531 = tpu.sem_alloc : memref<!tpu.dma_semaphore, #tpu.memory_space<semaphore_mem>>
          %dma_start3A_532 = arith.constant 0 : i32
          %dma_start3A_533 = tpu.memref_slice %arg14[%run_scoped3A_530, %dma_start3A_532] : memref<4x128xi32, #tpu.memory_space<vmem>> -> memref<1x128xi32, #tpu.memory_space<vmem>>
          %dma_start3A_534 = tpu.memref_squeeze %dma_start3A_533 : memref<1x128xi32, #tpu.memory_space<vmem>> -> memref<128xi32, #tpu.memory_space<vmem>>
          %dma_start3A_535 = arith.constant 0 : i32
          %dma_start3A_536 = arith.constant 0 : i32
          %dma_start3A_537 = tpu.memref_slice %arg10[%dma_start3A_535, %dma_start3A_536] : memref<30016x64xf32, #tpu.memory_space<vmem_shared>> -> memref<30016x64xf32, #tpu.memory_space<vmem_shared>>
          tpu.enqueue_indirect_dma source(%arg15 : memref<128x64xf32, #tpu.memory_space<vmem>>) target(%dma_start3A_537 : memref<30016x64xf32, #tpu.memory_space<vmem_shared>>) offsets(%dma_start3A_534 : memref<128xi32, #tpu.memory_space<vmem>>) semaphore(%run_scoped3A_531 : memref<!tpu.dma_semaphore, #tpu.memory_space<semaphore_mem>>) {add = true}
          %dma_wait3A_538 = arith.constant 0 : i32
          %dma_wait3A_539 = tpu.memref_slice %arg14[%run_scoped3A_530, %dma_wait3A_538] : memref<4x128xi32, #tpu.memory_space<vmem>> -> memref<1x128xi32, #tpu.memory_space<vmem>>
          %dma_wait3A_540 = tpu.memref_squeeze %dma_wait3A_539 : memref<1x128xi32, #tpu.memory_space<vmem>> -> memref<128xi32, #tpu.memory_space<vmem>>
          %dma_wait3A_541 = arith.constant 0 : i32
          %dma_wait3A_542 = arith.constant 0 : i32
          %dma_wait3A_543 = tpu.memref_slice %arg10[%dma_wait3A_541, %dma_wait3A_542] : memref<30016x64xf32, #tpu.memory_space<vmem_shared>> -> memref<30016x64xf32, #tpu.memory_space<vmem_shared>>
          tpu.wait_indirect_dma semaphore(%run_scoped3A_531 : memref<!tpu.dma_semaphore, #tpu.memory_space<semaphore_mem>>) src(%arg15 : memref<128x64xf32, #tpu.memory_space<vmem>>) dst(%dma_wait3A_543 : memref<30016x64xf32, #tpu.memory_space<vmem_shared>>)
          tpu.yield
        }) : () -> ()
      }
      %barrier3A_61 = arith.constant 0 : index
      tpu.barrier barrier_id(%barrier3A_61)
      %mul3A_62 = arith.constant 1872 : i32
      %mul3A_63 = arith.muli %arg1, %mul3A_62 : i32
      "tpu.region"() ({
        %run_scoped3A = tpu.sem_alloc : memref<!tpu.dma_semaphore, #tpu.memory_space<semaphore_mem>>
        %dma_start3A = arith.constant 0 : i32
        %dma_start3A_93 = tpu.memref_slice %arg9[%mul3A_63, %dma_start3A] : memref<40000x128xf32, #tpu.memory_space<hbm>> -> memref<1872x64xf32, #tpu.memory_space<hbm>>
        %dma_start3A_94 = arith.constant 0 : i32
        %dma_start3A_95 = tpu.memref_slice %arg10[%mul3A_63, %dma_start3A_94] : memref<30016x64xf32, #tpu.memory_space<vmem_shared>> -> memref<1872x64xf32, #tpu.memory_space<vmem_shared>>
        tpu.enqueue_dma source(%dma_start3A_95 : memref<1872x64xf32, #tpu.memory_space<vmem_shared>>) target(%dma_start3A_93 : memref<1872x64xf32, #tpu.memory_space<hbm>>) target_semaphore(%run_scoped3A : memref<!tpu.dma_semaphore, #tpu.memory_space<semaphore_mem>>)
        %dma_wait3A = arith.constant 0 : i32
        %dma_wait3A_96 = tpu.memref_slice %arg9[%mul3A_63, %dma_wait3A] : memref<40000x128xf32, #tpu.memory_space<hbm>> -> memref<1872x64xf32, #tpu.memory_space<hbm>>
        %dma_wait3A_97 = arith.constant 0 : i32
        %dma_wait3A_98 = tpu.memref_slice %arg10[%mul3A_63, %dma_wait3A_97] : memref<30016x64xf32, #tpu.memory_space<vmem_shared>> -> memref<1872x64xf32, #tpu.memory_space<vmem_shared>>
        tpu.wait_dma2 semaphore(%run_scoped3A : memref<!tpu.dma_semaphore, #tpu.memory_space<semaphore_mem>>) src(%dma_wait3A_98 : memref<1872x64xf32, #tpu.memory_space<vmem_shared>>) dst(%dma_wait3A_96 : memref<1872x64xf32, #tpu.memory_space<hbm>>)
        tpu.yield
      }) : () -> ()
      %eq3A_64 = arith.constant 0 : i32
      %eq3A_65 = arith.cmpi eq, %arg1, %eq3A_64 : i32
      %convert_element_type3A_66 = arith.extui %eq3A_65 : i1 to i32
      %cond3A_67 = arith.constant 0 : i32
      %cond3A_68 = arith.cmpi ne, %convert_element_type3A_66, %cond3A_67 : i32
      scf.if %cond3A_68 {
        "tpu.region"() ({
          %run_scoped3A = tpu.sem_alloc : memref<!tpu.dma_semaphore, #tpu.memory_space<semaphore_mem>>
          %dma_start3A = arith.constant 29952 : i32
          %dma_start3A_93 = arith.constant 0 : i32
          %dma_start3A_94 = tpu.memref_slice %arg9[%dma_start3A, %dma_start3A_93] : memref<40000x128xf32, #tpu.memory_space<hbm>> -> memref<48x64xf32, #tpu.memory_space<hbm>>
          %dma_start3A_95 = arith.constant 29952 : i32
          %dma_start3A_96 = arith.constant 0 : i32
          %dma_start3A_97 = tpu.memref_slice %arg10[%dma_start3A_95, %dma_start3A_96] : memref<30016x64xf32, #tpu.memory_space<vmem_shared>> -> memref<48x64xf32, #tpu.memory_space<vmem_shared>>
          tpu.enqueue_dma source(%dma_start3A_97 : memref<48x64xf32, #tpu.memory_space<vmem_shared>>) target(%dma_start3A_94 : memref<48x64xf32, #tpu.memory_space<hbm>>) target_semaphore(%run_scoped3A : memref<!tpu.dma_semaphore, #tpu.memory_space<semaphore_mem>>)
          %dma_wait3A = arith.constant 29952 : i32
          %dma_wait3A_98 = arith.constant 0 : i32
          %dma_wait3A_99 = tpu.memref_slice %arg9[%dma_wait3A, %dma_wait3A_98] : memref<40000x128xf32, #tpu.memory_space<hbm>> -> memref<48x64xf32, #tpu.memory_space<hbm>>
          %dma_wait3A_100 = arith.constant 29952 : i32
          %dma_wait3A_101 = arith.constant 0 : i32
          %dma_wait3A_102 = tpu.memref_slice %arg10[%dma_wait3A_100, %dma_wait3A_101] : memref<30016x64xf32, #tpu.memory_space<vmem_shared>> -> memref<48x64xf32, #tpu.memory_space<vmem_shared>>
          tpu.wait_dma2 semaphore(%run_scoped3A : memref<!tpu.dma_semaphore, #tpu.memory_space<semaphore_mem>>) src(%dma_wait3A_102 : memref<48x64xf32, #tpu.memory_space<vmem_shared>>) dst(%dma_wait3A_99 : memref<48x64xf32, #tpu.memory_space<hbm>>)
          tpu.yield
        }) : () -> ()
      } else {
      }
      %barrier3A_69 = arith.constant 0 : index
      tpu.barrier barrier_id(%barrier3A_69)
      %mul3A_70 = arith.constant 626 : i32
      %mul3A_71 = arith.muli %arg1, %mul3A_70 : i32
      "tpu.region"() ({
        %run_scoped3A = tpu.sem_alloc : memref<!tpu.dma_semaphore, #tpu.memory_space<semaphore_mem>>
        %dma_start3A = arith.constant 0 : i32
        %dma_start3A_93 = tpu.memref_slice %arg10[%mul3A_71, %dma_start3A] : memref<30016x64xf32, #tpu.memory_space<vmem_shared>> -> memref<626x64xf32, #tpu.memory_space<vmem_shared>>
        %dma_start3A_94 = arith.constant 0 : i32
        %dma_start3A_95 = arith.constant 0 : i32
        %dma_start3A_96 = tpu.memref_slice %arg8[%dma_start3A_94, %dma_start3A_95] : memref<1876x64xf32, #tpu.memory_space<hbm>> -> memref<626x64xf32, #tpu.memory_space<hbm>>
        tpu.enqueue_dma source(%dma_start3A_96 : memref<626x64xf32, #tpu.memory_space<hbm>>) target(%dma_start3A_93 : memref<626x64xf32, #tpu.memory_space<vmem_shared>>) target_semaphore(%run_scoped3A : memref<!tpu.dma_semaphore, #tpu.memory_space<semaphore_mem>>)
        %dma_wait3A = arith.constant 0 : i32
        %dma_wait3A_97 = tpu.memref_slice %arg10[%mul3A_71, %dma_wait3A] : memref<30016x64xf32, #tpu.memory_space<vmem_shared>> -> memref<626x64xf32, #tpu.memory_space<vmem_shared>>
        %dma_wait3A_98 = arith.constant 0 : i32
        %dma_wait3A_99 = arith.constant 0 : i32
        %dma_wait3A_100 = tpu.memref_slice %arg8[%dma_wait3A_98, %dma_wait3A_99] : memref<1876x64xf32, #tpu.memory_space<hbm>> -> memref<626x64xf32, #tpu.memory_space<hbm>>
        tpu.wait_dma2 semaphore(%run_scoped3A : memref<!tpu.dma_semaphore, #tpu.memory_space<semaphore_mem>>) src(%dma_wait3A_100 : memref<626x64xf32, #tpu.memory_space<hbm>>) dst(%dma_wait3A_97 : memref<626x64xf32, #tpu.memory_space<vmem_shared>>)
        tpu.yield
      }) : () -> ()
      %barrier3A_72 = arith.constant 0 : index
      tpu.barrier barrier_id(%barrier3A_72)
      %while3A_73 = arith.constant 0 : i32
      %while3A_74 = arith.subi %select_n3A_43, %select_n3A : i32
      %while3A_75 = arith.addi %select_n3A, %while3A_74 : i32
      %while3A_76 = arith.constant 1 : i32
      %while3A_77 = arith.divsi %while3A_74, %while3A_76 : i32
      %while3A_78 = arith.muli %while3A_77, %while3A_76 : i32
      %while3A_79 = arith.addi %select_n3A, %while3A_78 : i32
      %while3A_80 = arith.constant 1 : i32
      scf.for %while3A_93 = %select_n3A to %while3A_79 step %while3A_80  : i32 {
        %mul3A_94 = arith.constant 512 : i32
        %mul3A_95 = arith.muli %while3A_93, %mul3A_94 : i32
        %dma_start3A = tpu.memref_slice %arg7[%mul3A_95] : memref<320000xi32, #tpu.memory_space<hbm>> -> memref<512xi32, #tpu.memory_space<hbm>>
        %dma_start3A_96 = tpu.memref_slice %arg7[%mul3A_95] : memref<320000xi32, #tpu.memory_space<hbm>> -> memref<512xi32, #tpu.memory_space<hbm>>
        tpu.enqueue_dma source(%dma_start3A_96 : memref<512xi32, #tpu.memory_space<hbm>>) target(%arg11 : memref<512xi32, #tpu.memory_space<vmem>>) target_semaphore(%arg16 : memref<!tpu.dma_semaphore, #tpu.memory_space<semaphore_mem>>)
        %dma_start3A_97 = tpu.memref_slice %arg6[%mul3A_95] : memref<320000xi32, #tpu.memory_space<hbm>> -> memref<512xi32, #tpu.memory_space<hbm>>
        %dma_start3A_98 = tpu.memref_slice %arg6[%mul3A_95] : memref<320000xi32, #tpu.memory_space<hbm>> -> memref<512xi32, #tpu.memory_space<hbm>>
        tpu.enqueue_dma source(%dma_start3A_98 : memref<512xi32, #tpu.memory_space<hbm>>) target(%arg12 : memref<512xi32, #tpu.memory_space<vmem>>) target_semaphore(%arg16 : memref<!tpu.dma_semaphore, #tpu.memory_space<semaphore_mem>>)
        %dma_start3A_99 = tpu.memref_slice %arg5[%mul3A_95] : memref<320000xi32, #tpu.memory_space<hbm>> -> memref<512xi32, #tpu.memory_space<hbm>>
        %dma_start3A_100 = tpu.memref_slice %arg5[%mul3A_95] : memref<320000xi32, #tpu.memory_space<hbm>> -> memref<512xi32, #tpu.memory_space<hbm>>
        tpu.enqueue_dma source(%dma_start3A_100 : memref<512xi32, #tpu.memory_space<hbm>>) target(%arg13 : memref<512xi32, #tpu.memory_space<vmem>>) target_semaphore(%arg16 : memref<!tpu.dma_semaphore, #tpu.memory_space<semaphore_mem>>)
        %dma_wait3A = tpu.memref_slice %arg7[%mul3A_95] : memref<320000xi32, #tpu.memory_space<hbm>> -> memref<512xi32, #tpu.memory_space<hbm>>
        %dma_wait3A_101 = tpu.memref_slice %arg7[%mul3A_95] : memref<320000xi32, #tpu.memory_space<hbm>> -> memref<512xi32, #tpu.memory_space<hbm>>
        tpu.wait_dma2 semaphore(%arg16 : memref<!tpu.dma_semaphore, #tpu.memory_space<semaphore_mem>>) src(%dma_wait3A_101 : memref<512xi32, #tpu.memory_space<hbm>>) dst(%arg11 : memref<512xi32, #tpu.memory_space<vmem>>)
        %dma_wait3A_102 = tpu.memref_slice %arg6[%mul3A_95] : memref<320000xi32, #tpu.memory_space<hbm>> -> memref<512xi32, #tpu.memory_space<hbm>>
        %dma_wait3A_103 = tpu.memref_slice %arg6[%mul3A_95] : memref<320000xi32, #tpu.memory_space<hbm>> -> memref<512xi32, #tpu.memory_space<hbm>>
        tpu.wait_dma2 semaphore(%arg16 : memref<!tpu.dma_semaphore, #tpu.memory_space<semaphore_mem>>) src(%dma_wait3A_103 : memref<512xi32, #tpu.memory_space<hbm>>) dst(%arg12 : memref<512xi32, #tpu.memory_space<vmem>>)
        %dma_wait3A_104 = tpu.memref_slice %arg5[%mul3A_95] : memref<320000xi32, #tpu.memory_space<hbm>> -> memref<512xi32, #tpu.memory_space<hbm>>
        %dma_wait3A_105 = tpu.memref_slice %arg5[%mul3A_95] : memref<320000xi32, #tpu.memory_space<hbm>> -> memref<512xi32, #tpu.memory_space<hbm>>
        tpu.wait_dma2 semaphore(%arg16 : memref<!tpu.dma_semaphore, #tpu.memory_space<semaphore_mem>>) src(%dma_wait3A_105 : memref<512xi32, #tpu.memory_space<hbm>>) dst(%arg13 : memref<512xi32, #tpu.memory_space<vmem>>)
        %get3A = arith.constant 0 : index
        %get3A_106 = tpu.vector_load %arg12[%get3A] {strides = array<i32>} : memref<512xi32, #tpu.memory_space<vmem>>, vector<16xi32>,
        %get3A_107 = arith.constant 0 : index
        %get3A_108 = tpu.vector_load %arg13[%get3A_107] {strides = array<i32>} : memref<512xi32, #tpu.memory_space<vmem>>, vector<16xi32>,
        %eq3A_109 = arith.constant 2 : i32
        %eq3A_110 = vector.broadcast %eq3A_109 : i32 to vector<16xi32>
        %eq3A_111 = arith.cmpi eq, %get3A_106, %eq3A_110 : vector<16xi32>
        %jit3A_112 = arith.constant 10000 : i32
        %broadcast_in_dim3A = vector.broadcast %jit3A_112 : i32 to vector<16xi32>
        %select_n3A_113 = arith.select %eq3A_111, %get3A_108, %broadcast_in_dim3A : vector<16xi1>, vector<16xi32>
        %swap3A = arith.constant 0 : i32
        %swap3A_114 = arith.index_cast %swap3A : i32 to index
        %swap3A_115 = arith.constant 0 : index
        %swap3A_116 = tpu.vector_load %arg14[%swap3A_114, %swap3A_115] {strides = array<i32>} : memref<4x128xi32, #tpu.memory_space<vmem>>, vector<16xi32>,
        tpu.vector_store %arg14[%swap3A_114, %swap3A_115], %select_n3A_113 {strides = array<i32>} : memref<4x128xi32, #tpu.memory_space<vmem>>, vector<16xi32>,
        %get3A_117 = arith.constant 16 : index
        %get3A_118 = tpu.vector_load %arg12[%get3A_117] {strides = array<i32>} : memref<512xi32, #tpu.memory_space<vmem>>, vector<16xi32>,
        %get3A_119 = arith.constant 16 : index
        %get3A_120 = tpu.vector_load %arg13[%get3A_119] {strides = array<i32>} : memref<512xi32, #tpu.memory_space<vmem>>, vector<16xi32>,
        %eq3A_121 = arith.constant 2 : i32
        %eq3A_122 = vector.broadcast %eq3A_121 : i32 to vector<16xi32>
        %eq3A_123 = arith.cmpi eq, %get3A_118, %eq3A_122 : vector<16xi32>
        %jit3A_124 = arith.constant 10000 : i32
        %broadcast_in_dim3A_125 = vector.broadcast %jit3A_124 : i32 to vector<16xi32>
        %select_n3A_126 = arith.select %eq3A_123, %get3A_120, %broadcast_in_dim3A_125 : vector<16xi1>, vector<16xi32>
        %swap3A_127 = arith.constant 0 : i32
        %swap3A_128 = arith.index_cast %swap3A_127 : i32 to index
        %swap3A_129 = arith.constant 16 : index
        %swap3A_130 = tpu.vector_load %arg14[%swap3A_128, %swap3A_129] {strides = array<i32>} : memref<4x128xi32, #tpu.memory_space<vmem>>, vector<16xi32>,
        tpu.vector_store %arg14[%swap3A_128, %swap3A_129], %select_n3A_126 {strides = array<i32>} : memref<4x128xi32, #tpu.memory_space<vmem>>, vector<16xi32>,
        %get3A_131 = arith.constant 32 : index
        %get3A_132 = tpu.vector_load %arg12[%get3A_131] {strides = array<i32>} : memref<512xi32, #tpu.memory_space<vmem>>, vector<16xi32>,
        %get3A_133 = arith.constant 32 : index
        %get3A_134 = tpu.vector_load %arg13[%get3A_133] {strides = array<i32>} : memref<512xi32, #tpu.memory_space<vmem>>, vector<16xi32>,
        %eq3A_135 = arith.constant 2 : i32
        %eq3A_136 = vector.broadcast %eq3A_135 : i32 to vector<16xi32>
        %eq3A_137 = arith.cmpi eq, %get3A_132, %eq3A_136 : vector<16xi32>
        %jit3A_138 = arith.constant 10000 : i32
        %broadcast_in_dim3A_139 = vector.broadcast %jit3A_138 : i32 to vector<16xi32>
        %select_n3A_140 = arith.select %eq3A_137, %get3A_134, %broadcast_in_dim3A_139 : vector<16xi1>, vector<16xi32>
        %swap3A_141 = arith.constant 0 : i32
        %swap3A_142 = arith.index_cast %swap3A_141 : i32 to index
        %swap3A_143 = arith.constant 32 : index
        %swap3A_144 = tpu.vector_load %arg14[%swap3A_142, %swap3A_143] {strides = array<i32>} : memref<4x128xi32, #tpu.memory_space<vmem>>, vector<16xi32>,
        tpu.vector_store %arg14[%swap3A_142, %swap3A_143], %select_n3A_140 {strides = array<i32>} : memref<4x128xi32, #tpu.memory_space<vmem>>, vector<16xi32>,
        %get3A_145 = arith.constant 48 : index
        %get3A_146 = tpu.vector_load %arg12[%get3A_145] {strides = array<i32>} : memref<512xi32, #tpu.memory_space<vmem>>, vector<16xi32>,
        %get3A_147 = arith.constant 48 : index
        %get3A_148 = tpu.vector_load %arg13[%get3A_147] {strides = array<i32>} : memref<512xi32, #tpu.memory_space<vmem>>, vector<16xi32>,
        %eq3A_149 = arith.constant 2 : i32
        %eq3A_150 = vector.broadcast %eq3A_149 : i32 to vector<16xi32>
        %eq3A_151 = arith.cmpi eq, %get3A_146, %eq3A_150 : vector<16xi32>
        %jit3A_152 = arith.constant 10000 : i32
        %broadcast_in_dim3A_153 = vector.broadcast %jit3A_152 : i32 to vector<16xi32>
        %select_n3A_154 = arith.select %eq3A_151, %get3A_148, %broadcast_in_dim3A_153 : vector<16xi1>, vector<16xi32>
        %swap3A_155 = arith.constant 0 : i32
        %swap3A_156 = arith.index_cast %swap3A_155 : i32 to index
        %swap3A_157 = arith.constant 48 : index
        %swap3A_158 = tpu.vector_load %arg14[%swap3A_156, %swap3A_157] {strides = array<i32>} : memref<4x128xi32, #tpu.memory_space<vmem>>, vector<16xi32>,
        tpu.vector_store %arg14[%swap3A_156, %swap3A_157], %select_n3A_154 {strides = array<i32>} : memref<4x128xi32, #tpu.memory_space<vmem>>, vector<16xi32>,
        %get3A_159 = arith.constant 64 : index
        %get3A_160 = tpu.vector_load %arg12[%get3A_159] {strides = array<i32>} : memref<512xi32, #tpu.memory_space<vmem>>, vector<16xi32>,
        %get3A_161 = arith.constant 64 : index
        %get3A_162 = tpu.vector_load %arg13[%get3A_161] {strides = array<i32>} : memref<512xi32, #tpu.memory_space<vmem>>, vector<16xi32>,
        %eq3A_163 = arith.constant 2 : i32
        %eq3A_164 = vector.broadcast %eq3A_163 : i32 to vector<16xi32>
        %eq3A_165 = arith.cmpi eq, %get3A_160, %eq3A_164 : vector<16xi32>
        %jit3A_166 = arith.constant 10000 : i32
        %broadcast_in_dim3A_167 = vector.broadcast %jit3A_166 : i32 to vector<16xi32>
        %select_n3A_168 = arith.select %eq3A_165, %get3A_162, %broadcast_in_dim3A_167 : vector<16xi1>, vector<16xi32>
        %swap3A_169 = arith.constant 0 : i32
        %swap3A_170 = arith.index_cast %swap3A_169 : i32 to index
        %swap3A_171 = arith.constant 64 : index
        %swap3A_172 = tpu.vector_load %arg14[%swap3A_170, %swap3A_171] {strides = array<i32>} : memref<4x128xi32, #tpu.memory_space<vmem>>, vector<16xi32>,
        tpu.vector_store %arg14[%swap3A_170, %swap3A_171], %select_n3A_168 {strides = array<i32>} : memref<4x128xi32, #tpu.memory_space<vmem>>, vector<16xi32>,
        %get3A_173 = arith.constant 80 : index
        %get3A_174 = tpu.vector_load %arg12[%get3A_173] {strides = array<i32>} : memref<512xi32, #tpu.memory_space<vmem>>, vector<16xi32>,
        %get3A_175 = arith.constant 80 : index
        %get3A_176 = tpu.vector_load %arg13[%get3A_175] {strides = array<i32>} : memref<512xi32, #tpu.memory_space<vmem>>, vector<16xi32>,
        %eq3A_177 = arith.constant 2 : i32
        %eq3A_178 = vector.broadcast %eq3A_177 : i32 to vector<16xi32>
        %eq3A_179 = arith.cmpi eq, %get3A_174, %eq3A_178 : vector<16xi32>
        %jit3A_180 = arith.constant 10000 : i32
        %broadcast_in_dim3A_181 = vector.broadcast %jit3A_180 : i32 to vector<16xi32>
        %select_n3A_182 = arith.select %eq3A_179, %get3A_176, %broadcast_in_dim3A_181 : vector<16xi1>, vector<16xi32>
        %swap3A_183 = arith.constant 0 : i32
        %swap3A_184 = arith.index_cast %swap3A_183 : i32 to index
        %swap3A_185 = arith.constant 80 : index
        %swap3A_186 = tpu.vector_load %arg14[%swap3A_184, %swap3A_185] {strides = array<i32>} : memref<4x128xi32, #tpu.memory_space<vmem>>, vector<16xi32>,
        tpu.vector_store %arg14[%swap3A_184, %swap3A_185], %select_n3A_182 {strides = array<i32>} : memref<4x128xi32, #tpu.memory_space<vmem>>, vector<16xi32>,
        %get3A_187 = arith.constant 96 : index
        %get3A_188 = tpu.vector_load %arg12[%get3A_187] {strides = array<i32>} : memref<512xi32, #tpu.memory_space<vmem>>, vector<16xi32>,
        %get3A_189 = arith.constant 96 : index
        %get3A_190 = tpu.vector_load %arg13[%get3A_189] {strides = array<i32>} : memref<512xi32, #tpu.memory_space<vmem>>, vector<16xi32>,
        %eq3A_191 = arith.constant 2 : i32
        %eq3A_192 = vector.broadcast %eq3A_191 : i32 to vector<16xi32>
        %eq3A_193 = arith.cmpi eq, %get3A_188, %eq3A_192 : vector<16xi32>
        %jit3A_194 = arith.constant 10000 : i32
        %broadcast_in_dim3A_195 = vector.broadcast %jit3A_194 : i32 to vector<16xi32>
        %select_n3A_196 = arith.select %eq3A_193, %get3A_190, %broadcast_in_dim3A_195 : vector<16xi1>, vector<16xi32>
        %swap3A_197 = arith.constant 0 : i32
        %swap3A_198 = arith.index_cast %swap3A_197 : i32 to index
        %swap3A_199 = arith.constant 96 : index
        %swap3A_200 = tpu.vector_load %arg14[%swap3A_198, %swap3A_199] {strides = array<i32>} : memref<4x128xi32, #tpu.memory_space<vmem>>, vector<16xi32>,
        tpu.vector_store %arg14[%swap3A_198, %swap3A_199], %select_n3A_196 {strides = array<i32>} : memref<4x128xi32, #tpu.memory_space<vmem>>, vector<16xi32>,
        %get3A_201 = arith.constant 112 : index
        %get3A_202 = tpu.vector_load %arg12[%get3A_201] {strides = array<i32>} : memref<512xi32, #tpu.memory_space<vmem>>, vector<16xi32>,
        %get3A_203 = arith.constant 112 : index
        %get3A_204 = tpu.vector_load %arg13[%get3A_203] {strides = array<i32>} : memref<512xi32, #tpu.memory_space<vmem>>, vector<16xi32>,
        %eq3A_205 = arith.constant 2 : i32
        %eq3A_206 = vector.broadcast %eq3A_205 : i32 to vector<16xi32>
        %eq3A_207 = arith.cmpi eq, %get3A_202, %eq3A_206 : vector<16xi32>
        %jit3A_208 = arith.constant 10000 : i32
        %broadcast_in_dim3A_209 = vector.broadcast %jit3A_208 : i32 to vector<16xi32>
        %select_n3A_210 = arith.select %eq3A_207, %get3A_204, %broadcast_in_dim3A_209 : vector<16xi1>, vector<16xi32>
        %swap3A_211 = arith.constant 0 : i32
        %swap3A_212 = arith.index_cast %swap3A_211 : i32 to index
        %swap3A_213 = arith.constant 112 : index
        %swap3A_214 = tpu.vector_load %arg14[%swap3A_212, %swap3A_213] {strides = array<i32>} : memref<4x128xi32, #tpu.memory_space<vmem>>, vector<16xi32>,
        tpu.vector_store %arg14[%swap3A_212, %swap3A_213], %select_n3A_210 {strides = array<i32>} : memref<4x128xi32, #tpu.memory_space<vmem>>, vector<16xi32>,
        %get3A_215 = arith.constant 128 : index
        %get3A_216 = tpu.vector_load %arg12[%get3A_215] {strides = array<i32>} : memref<512xi32, #tpu.memory_space<vmem>>, vector<16xi32>,
        %get3A_217 = arith.constant 128 : index
        %get3A_218 = tpu.vector_load %arg13[%get3A_217] {strides = array<i32>} : memref<512xi32, #tpu.memory_space<vmem>>, vector<16xi32>,
        %eq3A_219 = arith.constant 2 : i32
        %eq3A_220 = vector.broadcast %eq3A_219 : i32 to vector<16xi32>
        %eq3A_221 = arith.cmpi eq, %get3A_216, %eq3A_220 : vector<16xi32>
        %jit3A_222 = arith.constant 10000 : i32
        %broadcast_in_dim3A_223 = vector.broadcast %jit3A_222 : i32 to vector<16xi32>
        %select_n3A_224 = arith.select %eq3A_221, %get3A_218, %broadcast_in_dim3A_223 : vector<16xi1>, vector<16xi32>
        %swap3A_225 = arith.constant 1 : i32
        %swap3A_226 = arith.index_cast %swap3A_225 : i32 to index
        %swap3A_227 = arith.constant 0 : index
        %swap3A_228 = tpu.vector_load %arg14[%swap3A_226, %swap3A_227] {strides = array<i32>} : memref<4x128xi32, #tpu.memory_space<vmem>>, vector<16xi32>,
        tpu.vector_store %arg14[%swap3A_226, %swap3A_227], %select_n3A_224 {strides = array<i32>} : memref<4x128xi32, #tpu.memory_space<vmem>>, vector<16xi32>,
        %get3A_229 = arith.constant 144 : index
        %get3A_230 = tpu.vector_load %arg12[%get3A_229] {strides = array<i32>} : memref<512xi32, #tpu.memory_space<vmem>>, vector<16xi32>,
        %get3A_231 = arith.constant 144 : index
        %get3A_232 = tpu.vector_load %arg13[%get3A_231] {strides = array<i32>} : memref<512xi32, #tpu.memory_space<vmem>>, vector<16xi32>,
        %eq3A_233 = arith.constant 2 : i32
        %eq3A_234 = vector.broadcast %eq3A_233 : i32 to vector<16xi32>
        %eq3A_235 = arith.cmpi eq, %get3A_230, %eq3A_234 : vector<16xi32>
        %jit3A_236 = arith.constant 10000 : i32
        %broadcast_in_dim3A_237 = vector.broadcast %jit3A_236 : i32 to vector<16xi32>
        %select_n3A_238 = arith.select %eq3A_235, %get3A_232, %broadcast_in_dim3A_237 : vector<16xi1>, vector<16xi32>
        %swap3A_239 = arith.constant 1 : i32
        %swap3A_240 = arith.index_cast %swap3A_239 : i32 to index
        %swap3A_241 = arith.constant 16 : index
        %swap3A_242 = tpu.vector_load %arg14[%swap3A_240, %swap3A_241] {strides = array<i32>} : memref<4x128xi32, #tpu.memory_space<vmem>>, vector<16xi32>,
        tpu.vector_store %arg14[%swap3A_240, %swap3A_241], %select_n3A_238 {strides = array<i32>} : memref<4x128xi32, #tpu.memory_space<vmem>>, vector<16xi32>,
        %get3A_243 = arith.constant 160 : index
        %get3A_244 = tpu.vector_load %arg12[%get3A_243] {strides = array<i32>} : memref<512xi32, #tpu.memory_space<vmem>>, vector<16xi32>,
        %get3A_245 = arith.constant 160 : index
        %get3A_246 = tpu.vector_load %arg13[%get3A_245] {strides = array<i32>} : memref<512xi32, #tpu.memory_space<vmem>>, vector<16xi32>,
        %eq3A_247 = arith.constant 2 : i32
        %eq3A_248 = vector.broadcast %eq3A_247 : i32 to vector<16xi32>
        %eq3A_249 = arith.cmpi eq, %get3A_244, %eq3A_248 : vector<16xi32>
        %jit3A_250 = arith.constant 10000 : i32
        %broadcast_in_dim3A_251 = vector.broadcast %jit3A_250 : i32 to vector<16xi32>
        %select_n3A_252 = arith.select %eq3A_249, %get3A_246, %broadcast_in_dim3A_251 : vector<16xi1>, vector<16xi32>
        %swap3A_253 = arith.constant 1 : i32
        %swap3A_254 = arith.index_cast %swap3A_253 : i32 to index
        %swap3A_255 = arith.constant 32 : index
        %swap3A_256 = tpu.vector_load %arg14[%swap3A_254, %swap3A_255] {strides = array<i32>} : memref<4x128xi32, #tpu.memory_space<vmem>>, vector<16xi32>,
        tpu.vector_store %arg14[%swap3A_254, %swap3A_255], %select_n3A_252 {strides = array<i32>} : memref<4x128xi32, #tpu.memory_space<vmem>>, vector<16xi32>,
        %get3A_257 = arith.constant 176 : index
        %get3A_258 = tpu.vector_load %arg12[%get3A_257] {strides = array<i32>} : memref<512xi32, #tpu.memory_space<vmem>>, vector<16xi32>,
        %get3A_259 = arith.constant 176 : index
        %get3A_260 = tpu.vector_load %arg13[%get3A_259] {strides = array<i32>} : memref<512xi32, #tpu.memory_space<vmem>>, vector<16xi32>,
        %eq3A_261 = arith.constant 2 : i32
        %eq3A_262 = vector.broadcast %eq3A_261 : i32 to vector<16xi32>
        %eq3A_263 = arith.cmpi eq, %get3A_258, %eq3A_262 : vector<16xi32>
        %jit3A_264 = arith.constant 10000 : i32
        %broadcast_in_dim3A_265 = vector.broadcast %jit3A_264 : i32 to vector<16xi32>
        %select_n3A_266 = arith.select %eq3A_263, %get3A_260, %broadcast_in_dim3A_265 : vector<16xi1>, vector<16xi32>
        %swap3A_267 = arith.constant 1 : i32
        %swap3A_268 = arith.index_cast %swap3A_267 : i32 to index
        %swap3A_269 = arith.constant 48 : index
        %swap3A_270 = tpu.vector_load %arg14[%swap3A_268, %swap3A_269] {strides = array<i32>} : memref<4x128xi32, #tpu.memory_space<vmem>>, vector<16xi32>,
        tpu.vector_store %arg14[%swap3A_268, %swap3A_269], %select_n3A_266 {strides = array<i32>} : memref<4x128xi32, #tpu.memory_space<vmem>>, vector<16xi32>,
        %get3A_271 = arith.constant 192 : index
        %get3A_272 = tpu.vector_load %arg12[%get3A_271] {strides = array<i32>} : memref<512xi32, #tpu.memory_space<vmem>>, vector<16xi32>,
        %get3A_273 = arith.constant 192 : index
        %get3A_274 = tpu.vector_load %arg13[%get3A_273] {strides = array<i32>} : memref<512xi32, #tpu.memory_space<vmem>>, vector<16xi32>,
        %eq3A_275 = arith.constant 2 : i32
        %eq3A_276 = vector.broadcast %eq3A_275 : i32 to vector<16xi32>
        %eq3A_277 = arith.cmpi eq, %get3A_272, %eq3A_276 : vector<16xi32>
        %jit3A_278 = arith.constant 10000 : i32
        %broadcast_in_dim3A_279 = vector.broadcast %jit3A_278 : i32 to vector<16xi32>
        %select_n3A_280 = arith.select %eq3A_277, %get3A_274, %broadcast_in_dim3A_279 : vector<16xi1>, vector<16xi32>
        %swap3A_281 = arith.constant 1 : i32
        %swap3A_282 = arith.index_cast %swap3A_281 : i32 to index
        %swap3A_283 = arith.constant 64 : index
        %swap3A_284 = tpu.vector_load %arg14[%swap3A_282, %swap3A_283] {strides = array<i32>} : memref<4x128xi32, #tpu.memory_space<vmem>>, vector<16xi32>,
        tpu.vector_store %arg14[%swap3A_282, %swap3A_283], %select_n3A_280 {strides = array<i32>} : memref<4x128xi32, #tpu.memory_space<vmem>>, vector<16xi32>,
        %get3A_285 = arith.constant 208 : index
        %get3A_286 = tpu.vector_load %arg12[%get3A_285] {strides = array<i32>} : memref<512xi32, #tpu.memory_space<vmem>>, vector<16xi32>,
        %get3A_287 = arith.constant 208 : index
        %get3A_288 = tpu.vector_load %arg13[%get3A_287] {strides = array<i32>} : memref<512xi32, #tpu.memory_space<vmem>>, vector<16xi32>,
        %eq3A_289 = arith.constant 2 : i32
        %eq3A_290 = vector.broadcast %eq3A_289 : i32 to vector<16xi32>
        %eq3A_291 = arith.cmpi eq, %get3A_286, %eq3A_290 : vector<16xi32>
        %jit3A_292 = arith.constant 10000 : i32
        %broadcast_in_dim3A_293 = vector.broadcast %jit3A_292 : i32 to vector<16xi32>
        %select_n3A_294 = arith.select %eq3A_291, %get3A_288, %broadcast_in_dim3A_293 : vector<16xi1>, vector<16xi32>
        %swap3A_295 = arith.constant 1 : i32
        %swap3A_296 = arith.index_cast %swap3A_295 : i32 to index
        %swap3A_297 = arith.constant 80 : index
        %swap3A_298 = tpu.vector_load %arg14[%swap3A_296, %swap3A_297] {strides = array<i32>} : memref<4x128xi32, #tpu.memory_space<vmem>>, vector<16xi32>,
        tpu.vector_store %arg14[%swap3A_296, %swap3A_297], %select_n3A_294 {strides = array<i32>} : memref<4x128xi32, #tpu.memory_space<vmem>>, vector<16xi32>,
        %get3A_299 = arith.constant 224 : index
        %get3A_300 = tpu.vector_load %arg12[%get3A_299] {strides = array<i32>} : memref<512xi32, #tpu.memory_space<vmem>>, vector<16xi32>,
        %get3A_301 = arith.constant 224 : index
        %get3A_302 = tpu.vector_load %arg13[%get3A_301] {strides = array<i32>} : memref<512xi32, #tpu.memory_space<vmem>>, vector<16xi32>,
        %eq3A_303 = arith.constant 2 : i32
        %eq3A_304 = vector.broadcast %eq3A_303 : i32 to vector<16xi32>
        %eq3A_305 = arith.cmpi eq, %get3A_300, %eq3A_304 : vector<16xi32>
        %jit3A_306 = arith.constant 10000 : i32
        %broadcast_in_dim3A_307 = vector.broadcast %jit3A_306 : i32 to vector<16xi32>
        %select_n3A_308 = arith.select %eq3A_305, %get3A_302, %broadcast_in_dim3A_307 : vector<16xi1>, vector<16xi32>
        %swap3A_309 = arith.constant 1 : i32
        %swap3A_310 = arith.index_cast %swap3A_309 : i32 to index
        %swap3A_311 = arith.constant 96 : index
        %swap3A_312 = tpu.vector_load %arg14[%swap3A_310, %swap3A_311] {strides = array<i32>} : memref<4x128xi32, #tpu.memory_space<vmem>>, vector<16xi32>,
        tpu.vector_store %arg14[%swap3A_310, %swap3A_311], %select_n3A_308 {strides = array<i32>} : memref<4x128xi32, #tpu.memory_space<vmem>>, vector<16xi32>,
        %get3A_313 = arith.constant 240 : index
        %get3A_314 = tpu.vector_load %arg12[%get3A_313] {strides = array<i32>} : memref<512xi32, #tpu.memory_space<vmem>>, vector<16xi32>,
        %get3A_315 = arith.constant 240 : index
        %get3A_316 = tpu.vector_load %arg13[%get3A_315] {strides = array<i32>} : memref<512xi32, #tpu.memory_space<vmem>>, vector<16xi32>,
        %eq3A_317 = arith.constant 2 : i32
        %eq3A_318 = vector.broadcast %eq3A_317 : i32 to vector<16xi32>
        %eq3A_319 = arith.cmpi eq, %get3A_314, %eq3A_318 : vector<16xi32>
        %jit3A_320 = arith.constant 10000 : i32
        %broadcast_in_dim3A_321 = vector.broadcast %jit3A_320 : i32 to vector<16xi32>
        %select_n3A_322 = arith.select %eq3A_319, %get3A_316, %broadcast_in_dim3A_321 : vector<16xi1>, vector<16xi32>
        %swap3A_323 = arith.constant 1 : i32
        %swap3A_324 = arith.index_cast %swap3A_323 : i32 to index
        %swap3A_325 = arith.constant 112 : index
        %swap3A_326 = tpu.vector_load %arg14[%swap3A_324, %swap3A_325] {strides = array<i32>} : memref<4x128xi32, #tpu.memory_space<vmem>>, vector<16xi32>,
        tpu.vector_store %arg14[%swap3A_324, %swap3A_325], %select_n3A_322 {strides = array<i32>} : memref<4x128xi32, #tpu.memory_space<vmem>>, vector<16xi32>,
        %get3A_327 = arith.constant 256 : index
        %get3A_328 = tpu.vector_load %arg12[%get3A_327] {strides = array<i32>} : memref<512xi32, #tpu.memory_space<vmem>>, vector<16xi32>,
        %get3A_329 = arith.constant 256 : index
        %get3A_330 = tpu.vector_load %arg13[%get3A_329] {strides = array<i32>} : memref<512xi32, #tpu.memory_space<vmem>>, vector<16xi32>,
        %eq3A_331 = arith.constant 2 : i32
        %eq3A_332 = vector.broadcast %eq3A_331 : i32 to vector<16xi32>
        %eq3A_333 = arith.cmpi eq, %get3A_328, %eq3A_332 : vector<16xi32>
        %jit3A_334 = arith.constant 10000 : i32
        %broadcast_in_dim3A_335 = vector.broadcast %jit3A_334 : i32 to vector<16xi32>
        %select_n3A_336 = arith.select %eq3A_333, %get3A_330, %broadcast_in_dim3A_335 : vector<16xi1>, vector<16xi32>
        %swap3A_337 = arith.constant 2 : i32
        %swap3A_338 = arith.index_cast %swap3A_337 : i32 to index
        %swap3A_339 = arith.constant 0 : index
        %swap3A_340 = tpu.vector_load %arg14[%swap3A_338, %swap3A_339] {strides = array<i32>} : memref<4x128xi32, #tpu.memory_space<vmem>>, vector<16xi32>,
        tpu.vector_store %arg14[%swap3A_338, %swap3A_339], %select_n3A_336 {strides = array<i32>} : memref<4x128xi32, #tpu.memory_space<vmem>>, vector<16xi32>,
        %get3A_341 = arith.constant 272 : index
        %get3A_342 = tpu.vector_load %arg12[%get3A_341] {strides = array<i32>} : memref<512xi32, #tpu.memory_space<vmem>>, vector<16xi32>,
        %get3A_343 = arith.constant 272 : index
        %get3A_344 = tpu.vector_load %arg13[%get3A_343] {strides = array<i32>} : memref<512xi32, #tpu.memory_space<vmem>>, vector<16xi32>,
        %eq3A_345 = arith.constant 2 : i32
        %eq3A_346 = vector.broadcast %eq3A_345 : i32 to vector<16xi32>
        %eq3A_347 = arith.cmpi eq, %get3A_342, %eq3A_346 : vector<16xi32>
        %jit3A_348 = arith.constant 10000 : i32
        %broadcast_in_dim3A_349 = vector.broadcast %jit3A_348 : i32 to vector<16xi32>
        %select_n3A_350 = arith.select %eq3A_347, %get3A_344, %broadcast_in_dim3A_349 : vector<16xi1>, vector<16xi32>
        %swap3A_351 = arith.constant 2 : i32
        %swap3A_352 = arith.index_cast %swap3A_351 : i32 to index
        %swap3A_353 = arith.constant 16 : index
        %swap3A_354 = tpu.vector_load %arg14[%swap3A_352, %swap3A_353] {strides = array<i32>} : memref<4x128xi32, #tpu.memory_space<vmem>>, vector<16xi32>,
        tpu.vector_store %arg14[%swap3A_352, %swap3A_353], %select_n3A_350 {strides = array<i32>} : memref<4x128xi32, #tpu.memory_space<vmem>>, vector<16xi32>,
        %get3A_355 = arith.constant 288 : index
        %get3A_356 = tpu.vector_load %arg12[%get3A_355] {strides = array<i32>} : memref<512xi32, #tpu.memory_space<vmem>>, vector<16xi32>,
        %get3A_357 = arith.constant 288 : index
        %get3A_358 = tpu.vector_load %arg13[%get3A_357] {strides = array<i32>} : memref<512xi32, #tpu.memory_space<vmem>>, vector<16xi32>,
        %eq3A_359 = arith.constant 2 : i32
        %eq3A_360 = vector.broadcast %eq3A_359 : i32 to vector<16xi32>
        %eq3A_361 = arith.cmpi eq, %get3A_356, %eq3A_360 : vector<16xi32>
        %jit3A_362 = arith.constant 10000 : i32
        %broadcast_in_dim3A_363 = vector.broadcast %jit3A_362 : i32 to vector<16xi32>
        %select_n3A_364 = arith.select %eq3A_361, %get3A_358, %broadcast_in_dim3A_363 : vector<16xi1>, vector<16xi32>
        %swap3A_365 = arith.constant 2 : i32
        %swap3A_366 = arith.index_cast %swap3A_365 : i32 to index
        %swap3A_367 = arith.constant 32 : index
        %swap3A_368 = tpu.vector_load %arg14[%swap3A_366, %swap3A_367] {strides = array<i32>} : memref<4x128xi32, #tpu.memory_space<vmem>>, vector<16xi32>,
        tpu.vector_store %arg14[%swap3A_366, %swap3A_367], %select_n3A_364 {strides = array<i32>} : memref<4x128xi32, #tpu.memory_space<vmem>>, vector<16xi32>,
        %get3A_369 = arith.constant 304 : index
        %get3A_370 = tpu.vector_load %arg12[%get3A_369] {strides = array<i32>} : memref<512xi32, #tpu.memory_space<vmem>>, vector<16xi32>,
        %get3A_371 = arith.constant 304 : index
        %get3A_372 = tpu.vector_load %arg13[%get3A_371] {strides = array<i32>} : memref<512xi32, #tpu.memory_space<vmem>>, vector<16xi32>,
        %eq3A_373 = arith.constant 2 : i32
        %eq3A_374 = vector.broadcast %eq3A_373 : i32 to vector<16xi32>
        %eq3A_375 = arith.cmpi eq, %get3A_370, %eq3A_374 : vector<16xi32>
        %jit3A_376 = arith.constant 10000 : i32
        %broadcast_in_dim3A_377 = vector.broadcast %jit3A_376 : i32 to vector<16xi32>
        %select_n3A_378 = arith.select %eq3A_375, %get3A_372, %broadcast_in_dim3A_377 : vector<16xi1>, vector<16xi32>
        %swap3A_379 = arith.constant 2 : i32
        %swap3A_380 = arith.index_cast %swap3A_379 : i32 to index
        %swap3A_381 = arith.constant 48 : index
        %swap3A_382 = tpu.vector_load %arg14[%swap3A_380, %swap3A_381] {strides = array<i32>} : memref<4x128xi32, #tpu.memory_space<vmem>>, vector<16xi32>,
        tpu.vector_store %arg14[%swap3A_380, %swap3A_381], %select_n3A_378 {strides = array<i32>} : memref<4x128xi32, #tpu.memory_space<vmem>>, vector<16xi32>,
        %get3A_383 = arith.constant 320 : index
        %get3A_384 = tpu.vector_load %arg12[%get3A_383] {strides = array<i32>} : memref<512xi32, #tpu.memory_space<vmem>>, vector<16xi32>,
        %get3A_385 = arith.constant 320 : index
        %get3A_386 = tpu.vector_load %arg13[%get3A_385] {strides = array<i32>} : memref<512xi32, #tpu.memory_space<vmem>>, vector<16xi32>,
        %eq3A_387 = arith.constant 2 : i32
        %eq3A_388 = vector.broadcast %eq3A_387 : i32 to vector<16xi32>
        %eq3A_389 = arith.cmpi eq, %get3A_384, %eq3A_388 : vector<16xi32>
        %jit3A_390 = arith.constant 10000 : i32
        %broadcast_in_dim3A_391 = vector.broadcast %jit3A_390 : i32 to vector<16xi32>
        %select_n3A_392 = arith.select %eq3A_389, %get3A_386, %broadcast_in_dim3A_391 : vector<16xi1>, vector<16xi32>
        %swap3A_393 = arith.constant 2 : i32
        %swap3A_394 = arith.index_cast %swap3A_393 : i32 to index
        %swap3A_395 = arith.constant 64 : index
        %swap3A_396 = tpu.vector_load %arg14[%swap3A_394, %swap3A_395] {strides = array<i32>} : memref<4x128xi32, #tpu.memory_space<vmem>>, vector<16xi32>,
        tpu.vector_store %arg14[%swap3A_394, %swap3A_395], %select_n3A_392 {strides = array<i32>} : memref<4x128xi32, #tpu.memory_space<vmem>>, vector<16xi32>,
        %get3A_397 = arith.constant 336 : index
        %get3A_398 = tpu.vector_load %arg12[%get3A_397] {strides = array<i32>} : memref<512xi32, #tpu.memory_space<vmem>>, vector<16xi32>,
        %get3A_399 = arith.constant 336 : index
        %get3A_400 = tpu.vector_load %arg13[%get3A_399] {strides = array<i32>} : memref<512xi32, #tpu.memory_space<vmem>>, vector<16xi32>,
        %eq3A_401 = arith.constant 2 : i32
        %eq3A_402 = vector.broadcast %eq3A_401 : i32 to vector<16xi32>
        %eq3A_403 = arith.cmpi eq, %get3A_398, %eq3A_402 : vector<16xi32>
        %jit3A_404 = arith.constant 10000 : i32
        %broadcast_in_dim3A_405 = vector.broadcast %jit3A_404 : i32 to vector<16xi32>
        %select_n3A_406 = arith.select %eq3A_403, %get3A_400, %broadcast_in_dim3A_405 : vector<16xi1>, vector<16xi32>
        %swap3A_407 = arith.constant 2 : i32
        %swap3A_408 = arith.index_cast %swap3A_407 : i32 to index
        %swap3A_409 = arith.constant 80 : index
        %swap3A_410 = tpu.vector_load %arg14[%swap3A_408, %swap3A_409] {strides = array<i32>} : memref<4x128xi32, #tpu.memory_space<vmem>>, vector<16xi32>,
        tpu.vector_store %arg14[%swap3A_408, %swap3A_409], %select_n3A_406 {strides = array<i32>} : memref<4x128xi32, #tpu.memory_space<vmem>>, vector<16xi32>,
        %get3A_411 = arith.constant 352 : index
        %get3A_412 = tpu.vector_load %arg12[%get3A_411] {strides = array<i32>} : memref<512xi32, #tpu.memory_space<vmem>>, vector<16xi32>,
        %get3A_413 = arith.constant 352 : index
        %get3A_414 = tpu.vector_load %arg13[%get3A_413] {strides = array<i32>} : memref<512xi32, #tpu.memory_space<vmem>>, vector<16xi32>,
        %eq3A_415 = arith.constant 2 : i32
        %eq3A_416 = vector.broadcast %eq3A_415 : i32 to vector<16xi32>
        %eq3A_417 = arith.cmpi eq, %get3A_412, %eq3A_416 : vector<16xi32>
        %jit3A_418 = arith.constant 10000 : i32
        %broadcast_in_dim3A_419 = vector.broadcast %jit3A_418 : i32 to vector<16xi32>
        %select_n3A_420 = arith.select %eq3A_417, %get3A_414, %broadcast_in_dim3A_419 : vector<16xi1>, vector<16xi32>
        %swap3A_421 = arith.constant 2 : i32
        %swap3A_422 = arith.index_cast %swap3A_421 : i32 to index
        %swap3A_423 = arith.constant 96 : index
        %swap3A_424 = tpu.vector_load %arg14[%swap3A_422, %swap3A_423] {strides = array<i32>} : memref<4x128xi32, #tpu.memory_space<vmem>>, vector<16xi32>,
        tpu.vector_store %arg14[%swap3A_422, %swap3A_423], %select_n3A_420 {strides = array<i32>} : memref<4x128xi32, #tpu.memory_space<vmem>>, vector<16xi32>,
        %get3A_425 = arith.constant 368 : index
        %get3A_426 = tpu.vector_load %arg12[%get3A_425] {strides = array<i32>} : memref<512xi32, #tpu.memory_space<vmem>>, vector<16xi32>,
        %get3A_427 = arith.constant 368 : index
        %get3A_428 = tpu.vector_load %arg13[%get3A_427] {strides = array<i32>} : memref<512xi32, #tpu.memory_space<vmem>>, vector<16xi32>,
        %eq3A_429 = arith.constant 2 : i32
        %eq3A_430 = vector.broadcast %eq3A_429 : i32 to vector<16xi32>
        %eq3A_431 = arith.cmpi eq, %get3A_426, %eq3A_430 : vector<16xi32>
        %jit3A_432 = arith.constant 10000 : i32
        %broadcast_in_dim3A_433 = vector.broadcast %jit3A_432 : i32 to vector<16xi32>
        %select_n3A_434 = arith.select %eq3A_431, %get3A_428, %broadcast_in_dim3A_433 : vector<16xi1>, vector<16xi32>
        %swap3A_435 = arith.constant 2 : i32
        %swap3A_436 = arith.index_cast %swap3A_435 : i32 to index
        %swap3A_437 = arith.constant 112 : index
        %swap3A_438 = tpu.vector_load %arg14[%swap3A_436, %swap3A_437] {strides = array<i32>} : memref<4x128xi32, #tpu.memory_space<vmem>>, vector<16xi32>,
        tpu.vector_store %arg14[%swap3A_436, %swap3A_437], %select_n3A_434 {strides = array<i32>} : memref<4x128xi32, #tpu.memory_space<vmem>>, vector<16xi32>,
        %get3A_439 = arith.constant 384 : index
        %get3A_440 = tpu.vector_load %arg12[%get3A_439] {strides = array<i32>} : memref<512xi32, #tpu.memory_space<vmem>>, vector<16xi32>,
        %get3A_441 = arith.constant 384 : index
        %get3A_442 = tpu.vector_load %arg13[%get3A_441] {strides = array<i32>} : memref<512xi32, #tpu.memory_space<vmem>>, vector<16xi32>,
        %eq3A_443 = arith.constant 2 : i32
        %eq3A_444 = vector.broadcast %eq3A_443 : i32 to vector<16xi32>
        %eq3A_445 = arith.cmpi eq, %get3A_440, %eq3A_444 : vector<16xi32>
        %jit3A_446 = arith.constant 10000 : i32
        %broadcast_in_dim3A_447 = vector.broadcast %jit3A_446 : i32 to vector<16xi32>
        %select_n3A_448 = arith.select %eq3A_445, %get3A_442, %broadcast_in_dim3A_447 : vector<16xi1>, vector<16xi32>
        %swap3A_449 = arith.constant 3 : i32
        %swap3A_450 = arith.index_cast %swap3A_449 : i32 to index
        %swap3A_451 = arith.constant 0 : index
        %swap3A_452 = tpu.vector_load %arg14[%swap3A_450, %swap3A_451] {strides = array<i32>} : memref<4x128xi32, #tpu.memory_space<vmem>>, vector<16xi32>,
        tpu.vector_store %arg14[%swap3A_450, %swap3A_451], %select_n3A_448 {strides = array<i32>} : memref<4x128xi32, #tpu.memory_space<vmem>>, vector<16xi32>,
        %get3A_453 = arith.constant 400 : index
        %get3A_454 = tpu.vector_load %arg12[%get3A_453] {strides = array<i32>} : memref<512xi32, #tpu.memory_space<vmem>>, vector<16xi32>,
        %get3A_455 = arith.constant 400 : index
        %get3A_456 = tpu.vector_load %arg13[%get3A_455] {strides = array<i32>} : memref<512xi32, #tpu.memory_space<vmem>>, vector<16xi32>,
        %eq3A_457 = arith.constant 2 : i32
        %eq3A_458 = vector.broadcast %eq3A_457 : i32 to vector<16xi32>
        %eq3A_459 = arith.cmpi eq, %get3A_454, %eq3A_458 : vector<16xi32>
        %jit3A_460 = arith.constant 10000 : i32
        %broadcast_in_dim3A_461 = vector.broadcast %jit3A_460 : i32 to vector<16xi32>
        %select_n3A_462 = arith.select %eq3A_459, %get3A_456, %broadcast_in_dim3A_461 : vector<16xi1>, vector<16xi32>
        %swap3A_463 = arith.constant 3 : i32
        %swap3A_464 = arith.index_cast %swap3A_463 : i32 to index
        %swap3A_465 = arith.constant 16 : index
        %swap3A_466 = tpu.vector_load %arg14[%swap3A_464, %swap3A_465] {strides = array<i32>} : memref<4x128xi32, #tpu.memory_space<vmem>>, vector<16xi32>,
        tpu.vector_store %arg14[%swap3A_464, %swap3A_465], %select_n3A_462 {strides = array<i32>} : memref<4x128xi32, #tpu.memory_space<vmem>>, vector<16xi32>,
        %get3A_467 = arith.constant 416 : index
        %get3A_468 = tpu.vector_load %arg12[%get3A_467] {strides = array<i32>} : memref<512xi32, #tpu.memory_space<vmem>>, vector<16xi32>,
        %get3A_469 = arith.constant 416 : index
        %get3A_470 = tpu.vector_load %arg13[%get3A_469] {strides = array<i32>} : memref<512xi32, #tpu.memory_space<vmem>>, vector<16xi32>,
        %eq3A_471 = arith.constant 2 : i32
        %eq3A_472 = vector.broadcast %eq3A_471 : i32 to vector<16xi32>
        %eq3A_473 = arith.cmpi eq, %get3A_468, %eq3A_472 : vector<16xi32>
        %jit3A_474 = arith.constant 10000 : i32
        %broadcast_in_dim3A_475 = vector.broadcast %jit3A_474 : i32 to vector<16xi32>
        %select_n3A_476 = arith.select %eq3A_473, %get3A_470, %broadcast_in_dim3A_475 : vector<16xi1>, vector<16xi32>
        %swap3A_477 = arith.constant 3 : i32
        %swap3A_478 = arith.index_cast %swap3A_477 : i32 to index
        %swap3A_479 = arith.constant 32 : index
        %swap3A_480 = tpu.vector_load %arg14[%swap3A_478, %swap3A_479] {strides = array<i32>} : memref<4x128xi32, #tpu.memory_space<vmem>>, vector<16xi32>,
        tpu.vector_store %arg14[%swap3A_478, %swap3A_479], %select_n3A_476 {strides = array<i32>} : memref<4x128xi32, #tpu.memory_space<vmem>>, vector<16xi32>,
        %get3A_481 = arith.constant 432 : index
        %get3A_482 = tpu.vector_load %arg12[%get3A_481] {strides = array<i32>} : memref<512xi32, #tpu.memory_space<vmem>>, vector<16xi32>,
        %get3A_483 = arith.constant 432 : index
        %get3A_484 = tpu.vector_load %arg13[%get3A_483] {strides = array<i32>} : memref<512xi32, #tpu.memory_space<vmem>>, vector<16xi32>,
        %eq3A_485 = arith.constant 2 : i32
        %eq3A_486 = vector.broadcast %eq3A_485 : i32 to vector<16xi32>
        %eq3A_487 = arith.cmpi eq, %get3A_482, %eq3A_486 : vector<16xi32>
        %jit3A_488 = arith.constant 10000 : i32
        %broadcast_in_dim3A_489 = vector.broadcast %jit3A_488 : i32 to vector<16xi32>
        %select_n3A_490 = arith.select %eq3A_487, %get3A_484, %broadcast_in_dim3A_489 : vector<16xi1>, vector<16xi32>
        %swap3A_491 = arith.constant 3 : i32
        %swap3A_492 = arith.index_cast %swap3A_491 : i32 to index
        %swap3A_493 = arith.constant 48 : index
        %swap3A_494 = tpu.vector_load %arg14[%swap3A_492, %swap3A_493] {strides = array<i32>} : memref<4x128xi32, #tpu.memory_space<vmem>>, vector<16xi32>,
        tpu.vector_store %arg14[%swap3A_492, %swap3A_493], %select_n3A_490 {strides = array<i32>} : memref<4x128xi32, #tpu.memory_space<vmem>>, vector<16xi32>,
        %get3A_495 = arith.constant 448 : index
        %get3A_496 = tpu.vector_load %arg12[%get3A_495] {strides = array<i32>} : memref<512xi32, #tpu.memory_space<vmem>>, vector<16xi32>,
        %get3A_497 = arith.constant 448 : index
        %get3A_498 = tpu.vector_load %arg13[%get3A_497] {strides = array<i32>} : memref<512xi32, #tpu.memory_space<vmem>>, vector<16xi32>,
        %eq3A_499 = arith.constant 2 : i32
        %eq3A_500 = vector.broadcast %eq3A_499 : i32 to vector<16xi32>
        %eq3A_501 = arith.cmpi eq, %get3A_496, %eq3A_500 : vector<16xi32>
        %jit3A_502 = arith.constant 10000 : i32
        %broadcast_in_dim3A_503 = vector.broadcast %jit3A_502 : i32 to vector<16xi32>
        %select_n3A_504 = arith.select %eq3A_501, %get3A_498, %broadcast_in_dim3A_503 : vector<16xi1>, vector<16xi32>
        %swap3A_505 = arith.constant 3 : i32
        %swap3A_506 = arith.index_cast %swap3A_505 : i32 to index
        %swap3A_507 = arith.constant 64 : index
        %swap3A_508 = tpu.vector_load %arg14[%swap3A_506, %swap3A_507] {strides = array<i32>} : memref<4x128xi32, #tpu.memory_space<vmem>>, vector<16xi32>,
        tpu.vector_store %arg14[%swap3A_506, %swap3A_507], %select_n3A_504 {strides = array<i32>} : memref<4x128xi32, #tpu.memory_space<vmem>>, vector<16xi32>,
        %get3A_509 = arith.constant 464 : index
        %get3A_510 = tpu.vector_load %arg12[%get3A_509] {strides = array<i32>} : memref<512xi32, #tpu.memory_space<vmem>>, vector<16xi32>,
        %get3A_511 = arith.constant 464 : index
        %get3A_512 = tpu.vector_load %arg13[%get3A_511] {strides = array<i32>} : memref<512xi32, #tpu.memory_space<vmem>>, vector<16xi32>,
        %eq3A_513 = arith.constant 2 : i32
        %eq3A_514 = vector.broadcast %eq3A_513 : i32 to vector<16xi32>
        %eq3A_515 = arith.cmpi eq, %get3A_510, %eq3A_514 : vector<16xi32>
        %jit3A_516 = arith.constant 10000 : i32
        %broadcast_in_dim3A_517 = vector.broadcast %jit3A_516 : i32 to vector<16xi32>
        %select_n3A_518 = arith.select %eq3A_515, %get3A_512, %broadcast_in_dim3A_517 : vector<16xi1>, vector<16xi32>
        %swap3A_519 = arith.constant 3 : i32
        %swap3A_520 = arith.index_cast %swap3A_519 : i32 to index
        %swap3A_521 = arith.constant 80 : index
        %swap3A_522 = tpu.vector_load %arg14[%swap3A_520, %swap3A_521] {strides = array<i32>} : memref<4x128xi32, #tpu.memory_space<vmem>>, vector<16xi32>,
        tpu.vector_store %arg14[%swap3A_520, %swap3A_521], %select_n3A_518 {strides = array<i32>} : memref<4x128xi32, #tpu.memory_space<vmem>>, vector<16xi32>,
        %get3A_523 = arith.constant 480 : index
        %get3A_524 = tpu.vector_load %arg12[%get3A_523] {strides = array<i32>} : memref<512xi32, #tpu.memory_space<vmem>>, vector<16xi32>,
        %get3A_525 = arith.constant 480 : index
        %get3A_526 = tpu.vector_load %arg13[%get3A_525] {strides = array<i32>} : memref<512xi32, #tpu.memory_space<vmem>>, vector<16xi32>,
        %eq3A_527 = arith.constant 2 : i32
        %eq3A_528 = vector.broadcast %eq3A_527 : i32 to vector<16xi32>
        %eq3A_529 = arith.cmpi eq, %get3A_524, %eq3A_528 : vector<16xi32>
        %jit3A_530 = arith.constant 10000 : i32
        %broadcast_in_dim3A_531 = vector.broadcast %jit3A_530 : i32 to vector<16xi32>
        %select_n3A_532 = arith.select %eq3A_529, %get3A_526, %broadcast_in_dim3A_531 : vector<16xi1>, vector<16xi32>
        %swap3A_533 = arith.constant 3 : i32
        %swap3A_534 = arith.index_cast %swap3A_533 : i32 to index
        %swap3A_535 = arith.constant 96 : index
        %swap3A_536 = tpu.vector_load %arg14[%swap3A_534, %swap3A_535] {strides = array<i32>} : memref<4x128xi32, #tpu.memory_space<vmem>>, vector<16xi32>,
        tpu.vector_store %arg14[%swap3A_534, %swap3A_535], %select_n3A_532 {strides = array<i32>} : memref<4x128xi32, #tpu.memory_space<vmem>>, vector<16xi32>,
        %get3A_537 = arith.constant 496 : index
        %get3A_538 = tpu.vector_load %arg12[%get3A_537] {strides = array<i32>} : memref<512xi32, #tpu.memory_space<vmem>>, vector<16xi32>,
        %get3A_539 = arith.constant 496 : index
        %get3A_540 = tpu.vector_load %arg13[%get3A_539] {strides = array<i32>} : memref<512xi32, #tpu.memory_space<vmem>>, vector<16xi32>,
        %eq3A_541 = arith.constant 2 : i32
        %eq3A_542 = vector.broadcast %eq3A_541 : i32 to vector<16xi32>
        %eq3A_543 = arith.cmpi eq, %get3A_538, %eq3A_542 : vector<16xi32>
        %jit3A_544 = arith.constant 10000 : i32
        %broadcast_in_dim3A_545 = vector.broadcast %jit3A_544 : i32 to vector<16xi32>
        %select_n3A_546 = arith.select %eq3A_543, %get3A_540, %broadcast_in_dim3A_545 : vector<16xi1>, vector<16xi32>
        %swap3A_547 = arith.constant 3 : i32
        %swap3A_548 = arith.index_cast %swap3A_547 : i32 to index
        %swap3A_549 = arith.constant 112 : index
        %swap3A_550 = tpu.vector_load %arg14[%swap3A_548, %swap3A_549] {strides = array<i32>} : memref<4x128xi32, #tpu.memory_space<vmem>>, vector<16xi32>,
        tpu.vector_store %arg14[%swap3A_548, %swap3A_549], %select_n3A_546 {strides = array<i32>} : memref<4x128xi32, #tpu.memory_space<vmem>>, vector<16xi32>,
        %dma_start3A_551 = arith.constant 0 : i32
        %dma_start3A_552 = tpu.memref_slice %arg11[%dma_start3A_551] : memref<512xi32, #tpu.memory_space<vmem>> -> memref<128xi32, #tpu.memory_space<vmem>>
        %dma_start3A_553 = arith.constant 0 : i32
        %dma_start3A_554 = arith.constant 0 : i32
        %dma_start3A_555 = tpu.memref_slice %arg2[%dma_start3A_553, %dma_start3A_554] : memref<10000x64xf32, #tpu.memory_space<hbm>> -> memref<10000x64xf32, #tpu.memory_space<hbm>>
        tpu.enqueue_indirect_dma source(%dma_start3A_555 : memref<10000x64xf32, #tpu.memory_space<hbm>>) target(%arg15 : memref<128x64xf32, #tpu.memory_space<vmem>>) offsets(%dma_start3A_552 : memref<128xi32, #tpu.memory_space<vmem>>) semaphore(%arg17 : memref<!tpu.dma_semaphore, #tpu.memory_space<semaphore_mem>>)
        %dma_wait3A_556 = arith.constant 0 : i32
        %dma_wait3A_557 = tpu.memref_slice %arg11[%dma_wait3A_556] : memref<512xi32, #tpu.memory_space<vmem>> -> memref<128xi32, #tpu.memory_space<vmem>>
        %dma_wait3A_558 = arith.constant 0 : i32
        %dma_wait3A_559 = arith.constant 0 : i32
        %dma_wait3A_560 = tpu.memref_slice %arg2[%dma_wait3A_558, %dma_wait3A_559] : memref<10000x64xf32, #tpu.memory_space<hbm>> -> memref<10000x64xf32, #tpu.memory_space<hbm>>
        tpu.wait_indirect_dma semaphore(%arg17 : memref<!tpu.dma_semaphore, #tpu.memory_space<semaphore_mem>>) src(%dma_wait3A_560 : memref<10000x64xf32, #tpu.memory_space<hbm>>) dst(%arg15 : memref<128x64xf32, #tpu.memory_space<vmem>>)
        %run_scoped3A = arith.constant 0 : i32
        "tpu.region"() ({
          %run_scoped3A_594 = tpu.sem_alloc : memref<!tpu.dma_semaphore, #tpu.memory_space<semaphore_mem>>
          %dma_start3A_595 = arith.constant 0 : i32
          %dma_start3A_596 = tpu.memref_slice %arg14[%run_scoped3A, %dma_start3A_595] : memref<4x128xi32, #tpu.memory_space<vmem>> -> memref<1x128xi32, #tpu.memory_space<vmem>>
          %dma_start3A_597 = tpu.memref_squeeze %dma_start3A_596 : memref<1x128xi32, #tpu.memory_space<vmem>> -> memref<128xi32, #tpu.memory_space<vmem>>
          %dma_start3A_598 = arith.constant 0 : i32
          %dma_start3A_599 = arith.constant 0 : i32
          %dma_start3A_600 = tpu.memref_slice %arg10[%dma_start3A_598, %dma_start3A_599] : memref<30016x64xf32, #tpu.memory_space<vmem_shared>> -> memref<30016x64xf32, #tpu.memory_space<vmem_shared>>
          tpu.enqueue_indirect_dma source(%arg15 : memref<128x64xf32, #tpu.memory_space<vmem>>) target(%dma_start3A_600 : memref<30016x64xf32, #tpu.memory_space<vmem_shared>>) offsets(%dma_start3A_597 : memref<128xi32, #tpu.memory_space<vmem>>) semaphore(%run_scoped3A_594 : memref<!tpu.dma_semaphore, #tpu.memory_space<semaphore_mem>>) {add = true}
          %dma_wait3A_601 = arith.constant 0 : i32
          %dma_wait3A_602 = tpu.memref_slice %arg14[%run_scoped3A, %dma_wait3A_601] : memref<4x128xi32, #tpu.memory_space<vmem>> -> memref<1x128xi32, #tpu.memory_space<vmem>>
          %dma_wait3A_603 = tpu.memref_squeeze %dma_wait3A_602 : memref<1x128xi32, #tpu.memory_space<vmem>> -> memref<128xi32, #tpu.memory_space<vmem>>
          %dma_wait3A_604 = arith.constant 0 : i32
          %dma_wait3A_605 = arith.constant 0 : i32
          %dma_wait3A_606 = tpu.memref_slice %arg10[%dma_wait3A_604, %dma_wait3A_605] : memref<30016x64xf32, #tpu.memory_space<vmem_shared>> -> memref<30016x64xf32, #tpu.memory_space<vmem_shared>>
          tpu.wait_indirect_dma semaphore(%run_scoped3A_594 : memref<!tpu.dma_semaphore, #tpu.memory_space<semaphore_mem>>) src(%arg15 : memref<128x64xf32, #tpu.memory_space<vmem>>) dst(%dma_wait3A_606 : memref<30016x64xf32, #tpu.memory_space<vmem_shared>>)
          tpu.yield
        }) : () -> ()
        %dma_start3A_561 = arith.constant 128 : i32
        %dma_start3A_562 = tpu.memref_slice %arg11[%dma_start3A_561] : memref<512xi32, #tpu.memory_space<vmem>> -> memref<128xi32, #tpu.memory_space<vmem>>
        %dma_start3A_563 = arith.constant 0 : i32
        %dma_start3A_564 = arith.constant 0 : i32
        %dma_start3A_565 = tpu.memref_slice %arg2[%dma_start3A_563, %dma_start3A_564] : memref<10000x64xf32, #tpu.memory_space<hbm>> -> memref<10000x64xf32, #tpu.memory_space<hbm>>
        tpu.enqueue_indirect_dma source(%dma_start3A_565 : memref<10000x64xf32, #tpu.memory_space<hbm>>) target(%arg15 : memref<128x64xf32, #tpu.memory_space<vmem>>) offsets(%dma_start3A_562 : memref<128xi32, #tpu.memory_space<vmem>>) semaphore(%arg17 : memref<!tpu.dma_semaphore, #tpu.memory_space<semaphore_mem>>)
        %dma_wait3A_566 = arith.constant 128 : i32
        %dma_wait3A_567 = tpu.memref_slice %arg11[%dma_wait3A_566] : memref<512xi32, #tpu.memory_space<vmem>> -> memref<128xi32, #tpu.memory_space<vmem>>
        %dma_wait3A_568 = arith.constant 0 : i32
        %dma_wait3A_569 = arith.constant 0 : i32
        %dma_wait3A_570 = tpu.memref_slice %arg2[%dma_wait3A_568, %dma_wait3A_569] : memref<10000x64xf32, #tpu.memory_space<hbm>> -> memref<10000x64xf32, #tpu.memory_space<hbm>>
        tpu.wait_indirect_dma semaphore(%arg17 : memref<!tpu.dma_semaphore, #tpu.memory_space<semaphore_mem>>) src(%dma_wait3A_570 : memref<10000x64xf32, #tpu.memory_space<hbm>>) dst(%arg15 : memref<128x64xf32, #tpu.memory_space<vmem>>)
        %run_scoped3A_571 = arith.constant 1 : i32
        "tpu.region"() ({
          %run_scoped3A_594 = tpu.sem_alloc : memref<!tpu.dma_semaphore, #tpu.memory_space<semaphore_mem>>
          %dma_start3A_595 = arith.constant 0 : i32
          %dma_start3A_596 = tpu.memref_slice %arg14[%run_scoped3A_571, %dma_start3A_595] : memref<4x128xi32, #tpu.memory_space<vmem>> -> memref<1x128xi32, #tpu.memory_space<vmem>>
          %dma_start3A_597 = tpu.memref_squeeze %dma_start3A_596 : memref<1x128xi32, #tpu.memory_space<vmem>> -> memref<128xi32, #tpu.memory_space<vmem>>
          %dma_start3A_598 = arith.constant 0 : i32
          %dma_start3A_599 = arith.constant 0 : i32
          %dma_start3A_600 = tpu.memref_slice %arg10[%dma_start3A_598, %dma_start3A_599] : memref<30016x64xf32, #tpu.memory_space<vmem_shared>> -> memref<30016x64xf32, #tpu.memory_space<vmem_shared>>
          tpu.enqueue_indirect_dma source(%arg15 : memref<128x64xf32, #tpu.memory_space<vmem>>) target(%dma_start3A_600 : memref<30016x64xf32, #tpu.memory_space<vmem_shared>>) offsets(%dma_start3A_597 : memref<128xi32, #tpu.memory_space<vmem>>) semaphore(%run_scoped3A_594 : memref<!tpu.dma_semaphore, #tpu.memory_space<semaphore_mem>>) {add = true}
          %dma_wait3A_601 = arith.constant 0 : i32
          %dma_wait3A_602 = tpu.memref_slice %arg14[%run_scoped3A_571, %dma_wait3A_601] : memref<4x128xi32, #tpu.memory_space<vmem>> -> memref<1x128xi32, #tpu.memory_space<vmem>>
          %dma_wait3A_603 = tpu.memref_squeeze %dma_wait3A_602 : memref<1x128xi32, #tpu.memory_space<vmem>> -> memref<128xi32, #tpu.memory_space<vmem>>
          %dma_wait3A_604 = arith.constant 0 : i32
          %dma_wait3A_605 = arith.constant 0 : i32
          %dma_wait3A_606 = tpu.memref_slice %arg10[%dma_wait3A_604, %dma_wait3A_605] : memref<30016x64xf32, #tpu.memory_space<vmem_shared>> -> memref<30016x64xf32, #tpu.memory_space<vmem_shared>>
          tpu.wait_indirect_dma semaphore(%run_scoped3A_594 : memref<!tpu.dma_semaphore, #tpu.memory_space<semaphore_mem>>) src(%arg15 : memref<128x64xf32, #tpu.memory_space<vmem>>) dst(%dma_wait3A_606 : memref<30016x64xf32, #tpu.memory_space<vmem_shared>>)
          tpu.yield
        }) : () -> ()
        %dma_start3A_572 = arith.constant 256 : i32
        %dma_start3A_573 = tpu.memref_slice %arg11[%dma_start3A_572] : memref<512xi32, #tpu.memory_space<vmem>> -> memref<128xi32, #tpu.memory_space<vmem>>
        %dma_start3A_574 = arith.constant 0 : i32
        %dma_start3A_575 = arith.constant 0 : i32
        %dma_start3A_576 = tpu.memref_slice %arg2[%dma_start3A_574, %dma_start3A_575] : memref<10000x64xf32, #tpu.memory_space<hbm>> -> memref<10000x64xf32, #tpu.memory_space<hbm>>
        tpu.enqueue_indirect_dma source(%dma_start3A_576 : memref<10000x64xf32, #tpu.memory_space<hbm>>) target(%arg15 : memref<128x64xf32, #tpu.memory_space<vmem>>) offsets(%dma_start3A_573 : memref<128xi32, #tpu.memory_space<vmem>>) semaphore(%arg17 : memref<!tpu.dma_semaphore, #tpu.memory_space<semaphore_mem>>)
        %dma_wait3A_577 = arith.constant 256 : i32
        %dma_wait3A_578 = tpu.memref_slice %arg11[%dma_wait3A_577] : memref<512xi32, #tpu.memory_space<vmem>> -> memref<128xi32, #tpu.memory_space<vmem>>
        %dma_wait3A_579 = arith.constant 0 : i32
        %dma_wait3A_580 = arith.constant 0 : i32
        %dma_wait3A_581 = tpu.memref_slice %arg2[%dma_wait3A_579, %dma_wait3A_580] : memref<10000x64xf32, #tpu.memory_space<hbm>> -> memref<10000x64xf32, #tpu.memory_space<hbm>>
        tpu.wait_indirect_dma semaphore(%arg17 : memref<!tpu.dma_semaphore, #tpu.memory_space<semaphore_mem>>) src(%dma_wait3A_581 : memref<10000x64xf32, #tpu.memory_space<hbm>>) dst(%arg15 : memref<128x64xf32, #tpu.memory_space<vmem>>)
        %run_scoped3A_582 = arith.constant 2 : i32
        "tpu.region"() ({
          %run_scoped3A_594 = tpu.sem_alloc : memref<!tpu.dma_semaphore, #tpu.memory_space<semaphore_mem>>
          %dma_start3A_595 = arith.constant 0 : i32
          %dma_start3A_596 = tpu.memref_slice %arg14[%run_scoped3A_582, %dma_start3A_595] : memref<4x128xi32, #tpu.memory_space<vmem>> -> memref<1x128xi32, #tpu.memory_space<vmem>>
          %dma_start3A_597 = tpu.memref_squeeze %dma_start3A_596 : memref<1x128xi32, #tpu.memory_space<vmem>> -> memref<128xi32, #tpu.memory_space<vmem>>
          %dma_start3A_598 = arith.constant 0 : i32
          %dma_start3A_599 = arith.constant 0 : i32
          %dma_start3A_600 = tpu.memref_slice %arg10[%dma_start3A_598, %dma_start3A_599] : memref<30016x64xf32, #tpu.memory_space<vmem_shared>> -> memref<30016x64xf32, #tpu.memory_space<vmem_shared>>
          tpu.enqueue_indirect_dma source(%arg15 : memref<128x64xf32, #tpu.memory_space<vmem>>) target(%dma_start3A_600 : memref<30016x64xf32, #tpu.memory_space<vmem_shared>>) offsets(%dma_start3A_597 : memref<128xi32, #tpu.memory_space<vmem>>) semaphore(%run_scoped3A_594 : memref<!tpu.dma_semaphore, #tpu.memory_space<semaphore_mem>>) {add = true}
          %dma_wait3A_601 = arith.constant 0 : i32
          %dma_wait3A_602 = tpu.memref_slice %arg14[%run_scoped3A_582, %dma_wait3A_601] : memref<4x128xi32, #tpu.memory_space<vmem>> -> memref<1x128xi32, #tpu.memory_space<vmem>>
          %dma_wait3A_603 = tpu.memref_squeeze %dma_wait3A_602 : memref<1x128xi32, #tpu.memory_space<vmem>> -> memref<128xi32, #tpu.memory_space<vmem>>
          %dma_wait3A_604 = arith.constant 0 : i32
          %dma_wait3A_605 = arith.constant 0 : i32
          %dma_wait3A_606 = tpu.memref_slice %arg10[%dma_wait3A_604, %dma_wait3A_605] : memref<30016x64xf32, #tpu.memory_space<vmem_shared>> -> memref<30016x64xf32, #tpu.memory_space<vmem_shared>>
          tpu.wait_indirect_dma semaphore(%run_scoped3A_594 : memref<!tpu.dma_semaphore, #tpu.memory_space<semaphore_mem>>) src(%arg15 : memref<128x64xf32, #tpu.memory_space<vmem>>) dst(%dma_wait3A_606 : memref<30016x64xf32, #tpu.memory_space<vmem_shared>>)
          tpu.yield
        }) : () -> ()
        %dma_start3A_583 = arith.constant 384 : i32
        %dma_start3A_584 = tpu.memref_slice %arg11[%dma_start3A_583] : memref<512xi32, #tpu.memory_space<vmem>> -> memref<128xi32, #tpu.memory_space<vmem>>
        %dma_start3A_585 = arith.constant 0 : i32
        %dma_start3A_586 = arith.constant 0 : i32
        %dma_start3A_587 = tpu.memref_slice %arg2[%dma_start3A_585, %dma_start3A_586] : memref<10000x64xf32, #tpu.memory_space<hbm>> -> memref<10000x64xf32, #tpu.memory_space<hbm>>
        tpu.enqueue_indirect_dma source(%dma_start3A_587 : memref<10000x64xf32, #tpu.memory_space<hbm>>) target(%arg15 : memref<128x64xf32, #tpu.memory_space<vmem>>) offsets(%dma_start3A_584 : memref<128xi32, #tpu.memory_space<vmem>>) semaphore(%arg17 : memref<!tpu.dma_semaphore, #tpu.memory_space<semaphore_mem>>)
        %dma_wait3A_588 = arith.constant 384 : i32
        %dma_wait3A_589 = tpu.memref_slice %arg11[%dma_wait3A_588] : memref<512xi32, #tpu.memory_space<vmem>> -> memref<128xi32, #tpu.memory_space<vmem>>
        %dma_wait3A_590 = arith.constant 0 : i32
        %dma_wait3A_591 = arith.constant 0 : i32
        %dma_wait3A_592 = tpu.memref_slice %arg2[%dma_wait3A_590, %dma_wait3A_591] : memref<10000x64xf32, #tpu.memory_space<hbm>> -> memref<10000x64xf32, #tpu.memory_space<hbm>>
        tpu.wait_indirect_dma semaphore(%arg17 : memref<!tpu.dma_semaphore, #tpu.memory_space<semaphore_mem>>) src(%dma_wait3A_592 : memref<10000x64xf32, #tpu.memory_space<hbm>>) dst(%arg15 : memref<128x64xf32, #tpu.memory_space<vmem>>)
        %run_scoped3A_593 = arith.constant 3 : i32
        "tpu.region"() ({
          %run_scoped3A_594 = tpu.sem_alloc : memref<!tpu.dma_semaphore, #tpu.memory_space<semaphore_mem>>
          %dma_start3A_595 = arith.constant 0 : i32
          %dma_start3A_596 = tpu.memref_slice %arg14[%run_scoped3A_593, %dma_start3A_595] : memref<4x128xi32, #tpu.memory_space<vmem>> -> memref<1x128xi32, #tpu.memory_space<vmem>>
          %dma_start3A_597 = tpu.memref_squeeze %dma_start3A_596 : memref<1x128xi32, #tpu.memory_space<vmem>> -> memref<128xi32, #tpu.memory_space<vmem>>
          %dma_start3A_598 = arith.constant 0 : i32
          %dma_start3A_599 = arith.constant 0 : i32
          %dma_start3A_600 = tpu.memref_slice %arg10[%dma_start3A_598, %dma_start3A_599] : memref<30016x64xf32, #tpu.memory_space<vmem_shared>> -> memref<30016x64xf32, #tpu.memory_space<vmem_shared>>
          tpu.enqueue_indirect_dma source(%arg15 : memref<128x64xf32, #tpu.memory_space<vmem>>) target(%dma_start3A_600 : memref<30016x64xf32, #tpu.memory_space<vmem_shared>>) offsets(%dma_start3A_597 : memref<128xi32, #tpu.memory_space<vmem>>) semaphore(%run_scoped3A_594 : memref<!tpu.dma_semaphore, #tpu.memory_space<semaphore_mem>>) {add = true}
          %dma_wait3A_601 = arith.constant 0 : i32
          %dma_wait3A_602 = tpu.memref_slice %arg14[%run_scoped3A_593, %dma_wait3A_601] : memref<4x128xi32, #tpu.memory_space<vmem>> -> memref<1x128xi32, #tpu.memory_space<vmem>>
          %dma_wait3A_603 = tpu.memref_squeeze %dma_wait3A_602 : memref<1x128xi32, #tpu.memory_space<vmem>> -> memref<128xi32, #tpu.memory_space<vmem>>
          %dma_wait3A_604 = arith.constant 0 : i32
          %dma_wait3A_605 = arith.constant 0 : i32
          %dma_wait3A_606 = tpu.memref_slice %arg10[%dma_wait3A_604, %dma_wait3A_605] : memref<30016x64xf32, #tpu.memory_space<vmem_shared>> -> memref<30016x64xf32, #tpu.memory_space<vmem_shared>>
          tpu.wait_indirect_dma semaphore(%run_scoped3A_594 : memref<!tpu.dma_semaphore, #tpu.memory_space<semaphore_mem>>) src(%arg15 : memref<128x64xf32, #tpu.memory_space<vmem>>) dst(%dma_wait3A_606 : memref<30016x64xf32, #tpu.memory_space<vmem_shared>>)
          tpu.yield
        }) : () -> ()
      }
      %while3A_81 = arith.constant 1 : i32
      scf.for %while3A_93 = %while3A_79 to %while3A_75 step %while3A_81  : i32 {
        %mul3A_94 = arith.constant 512 : i32
        %mul3A_95 = arith.muli %while3A_93, %mul3A_94 : i32
        %dma_start3A = tpu.memref_slice %arg7[%mul3A_95] : memref<320000xi32, #tpu.memory_space<hbm>> -> memref<512xi32, #tpu.memory_space<hbm>>
        %dma_start3A_96 = tpu.memref_slice %arg7[%mul3A_95] : memref<320000xi32, #tpu.memory_space<hbm>> -> memref<512xi32, #tpu.memory_space<hbm>>
        tpu.enqueue_dma source(%dma_start3A_96 : memref<512xi32, #tpu.memory_space<hbm>>) target(%arg11 : memref<512xi32, #tpu.memory_space<vmem>>) target_semaphore(%arg16 : memref<!tpu.dma_semaphore, #tpu.memory_space<semaphore_mem>>)
        %dma_start3A_97 = tpu.memref_slice %arg6[%mul3A_95] : memref<320000xi32, #tpu.memory_space<hbm>> -> memref<512xi32, #tpu.memory_space<hbm>>
        %dma_start3A_98 = tpu.memref_slice %arg6[%mul3A_95] : memref<320000xi32, #tpu.memory_space<hbm>> -> memref<512xi32, #tpu.memory_space<hbm>>
        tpu.enqueue_dma source(%dma_start3A_98 : memref<512xi32, #tpu.memory_space<hbm>>) target(%arg12 : memref<512xi32, #tpu.memory_space<vmem>>) target_semaphore(%arg16 : memref<!tpu.dma_semaphore, #tpu.memory_space<semaphore_mem>>)
        %dma_start3A_99 = tpu.memref_slice %arg5[%mul3A_95] : memref<320000xi32, #tpu.memory_space<hbm>> -> memref<512xi32, #tpu.memory_space<hbm>>
        %dma_start3A_100 = tpu.memref_slice %arg5[%mul3A_95] : memref<320000xi32, #tpu.memory_space<hbm>> -> memref<512xi32, #tpu.memory_space<hbm>>
        tpu.enqueue_dma source(%dma_start3A_100 : memref<512xi32, #tpu.memory_space<hbm>>) target(%arg13 : memref<512xi32, #tpu.memory_space<vmem>>) target_semaphore(%arg16 : memref<!tpu.dma_semaphore, #tpu.memory_space<semaphore_mem>>)
        %dma_wait3A = tpu.memref_slice %arg7[%mul3A_95] : memref<320000xi32, #tpu.memory_space<hbm>> -> memref<512xi32, #tpu.memory_space<hbm>>
        %dma_wait3A_101 = tpu.memref_slice %arg7[%mul3A_95] : memref<320000xi32, #tpu.memory_space<hbm>> -> memref<512xi32, #tpu.memory_space<hbm>>
        tpu.wait_dma2 semaphore(%arg16 : memref<!tpu.dma_semaphore, #tpu.memory_space<semaphore_mem>>) src(%dma_wait3A_101 : memref<512xi32, #tpu.memory_space<hbm>>) dst(%arg11 : memref<512xi32, #tpu.memory_space<vmem>>)
        %dma_wait3A_102 = tpu.memref_slice %arg6[%mul3A_95] : memref<320000xi32, #tpu.memory_space<hbm>> -> memref<512xi32, #tpu.memory_space<hbm>>
        %dma_wait3A_103 = tpu.memref_slice %arg6[%mul3A_95] : memref<320000xi32, #tpu.memory_space<hbm>> -> memref<512xi32, #tpu.memory_space<hbm>>
        tpu.wait_dma2 semaphore(%arg16 : memref<!tpu.dma_semaphore, #tpu.memory_space<semaphore_mem>>) src(%dma_wait3A_103 : memref<512xi32, #tpu.memory_space<hbm>>) dst(%arg12 : memref<512xi32, #tpu.memory_space<vmem>>)
        %dma_wait3A_104 = tpu.memref_slice %arg5[%mul3A_95] : memref<320000xi32, #tpu.memory_space<hbm>> -> memref<512xi32, #tpu.memory_space<hbm>>
        %dma_wait3A_105 = tpu.memref_slice %arg5[%mul3A_95] : memref<320000xi32, #tpu.memory_space<hbm>> -> memref<512xi32, #tpu.memory_space<hbm>>
        tpu.wait_dma2 semaphore(%arg16 : memref<!tpu.dma_semaphore, #tpu.memory_space<semaphore_mem>>) src(%dma_wait3A_105 : memref<512xi32, #tpu.memory_space<hbm>>) dst(%arg13 : memref<512xi32, #tpu.memory_space<vmem>>)
        %get3A = arith.constant 0 : index
        %get3A_106 = tpu.vector_load %arg12[%get3A] {strides = array<i32>} : memref<512xi32, #tpu.memory_space<vmem>>, vector<16xi32>,
        %get3A_107 = arith.constant 0 : index
        %get3A_108 = tpu.vector_load %arg13[%get3A_107] {strides = array<i32>} : memref<512xi32, #tpu.memory_space<vmem>>, vector<16xi32>,
        %eq3A_109 = arith.constant 2 : i32
        %eq3A_110 = vector.broadcast %eq3A_109 : i32 to vector<16xi32>
        %eq3A_111 = arith.cmpi eq, %get3A_106, %eq3A_110 : vector<16xi32>
        %jit3A_112 = arith.constant 10000 : i32
        %broadcast_in_dim3A = vector.broadcast %jit3A_112 : i32 to vector<16xi32>
        %select_n3A_113 = arith.select %eq3A_111, %get3A_108, %broadcast_in_dim3A : vector<16xi1>, vector<16xi32>
        %swap3A = arith.constant 0 : i32
        %swap3A_114 = arith.index_cast %swap3A : i32 to index
        %swap3A_115 = arith.constant 0 : index
        %swap3A_116 = tpu.vector_load %arg14[%swap3A_114, %swap3A_115] {strides = array<i32>} : memref<4x128xi32, #tpu.memory_space<vmem>>, vector<16xi32>,
        tpu.vector_store %arg14[%swap3A_114, %swap3A_115], %select_n3A_113 {strides = array<i32>} : memref<4x128xi32, #tpu.memory_space<vmem>>, vector<16xi32>,
        %get3A_117 = arith.constant 16 : index
        %get3A_118 = tpu.vector_load %arg12[%get3A_117] {strides = array<i32>} : memref<512xi32, #tpu.memory_space<vmem>>, vector<16xi32>,
        %get3A_119 = arith.constant 16 : index
        %get3A_120 = tpu.vector_load %arg13[%get3A_119] {strides = array<i32>} : memref<512xi32, #tpu.memory_space<vmem>>, vector<16xi32>,
        %eq3A_121 = arith.constant 2 : i32
        %eq3A_122 = vector.broadcast %eq3A_121 : i32 to vector<16xi32>
        %eq3A_123 = arith.cmpi eq, %get3A_118, %eq3A_122 : vector<16xi32>
        %jit3A_124 = arith.constant 10000 : i32
        %broadcast_in_dim3A_125 = vector.broadcast %jit3A_124 : i32 to vector<16xi32>
        %select_n3A_126 = arith.select %eq3A_123, %get3A_120, %broadcast_in_dim3A_125 : vector<16xi1>, vector<16xi32>
        %swap3A_127 = arith.constant 0 : i32
        %swap3A_128 = arith.index_cast %swap3A_127 : i32 to index
        %swap3A_129 = arith.constant 16 : index
        %swap3A_130 = tpu.vector_load %arg14[%swap3A_128, %swap3A_129] {strides = array<i32>} : memref<4x128xi32, #tpu.memory_space<vmem>>, vector<16xi32>,
        tpu.vector_store %arg14[%swap3A_128, %swap3A_129], %select_n3A_126 {strides = array<i32>} : memref<4x128xi32, #tpu.memory_space<vmem>>, vector<16xi32>,
        %get3A_131 = arith.constant 32 : index
        %get3A_132 = tpu.vector_load %arg12[%get3A_131] {strides = array<i32>} : memref<512xi32, #tpu.memory_space<vmem>>, vector<16xi32>,
        %get3A_133 = arith.constant 32 : index
        %get3A_134 = tpu.vector_load %arg13[%get3A_133] {strides = array<i32>} : memref<512xi32, #tpu.memory_space<vmem>>, vector<16xi32>,
        %eq3A_135 = arith.constant 2 : i32
        %eq3A_136 = vector.broadcast %eq3A_135 : i32 to vector<16xi32>
        %eq3A_137 = arith.cmpi eq, %get3A_132, %eq3A_136 : vector<16xi32>
        %jit3A_138 = arith.constant 10000 : i32
        %broadcast_in_dim3A_139 = vector.broadcast %jit3A_138 : i32 to vector<16xi32>
        %select_n3A_140 = arith.select %eq3A_137, %get3A_134, %broadcast_in_dim3A_139 : vector<16xi1>, vector<16xi32>
        %swap3A_141 = arith.constant 0 : i32
        %swap3A_142 = arith.index_cast %swap3A_141 : i32 to index
        %swap3A_143 = arith.constant 32 : index
        %swap3A_144 = tpu.vector_load %arg14[%swap3A_142, %swap3A_143] {strides = array<i32>} : memref<4x128xi32, #tpu.memory_space<vmem>>, vector<16xi32>,
        tpu.vector_store %arg14[%swap3A_142, %swap3A_143], %select_n3A_140 {strides = array<i32>} : memref<4x128xi32, #tpu.memory_space<vmem>>, vector<16xi32>,
        %get3A_145 = arith.constant 48 : index
        %get3A_146 = tpu.vector_load %arg12[%get3A_145] {strides = array<i32>} : memref<512xi32, #tpu.memory_space<vmem>>, vector<16xi32>,
        %get3A_147 = arith.constant 48 : index
        %get3A_148 = tpu.vector_load %arg13[%get3A_147] {strides = array<i32>} : memref<512xi32, #tpu.memory_space<vmem>>, vector<16xi32>,
        %eq3A_149 = arith.constant 2 : i32
        %eq3A_150 = vector.broadcast %eq3A_149 : i32 to vector<16xi32>
        %eq3A_151 = arith.cmpi eq, %get3A_146, %eq3A_150 : vector<16xi32>
        %jit3A_152 = arith.constant 10000 : i32
        %broadcast_in_dim3A_153 = vector.broadcast %jit3A_152 : i32 to vector<16xi32>
        %select_n3A_154 = arith.select %eq3A_151, %get3A_148, %broadcast_in_dim3A_153 : vector<16xi1>, vector<16xi32>
        %swap3A_155 = arith.constant 0 : i32
        %swap3A_156 = arith.index_cast %swap3A_155 : i32 to index
        %swap3A_157 = arith.constant 48 : index
        %swap3A_158 = tpu.vector_load %arg14[%swap3A_156, %swap3A_157] {strides = array<i32>} : memref<4x128xi32, #tpu.memory_space<vmem>>, vector<16xi32>,
        tpu.vector_store %arg14[%swap3A_156, %swap3A_157], %select_n3A_154 {strides = array<i32>} : memref<4x128xi32, #tpu.memory_space<vmem>>, vector<16xi32>,
        %get3A_159 = arith.constant 64 : index
        %get3A_160 = tpu.vector_load %arg12[%get3A_159] {strides = array<i32>} : memref<512xi32, #tpu.memory_space<vmem>>, vector<16xi32>,
        %get3A_161 = arith.constant 64 : index
        %get3A_162 = tpu.vector_load %arg13[%get3A_161] {strides = array<i32>} : memref<512xi32, #tpu.memory_space<vmem>>, vector<16xi32>,
        %eq3A_163 = arith.constant 2 : i32
        %eq3A_164 = vector.broadcast %eq3A_163 : i32 to vector<16xi32>
        %eq3A_165 = arith.cmpi eq, %get3A_160, %eq3A_164 : vector<16xi32>
        %jit3A_166 = arith.constant 10000 : i32
        %broadcast_in_dim3A_167 = vector.broadcast %jit3A_166 : i32 to vector<16xi32>
        %select_n3A_168 = arith.select %eq3A_165, %get3A_162, %broadcast_in_dim3A_167 : vector<16xi1>, vector<16xi32>
        %swap3A_169 = arith.constant 0 : i32
        %swap3A_170 = arith.index_cast %swap3A_169 : i32 to index
        %swap3A_171 = arith.constant 64 : index
        %swap3A_172 = tpu.vector_load %arg14[%swap3A_170, %swap3A_171] {strides = array<i32>} : memref<4x128xi32, #tpu.memory_space<vmem>>, vector<16xi32>,
        tpu.vector_store %arg14[%swap3A_170, %swap3A_171], %select_n3A_168 {strides = array<i32>} : memref<4x128xi32, #tpu.memory_space<vmem>>, vector<16xi32>,
        %get3A_173 = arith.constant 80 : index
        %get3A_174 = tpu.vector_load %arg12[%get3A_173] {strides = array<i32>} : memref<512xi32, #tpu.memory_space<vmem>>, vector<16xi32>,
        %get3A_175 = arith.constant 80 : index
        %get3A_176 = tpu.vector_load %arg13[%get3A_175] {strides = array<i32>} : memref<512xi32, #tpu.memory_space<vmem>>, vector<16xi32>,
        %eq3A_177 = arith.constant 2 : i32
        %eq3A_178 = vector.broadcast %eq3A_177 : i32 to vector<16xi32>
        %eq3A_179 = arith.cmpi eq, %get3A_174, %eq3A_178 : vector<16xi32>
        %jit3A_180 = arith.constant 10000 : i32
        %broadcast_in_dim3A_181 = vector.broadcast %jit3A_180 : i32 to vector<16xi32>
        %select_n3A_182 = arith.select %eq3A_179, %get3A_176, %broadcast_in_dim3A_181 : vector<16xi1>, vector<16xi32>
        %swap3A_183 = arith.constant 0 : i32
        %swap3A_184 = arith.index_cast %swap3A_183 : i32 to index
        %swap3A_185 = arith.constant 80 : index
        %swap3A_186 = tpu.vector_load %arg14[%swap3A_184, %swap3A_185] {strides = array<i32>} : memref<4x128xi32, #tpu.memory_space<vmem>>, vector<16xi32>,
        tpu.vector_store %arg14[%swap3A_184, %swap3A_185], %select_n3A_182 {strides = array<i32>} : memref<4x128xi32, #tpu.memory_space<vmem>>, vector<16xi32>,
        %get3A_187 = arith.constant 96 : index
        %get3A_188 = tpu.vector_load %arg12[%get3A_187] {strides = array<i32>} : memref<512xi32, #tpu.memory_space<vmem>>, vector<16xi32>,
        %get3A_189 = arith.constant 96 : index
        %get3A_190 = tpu.vector_load %arg13[%get3A_189] {strides = array<i32>} : memref<512xi32, #tpu.memory_space<vmem>>, vector<16xi32>,
        %eq3A_191 = arith.constant 2 : i32
        %eq3A_192 = vector.broadcast %eq3A_191 : i32 to vector<16xi32>
        %eq3A_193 = arith.cmpi eq, %get3A_188, %eq3A_192 : vector<16xi32>
        %jit3A_194 = arith.constant 10000 : i32
        %broadcast_in_dim3A_195 = vector.broadcast %jit3A_194 : i32 to vector<16xi32>
        %select_n3A_196 = arith.select %eq3A_193, %get3A_190, %broadcast_in_dim3A_195 : vector<16xi1>, vector<16xi32>
        %swap3A_197 = arith.constant 0 : i32
        %swap3A_198 = arith.index_cast %swap3A_197 : i32 to index
        %swap3A_199 = arith.constant 96 : index
        %swap3A_200 = tpu.vector_load %arg14[%swap3A_198, %swap3A_199] {strides = array<i32>} : memref<4x128xi32, #tpu.memory_space<vmem>>, vector<16xi32>,
        tpu.vector_store %arg14[%swap3A_198, %swap3A_199], %select_n3A_196 {strides = array<i32>} : memref<4x128xi32, #tpu.memory_space<vmem>>, vector<16xi32>,
        %get3A_201 = arith.constant 112 : index
        %get3A_202 = tpu.vector_load %arg12[%get3A_201] {strides = array<i32>} : memref<512xi32, #tpu.memory_space<vmem>>, vector<16xi32>,
        %get3A_203 = arith.constant 112 : index
        %get3A_204 = tpu.vector_load %arg13[%get3A_203] {strides = array<i32>} : memref<512xi32, #tpu.memory_space<vmem>>, vector<16xi32>,
        %eq3A_205 = arith.constant 2 : i32
        %eq3A_206 = vector.broadcast %eq3A_205 : i32 to vector<16xi32>
        %eq3A_207 = arith.cmpi eq, %get3A_202, %eq3A_206 : vector<16xi32>
        %jit3A_208 = arith.constant 10000 : i32
        %broadcast_in_dim3A_209 = vector.broadcast %jit3A_208 : i32 to vector<16xi32>
        %select_n3A_210 = arith.select %eq3A_207, %get3A_204, %broadcast_in_dim3A_209 : vector<16xi1>, vector<16xi32>
        %swap3A_211 = arith.constant 0 : i32
        %swap3A_212 = arith.index_cast %swap3A_211 : i32 to index
        %swap3A_213 = arith.constant 112 : index
        %swap3A_214 = tpu.vector_load %arg14[%swap3A_212, %swap3A_213] {strides = array<i32>} : memref<4x128xi32, #tpu.memory_space<vmem>>, vector<16xi32>,
        tpu.vector_store %arg14[%swap3A_212, %swap3A_213], %select_n3A_210 {strides = array<i32>} : memref<4x128xi32, #tpu.memory_space<vmem>>, vector<16xi32>,
        %get3A_215 = arith.constant 128 : index
        %get3A_216 = tpu.vector_load %arg12[%get3A_215] {strides = array<i32>} : memref<512xi32, #tpu.memory_space<vmem>>, vector<16xi32>,
        %get3A_217 = arith.constant 128 : index
        %get3A_218 = tpu.vector_load %arg13[%get3A_217] {strides = array<i32>} : memref<512xi32, #tpu.memory_space<vmem>>, vector<16xi32>,
        %eq3A_219 = arith.constant 2 : i32
        %eq3A_220 = vector.broadcast %eq3A_219 : i32 to vector<16xi32>
        %eq3A_221 = arith.cmpi eq, %get3A_216, %eq3A_220 : vector<16xi32>
        %jit3A_222 = arith.constant 10000 : i32
        %broadcast_in_dim3A_223 = vector.broadcast %jit3A_222 : i32 to vector<16xi32>
        %select_n3A_224 = arith.select %eq3A_221, %get3A_218, %broadcast_in_dim3A_223 : vector<16xi1>, vector<16xi32>
        %swap3A_225 = arith.constant 1 : i32
        %swap3A_226 = arith.index_cast %swap3A_225 : i32 to index
        %swap3A_227 = arith.constant 0 : index
        %swap3A_228 = tpu.vector_load %arg14[%swap3A_226, %swap3A_227] {strides = array<i32>} : memref<4x128xi32, #tpu.memory_space<vmem>>, vector<16xi32>,
        tpu.vector_store %arg14[%swap3A_226, %swap3A_227], %select_n3A_224 {strides = array<i32>} : memref<4x128xi32, #tpu.memory_space<vmem>>, vector<16xi32>,
        %get3A_229 = arith.constant 144 : index
        %get3A_230 = tpu.vector_load %arg12[%get3A_229] {strides = array<i32>} : memref<512xi32, #tpu.memory_space<vmem>>, vector<16xi32>,
        %get3A_231 = arith.constant 144 : index
        %get3A_232 = tpu.vector_load %arg13[%get3A_231] {strides = array<i32>} : memref<512xi32, #tpu.memory_space<vmem>>, vector<16xi32>,
        %eq3A_233 = arith.constant 2 : i32
        %eq3A_234 = vector.broadcast %eq3A_233 : i32 to vector<16xi32>
        %eq3A_235 = arith.cmpi eq, %get3A_230, %eq3A_234 : vector<16xi32>
        %jit3A_236 = arith.constant 10000 : i32
        %broadcast_in_dim3A_237 = vector.broadcast %jit3A_236 : i32 to vector<16xi32>
        %select_n3A_238 = arith.select %eq3A_235, %get3A_232, %broadcast_in_dim3A_237 : vector<16xi1>, vector<16xi32>
        %swap3A_239 = arith.constant 1 : i32
        %swap3A_240 = arith.index_cast %swap3A_239 : i32 to index
        %swap3A_241 = arith.constant 16 : index
        %swap3A_242 = tpu.vector_load %arg14[%swap3A_240, %swap3A_241] {strides = array<i32>} : memref<4x128xi32, #tpu.memory_space<vmem>>, vector<16xi32>,
        tpu.vector_store %arg14[%swap3A_240, %swap3A_241], %select_n3A_238 {strides = array<i32>} : memref<4x128xi32, #tpu.memory_space<vmem>>, vector<16xi32>,
        %get3A_243 = arith.constant 160 : index
        %get3A_244 = tpu.vector_load %arg12[%get3A_243] {strides = array<i32>} : memref<512xi32, #tpu.memory_space<vmem>>, vector<16xi32>,
        %get3A_245 = arith.constant 160 : index
        %get3A_246 = tpu.vector_load %arg13[%get3A_245] {strides = array<i32>} : memref<512xi32, #tpu.memory_space<vmem>>, vector<16xi32>,
        %eq3A_247 = arith.constant 2 : i32
        %eq3A_248 = vector.broadcast %eq3A_247 : i32 to vector<16xi32>
        %eq3A_249 = arith.cmpi eq, %get3A_244, %eq3A_248 : vector<16xi32>
        %jit3A_250 = arith.constant 10000 : i32
        %broadcast_in_dim3A_251 = vector.broadcast %jit3A_250 : i32 to vector<16xi32>
        %select_n3A_252 = arith.select %eq3A_249, %get3A_246, %broadcast_in_dim3A_251 : vector<16xi1>, vector<16xi32>
        %swap3A_253 = arith.constant 1 : i32
        %swap3A_254 = arith.index_cast %swap3A_253 : i32 to index
        %swap3A_255 = arith.constant 32 : index
        %swap3A_256 = tpu.vector_load %arg14[%swap3A_254, %swap3A_255] {strides = array<i32>} : memref<4x128xi32, #tpu.memory_space<vmem>>, vector<16xi32>,
        tpu.vector_store %arg14[%swap3A_254, %swap3A_255], %select_n3A_252 {strides = array<i32>} : memref<4x128xi32, #tpu.memory_space<vmem>>, vector<16xi32>,
        %get3A_257 = arith.constant 176 : index
        %get3A_258 = tpu.vector_load %arg12[%get3A_257] {strides = array<i32>} : memref<512xi32, #tpu.memory_space<vmem>>, vector<16xi32>,
        %get3A_259 = arith.constant 176 : index
        %get3A_260 = tpu.vector_load %arg13[%get3A_259] {strides = array<i32>} : memref<512xi32, #tpu.memory_space<vmem>>, vector<16xi32>,
        %eq3A_261 = arith.constant 2 : i32
        %eq3A_262 = vector.broadcast %eq3A_261 : i32 to vector<16xi32>
        %eq3A_263 = arith.cmpi eq, %get3A_258, %eq3A_262 : vector<16xi32>
        %jit3A_264 = arith.constant 10000 : i32
        %broadcast_in_dim3A_265 = vector.broadcast %jit3A_264 : i32 to vector<16xi32>
        %select_n3A_266 = arith.select %eq3A_263, %get3A_260, %broadcast_in_dim3A_265 : vector<16xi1>, vector<16xi32>
        %swap3A_267 = arith.constant 1 : i32
        %swap3A_268 = arith.index_cast %swap3A_267 : i32 to index
        %swap3A_269 = arith.constant 48 : index
        %swap3A_270 = tpu.vector_load %arg14[%swap3A_268, %swap3A_269] {strides = array<i32>} : memref<4x128xi32, #tpu.memory_space<vmem>>, vector<16xi32>,
        tpu.vector_store %arg14[%swap3A_268, %swap3A_269], %select_n3A_266 {strides = array<i32>} : memref<4x128xi32, #tpu.memory_space<vmem>>, vector<16xi32>,
        %get3A_271 = arith.constant 192 : index
        %get3A_272 = tpu.vector_load %arg12[%get3A_271] {strides = array<i32>} : memref<512xi32, #tpu.memory_space<vmem>>, vector<16xi32>,
        %get3A_273 = arith.constant 192 : index
        %get3A_274 = tpu.vector_load %arg13[%get3A_273] {strides = array<i32>} : memref<512xi32, #tpu.memory_space<vmem>>, vector<16xi32>,
        %eq3A_275 = arith.constant 2 : i32
        %eq3A_276 = vector.broadcast %eq3A_275 : i32 to vector<16xi32>
        %eq3A_277 = arith.cmpi eq, %get3A_272, %eq3A_276 : vector<16xi32>
        %jit3A_278 = arith.constant 10000 : i32
        %broadcast_in_dim3A_279 = vector.broadcast %jit3A_278 : i32 to vector<16xi32>
        %select_n3A_280 = arith.select %eq3A_277, %get3A_274, %broadcast_in_dim3A_279 : vector<16xi1>, vector<16xi32>
        %swap3A_281 = arith.constant 1 : i32
        %swap3A_282 = arith.index_cast %swap3A_281 : i32 to index
        %swap3A_283 = arith.constant 64 : index
        %swap3A_284 = tpu.vector_load %arg14[%swap3A_282, %swap3A_283] {strides = array<i32>} : memref<4x128xi32, #tpu.memory_space<vmem>>, vector<16xi32>,
        tpu.vector_store %arg14[%swap3A_282, %swap3A_283], %select_n3A_280 {strides = array<i32>} : memref<4x128xi32, #tpu.memory_space<vmem>>, vector<16xi32>,
        %get3A_285 = arith.constant 208 : index
        %get3A_286 = tpu.vector_load %arg12[%get3A_285] {strides = array<i32>} : memref<512xi32, #tpu.memory_space<vmem>>, vector<16xi32>,
        %get3A_287 = arith.constant 208 : index
        %get3A_288 = tpu.vector_load %arg13[%get3A_287] {strides = array<i32>} : memref<512xi32, #tpu.memory_space<vmem>>, vector<16xi32>,
        %eq3A_289 = arith.constant 2 : i32
        %eq3A_290 = vector.broadcast %eq3A_289 : i32 to vector<16xi32>
        %eq3A_291 = arith.cmpi eq, %get3A_286, %eq3A_290 : vector<16xi32>
        %jit3A_292 = arith.constant 10000 : i32
        %broadcast_in_dim3A_293 = vector.broadcast %jit3A_292 : i32 to vector<16xi32>
        %select_n3A_294 = arith.select %eq3A_291, %get3A_288, %broadcast_in_dim3A_293 : vector<16xi1>, vector<16xi32>
        %swap3A_295 = arith.constant 1 : i32
        %swap3A_296 = arith.index_cast %swap3A_295 : i32 to index
        %swap3A_297 = arith.constant 80 : index
        %swap3A_298 = tpu.vector_load %arg14[%swap3A_296, %swap3A_297] {strides = array<i32>} : memref<4x128xi32, #tpu.memory_space<vmem>>, vector<16xi32>,
        tpu.vector_store %arg14[%swap3A_296, %swap3A_297], %select_n3A_294 {strides = array<i32>} : memref<4x128xi32, #tpu.memory_space<vmem>>, vector<16xi32>,
        %get3A_299 = arith.constant 224 : index
        %get3A_300 = tpu.vector_load %arg12[%get3A_299] {strides = array<i32>} : memref<512xi32, #tpu.memory_space<vmem>>, vector<16xi32>,
        %get3A_301 = arith.constant 224 : index
        %get3A_302 = tpu.vector_load %arg13[%get3A_301] {strides = array<i32>} : memref<512xi32, #tpu.memory_space<vmem>>, vector<16xi32>,
        %eq3A_303 = arith.constant 2 : i32
        %eq3A_304 = vector.broadcast %eq3A_303 : i32 to vector<16xi32>
        %eq3A_305 = arith.cmpi eq, %get3A_300, %eq3A_304 : vector<16xi32>
        %jit3A_306 = arith.constant 10000 : i32
        %broadcast_in_dim3A_307 = vector.broadcast %jit3A_306 : i32 to vector<16xi32>
        %select_n3A_308 = arith.select %eq3A_305, %get3A_302, %broadcast_in_dim3A_307 : vector<16xi1>, vector<16xi32>
        %swap3A_309 = arith.constant 1 : i32
        %swap3A_310 = arith.index_cast %swap3A_309 : i32 to index
        %swap3A_311 = arith.constant 96 : index
        %swap3A_312 = tpu.vector_load %arg14[%swap3A_310, %swap3A_311] {strides = array<i32>} : memref<4x128xi32, #tpu.memory_space<vmem>>, vector<16xi32>,
        tpu.vector_store %arg14[%swap3A_310, %swap3A_311], %select_n3A_308 {strides = array<i32>} : memref<4x128xi32, #tpu.memory_space<vmem>>, vector<16xi32>,
        %get3A_313 = arith.constant 240 : index
        %get3A_314 = tpu.vector_load %arg12[%get3A_313] {strides = array<i32>} : memref<512xi32, #tpu.memory_space<vmem>>, vector<16xi32>,
        %get3A_315 = arith.constant 240 : index
        %get3A_316 = tpu.vector_load %arg13[%get3A_315] {strides = array<i32>} : memref<512xi32, #tpu.memory_space<vmem>>, vector<16xi32>,
        %eq3A_317 = arith.constant 2 : i32
        %eq3A_318 = vector.broadcast %eq3A_317 : i32 to vector<16xi32>
        %eq3A_319 = arith.cmpi eq, %get3A_314, %eq3A_318 : vector<16xi32>
        %jit3A_320 = arith.constant 10000 : i32
        %broadcast_in_dim3A_321 = vector.broadcast %jit3A_320 : i32 to vector<16xi32>
        %select_n3A_322 = arith.select %eq3A_319, %get3A_316, %broadcast_in_dim3A_321 : vector<16xi1>, vector<16xi32>
        %swap3A_323 = arith.constant 1 : i32
        %swap3A_324 = arith.index_cast %swap3A_323 : i32 to index
        %swap3A_325 = arith.constant 112 : index
        %swap3A_326 = tpu.vector_load %arg14[%swap3A_324, %swap3A_325] {strides = array<i32>} : memref<4x128xi32, #tpu.memory_space<vmem>>, vector<16xi32>,
        tpu.vector_store %arg14[%swap3A_324, %swap3A_325], %select_n3A_322 {strides = array<i32>} : memref<4x128xi32, #tpu.memory_space<vmem>>, vector<16xi32>,
        %get3A_327 = arith.constant 256 : index
        %get3A_328 = tpu.vector_load %arg12[%get3A_327] {strides = array<i32>} : memref<512xi32, #tpu.memory_space<vmem>>, vector<16xi32>,
        %get3A_329 = arith.constant 256 : index
        %get3A_330 = tpu.vector_load %arg13[%get3A_329] {strides = array<i32>} : memref<512xi32, #tpu.memory_space<vmem>>, vector<16xi32>,
        %eq3A_331 = arith.constant 2 : i32
        %eq3A_332 = vector.broadcast %eq3A_331 : i32 to vector<16xi32>
        %eq3A_333 = arith.cmpi eq, %get3A_328, %eq3A_332 : vector<16xi32>
        %jit3A_334 = arith.constant 10000 : i32
        %broadcast_in_dim3A_335 = vector.broadcast %jit3A_334 : i32 to vector<16xi32>
        %select_n3A_336 = arith.select %eq3A_333, %get3A_330, %broadcast_in_dim3A_335 : vector<16xi1>, vector<16xi32>
        %swap3A_337 = arith.constant 2 : i32
        %swap3A_338 = arith.index_cast %swap3A_337 : i32 to index
        %swap3A_339 = arith.constant 0 : index
        %swap3A_340 = tpu.vector_load %arg14[%swap3A_338, %swap3A_339] {strides = array<i32>} : memref<4x128xi32, #tpu.memory_space<vmem>>, vector<16xi32>,
        tpu.vector_store %arg14[%swap3A_338, %swap3A_339], %select_n3A_336 {strides = array<i32>} : memref<4x128xi32, #tpu.memory_space<vmem>>, vector<16xi32>,
        %get3A_341 = arith.constant 272 : index
        %get3A_342 = tpu.vector_load %arg12[%get3A_341] {strides = array<i32>} : memref<512xi32, #tpu.memory_space<vmem>>, vector<16xi32>,
        %get3A_343 = arith.constant 272 : index
        %get3A_344 = tpu.vector_load %arg13[%get3A_343] {strides = array<i32>} : memref<512xi32, #tpu.memory_space<vmem>>, vector<16xi32>,
        %eq3A_345 = arith.constant 2 : i32
        %eq3A_346 = vector.broadcast %eq3A_345 : i32 to vector<16xi32>
        %eq3A_347 = arith.cmpi eq, %get3A_342, %eq3A_346 : vector<16xi32>
        %jit3A_348 = arith.constant 10000 : i32
        %broadcast_in_dim3A_349 = vector.broadcast %jit3A_348 : i32 to vector<16xi32>
        %select_n3A_350 = arith.select %eq3A_347, %get3A_344, %broadcast_in_dim3A_349 : vector<16xi1>, vector<16xi32>
        %swap3A_351 = arith.constant 2 : i32
        %swap3A_352 = arith.index_cast %swap3A_351 : i32 to index
        %swap3A_353 = arith.constant 16 : index
        %swap3A_354 = tpu.vector_load %arg14[%swap3A_352, %swap3A_353] {strides = array<i32>} : memref<4x128xi32, #tpu.memory_space<vmem>>, vector<16xi32>,
        tpu.vector_store %arg14[%swap3A_352, %swap3A_353], %select_n3A_350 {strides = array<i32>} : memref<4x128xi32, #tpu.memory_space<vmem>>, vector<16xi32>,
        %get3A_355 = arith.constant 288 : index
        %get3A_356 = tpu.vector_load %arg12[%get3A_355] {strides = array<i32>} : memref<512xi32, #tpu.memory_space<vmem>>, vector<16xi32>,
        %get3A_357 = arith.constant 288 : index
        %get3A_358 = tpu.vector_load %arg13[%get3A_357] {strides = array<i32>} : memref<512xi32, #tpu.memory_space<vmem>>, vector<16xi32>,
        %eq3A_359 = arith.constant 2 : i32
        %eq3A_360 = vector.broadcast %eq3A_359 : i32 to vector<16xi32>
        %eq3A_361 = arith.cmpi eq, %get3A_356, %eq3A_360 : vector<16xi32>
        %jit3A_362 = arith.constant 10000 : i32
        %broadcast_in_dim3A_363 = vector.broadcast %jit3A_362 : i32 to vector<16xi32>
        %select_n3A_364 = arith.select %eq3A_361, %get3A_358, %broadcast_in_dim3A_363 : vector<16xi1>, vector<16xi32>
        %swap3A_365 = arith.constant 2 : i32
        %swap3A_366 = arith.index_cast %swap3A_365 : i32 to index
        %swap3A_367 = arith.constant 32 : index
        %swap3A_368 = tpu.vector_load %arg14[%swap3A_366, %swap3A_367] {strides = array<i32>} : memref<4x128xi32, #tpu.memory_space<vmem>>, vector<16xi32>,
        tpu.vector_store %arg14[%swap3A_366, %swap3A_367], %select_n3A_364 {strides = array<i32>} : memref<4x128xi32, #tpu.memory_space<vmem>>, vector<16xi32>,
        %get3A_369 = arith.constant 304 : index
        %get3A_370 = tpu.vector_load %arg12[%get3A_369] {strides = array<i32>} : memref<512xi32, #tpu.memory_space<vmem>>, vector<16xi32>,
        %get3A_371 = arith.constant 304 : index
        %get3A_372 = tpu.vector_load %arg13[%get3A_371] {strides = array<i32>} : memref<512xi32, #tpu.memory_space<vmem>>, vector<16xi32>,
        %eq3A_373 = arith.constant 2 : i32
        %eq3A_374 = vector.broadcast %eq3A_373 : i32 to vector<16xi32>
        %eq3A_375 = arith.cmpi eq, %get3A_370, %eq3A_374 : vector<16xi32>
        %jit3A_376 = arith.constant 10000 : i32
        %broadcast_in_dim3A_377 = vector.broadcast %jit3A_376 : i32 to vector<16xi32>
        %select_n3A_378 = arith.select %eq3A_375, %get3A_372, %broadcast_in_dim3A_377 : vector<16xi1>, vector<16xi32>
        %swap3A_379 = arith.constant 2 : i32
        %swap3A_380 = arith.index_cast %swap3A_379 : i32 to index
        %swap3A_381 = arith.constant 48 : index
        %swap3A_382 = tpu.vector_load %arg14[%swap3A_380, %swap3A_381] {strides = array<i32>} : memref<4x128xi32, #tpu.memory_space<vmem>>, vector<16xi32>,
        tpu.vector_store %arg14[%swap3A_380, %swap3A_381], %select_n3A_378 {strides = array<i32>} : memref<4x128xi32, #tpu.memory_space<vmem>>, vector<16xi32>,
        %get3A_383 = arith.constant 320 : index
        %get3A_384 = tpu.vector_load %arg12[%get3A_383] {strides = array<i32>} : memref<512xi32, #tpu.memory_space<vmem>>, vector<16xi32>,
        %get3A_385 = arith.constant 320 : index
        %get3A_386 = tpu.vector_load %arg13[%get3A_385] {strides = array<i32>} : memref<512xi32, #tpu.memory_space<vmem>>, vector<16xi32>,
        %eq3A_387 = arith.constant 2 : i32
        %eq3A_388 = vector.broadcast %eq3A_387 : i32 to vector<16xi32>
        %eq3A_389 = arith.cmpi eq, %get3A_384, %eq3A_388 : vector<16xi32>
        %jit3A_390 = arith.constant 10000 : i32
        %broadcast_in_dim3A_391 = vector.broadcast %jit3A_390 : i32 to vector<16xi32>
        %select_n3A_392 = arith.select %eq3A_389, %get3A_386, %broadcast_in_dim3A_391 : vector<16xi1>, vector<16xi32>
        %swap3A_393 = arith.constant 2 : i32
        %swap3A_394 = arith.index_cast %swap3A_393 : i32 to index
        %swap3A_395 = arith.constant 64 : index
        %swap3A_396 = tpu.vector_load %arg14[%swap3A_394, %swap3A_395] {strides = array<i32>} : memref<4x128xi32, #tpu.memory_space<vmem>>, vector<16xi32>,
        tpu.vector_store %arg14[%swap3A_394, %swap3A_395], %select_n3A_392 {strides = array<i32>} : memref<4x128xi32, #tpu.memory_space<vmem>>, vector<16xi32>,
        %get3A_397 = arith.constant 336 : index
        %get3A_398 = tpu.vector_load %arg12[%get3A_397] {strides = array<i32>} : memref<512xi32, #tpu.memory_space<vmem>>, vector<16xi32>,
        %get3A_399 = arith.constant 336 : index
        %get3A_400 = tpu.vector_load %arg13[%get3A_399] {strides = array<i32>} : memref<512xi32, #tpu.memory_space<vmem>>, vector<16xi32>,
        %eq3A_401 = arith.constant 2 : i32
        %eq3A_402 = vector.broadcast %eq3A_401 : i32 to vector<16xi32>
        %eq3A_403 = arith.cmpi eq, %get3A_398, %eq3A_402 : vector<16xi32>
        %jit3A_404 = arith.constant 10000 : i32
        %broadcast_in_dim3A_405 = vector.broadcast %jit3A_404 : i32 to vector<16xi32>
        %select_n3A_406 = arith.select %eq3A_403, %get3A_400, %broadcast_in_dim3A_405 : vector<16xi1>, vector<16xi32>
        %swap3A_407 = arith.constant 2 : i32
        %swap3A_408 = arith.index_cast %swap3A_407 : i32 to index
        %swap3A_409 = arith.constant 80 : index
        %swap3A_410 = tpu.vector_load %arg14[%swap3A_408, %swap3A_409] {strides = array<i32>} : memref<4x128xi32, #tpu.memory_space<vmem>>, vector<16xi32>,
        tpu.vector_store %arg14[%swap3A_408, %swap3A_409], %select_n3A_406 {strides = array<i32>} : memref<4x128xi32, #tpu.memory_space<vmem>>, vector<16xi32>,
        %get3A_411 = arith.constant 352 : index
        %get3A_412 = tpu.vector_load %arg12[%get3A_411] {strides = array<i32>} : memref<512xi32, #tpu.memory_space<vmem>>, vector<16xi32>,
        %get3A_413 = arith.constant 352 : index
        %get3A_414 = tpu.vector_load %arg13[%get3A_413] {strides = array<i32>} : memref<512xi32, #tpu.memory_space<vmem>>, vector<16xi32>,
        %eq3A_415 = arith.constant 2 : i32
        %eq3A_416 = vector.broadcast %eq3A_415 : i32 to vector<16xi32>
        %eq3A_417 = arith.cmpi eq, %get3A_412, %eq3A_416 : vector<16xi32>
        %jit3A_418 = arith.constant 10000 : i32
        %broadcast_in_dim3A_419 = vector.broadcast %jit3A_418 : i32 to vector<16xi32>
        %select_n3A_420 = arith.select %eq3A_417, %get3A_414, %broadcast_in_dim3A_419 : vector<16xi1>, vector<16xi32>
        %swap3A_421 = arith.constant 2 : i32
        %swap3A_422 = arith.index_cast %swap3A_421 : i32 to index
        %swap3A_423 = arith.constant 96 : index
        %swap3A_424 = tpu.vector_load %arg14[%swap3A_422, %swap3A_423] {strides = array<i32>} : memref<4x128xi32, #tpu.memory_space<vmem>>, vector<16xi32>,
        tpu.vector_store %arg14[%swap3A_422, %swap3A_423], %select_n3A_420 {strides = array<i32>} : memref<4x128xi32, #tpu.memory_space<vmem>>, vector<16xi32>,
        %get3A_425 = arith.constant 368 : index
        %get3A_426 = tpu.vector_load %arg12[%get3A_425] {strides = array<i32>} : memref<512xi32, #tpu.memory_space<vmem>>, vector<16xi32>,
        %get3A_427 = arith.constant 368 : index
        %get3A_428 = tpu.vector_load %arg13[%get3A_427] {strides = array<i32>} : memref<512xi32, #tpu.memory_space<vmem>>, vector<16xi32>,
        %eq3A_429 = arith.constant 2 : i32
        %eq3A_430 = vector.broadcast %eq3A_429 : i32 to vector<16xi32>
        %eq3A_431 = arith.cmpi eq, %get3A_426, %eq3A_430 : vector<16xi32>
        %jit3A_432 = arith.constant 10000 : i32
        %broadcast_in_dim3A_433 = vector.broadcast %jit3A_432 : i32 to vector<16xi32>
        %select_n3A_434 = arith.select %eq3A_431, %get3A_428, %broadcast_in_dim3A_433 : vector<16xi1>, vector<16xi32>
        %swap3A_435 = arith.constant 2 : i32
        %swap3A_436 = arith.index_cast %swap3A_435 : i32 to index
        %swap3A_437 = arith.constant 112 : index
        %swap3A_438 = tpu.vector_load %arg14[%swap3A_436, %swap3A_437] {strides = array<i32>} : memref<4x128xi32, #tpu.memory_space<vmem>>, vector<16xi32>,
        tpu.vector_store %arg14[%swap3A_436, %swap3A_437], %select_n3A_434 {strides = array<i32>} : memref<4x128xi32, #tpu.memory_space<vmem>>, vector<16xi32>,
        %get3A_439 = arith.constant 384 : index
        %get3A_440 = tpu.vector_load %arg12[%get3A_439] {strides = array<i32>} : memref<512xi32, #tpu.memory_space<vmem>>, vector<16xi32>,
        %get3A_441 = arith.constant 384 : index
        %get3A_442 = tpu.vector_load %arg13[%get3A_441] {strides = array<i32>} : memref<512xi32, #tpu.memory_space<vmem>>, vector<16xi32>,
        %eq3A_443 = arith.constant 2 : i32
        %eq3A_444 = vector.broadcast %eq3A_443 : i32 to vector<16xi32>
        %eq3A_445 = arith.cmpi eq, %get3A_440, %eq3A_444 : vector<16xi32>
        %jit3A_446 = arith.constant 10000 : i32
        %broadcast_in_dim3A_447 = vector.broadcast %jit3A_446 : i32 to vector<16xi32>
        %select_n3A_448 = arith.select %eq3A_445, %get3A_442, %broadcast_in_dim3A_447 : vector<16xi1>, vector<16xi32>
        %swap3A_449 = arith.constant 3 : i32
        %swap3A_450 = arith.index_cast %swap3A_449 : i32 to index
        %swap3A_451 = arith.constant 0 : index
        %swap3A_452 = tpu.vector_load %arg14[%swap3A_450, %swap3A_451] {strides = array<i32>} : memref<4x128xi32, #tpu.memory_space<vmem>>, vector<16xi32>,
        tpu.vector_store %arg14[%swap3A_450, %swap3A_451], %select_n3A_448 {strides = array<i32>} : memref<4x128xi32, #tpu.memory_space<vmem>>, vector<16xi32>,
        %get3A_453 = arith.constant 400 : index
        %get3A_454 = tpu.vector_load %arg12[%get3A_453] {strides = array<i32>} : memref<512xi32, #tpu.memory_space<vmem>>, vector<16xi32>,
        %get3A_455 = arith.constant 400 : index
        %get3A_456 = tpu.vector_load %arg13[%get3A_455] {strides = array<i32>} : memref<512xi32, #tpu.memory_space<vmem>>, vector<16xi32>,
        %eq3A_457 = arith.constant 2 : i32
        %eq3A_458 = vector.broadcast %eq3A_457 : i32 to vector<16xi32>
        %eq3A_459 = arith.cmpi eq, %get3A_454, %eq3A_458 : vector<16xi32>
        %jit3A_460 = arith.constant 10000 : i32
        %broadcast_in_dim3A_461 = vector.broadcast %jit3A_460 : i32 to vector<16xi32>
        %select_n3A_462 = arith.select %eq3A_459, %get3A_456, %broadcast_in_dim3A_461 : vector<16xi1>, vector<16xi32>
        %swap3A_463 = arith.constant 3 : i32
        %swap3A_464 = arith.index_cast %swap3A_463 : i32 to index
        %swap3A_465 = arith.constant 16 : index
        %swap3A_466 = tpu.vector_load %arg14[%swap3A_464, %swap3A_465] {strides = array<i32>} : memref<4x128xi32, #tpu.memory_space<vmem>>, vector<16xi32>,
        tpu.vector_store %arg14[%swap3A_464, %swap3A_465], %select_n3A_462 {strides = array<i32>} : memref<4x128xi32, #tpu.memory_space<vmem>>, vector<16xi32>,
        %get3A_467 = arith.constant 416 : index
        %get3A_468 = tpu.vector_load %arg12[%get3A_467] {strides = array<i32>} : memref<512xi32, #tpu.memory_space<vmem>>, vector<16xi32>,
        %get3A_469 = arith.constant 416 : index
        %get3A_470 = tpu.vector_load %arg13[%get3A_469] {strides = array<i32>} : memref<512xi32, #tpu.memory_space<vmem>>, vector<16xi32>,
        %eq3A_471 = arith.constant 2 : i32
        %eq3A_472 = vector.broadcast %eq3A_471 : i32 to vector<16xi32>
        %eq3A_473 = arith.cmpi eq, %get3A_468, %eq3A_472 : vector<16xi32>
        %jit3A_474 = arith.constant 10000 : i32
        %broadcast_in_dim3A_475 = vector.broadcast %jit3A_474 : i32 to vector<16xi32>
        %select_n3A_476 = arith.select %eq3A_473, %get3A_470, %broadcast_in_dim3A_475 : vector<16xi1>, vector<16xi32>
        %swap3A_477 = arith.constant 3 : i32
        %swap3A_478 = arith.index_cast %swap3A_477 : i32 to index
        %swap3A_479 = arith.constant 32 : index
        %swap3A_480 = tpu.vector_load %arg14[%swap3A_478, %swap3A_479] {strides = array<i32>} : memref<4x128xi32, #tpu.memory_space<vmem>>, vector<16xi32>,
        tpu.vector_store %arg14[%swap3A_478, %swap3A_479], %select_n3A_476 {strides = array<i32>} : memref<4x128xi32, #tpu.memory_space<vmem>>, vector<16xi32>,
        %get3A_481 = arith.constant 432 : index
        %get3A_482 = tpu.vector_load %arg12[%get3A_481] {strides = array<i32>} : memref<512xi32, #tpu.memory_space<vmem>>, vector<16xi32>,
        %get3A_483 = arith.constant 432 : index
        %get3A_484 = tpu.vector_load %arg13[%get3A_483] {strides = array<i32>} : memref<512xi32, #tpu.memory_space<vmem>>, vector<16xi32>,
        %eq3A_485 = arith.constant 2 : i32
        %eq3A_486 = vector.broadcast %eq3A_485 : i32 to vector<16xi32>
        %eq3A_487 = arith.cmpi eq, %get3A_482, %eq3A_486 : vector<16xi32>
        %jit3A_488 = arith.constant 10000 : i32
        %broadcast_in_dim3A_489 = vector.broadcast %jit3A_488 : i32 to vector<16xi32>
        %select_n3A_490 = arith.select %eq3A_487, %get3A_484, %broadcast_in_dim3A_489 : vector<16xi1>, vector<16xi32>
        %swap3A_491 = arith.constant 3 : i32
        %swap3A_492 = arith.index_cast %swap3A_491 : i32 to index
        %swap3A_493 = arith.constant 48 : index
        %swap3A_494 = tpu.vector_load %arg14[%swap3A_492, %swap3A_493] {strides = array<i32>} : memref<4x128xi32, #tpu.memory_space<vmem>>, vector<16xi32>,
        tpu.vector_store %arg14[%swap3A_492, %swap3A_493], %select_n3A_490 {strides = array<i32>} : memref<4x128xi32, #tpu.memory_space<vmem>>, vector<16xi32>,
        %get3A_495 = arith.constant 448 : index
        %get3A_496 = tpu.vector_load %arg12[%get3A_495] {strides = array<i32>} : memref<512xi32, #tpu.memory_space<vmem>>, vector<16xi32>,
        %get3A_497 = arith.constant 448 : index
        %get3A_498 = tpu.vector_load %arg13[%get3A_497] {strides = array<i32>} : memref<512xi32, #tpu.memory_space<vmem>>, vector<16xi32>,
        %eq3A_499 = arith.constant 2 : i32
        %eq3A_500 = vector.broadcast %eq3A_499 : i32 to vector<16xi32>
        %eq3A_501 = arith.cmpi eq, %get3A_496, %eq3A_500 : vector<16xi32>
        %jit3A_502 = arith.constant 10000 : i32
        %broadcast_in_dim3A_503 = vector.broadcast %jit3A_502 : i32 to vector<16xi32>
        %select_n3A_504 = arith.select %eq3A_501, %get3A_498, %broadcast_in_dim3A_503 : vector<16xi1>, vector<16xi32>
        %swap3A_505 = arith.constant 3 : i32
        %swap3A_506 = arith.index_cast %swap3A_505 : i32 to index
        %swap3A_507 = arith.constant 64 : index
        %swap3A_508 = tpu.vector_load %arg14[%swap3A_506, %swap3A_507] {strides = array<i32>} : memref<4x128xi32, #tpu.memory_space<vmem>>, vector<16xi32>,
        tpu.vector_store %arg14[%swap3A_506, %swap3A_507], %select_n3A_504 {strides = array<i32>} : memref<4x128xi32, #tpu.memory_space<vmem>>, vector<16xi32>,
        %get3A_509 = arith.constant 464 : index
        %get3A_510 = tpu.vector_load %arg12[%get3A_509] {strides = array<i32>} : memref<512xi32, #tpu.memory_space<vmem>>, vector<16xi32>,
        %get3A_511 = arith.constant 464 : index
        %get3A_512 = tpu.vector_load %arg13[%get3A_511] {strides = array<i32>} : memref<512xi32, #tpu.memory_space<vmem>>, vector<16xi32>,
        %eq3A_513 = arith.constant 2 : i32
        %eq3A_514 = vector.broadcast %eq3A_513 : i32 to vector<16xi32>
        %eq3A_515 = arith.cmpi eq, %get3A_510, %eq3A_514 : vector<16xi32>
        %jit3A_516 = arith.constant 10000 : i32
        %broadcast_in_dim3A_517 = vector.broadcast %jit3A_516 : i32 to vector<16xi32>
        %select_n3A_518 = arith.select %eq3A_515, %get3A_512, %broadcast_in_dim3A_517 : vector<16xi1>, vector<16xi32>
        %swap3A_519 = arith.constant 3 : i32
        %swap3A_520 = arith.index_cast %swap3A_519 : i32 to index
        %swap3A_521 = arith.constant 80 : index
        %swap3A_522 = tpu.vector_load %arg14[%swap3A_520, %swap3A_521] {strides = array<i32>} : memref<4x128xi32, #tpu.memory_space<vmem>>, vector<16xi32>,
        tpu.vector_store %arg14[%swap3A_520, %swap3A_521], %select_n3A_518 {strides = array<i32>} : memref<4x128xi32, #tpu.memory_space<vmem>>, vector<16xi32>,
        %get3A_523 = arith.constant 480 : index
        %get3A_524 = tpu.vector_load %arg12[%get3A_523] {strides = array<i32>} : memref<512xi32, #tpu.memory_space<vmem>>, vector<16xi32>,
        %get3A_525 = arith.constant 480 : index
        %get3A_526 = tpu.vector_load %arg13[%get3A_525] {strides = array<i32>} : memref<512xi32, #tpu.memory_space<vmem>>, vector<16xi32>,
        %eq3A_527 = arith.constant 2 : i32
        %eq3A_528 = vector.broadcast %eq3A_527 : i32 to vector<16xi32>
        %eq3A_529 = arith.cmpi eq, %get3A_524, %eq3A_528 : vector<16xi32>
        %jit3A_530 = arith.constant 10000 : i32
        %broadcast_in_dim3A_531 = vector.broadcast %jit3A_530 : i32 to vector<16xi32>
        %select_n3A_532 = arith.select %eq3A_529, %get3A_526, %broadcast_in_dim3A_531 : vector<16xi1>, vector<16xi32>
        %swap3A_533 = arith.constant 3 : i32
        %swap3A_534 = arith.index_cast %swap3A_533 : i32 to index
        %swap3A_535 = arith.constant 96 : index
        %swap3A_536 = tpu.vector_load %arg14[%swap3A_534, %swap3A_535] {strides = array<i32>} : memref<4x128xi32, #tpu.memory_space<vmem>>, vector<16xi32>,
        tpu.vector_store %arg14[%swap3A_534, %swap3A_535], %select_n3A_532 {strides = array<i32>} : memref<4x128xi32, #tpu.memory_space<vmem>>, vector<16xi32>,
        %get3A_537 = arith.constant 496 : index
        %get3A_538 = tpu.vector_load %arg12[%get3A_537] {strides = array<i32>} : memref<512xi32, #tpu.memory_space<vmem>>, vector<16xi32>,
        %get3A_539 = arith.constant 496 : index
        %get3A_540 = tpu.vector_load %arg13[%get3A_539] {strides = array<i32>} : memref<512xi32, #tpu.memory_space<vmem>>, vector<16xi32>,
        %eq3A_541 = arith.constant 2 : i32
        %eq3A_542 = vector.broadcast %eq3A_541 : i32 to vector<16xi32>
        %eq3A_543 = arith.cmpi eq, %get3A_538, %eq3A_542 : vector<16xi32>
        %jit3A_544 = arith.constant 10000 : i32
        %broadcast_in_dim3A_545 = vector.broadcast %jit3A_544 : i32 to vector<16xi32>
        %select_n3A_546 = arith.select %eq3A_543, %get3A_540, %broadcast_in_dim3A_545 : vector<16xi1>, vector<16xi32>
        %swap3A_547 = arith.constant 3 : i32
        %swap3A_548 = arith.index_cast %swap3A_547 : i32 to index
        %swap3A_549 = arith.constant 112 : index
        %swap3A_550 = tpu.vector_load %arg14[%swap3A_548, %swap3A_549] {strides = array<i32>} : memref<4x128xi32, #tpu.memory_space<vmem>>, vector<16xi32>,
        tpu.vector_store %arg14[%swap3A_548, %swap3A_549], %select_n3A_546 {strides = array<i32>} : memref<4x128xi32, #tpu.memory_space<vmem>>, vector<16xi32>,
        %dma_start3A_551 = arith.constant 0 : i32
        %dma_start3A_552 = tpu.memref_slice %arg11[%dma_start3A_551] : memref<512xi32, #tpu.memory_space<vmem>> -> memref<128xi32, #tpu.memory_space<vmem>>
        %dma_start3A_553 = arith.constant 0 : i32
        %dma_start3A_554 = arith.constant 0 : i32
        %dma_start3A_555 = tpu.memref_slice %arg2[%dma_start3A_553, %dma_start3A_554] : memref<10000x64xf32, #tpu.memory_space<hbm>> -> memref<10000x64xf32, #tpu.memory_space<hbm>>
        tpu.enqueue_indirect_dma source(%dma_start3A_555 : memref<10000x64xf32, #tpu.memory_space<hbm>>) target(%arg15 : memref<128x64xf32, #tpu.memory_space<vmem>>) offsets(%dma_start3A_552 : memref<128xi32, #tpu.memory_space<vmem>>) semaphore(%arg17 : memref<!tpu.dma_semaphore, #tpu.memory_space<semaphore_mem>>)
        %dma_wait3A_556 = arith.constant 0 : i32
        %dma_wait3A_557 = tpu.memref_slice %arg11[%dma_wait3A_556] : memref<512xi32, #tpu.memory_space<vmem>> -> memref<128xi32, #tpu.memory_space<vmem>>
        %dma_wait3A_558 = arith.constant 0 : i32
        %dma_wait3A_559 = arith.constant 0 : i32
        %dma_wait3A_560 = tpu.memref_slice %arg2[%dma_wait3A_558, %dma_wait3A_559] : memref<10000x64xf32, #tpu.memory_space<hbm>> -> memref<10000x64xf32, #tpu.memory_space<hbm>>
        tpu.wait_indirect_dma semaphore(%arg17 : memref<!tpu.dma_semaphore, #tpu.memory_space<semaphore_mem>>) src(%dma_wait3A_560 : memref<10000x64xf32, #tpu.memory_space<hbm>>) dst(%arg15 : memref<128x64xf32, #tpu.memory_space<vmem>>)
        %run_scoped3A = arith.constant 0 : i32
        "tpu.region"() ({
          %run_scoped3A_594 = tpu.sem_alloc : memref<!tpu.dma_semaphore, #tpu.memory_space<semaphore_mem>>
          %dma_start3A_595 = arith.constant 0 : i32
          %dma_start3A_596 = tpu.memref_slice %arg14[%run_scoped3A, %dma_start3A_595] : memref<4x128xi32, #tpu.memory_space<vmem>> -> memref<1x128xi32, #tpu.memory_space<vmem>>
          %dma_start3A_597 = tpu.memref_squeeze %dma_start3A_596 : memref<1x128xi32, #tpu.memory_space<vmem>> -> memref<128xi32, #tpu.memory_space<vmem>>
          %dma_start3A_598 = arith.constant 0 : i32
          %dma_start3A_599 = arith.constant 0 : i32
          %dma_start3A_600 = tpu.memref_slice %arg10[%dma_start3A_598, %dma_start3A_599] : memref<30016x64xf32, #tpu.memory_space<vmem_shared>> -> memref<30016x64xf32, #tpu.memory_space<vmem_shared>>
          tpu.enqueue_indirect_dma source(%arg15 : memref<128x64xf32, #tpu.memory_space<vmem>>) target(%dma_start3A_600 : memref<30016x64xf32, #tpu.memory_space<vmem_shared>>) offsets(%dma_start3A_597 : memref<128xi32, #tpu.memory_space<vmem>>) semaphore(%run_scoped3A_594 : memref<!tpu.dma_semaphore, #tpu.memory_space<semaphore_mem>>) {add = true}
          %dma_wait3A_601 = arith.constant 0 : i32
          %dma_wait3A_602 = tpu.memref_slice %arg14[%run_scoped3A, %dma_wait3A_601] : memref<4x128xi32, #tpu.memory_space<vmem>> -> memref<1x128xi32, #tpu.memory_space<vmem>>
          %dma_wait3A_603 = tpu.memref_squeeze %dma_wait3A_602 : memref<1x128xi32, #tpu.memory_space<vmem>> -> memref<128xi32, #tpu.memory_space<vmem>>
          %dma_wait3A_604 = arith.constant 0 : i32
          %dma_wait3A_605 = arith.constant 0 : i32
          %dma_wait3A_606 = tpu.memref_slice %arg10[%dma_wait3A_604, %dma_wait3A_605] : memref<30016x64xf32, #tpu.memory_space<vmem_shared>> -> memref<30016x64xf32, #tpu.memory_space<vmem_shared>>
          tpu.wait_indirect_dma semaphore(%run_scoped3A_594 : memref<!tpu.dma_semaphore, #tpu.memory_space<semaphore_mem>>) src(%arg15 : memref<128x64xf32, #tpu.memory_space<vmem>>) dst(%dma_wait3A_606 : memref<30016x64xf32, #tpu.memory_space<vmem_shared>>)
          tpu.yield
        }) : () -> ()
        %dma_start3A_561 = arith.constant 128 : i32
        %dma_start3A_562 = tpu.memref_slice %arg11[%dma_start3A_561] : memref<512xi32, #tpu.memory_space<vmem>> -> memref<128xi32, #tpu.memory_space<vmem>>
        %dma_start3A_563 = arith.constant 0 : i32
        %dma_start3A_564 = arith.constant 0 : i32
        %dma_start3A_565 = tpu.memref_slice %arg2[%dma_start3A_563, %dma_start3A_564] : memref<10000x64xf32, #tpu.memory_space<hbm>> -> memref<10000x64xf32, #tpu.memory_space<hbm>>
        tpu.enqueue_indirect_dma source(%dma_start3A_565 : memref<10000x64xf32, #tpu.memory_space<hbm>>) target(%arg15 : memref<128x64xf32, #tpu.memory_space<vmem>>) offsets(%dma_start3A_562 : memref<128xi32, #tpu.memory_space<vmem>>) semaphore(%arg17 : memref<!tpu.dma_semaphore, #tpu.memory_space<semaphore_mem>>)
        %dma_wait3A_566 = arith.constant 128 : i32
        %dma_wait3A_567 = tpu.memref_slice %arg11[%dma_wait3A_566] : memref<512xi32, #tpu.memory_space<vmem>> -> memref<128xi32, #tpu.memory_space<vmem>>
        %dma_wait3A_568 = arith.constant 0 : i32
        %dma_wait3A_569 = arith.constant 0 : i32
        %dma_wait3A_570 = tpu.memref_slice %arg2[%dma_wait3A_568, %dma_wait3A_569] : memref<10000x64xf32, #tpu.memory_space<hbm>> -> memref<10000x64xf32, #tpu.memory_space<hbm>>
        tpu.wait_indirect_dma semaphore(%arg17 : memref<!tpu.dma_semaphore, #tpu.memory_space<semaphore_mem>>) src(%dma_wait3A_570 : memref<10000x64xf32, #tpu.memory_space<hbm>>) dst(%arg15 : memref<128x64xf32, #tpu.memory_space<vmem>>)
        %run_scoped3A_571 = arith.constant 1 : i32
        "tpu.region"() ({
          %run_scoped3A_594 = tpu.sem_alloc : memref<!tpu.dma_semaphore, #tpu.memory_space<semaphore_mem>>
          %dma_start3A_595 = arith.constant 0 : i32
          %dma_start3A_596 = tpu.memref_slice %arg14[%run_scoped3A_571, %dma_start3A_595] : memref<4x128xi32, #tpu.memory_space<vmem>> -> memref<1x128xi32, #tpu.memory_space<vmem>>
          %dma_start3A_597 = tpu.memref_squeeze %dma_start3A_596 : memref<1x128xi32, #tpu.memory_space<vmem>> -> memref<128xi32, #tpu.memory_space<vmem>>
          %dma_start3A_598 = arith.constant 0 : i32
          %dma_start3A_599 = arith.constant 0 : i32
          %dma_start3A_600 = tpu.memref_slice %arg10[%dma_start3A_598, %dma_start3A_599] : memref<30016x64xf32, #tpu.memory_space<vmem_shared>> -> memref<30016x64xf32, #tpu.memory_space<vmem_shared>>
          tpu.enqueue_indirect_dma source(%arg15 : memref<128x64xf32, #tpu.memory_space<vmem>>) target(%dma_start3A_600 : memref<30016x64xf32, #tpu.memory_space<vmem_shared>>) offsets(%dma_start3A_597 : memref<128xi32, #tpu.memory_space<vmem>>) semaphore(%run_scoped3A_594 : memref<!tpu.dma_semaphore, #tpu.memory_space<semaphore_mem>>) {add = true}
          %dma_wait3A_601 = arith.constant 0 : i32
          %dma_wait3A_602 = tpu.memref_slice %arg14[%run_scoped3A_571, %dma_wait3A_601] : memref<4x128xi32, #tpu.memory_space<vmem>> -> memref<1x128xi32, #tpu.memory_space<vmem>>
          %dma_wait3A_603 = tpu.memref_squeeze %dma_wait3A_602 : memref<1x128xi32, #tpu.memory_space<vmem>> -> memref<128xi32, #tpu.memory_space<vmem>>
          %dma_wait3A_604 = arith.constant 0 : i32
          %dma_wait3A_605 = arith.constant 0 : i32
          %dma_wait3A_606 = tpu.memref_slice %arg10[%dma_wait3A_604, %dma_wait3A_605] : memref<30016x64xf32, #tpu.memory_space<vmem_shared>> -> memref<30016x64xf32, #tpu.memory_space<vmem_shared>>
          tpu.wait_indirect_dma semaphore(%run_scoped3A_594 : memref<!tpu.dma_semaphore, #tpu.memory_space<semaphore_mem>>) src(%arg15 : memref<128x64xf32, #tpu.memory_space<vmem>>) dst(%dma_wait3A_606 : memref<30016x64xf32, #tpu.memory_space<vmem_shared>>)
          tpu.yield
        }) : () -> ()
        %dma_start3A_572 = arith.constant 256 : i32
        %dma_start3A_573 = tpu.memref_slice %arg11[%dma_start3A_572] : memref<512xi32, #tpu.memory_space<vmem>> -> memref<128xi32, #tpu.memory_space<vmem>>
        %dma_start3A_574 = arith.constant 0 : i32
        %dma_start3A_575 = arith.constant 0 : i32
        %dma_start3A_576 = tpu.memref_slice %arg2[%dma_start3A_574, %dma_start3A_575] : memref<10000x64xf32, #tpu.memory_space<hbm>> -> memref<10000x64xf32, #tpu.memory_space<hbm>>
        tpu.enqueue_indirect_dma source(%dma_start3A_576 : memref<10000x64xf32, #tpu.memory_space<hbm>>) target(%arg15 : memref<128x64xf32, #tpu.memory_space<vmem>>) offsets(%dma_start3A_573 : memref<128xi32, #tpu.memory_space<vmem>>) semaphore(%arg17 : memref<!tpu.dma_semaphore, #tpu.memory_space<semaphore_mem>>)
        %dma_wait3A_577 = arith.constant 256 : i32
        %dma_wait3A_578 = tpu.memref_slice %arg11[%dma_wait3A_577] : memref<512xi32, #tpu.memory_space<vmem>> -> memref<128xi32, #tpu.memory_space<vmem>>
        %dma_wait3A_579 = arith.constant 0 : i32
        %dma_wait3A_580 = arith.constant 0 : i32
        %dma_wait3A_581 = tpu.memref_slice %arg2[%dma_wait3A_579, %dma_wait3A_580] : memref<10000x64xf32, #tpu.memory_space<hbm>> -> memref<10000x64xf32, #tpu.memory_space<hbm>>
        tpu.wait_indirect_dma semaphore(%arg17 : memref<!tpu.dma_semaphore, #tpu.memory_space<semaphore_mem>>) src(%dma_wait3A_581 : memref<10000x64xf32, #tpu.memory_space<hbm>>) dst(%arg15 : memref<128x64xf32, #tpu.memory_space<vmem>>)
        %run_scoped3A_582 = arith.constant 2 : i32
        "tpu.region"() ({
          %run_scoped3A_594 = tpu.sem_alloc : memref<!tpu.dma_semaphore, #tpu.memory_space<semaphore_mem>>
          %dma_start3A_595 = arith.constant 0 : i32
          %dma_start3A_596 = tpu.memref_slice %arg14[%run_scoped3A_582, %dma_start3A_595] : memref<4x128xi32, #tpu.memory_space<vmem>> -> memref<1x128xi32, #tpu.memory_space<vmem>>
          %dma_start3A_597 = tpu.memref_squeeze %dma_start3A_596 : memref<1x128xi32, #tpu.memory_space<vmem>> -> memref<128xi32, #tpu.memory_space<vmem>>
          %dma_start3A_598 = arith.constant 0 : i32
          %dma_start3A_599 = arith.constant 0 : i32
          %dma_start3A_600 = tpu.memref_slice %arg10[%dma_start3A_598, %dma_start3A_599] : memref<30016x64xf32, #tpu.memory_space<vmem_shared>> -> memref<30016x64xf32, #tpu.memory_space<vmem_shared>>
          tpu.enqueue_indirect_dma source(%arg15 : memref<128x64xf32, #tpu.memory_space<vmem>>) target(%dma_start3A_600 : memref<30016x64xf32, #tpu.memory_space<vmem_shared>>) offsets(%dma_start3A_597 : memref<128xi32, #tpu.memory_space<vmem>>) semaphore(%run_scoped3A_594 : memref<!tpu.dma_semaphore, #tpu.memory_space<semaphore_mem>>) {add = true}
          %dma_wait3A_601 = arith.constant 0 : i32
          %dma_wait3A_602 = tpu.memref_slice %arg14[%run_scoped3A_582, %dma_wait3A_601] : memref<4x128xi32, #tpu.memory_space<vmem>> -> memref<1x128xi32, #tpu.memory_space<vmem>>
          %dma_wait3A_603 = tpu.memref_squeeze %dma_wait3A_602 : memref<1x128xi32, #tpu.memory_space<vmem>> -> memref<128xi32, #tpu.memory_space<vmem>>
          %dma_wait3A_604 = arith.constant 0 : i32
          %dma_wait3A_605 = arith.constant 0 : i32
          %dma_wait3A_606 = tpu.memref_slice %arg10[%dma_wait3A_604, %dma_wait3A_605] : memref<30016x64xf32, #tpu.memory_space<vmem_shared>> -> memref<30016x64xf32, #tpu.memory_space<vmem_shared>>
          tpu.wait_indirect_dma semaphore(%run_scoped3A_594 : memref<!tpu.dma_semaphore, #tpu.memory_space<semaphore_mem>>) src(%arg15 : memref<128x64xf32, #tpu.memory_space<vmem>>) dst(%dma_wait3A_606 : memref<30016x64xf32, #tpu.memory_space<vmem_shared>>)
          tpu.yield
        }) : () -> ()
        %dma_start3A_583 = arith.constant 384 : i32
        %dma_start3A_584 = tpu.memref_slice %arg11[%dma_start3A_583] : memref<512xi32, #tpu.memory_space<vmem>> -> memref<128xi32, #tpu.memory_space<vmem>>
        %dma_start3A_585 = arith.constant 0 : i32
        %dma_start3A_586 = arith.constant 0 : i32
        %dma_start3A_587 = tpu.memref_slice %arg2[%dma_start3A_585, %dma_start3A_586] : memref<10000x64xf32, #tpu.memory_space<hbm>> -> memref<10000x64xf32, #tpu.memory_space<hbm>>
        tpu.enqueue_indirect_dma source(%dma_start3A_587 : memref<10000x64xf32, #tpu.memory_space<hbm>>) target(%arg15 : memref<128x64xf32, #tpu.memory_space<vmem>>) offsets(%dma_start3A_584 : memref<128xi32, #tpu.memory_space<vmem>>) semaphore(%arg17 : memref<!tpu.dma_semaphore, #tpu.memory_space<semaphore_mem>>)
        %dma_wait3A_588 = arith.constant 384 : i32
        %dma_wait3A_589 = tpu.memref_slice %arg11[%dma_wait3A_588] : memref<512xi32, #tpu.memory_space<vmem>> -> memref<128xi32, #tpu.memory_space<vmem>>
        %dma_wait3A_590 = arith.constant 0 : i32
        %dma_wait3A_591 = arith.constant 0 : i32
        %dma_wait3A_592 = tpu.memref_slice %arg2[%dma_wait3A_590, %dma_wait3A_591] : memref<10000x64xf32, #tpu.memory_space<hbm>> -> memref<10000x64xf32, #tpu.memory_space<hbm>>
        tpu.wait_indirect_dma semaphore(%arg17 : memref<!tpu.dma_semaphore, #tpu.memory_space<semaphore_mem>>) src(%dma_wait3A_592 : memref<10000x64xf32, #tpu.memory_space<hbm>>) dst(%arg15 : memref<128x64xf32, #tpu.memory_space<vmem>>)
        %run_scoped3A_593 = arith.constant 3 : i32
        "tpu.region"() ({
          %run_scoped3A_594 = tpu.sem_alloc : memref<!tpu.dma_semaphore, #tpu.memory_space<semaphore_mem>>
          %dma_start3A_595 = arith.constant 0 : i32
          %dma_start3A_596 = tpu.memref_slice %arg14[%run_scoped3A_593, %dma_start3A_595] : memref<4x128xi32, #tpu.memory_space<vmem>> -> memref<1x128xi32, #tpu.memory_space<vmem>>
          %dma_start3A_597 = tpu.memref_squeeze %dma_start3A_596 : memref<1x128xi32, #tpu.memory_space<vmem>> -> memref<128xi32, #tpu.memory_space<vmem>>
          %dma_start3A_598 = arith.constant 0 : i32
          %dma_start3A_599 = arith.constant 0 : i32
          %dma_start3A_600 = tpu.memref_slice %arg10[%dma_start3A_598, %dma_start3A_599] : memref<30016x64xf32, #tpu.memory_space<vmem_shared>> -> memref<30016x64xf32, #tpu.memory_space<vmem_shared>>
          tpu.enqueue_indirect_dma source(%arg15 : memref<128x64xf32, #tpu.memory_space<vmem>>) target(%dma_start3A_600 : memref<30016x64xf32, #tpu.memory_space<vmem_shared>>) offsets(%dma_start3A_597 : memref<128xi32, #tpu.memory_space<vmem>>) semaphore(%run_scoped3A_594 : memref<!tpu.dma_semaphore, #tpu.memory_space<semaphore_mem>>) {add = true}
          %dma_wait3A_601 = arith.constant 0 : i32
          %dma_wait3A_602 = tpu.memref_slice %arg14[%run_scoped3A_593, %dma_wait3A_601] : memref<4x128xi32, #tpu.memory_space<vmem>> -> memref<1x128xi32, #tpu.memory_space<vmem>>
          %dma_wait3A_603 = tpu.memref_squeeze %dma_wait3A_602 : memref<1x128xi32, #tpu.memory_space<vmem>> -> memref<128xi32, #tpu.memory_space<vmem>>
          %dma_wait3A_604 = arith.constant 0 : i32
          %dma_wait3A_605 = arith.constant 0 : i32
          %dma_wait3A_606 = tpu.memref_slice %arg10[%dma_wait3A_604, %dma_wait3A_605] : memref<30016x64xf32, #tpu.memory_space<vmem_shared>> -> memref<30016x64xf32, #tpu.memory_space<vmem_shared>>
          tpu.wait_indirect_dma semaphore(%run_scoped3A_594 : memref<!tpu.dma_semaphore, #tpu.memory_space<semaphore_mem>>) src(%arg15 : memref<128x64xf32, #tpu.memory_space<vmem>>) dst(%dma_wait3A_606 : memref<30016x64xf32, #tpu.memory_space<vmem_shared>>)
          tpu.yield
        }) : () -> ()
      }
      %barrier3A_82 = arith.constant 0 : index
      tpu.barrier barrier_id(%barrier3A_82)
      %mul3A_83 = arith.constant 624 : i32
      %mul3A_84 = arith.muli %arg1, %mul3A_83 : i32
      %add3A_85 = arith.constant 30000 : i32
      %add3A_86 = arith.addi %add3A_85, %mul3A_84 : i32
      "tpu.region"() ({
        %run_scoped3A = tpu.sem_alloc : memref<!tpu.dma_semaphore, #tpu.memory_space<semaphore_mem>>
        %dma_start3A = arith.constant 0 : i32
        %dma_start3A_93 = tpu.memref_slice %arg9[%add3A_86, %dma_start3A] : memref<40000x128xf32, #tpu.memory_space<hbm>> -> memref<624x64xf32, #tpu.memory_space<hbm>>
        %dma_start3A_94 = arith.constant 0 : i32
        %dma_start3A_95 = tpu.memref_slice %arg10[%mul3A_84, %dma_start3A_94] : memref<30016x64xf32, #tpu.memory_space<vmem_shared>> -> memref<624x64xf32, #tpu.memory_space<vmem_shared>>
        tpu.enqueue_dma source(%dma_start3A_95 : memref<624x64xf32, #tpu.memory_space<vmem_shared>>) target(%dma_start3A_93 : memref<624x64xf32, #tpu.memory_space<hbm>>) target_semaphore(%run_scoped3A : memref<!tpu.dma_semaphore, #tpu.memory_space<semaphore_mem>>)
        %dma_wait3A = arith.constant 0 : i32
        %dma_wait3A_96 = tpu.memref_slice %arg9[%add3A_86, %dma_wait3A] : memref<40000x128xf32, #tpu.memory_space<hbm>> -> memref<624x64xf32, #tpu.memory_space<hbm>>
        %dma_wait3A_97 = arith.constant 0 : i32
        %dma_wait3A_98 = tpu.memref_slice %arg10[%mul3A_84, %dma_wait3A_97] : memref<30016x64xf32, #tpu.memory_space<vmem_shared>> -> memref<624x64xf32, #tpu.memory_space<vmem_shared>>
        tpu.wait_dma2 semaphore(%run_scoped3A : memref<!tpu.dma_semaphore, #tpu.memory_space<semaphore_mem>>) src(%dma_wait3A_98 : memref<624x64xf32, #tpu.memory_space<vmem_shared>>) dst(%dma_wait3A_96 : memref<624x64xf32, #tpu.memory_space<hbm>>)
        tpu.yield
      }) : () -> ()
      %eq3A_87 = arith.constant 0 : i32
      %eq3A_88 = arith.cmpi eq, %arg1, %eq3A_87 : i32
      %convert_element_type3A_89 = arith.extui %eq3A_88 : i1 to i32
      %cond3A_90 = arith.constant 0 : i32
      %cond3A_91 = arith.cmpi ne, %convert_element_type3A_89, %cond3A_90 : i32
      scf.if %cond3A_91 {
        "tpu.region"() ({
          %run_scoped3A = tpu.sem_alloc : memref<!tpu.dma_semaphore, #tpu.memory_space<semaphore_mem>>
          %dma_start3A = arith.constant 39984 : i32
          %dma_start3A_93 = arith.constant 0 : i32
          %dma_start3A_94 = tpu.memref_slice %arg9[%dma_start3A, %dma_start3A_93] : memref<40000x128xf32, #tpu.memory_space<hbm>> -> memref<16x64xf32, #tpu.memory_space<hbm>>
          %dma_start3A_95 = arith.constant 9984 : i32
          %dma_start3A_96 = arith.constant 0 : i32
          %dma_start3A_97 = tpu.memref_slice %arg10[%dma_start3A_95, %dma_start3A_96] : memref<30016x64xf32, #tpu.memory_space<vmem_shared>> -> memref<16x64xf32, #tpu.memory_space<vmem_shared>>
          tpu.enqueue_dma source(%dma_start3A_97 : memref<16x64xf32, #tpu.memory_space<vmem_shared>>) target(%dma_start3A_94 : memref<16x64xf32, #tpu.memory_space<hbm>>) target_semaphore(%run_scoped3A : memref<!tpu.dma_semaphore, #tpu.memory_space<semaphore_mem>>)
          %dma_wait3A = arith.constant 39984 : i32
          %dma_wait3A_98 = arith.constant 0 : i32
          %dma_wait3A_99 = tpu.memref_slice %arg9[%dma_wait3A, %dma_wait3A_98] : memref<40000x128xf32, #tpu.memory_space<hbm>> -> memref<16x64xf32, #tpu.memory_space<hbm>>
          %dma_wait3A_100 = arith.constant 9984 : i32
          %dma_wait3A_101 = arith.constant 0 : i32
          %dma_wait3A_102 = tpu.memref_slice %arg10[%dma_wait3A_100, %dma_wait3A_101] : memref<30016x64xf32, #tpu.memory_space<vmem_shared>> -> memref<16x64xf32, #tpu.memory_space<vmem_shared>>
          tpu.wait_dma2 semaphore(%run_scoped3A : memref<!tpu.dma_semaphore, #tpu.memory_space<semaphore_mem>>) src(%dma_wait3A_102 : memref<16x64xf32, #tpu.memory_space<vmem_shared>>) dst(%dma_wait3A_99 : memref<16x64xf32, #tpu.memory_space<hbm>>)
          tpu.yield
        }) : () -> ()
      } else {
      }
      %barrier3A_92 = arith.constant 0 : index
      tpu.barrier barrier_id(%barrier3A_92)
    } else {
    }
    %eq3A_46 = arith.constant 1 : i32
    %eq3A_47 = arith.cmpi eq, %arg0, %eq3A_46 : i32
    %convert_element_type3A_48 = arith.extui %eq3A_47 : i1 to i32
    %cond3A_49 = arith.constant 0 : i32
    %cond3A_50 = arith.cmpi ne, %convert_element_type3A_48, %cond3A_49 : i32
    scf.if %cond3A_50 {
      %mul3A_51 = arith.constant 1876 : i32
      %mul3A_52 = arith.muli %arg1, %mul3A_51 : i32
      "tpu.region"() ({
        %run_scoped3A = tpu.sem_alloc : memref<!tpu.dma_semaphore, #tpu.memory_space<semaphore_mem>>
        %dma_start3A = arith.constant 0 : i32
        %dma_start3A_93 = tpu.memref_slice %arg10[%mul3A_52, %dma_start3A] : memref<30016x64xf32, #tpu.memory_space<vmem_shared>> -> memref<1876x64xf32, #tpu.memory_space<vmem_shared>>
        tpu.enqueue_dma source(%arg8 : memref<1876x64xf32, #tpu.memory_space<hbm>>) target(%dma_start3A_93 : memref<1876x64xf32, #tpu.memory_space<vmem_shared>>) target_semaphore(%run_scoped3A : memref<!tpu.dma_semaphore, #tpu.memory_space<semaphore_mem>>)
        %dma_wait3A = arith.constant 0 : i32
        %dma_wait3A_94 = tpu.memref_slice %arg10[%mul3A_52, %dma_wait3A] : memref<30016x64xf32, #tpu.memory_space<vmem_shared>> -> memref<1876x64xf32, #tpu.memory_space<vmem_shared>>
        tpu.wait_dma2 semaphore(%run_scoped3A : memref<!tpu.dma_semaphore, #tpu.memory_space<semaphore_mem>>) src(%arg8 : memref<1876x64xf32, #tpu.memory_space<hbm>>) dst(%dma_wait3A_94 : memref<1876x64xf32, #tpu.memory_space<vmem_shared>>)
        tpu.yield
      }) : () -> ()
      %barrier3A = arith.constant 0 : index
      tpu.barrier barrier_id(%barrier3A)
      %while3A = arith.constant 0 : i32
      %while3A_53 = arith.subi %select_n3A_43, %select_n3A : i32
      %while3A_54 = arith.addi %select_n3A, %while3A_53 : i32
      %while3A_55 = arith.constant 1 : i32
      %while3A_56 = arith.divsi %while3A_53, %while3A_55 : i32
      %while3A_57 = arith.muli %while3A_56, %while3A_55 : i32
      %while3A_58 = arith.addi %select_n3A, %while3A_57 : i32
      %while3A_59 = arith.constant 1 : i32
      scf.for %while3A_93 = %select_n3A to %while3A_58 step %while3A_59  : i32 {
        %mul3A_94 = arith.constant 512 : i32
        %mul3A_95 = arith.muli %while3A_93, %mul3A_94 : i32
        %dma_start3A = tpu.memref_slice %arg4[%mul3A_95] : memref<320000xi32, #tpu.memory_space<hbm>> -> memref<512xi32, #tpu.memory_space<hbm>>
        %dma_start3A_96 = tpu.memref_slice %arg4[%mul3A_95] : memref<320000xi32, #tpu.memory_space<hbm>> -> memref<512xi32, #tpu.memory_space<hbm>>
        tpu.enqueue_dma source(%dma_start3A_96 : memref<512xi32, #tpu.memory_space<hbm>>) target(%arg11 : memref<512xi32, #tpu.memory_space<vmem>>) target_semaphore(%arg16 : memref<!tpu.dma_semaphore, #tpu.memory_space<semaphore_mem>>)
        %dma_start3A_97 = tpu.memref_slice %arg6[%mul3A_95] : memref<320000xi32, #tpu.memory_space<hbm>> -> memref<512xi32, #tpu.memory_space<hbm>>
        %dma_start3A_98 = tpu.memref_slice %arg6[%mul3A_95] : memref<320000xi32, #tpu.memory_space<hbm>> -> memref<512xi32, #tpu.memory_space<hbm>>
        tpu.enqueue_dma source(%dma_start3A_98 : memref<512xi32, #tpu.memory_space<hbm>>) target(%arg12 : memref<512xi32, #tpu.memory_space<vmem>>) target_semaphore(%arg16 : memref<!tpu.dma_semaphore, #tpu.memory_space<semaphore_mem>>)
        %dma_start3A_99 = tpu.memref_slice %arg5[%mul3A_95] : memref<320000xi32, #tpu.memory_space<hbm>> -> memref<512xi32, #tpu.memory_space<hbm>>
        %dma_start3A_100 = tpu.memref_slice %arg5[%mul3A_95] : memref<320000xi32, #tpu.memory_space<hbm>> -> memref<512xi32, #tpu.memory_space<hbm>>
        tpu.enqueue_dma source(%dma_start3A_100 : memref<512xi32, #tpu.memory_space<hbm>>) target(%arg13 : memref<512xi32, #tpu.memory_space<vmem>>) target_semaphore(%arg16 : memref<!tpu.dma_semaphore, #tpu.memory_space<semaphore_mem>>)
        %dma_wait3A = tpu.memref_slice %arg4[%mul3A_95] : memref<320000xi32, #tpu.memory_space<hbm>> -> memref<512xi32, #tpu.memory_space<hbm>>
        %dma_wait3A_101 = tpu.memref_slice %arg4[%mul3A_95] : memref<320000xi32, #tpu.memory_space<hbm>> -> memref<512xi32, #tpu.memory_space<hbm>>
        tpu.wait_dma2 semaphore(%arg16 : memref<!tpu.dma_semaphore, #tpu.memory_space<semaphore_mem>>) src(%dma_wait3A_101 : memref<512xi32, #tpu.memory_space<hbm>>) dst(%arg11 : memref<512xi32, #tpu.memory_space<vmem>>)
        %dma_wait3A_102 = tpu.memref_slice %arg6[%mul3A_95] : memref<320000xi32, #tpu.memory_space<hbm>> -> memref<512xi32, #tpu.memory_space<hbm>>
        %dma_wait3A_103 = tpu.memref_slice %arg6[%mul3A_95] : memref<320000xi32, #tpu.memory_space<hbm>> -> memref<512xi32, #tpu.memory_space<hbm>>
        tpu.wait_dma2 semaphore(%arg16 : memref<!tpu.dma_semaphore, #tpu.memory_space<semaphore_mem>>) src(%dma_wait3A_103 : memref<512xi32, #tpu.memory_space<hbm>>) dst(%arg12 : memref<512xi32, #tpu.memory_space<vmem>>)
        %dma_wait3A_104 = tpu.memref_slice %arg5[%mul3A_95] : memref<320000xi32, #tpu.memory_space<hbm>> -> memref<512xi32, #tpu.memory_space<hbm>>
        %dma_wait3A_105 = tpu.memref_slice %arg5[%mul3A_95] : memref<320000xi32, #tpu.memory_space<hbm>> -> memref<512xi32, #tpu.memory_space<hbm>>
        tpu.wait_dma2 semaphore(%arg16 : memref<!tpu.dma_semaphore, #tpu.memory_space<semaphore_mem>>) src(%dma_wait3A_105 : memref<512xi32, #tpu.memory_space<hbm>>) dst(%arg13 : memref<512xi32, #tpu.memory_space<vmem>>)
        %get3A = arith.constant 0 : index
        %get3A_106 = tpu.vector_load %arg12[%get3A] {strides = array<i32>} : memref<512xi32, #tpu.memory_space<vmem>>, vector<16xi32>,
        %get3A_107 = arith.constant 0 : index
        %get3A_108 = tpu.vector_load %arg13[%get3A_107] {strides = array<i32>} : memref<512xi32, #tpu.memory_space<vmem>>, vector<16xi32>,
        %mul3A_109 = arith.constant 10000 : i32
        %mul3A_110 = vector.broadcast %mul3A_109 : i32 to vector<16xi32>
        %mul3A_111 = arith.muli %get3A_106, %mul3A_110 : vector<16xi32>
        %add3A_112 = arith.addi %get3A_108, %mul3A_111 : vector<16xi32>
        %swap3A = arith.constant 0 : i32
        %swap3A_113 = arith.index_cast %swap3A : i32 to index
        %swap3A_114 = arith.constant 0 : index
        %swap3A_115 = tpu.vector_load %arg14[%swap3A_113, %swap3A_114] {strides = array<i32>} : memref<4x128xi32, #tpu.memory_space<vmem>>, vector<16xi32>,
        tpu.vector_store %arg14[%swap3A_113, %swap3A_114], %add3A_112 {strides = array<i32>} : memref<4x128xi32, #tpu.memory_space<vmem>>, vector<16xi32>,
        %get3A_116 = arith.constant 16 : index
        %get3A_117 = tpu.vector_load %arg12[%get3A_116] {strides = array<i32>} : memref<512xi32, #tpu.memory_space<vmem>>, vector<16xi32>,
        %get3A_118 = arith.constant 16 : index
        %get3A_119 = tpu.vector_load %arg13[%get3A_118] {strides = array<i32>} : memref<512xi32, #tpu.memory_space<vmem>>, vector<16xi32>,
        %mul3A_120 = arith.constant 10000 : i32
        %mul3A_121 = vector.broadcast %mul3A_120 : i32 to vector<16xi32>
        %mul3A_122 = arith.muli %get3A_117, %mul3A_121 : vector<16xi32>
        %add3A_123 = arith.addi %get3A_119, %mul3A_122 : vector<16xi32>
        %swap3A_124 = arith.constant 0 : i32
        %swap3A_125 = arith.index_cast %swap3A_124 : i32 to index
        %swap3A_126 = arith.constant 16 : index
        %swap3A_127 = tpu.vector_load %arg14[%swap3A_125, %swap3A_126] {strides = array<i32>} : memref<4x128xi32, #tpu.memory_space<vmem>>, vector<16xi32>,
        tpu.vector_store %arg14[%swap3A_125, %swap3A_126], %add3A_123 {strides = array<i32>} : memref<4x128xi32, #tpu.memory_space<vmem>>, vector<16xi32>,
        %get3A_128 = arith.constant 32 : index
        %get3A_129 = tpu.vector_load %arg12[%get3A_128] {strides = array<i32>} : memref<512xi32, #tpu.memory_space<vmem>>, vector<16xi32>,
        %get3A_130 = arith.constant 32 : index
        %get3A_131 = tpu.vector_load %arg13[%get3A_130] {strides = array<i32>} : memref<512xi32, #tpu.memory_space<vmem>>, vector<16xi32>,
        %mul3A_132 = arith.constant 10000 : i32
        %mul3A_133 = vector.broadcast %mul3A_132 : i32 to vector<16xi32>
        %mul3A_134 = arith.muli %get3A_129, %mul3A_133 : vector<16xi32>
        %add3A_135 = arith.addi %get3A_131, %mul3A_134 : vector<16xi32>
        %swap3A_136 = arith.constant 0 : i32
        %swap3A_137 = arith.index_cast %swap3A_136 : i32 to index
        %swap3A_138 = arith.constant 32 : index
        %swap3A_139 = tpu.vector_load %arg14[%swap3A_137, %swap3A_138] {strides = array<i32>} : memref<4x128xi32, #tpu.memory_space<vmem>>, vector<16xi32>,
        tpu.vector_store %arg14[%swap3A_137, %swap3A_138], %add3A_135 {strides = array<i32>} : memref<4x128xi32, #tpu.memory_space<vmem>>, vector<16xi32>,
        %get3A_140 = arith.constant 48 : index
        %get3A_141 = tpu.vector_load %arg12[%get3A_140] {strides = array<i32>} : memref<512xi32, #tpu.memory_space<vmem>>, vector<16xi32>,
        %get3A_142 = arith.constant 48 : index
        %get3A_143 = tpu.vector_load %arg13[%get3A_142] {strides = array<i32>} : memref<512xi32, #tpu.memory_space<vmem>>, vector<16xi32>,
        %mul3A_144 = arith.constant 10000 : i32
        %mul3A_145 = vector.broadcast %mul3A_144 : i32 to vector<16xi32>
        %mul3A_146 = arith.muli %get3A_141, %mul3A_145 : vector<16xi32>
        %add3A_147 = arith.addi %get3A_143, %mul3A_146 : vector<16xi32>
        %swap3A_148 = arith.constant 0 : i32
        %swap3A_149 = arith.index_cast %swap3A_148 : i32 to index
        %swap3A_150 = arith.constant 48 : index
        %swap3A_151 = tpu.vector_load %arg14[%swap3A_149, %swap3A_150] {strides = array<i32>} : memref<4x128xi32, #tpu.memory_space<vmem>>, vector<16xi32>,
        tpu.vector_store %arg14[%swap3A_149, %swap3A_150], %add3A_147 {strides = array<i32>} : memref<4x128xi32, #tpu.memory_space<vmem>>, vector<16xi32>,
        %get3A_152 = arith.constant 64 : index
        %get3A_153 = tpu.vector_load %arg12[%get3A_152] {strides = array<i32>} : memref<512xi32, #tpu.memory_space<vmem>>, vector<16xi32>,
        %get3A_154 = arith.constant 64 : index
        %get3A_155 = tpu.vector_load %arg13[%get3A_154] {strides = array<i32>} : memref<512xi32, #tpu.memory_space<vmem>>, vector<16xi32>,
        %mul3A_156 = arith.constant 10000 : i32
        %mul3A_157 = vector.broadcast %mul3A_156 : i32 to vector<16xi32>
        %mul3A_158 = arith.muli %get3A_153, %mul3A_157 : vector<16xi32>
        %add3A_159 = arith.addi %get3A_155, %mul3A_158 : vector<16xi32>
        %swap3A_160 = arith.constant 0 : i32
        %swap3A_161 = arith.index_cast %swap3A_160 : i32 to index
        %swap3A_162 = arith.constant 64 : index
        %swap3A_163 = tpu.vector_load %arg14[%swap3A_161, %swap3A_162] {strides = array<i32>} : memref<4x128xi32, #tpu.memory_space<vmem>>, vector<16xi32>,
        tpu.vector_store %arg14[%swap3A_161, %swap3A_162], %add3A_159 {strides = array<i32>} : memref<4x128xi32, #tpu.memory_space<vmem>>, vector<16xi32>,
        %get3A_164 = arith.constant 80 : index
        %get3A_165 = tpu.vector_load %arg12[%get3A_164] {strides = array<i32>} : memref<512xi32, #tpu.memory_space<vmem>>, vector<16xi32>,
        %get3A_166 = arith.constant 80 : index
        %get3A_167 = tpu.vector_load %arg13[%get3A_166] {strides = array<i32>} : memref<512xi32, #tpu.memory_space<vmem>>, vector<16xi32>,
        %mul3A_168 = arith.constant 10000 : i32
        %mul3A_169 = vector.broadcast %mul3A_168 : i32 to vector<16xi32>
        %mul3A_170 = arith.muli %get3A_165, %mul3A_169 : vector<16xi32>
        %add3A_171 = arith.addi %get3A_167, %mul3A_170 : vector<16xi32>
        %swap3A_172 = arith.constant 0 : i32
        %swap3A_173 = arith.index_cast %swap3A_172 : i32 to index
        %swap3A_174 = arith.constant 80 : index
        %swap3A_175 = tpu.vector_load %arg14[%swap3A_173, %swap3A_174] {strides = array<i32>} : memref<4x128xi32, #tpu.memory_space<vmem>>, vector<16xi32>,
        tpu.vector_store %arg14[%swap3A_173, %swap3A_174], %add3A_171 {strides = array<i32>} : memref<4x128xi32, #tpu.memory_space<vmem>>, vector<16xi32>,
        %get3A_176 = arith.constant 96 : index
        %get3A_177 = tpu.vector_load %arg12[%get3A_176] {strides = array<i32>} : memref<512xi32, #tpu.memory_space<vmem>>, vector<16xi32>,
        %get3A_178 = arith.constant 96 : index
        %get3A_179 = tpu.vector_load %arg13[%get3A_178] {strides = array<i32>} : memref<512xi32, #tpu.memory_space<vmem>>, vector<16xi32>,
        %mul3A_180 = arith.constant 10000 : i32
        %mul3A_181 = vector.broadcast %mul3A_180 : i32 to vector<16xi32>
        %mul3A_182 = arith.muli %get3A_177, %mul3A_181 : vector<16xi32>
        %add3A_183 = arith.addi %get3A_179, %mul3A_182 : vector<16xi32>
        %swap3A_184 = arith.constant 0 : i32
        %swap3A_185 = arith.index_cast %swap3A_184 : i32 to index
        %swap3A_186 = arith.constant 96 : index
        %swap3A_187 = tpu.vector_load %arg14[%swap3A_185, %swap3A_186] {strides = array<i32>} : memref<4x128xi32, #tpu.memory_space<vmem>>, vector<16xi32>,
        tpu.vector_store %arg14[%swap3A_185, %swap3A_186], %add3A_183 {strides = array<i32>} : memref<4x128xi32, #tpu.memory_space<vmem>>, vector<16xi32>,
        %get3A_188 = arith.constant 112 : index
        %get3A_189 = tpu.vector_load %arg12[%get3A_188] {strides = array<i32>} : memref<512xi32, #tpu.memory_space<vmem>>, vector<16xi32>,
        %get3A_190 = arith.constant 112 : index
        %get3A_191 = tpu.vector_load %arg13[%get3A_190] {strides = array<i32>} : memref<512xi32, #tpu.memory_space<vmem>>, vector<16xi32>,
        %mul3A_192 = arith.constant 10000 : i32
        %mul3A_193 = vector.broadcast %mul3A_192 : i32 to vector<16xi32>
        %mul3A_194 = arith.muli %get3A_189, %mul3A_193 : vector<16xi32>
        %add3A_195 = arith.addi %get3A_191, %mul3A_194 : vector<16xi32>
        %swap3A_196 = arith.constant 0 : i32
        %swap3A_197 = arith.index_cast %swap3A_196 : i32 to index
        %swap3A_198 = arith.constant 112 : index
        %swap3A_199 = tpu.vector_load %arg14[%swap3A_197, %swap3A_198] {strides = array<i32>} : memref<4x128xi32, #tpu.memory_space<vmem>>, vector<16xi32>,
        tpu.vector_store %arg14[%swap3A_197, %swap3A_198], %add3A_195 {strides = array<i32>} : memref<4x128xi32, #tpu.memory_space<vmem>>, vector<16xi32>,
        %get3A_200 = arith.constant 128 : index
        %get3A_201 = tpu.vector_load %arg12[%get3A_200] {strides = array<i32>} : memref<512xi32, #tpu.memory_space<vmem>>, vector<16xi32>,
        %get3A_202 = arith.constant 128 : index
        %get3A_203 = tpu.vector_load %arg13[%get3A_202] {strides = array<i32>} : memref<512xi32, #tpu.memory_space<vmem>>, vector<16xi32>,
        %mul3A_204 = arith.constant 10000 : i32
        %mul3A_205 = vector.broadcast %mul3A_204 : i32 to vector<16xi32>
        %mul3A_206 = arith.muli %get3A_201, %mul3A_205 : vector<16xi32>
        %add3A_207 = arith.addi %get3A_203, %mul3A_206 : vector<16xi32>
        %swap3A_208 = arith.constant 1 : i32
        %swap3A_209 = arith.index_cast %swap3A_208 : i32 to index
        %swap3A_210 = arith.constant 0 : index
        %swap3A_211 = tpu.vector_load %arg14[%swap3A_209, %swap3A_210] {strides = array<i32>} : memref<4x128xi32, #tpu.memory_space<vmem>>, vector<16xi32>,
        tpu.vector_store %arg14[%swap3A_209, %swap3A_210], %add3A_207 {strides = array<i32>} : memref<4x128xi32, #tpu.memory_space<vmem>>, vector<16xi32>,
        %get3A_212 = arith.constant 144 : index
        %get3A_213 = tpu.vector_load %arg12[%get3A_212] {strides = array<i32>} : memref<512xi32, #tpu.memory_space<vmem>>, vector<16xi32>,
        %get3A_214 = arith.constant 144 : index
        %get3A_215 = tpu.vector_load %arg13[%get3A_214] {strides = array<i32>} : memref<512xi32, #tpu.memory_space<vmem>>, vector<16xi32>,
        %mul3A_216 = arith.constant 10000 : i32
        %mul3A_217 = vector.broadcast %mul3A_216 : i32 to vector<16xi32>
        %mul3A_218 = arith.muli %get3A_213, %mul3A_217 : vector<16xi32>
        %add3A_219 = arith.addi %get3A_215, %mul3A_218 : vector<16xi32>
        %swap3A_220 = arith.constant 1 : i32
        %swap3A_221 = arith.index_cast %swap3A_220 : i32 to index
        %swap3A_222 = arith.constant 16 : index
        %swap3A_223 = tpu.vector_load %arg14[%swap3A_221, %swap3A_222] {strides = array<i32>} : memref<4x128xi32, #tpu.memory_space<vmem>>, vector<16xi32>,
        tpu.vector_store %arg14[%swap3A_221, %swap3A_222], %add3A_219 {strides = array<i32>} : memref<4x128xi32, #tpu.memory_space<vmem>>, vector<16xi32>,
        %get3A_224 = arith.constant 160 : index
        %get3A_225 = tpu.vector_load %arg12[%get3A_224] {strides = array<i32>} : memref<512xi32, #tpu.memory_space<vmem>>, vector<16xi32>,
        %get3A_226 = arith.constant 160 : index
        %get3A_227 = tpu.vector_load %arg13[%get3A_226] {strides = array<i32>} : memref<512xi32, #tpu.memory_space<vmem>>, vector<16xi32>,
        %mul3A_228 = arith.constant 10000 : i32
        %mul3A_229 = vector.broadcast %mul3A_228 : i32 to vector<16xi32>
        %mul3A_230 = arith.muli %get3A_225, %mul3A_229 : vector<16xi32>
        %add3A_231 = arith.addi %get3A_227, %mul3A_230 : vector<16xi32>
        %swap3A_232 = arith.constant 1 : i32
        %swap3A_233 = arith.index_cast %swap3A_232 : i32 to index
        %swap3A_234 = arith.constant 32 : index
        %swap3A_235 = tpu.vector_load %arg14[%swap3A_233, %swap3A_234] {strides = array<i32>} : memref<4x128xi32, #tpu.memory_space<vmem>>, vector<16xi32>,
        tpu.vector_store %arg14[%swap3A_233, %swap3A_234], %add3A_231 {strides = array<i32>} : memref<4x128xi32, #tpu.memory_space<vmem>>, vector<16xi32>,
        %get3A_236 = arith.constant 176 : index
        %get3A_237 = tpu.vector_load %arg12[%get3A_236] {strides = array<i32>} : memref<512xi32, #tpu.memory_space<vmem>>, vector<16xi32>,
        %get3A_238 = arith.constant 176 : index
        %get3A_239 = tpu.vector_load %arg13[%get3A_238] {strides = array<i32>} : memref<512xi32, #tpu.memory_space<vmem>>, vector<16xi32>,
        %mul3A_240 = arith.constant 10000 : i32
        %mul3A_241 = vector.broadcast %mul3A_240 : i32 to vector<16xi32>
        %mul3A_242 = arith.muli %get3A_237, %mul3A_241 : vector<16xi32>
        %add3A_243 = arith.addi %get3A_239, %mul3A_242 : vector<16xi32>
        %swap3A_244 = arith.constant 1 : i32
        %swap3A_245 = arith.index_cast %swap3A_244 : i32 to index
        %swap3A_246 = arith.constant 48 : index
        %swap3A_247 = tpu.vector_load %arg14[%swap3A_245, %swap3A_246] {strides = array<i32>} : memref<4x128xi32, #tpu.memory_space<vmem>>, vector<16xi32>,
        tpu.vector_store %arg14[%swap3A_245, %swap3A_246], %add3A_243 {strides = array<i32>} : memref<4x128xi32, #tpu.memory_space<vmem>>, vector<16xi32>,
        %get3A_248 = arith.constant 192 : index
        %get3A_249 = tpu.vector_load %arg12[%get3A_248] {strides = array<i32>} : memref<512xi32, #tpu.memory_space<vmem>>, vector<16xi32>,
        %get3A_250 = arith.constant 192 : index
        %get3A_251 = tpu.vector_load %arg13[%get3A_250] {strides = array<i32>} : memref<512xi32, #tpu.memory_space<vmem>>, vector<16xi32>,
        %mul3A_252 = arith.constant 10000 : i32
        %mul3A_253 = vector.broadcast %mul3A_252 : i32 to vector<16xi32>
        %mul3A_254 = arith.muli %get3A_249, %mul3A_253 : vector<16xi32>
        %add3A_255 = arith.addi %get3A_251, %mul3A_254 : vector<16xi32>
        %swap3A_256 = arith.constant 1 : i32
        %swap3A_257 = arith.index_cast %swap3A_256 : i32 to index
        %swap3A_258 = arith.constant 64 : index
        %swap3A_259 = tpu.vector_load %arg14[%swap3A_257, %swap3A_258] {strides = array<i32>} : memref<4x128xi32, #tpu.memory_space<vmem>>, vector<16xi32>,
        tpu.vector_store %arg14[%swap3A_257, %swap3A_258], %add3A_255 {strides = array<i32>} : memref<4x128xi32, #tpu.memory_space<vmem>>, vector<16xi32>,
        %get3A_260 = arith.constant 208 : index
        %get3A_261 = tpu.vector_load %arg12[%get3A_260] {strides = array<i32>} : memref<512xi32, #tpu.memory_space<vmem>>, vector<16xi32>,
        %get3A_262 = arith.constant 208 : index
        %get3A_263 = tpu.vector_load %arg13[%get3A_262] {strides = array<i32>} : memref<512xi32, #tpu.memory_space<vmem>>, vector<16xi32>,
        %mul3A_264 = arith.constant 10000 : i32
        %mul3A_265 = vector.broadcast %mul3A_264 : i32 to vector<16xi32>
        %mul3A_266 = arith.muli %get3A_261, %mul3A_265 : vector<16xi32>
        %add3A_267 = arith.addi %get3A_263, %mul3A_266 : vector<16xi32>
        %swap3A_268 = arith.constant 1 : i32
        %swap3A_269 = arith.index_cast %swap3A_268 : i32 to index
        %swap3A_270 = arith.constant 80 : index
        %swap3A_271 = tpu.vector_load %arg14[%swap3A_269, %swap3A_270] {strides = array<i32>} : memref<4x128xi32, #tpu.memory_space<vmem>>, vector<16xi32>,
        tpu.vector_store %arg14[%swap3A_269, %swap3A_270], %add3A_267 {strides = array<i32>} : memref<4x128xi32, #tpu.memory_space<vmem>>, vector<16xi32>,
        %get3A_272 = arith.constant 224 : index
        %get3A_273 = tpu.vector_load %arg12[%get3A_272] {strides = array<i32>} : memref<512xi32, #tpu.memory_space<vmem>>, vector<16xi32>,
        %get3A_274 = arith.constant 224 : index
        %get3A_275 = tpu.vector_load %arg13[%get3A_274] {strides = array<i32>} : memref<512xi32, #tpu.memory_space<vmem>>, vector<16xi32>,
        %mul3A_276 = arith.constant 10000 : i32
        %mul3A_277 = vector.broadcast %mul3A_276 : i32 to vector<16xi32>
        %mul3A_278 = arith.muli %get3A_273, %mul3A_277 : vector<16xi32>
        %add3A_279 = arith.addi %get3A_275, %mul3A_278 : vector<16xi32>
        %swap3A_280 = arith.constant 1 : i32
        %swap3A_281 = arith.index_cast %swap3A_280 : i32 to index
        %swap3A_282 = arith.constant 96 : index
        %swap3A_283 = tpu.vector_load %arg14[%swap3A_281, %swap3A_282] {strides = array<i32>} : memref<4x128xi32, #tpu.memory_space<vmem>>, vector<16xi32>,
        tpu.vector_store %arg14[%swap3A_281, %swap3A_282], %add3A_279 {strides = array<i32>} : memref<4x128xi32, #tpu.memory_space<vmem>>, vector<16xi32>,
        %get3A_284 = arith.constant 240 : index
        %get3A_285 = tpu.vector_load %arg12[%get3A_284] {strides = array<i32>} : memref<512xi32, #tpu.memory_space<vmem>>, vector<16xi32>,
        %get3A_286 = arith.constant 240 : index
        %get3A_287 = tpu.vector_load %arg13[%get3A_286] {strides = array<i32>} : memref<512xi32, #tpu.memory_space<vmem>>, vector<16xi32>,
        %mul3A_288 = arith.constant 10000 : i32
        %mul3A_289 = vector.broadcast %mul3A_288 : i32 to vector<16xi32>
        %mul3A_290 = arith.muli %get3A_285, %mul3A_289 : vector<16xi32>
        %add3A_291 = arith.addi %get3A_287, %mul3A_290 : vector<16xi32>
        %swap3A_292 = arith.constant 1 : i32
        %swap3A_293 = arith.index_cast %swap3A_292 : i32 to index
        %swap3A_294 = arith.constant 112 : index
        %swap3A_295 = tpu.vector_load %arg14[%swap3A_293, %swap3A_294] {strides = array<i32>} : memref<4x128xi32, #tpu.memory_space<vmem>>, vector<16xi32>,
        tpu.vector_store %arg14[%swap3A_293, %swap3A_294], %add3A_291 {strides = array<i32>} : memref<4x128xi32, #tpu.memory_space<vmem>>, vector<16xi32>,
        %get3A_296 = arith.constant 256 : index
        %get3A_297 = tpu.vector_load %arg12[%get3A_296] {strides = array<i32>} : memref<512xi32, #tpu.memory_space<vmem>>, vector<16xi32>,
        %get3A_298 = arith.constant 256 : index
        %get3A_299 = tpu.vector_load %arg13[%get3A_298] {strides = array<i32>} : memref<512xi32, #tpu.memory_space<vmem>>, vector<16xi32>,
        %mul3A_300 = arith.constant 10000 : i32
        %mul3A_301 = vector.broadcast %mul3A_300 : i32 to vector<16xi32>
        %mul3A_302 = arith.muli %get3A_297, %mul3A_301 : vector<16xi32>
        %add3A_303 = arith.addi %get3A_299, %mul3A_302 : vector<16xi32>
        %swap3A_304 = arith.constant 2 : i32
        %swap3A_305 = arith.index_cast %swap3A_304 : i32 to index
        %swap3A_306 = arith.constant 0 : index
        %swap3A_307 = tpu.vector_load %arg14[%swap3A_305, %swap3A_306] {strides = array<i32>} : memref<4x128xi32, #tpu.memory_space<vmem>>, vector<16xi32>,
        tpu.vector_store %arg14[%swap3A_305, %swap3A_306], %add3A_303 {strides = array<i32>} : memref<4x128xi32, #tpu.memory_space<vmem>>, vector<16xi32>,
        %get3A_308 = arith.constant 272 : index
        %get3A_309 = tpu.vector_load %arg12[%get3A_308] {strides = array<i32>} : memref<512xi32, #tpu.memory_space<vmem>>, vector<16xi32>,
        %get3A_310 = arith.constant 272 : index
        %get3A_311 = tpu.vector_load %arg13[%get3A_310] {strides = array<i32>} : memref<512xi32, #tpu.memory_space<vmem>>, vector<16xi32>,
        %mul3A_312 = arith.constant 10000 : i32
        %mul3A_313 = vector.broadcast %mul3A_312 : i32 to vector<16xi32>
        %mul3A_314 = arith.muli %get3A_309, %mul3A_313 : vector<16xi32>
        %add3A_315 = arith.addi %get3A_311, %mul3A_314 : vector<16xi32>
        %swap3A_316 = arith.constant 2 : i32
        %swap3A_317 = arith.index_cast %swap3A_316 : i32 to index
        %swap3A_318 = arith.constant 16 : index
        %swap3A_319 = tpu.vector_load %arg14[%swap3A_317, %swap3A_318] {strides = array<i32>} : memref<4x128xi32, #tpu.memory_space<vmem>>, vector<16xi32>,
        tpu.vector_store %arg14[%swap3A_317, %swap3A_318], %add3A_315 {strides = array<i32>} : memref<4x128xi32, #tpu.memory_space<vmem>>, vector<16xi32>,
        %get3A_320 = arith.constant 288 : index
        %get3A_321 = tpu.vector_load %arg12[%get3A_320] {strides = array<i32>} : memref<512xi32, #tpu.memory_space<vmem>>, vector<16xi32>,
        %get3A_322 = arith.constant 288 : index
        %get3A_323 = tpu.vector_load %arg13[%get3A_322] {strides = array<i32>} : memref<512xi32, #tpu.memory_space<vmem>>, vector<16xi32>,
        %mul3A_324 = arith.constant 10000 : i32
        %mul3A_325 = vector.broadcast %mul3A_324 : i32 to vector<16xi32>
        %mul3A_326 = arith.muli %get3A_321, %mul3A_325 : vector<16xi32>
        %add3A_327 = arith.addi %get3A_323, %mul3A_326 : vector<16xi32>
        %swap3A_328 = arith.constant 2 : i32
        %swap3A_329 = arith.index_cast %swap3A_328 : i32 to index
        %swap3A_330 = arith.constant 32 : index
        %swap3A_331 = tpu.vector_load %arg14[%swap3A_329, %swap3A_330] {strides = array<i32>} : memref<4x128xi32, #tpu.memory_space<vmem>>, vector<16xi32>,
        tpu.vector_store %arg14[%swap3A_329, %swap3A_330], %add3A_327 {strides = array<i32>} : memref<4x128xi32, #tpu.memory_space<vmem>>, vector<16xi32>,
        %get3A_332 = arith.constant 304 : index
        %get3A_333 = tpu.vector_load %arg12[%get3A_332] {strides = array<i32>} : memref<512xi32, #tpu.memory_space<vmem>>, vector<16xi32>,
        %get3A_334 = arith.constant 304 : index
        %get3A_335 = tpu.vector_load %arg13[%get3A_334] {strides = array<i32>} : memref<512xi32, #tpu.memory_space<vmem>>, vector<16xi32>,
        %mul3A_336 = arith.constant 10000 : i32
        %mul3A_337 = vector.broadcast %mul3A_336 : i32 to vector<16xi32>
        %mul3A_338 = arith.muli %get3A_333, %mul3A_337 : vector<16xi32>
        %add3A_339 = arith.addi %get3A_335, %mul3A_338 : vector<16xi32>
        %swap3A_340 = arith.constant 2 : i32
        %swap3A_341 = arith.index_cast %swap3A_340 : i32 to index
        %swap3A_342 = arith.constant 48 : index
        %swap3A_343 = tpu.vector_load %arg14[%swap3A_341, %swap3A_342] {strides = array<i32>} : memref<4x128xi32, #tpu.memory_space<vmem>>, vector<16xi32>,
        tpu.vector_store %arg14[%swap3A_341, %swap3A_342], %add3A_339 {strides = array<i32>} : memref<4x128xi32, #tpu.memory_space<vmem>>, vector<16xi32>,
        %get3A_344 = arith.constant 320 : index
        %get3A_345 = tpu.vector_load %arg12[%get3A_344] {strides = array<i32>} : memref<512xi32, #tpu.memory_space<vmem>>, vector<16xi32>,
        %get3A_346 = arith.constant 320 : index
        %get3A_347 = tpu.vector_load %arg13[%get3A_346] {strides = array<i32>} : memref<512xi32, #tpu.memory_space<vmem>>, vector<16xi32>,
        %mul3A_348 = arith.constant 10000 : i32
        %mul3A_349 = vector.broadcast %mul3A_348 : i32 to vector<16xi32>
        %mul3A_350 = arith.muli %get3A_345, %mul3A_349 : vector<16xi32>
        %add3A_351 = arith.addi %get3A_347, %mul3A_350 : vector<16xi32>
        %swap3A_352 = arith.constant 2 : i32
        %swap3A_353 = arith.index_cast %swap3A_352 : i32 to index
        %swap3A_354 = arith.constant 64 : index
        %swap3A_355 = tpu.vector_load %arg14[%swap3A_353, %swap3A_354] {strides = array<i32>} : memref<4x128xi32, #tpu.memory_space<vmem>>, vector<16xi32>,
        tpu.vector_store %arg14[%swap3A_353, %swap3A_354], %add3A_351 {strides = array<i32>} : memref<4x128xi32, #tpu.memory_space<vmem>>, vector<16xi32>,
        %get3A_356 = arith.constant 336 : index
        %get3A_357 = tpu.vector_load %arg12[%get3A_356] {strides = array<i32>} : memref<512xi32, #tpu.memory_space<vmem>>, vector<16xi32>,
        %get3A_358 = arith.constant 336 : index
        %get3A_359 = tpu.vector_load %arg13[%get3A_358] {strides = array<i32>} : memref<512xi32, #tpu.memory_space<vmem>>, vector<16xi32>,
        %mul3A_360 = arith.constant 10000 : i32
        %mul3A_361 = vector.broadcast %mul3A_360 : i32 to vector<16xi32>
        %mul3A_362 = arith.muli %get3A_357, %mul3A_361 : vector<16xi32>
        %add3A_363 = arith.addi %get3A_359, %mul3A_362 : vector<16xi32>
        %swap3A_364 = arith.constant 2 : i32
        %swap3A_365 = arith.index_cast %swap3A_364 : i32 to index
        %swap3A_366 = arith.constant 80 : index
        %swap3A_367 = tpu.vector_load %arg14[%swap3A_365, %swap3A_366] {strides = array<i32>} : memref<4x128xi32, #tpu.memory_space<vmem>>, vector<16xi32>,
        tpu.vector_store %arg14[%swap3A_365, %swap3A_366], %add3A_363 {strides = array<i32>} : memref<4x128xi32, #tpu.memory_space<vmem>>, vector<16xi32>,
        %get3A_368 = arith.constant 352 : index
        %get3A_369 = tpu.vector_load %arg12[%get3A_368] {strides = array<i32>} : memref<512xi32, #tpu.memory_space<vmem>>, vector<16xi32>,
        %get3A_370 = arith.constant 352 : index
        %get3A_371 = tpu.vector_load %arg13[%get3A_370] {strides = array<i32>} : memref<512xi32, #tpu.memory_space<vmem>>, vector<16xi32>,
        %mul3A_372 = arith.constant 10000 : i32
        %mul3A_373 = vector.broadcast %mul3A_372 : i32 to vector<16xi32>
        %mul3A_374 = arith.muli %get3A_369, %mul3A_373 : vector<16xi32>
        %add3A_375 = arith.addi %get3A_371, %mul3A_374 : vector<16xi32>
        %swap3A_376 = arith.constant 2 : i32
        %swap3A_377 = arith.index_cast %swap3A_376 : i32 to index
        %swap3A_378 = arith.constant 96 : index
        %swap3A_379 = tpu.vector_load %arg14[%swap3A_377, %swap3A_378] {strides = array<i32>} : memref<4x128xi32, #tpu.memory_space<vmem>>, vector<16xi32>,
        tpu.vector_store %arg14[%swap3A_377, %swap3A_378], %add3A_375 {strides = array<i32>} : memref<4x128xi32, #tpu.memory_space<vmem>>, vector<16xi32>,
        %get3A_380 = arith.constant 368 : index
        %get3A_381 = tpu.vector_load %arg12[%get3A_380] {strides = array<i32>} : memref<512xi32, #tpu.memory_space<vmem>>, vector<16xi32>,
        %get3A_382 = arith.constant 368 : index
        %get3A_383 = tpu.vector_load %arg13[%get3A_382] {strides = array<i32>} : memref<512xi32, #tpu.memory_space<vmem>>, vector<16xi32>,
        %mul3A_384 = arith.constant 10000 : i32
        %mul3A_385 = vector.broadcast %mul3A_384 : i32 to vector<16xi32>
        %mul3A_386 = arith.muli %get3A_381, %mul3A_385 : vector<16xi32>
        %add3A_387 = arith.addi %get3A_383, %mul3A_386 : vector<16xi32>
        %swap3A_388 = arith.constant 2 : i32
        %swap3A_389 = arith.index_cast %swap3A_388 : i32 to index
        %swap3A_390 = arith.constant 112 : index
        %swap3A_391 = tpu.vector_load %arg14[%swap3A_389, %swap3A_390] {strides = array<i32>} : memref<4x128xi32, #tpu.memory_space<vmem>>, vector<16xi32>,
        tpu.vector_store %arg14[%swap3A_389, %swap3A_390], %add3A_387 {strides = array<i32>} : memref<4x128xi32, #tpu.memory_space<vmem>>, vector<16xi32>,
        %get3A_392 = arith.constant 384 : index
        %get3A_393 = tpu.vector_load %arg12[%get3A_392] {strides = array<i32>} : memref<512xi32, #tpu.memory_space<vmem>>, vector<16xi32>,
        %get3A_394 = arith.constant 384 : index
        %get3A_395 = tpu.vector_load %arg13[%get3A_394] {strides = array<i32>} : memref<512xi32, #tpu.memory_space<vmem>>, vector<16xi32>,
        %mul3A_396 = arith.constant 10000 : i32
        %mul3A_397 = vector.broadcast %mul3A_396 : i32 to vector<16xi32>
        %mul3A_398 = arith.muli %get3A_393, %mul3A_397 : vector<16xi32>
        %add3A_399 = arith.addi %get3A_395, %mul3A_398 : vector<16xi32>
        %swap3A_400 = arith.constant 3 : i32
        %swap3A_401 = arith.index_cast %swap3A_400 : i32 to index
        %swap3A_402 = arith.constant 0 : index
        %swap3A_403 = tpu.vector_load %arg14[%swap3A_401, %swap3A_402] {strides = array<i32>} : memref<4x128xi32, #tpu.memory_space<vmem>>, vector<16xi32>,
        tpu.vector_store %arg14[%swap3A_401, %swap3A_402], %add3A_399 {strides = array<i32>} : memref<4x128xi32, #tpu.memory_space<vmem>>, vector<16xi32>,
        %get3A_404 = arith.constant 400 : index
        %get3A_405 = tpu.vector_load %arg12[%get3A_404] {strides = array<i32>} : memref<512xi32, #tpu.memory_space<vmem>>, vector<16xi32>,
        %get3A_406 = arith.constant 400 : index
        %get3A_407 = tpu.vector_load %arg13[%get3A_406] {strides = array<i32>} : memref<512xi32, #tpu.memory_space<vmem>>, vector<16xi32>,
        %mul3A_408 = arith.constant 10000 : i32
        %mul3A_409 = vector.broadcast %mul3A_408 : i32 to vector<16xi32>
        %mul3A_410 = arith.muli %get3A_405, %mul3A_409 : vector<16xi32>
        %add3A_411 = arith.addi %get3A_407, %mul3A_410 : vector<16xi32>
        %swap3A_412 = arith.constant 3 : i32
        %swap3A_413 = arith.index_cast %swap3A_412 : i32 to index
        %swap3A_414 = arith.constant 16 : index
        %swap3A_415 = tpu.vector_load %arg14[%swap3A_413, %swap3A_414] {strides = array<i32>} : memref<4x128xi32, #tpu.memory_space<vmem>>, vector<16xi32>,
        tpu.vector_store %arg14[%swap3A_413, %swap3A_414], %add3A_411 {strides = array<i32>} : memref<4x128xi32, #tpu.memory_space<vmem>>, vector<16xi32>,
        %get3A_416 = arith.constant 416 : index
        %get3A_417 = tpu.vector_load %arg12[%get3A_416] {strides = array<i32>} : memref<512xi32, #tpu.memory_space<vmem>>, vector<16xi32>,
        %get3A_418 = arith.constant 416 : index
        %get3A_419 = tpu.vector_load %arg13[%get3A_418] {strides = array<i32>} : memref<512xi32, #tpu.memory_space<vmem>>, vector<16xi32>,
        %mul3A_420 = arith.constant 10000 : i32
        %mul3A_421 = vector.broadcast %mul3A_420 : i32 to vector<16xi32>
        %mul3A_422 = arith.muli %get3A_417, %mul3A_421 : vector<16xi32>
        %add3A_423 = arith.addi %get3A_419, %mul3A_422 : vector<16xi32>
        %swap3A_424 = arith.constant 3 : i32
        %swap3A_425 = arith.index_cast %swap3A_424 : i32 to index
        %swap3A_426 = arith.constant 32 : index
        %swap3A_427 = tpu.vector_load %arg14[%swap3A_425, %swap3A_426] {strides = array<i32>} : memref<4x128xi32, #tpu.memory_space<vmem>>, vector<16xi32>,
        tpu.vector_store %arg14[%swap3A_425, %swap3A_426], %add3A_423 {strides = array<i32>} : memref<4x128xi32, #tpu.memory_space<vmem>>, vector<16xi32>,
        %get3A_428 = arith.constant 432 : index
        %get3A_429 = tpu.vector_load %arg12[%get3A_428] {strides = array<i32>} : memref<512xi32, #tpu.memory_space<vmem>>, vector<16xi32>,
        %get3A_430 = arith.constant 432 : index
        %get3A_431 = tpu.vector_load %arg13[%get3A_430] {strides = array<i32>} : memref<512xi32, #tpu.memory_space<vmem>>, vector<16xi32>,
        %mul3A_432 = arith.constant 10000 : i32
        %mul3A_433 = vector.broadcast %mul3A_432 : i32 to vector<16xi32>
        %mul3A_434 = arith.muli %get3A_429, %mul3A_433 : vector<16xi32>
        %add3A_435 = arith.addi %get3A_431, %mul3A_434 : vector<16xi32>
        %swap3A_436 = arith.constant 3 : i32
        %swap3A_437 = arith.index_cast %swap3A_436 : i32 to index
        %swap3A_438 = arith.constant 48 : index
        %swap3A_439 = tpu.vector_load %arg14[%swap3A_437, %swap3A_438] {strides = array<i32>} : memref<4x128xi32, #tpu.memory_space<vmem>>, vector<16xi32>,
        tpu.vector_store %arg14[%swap3A_437, %swap3A_438], %add3A_435 {strides = array<i32>} : memref<4x128xi32, #tpu.memory_space<vmem>>, vector<16xi32>,
        %get3A_440 = arith.constant 448 : index
        %get3A_441 = tpu.vector_load %arg12[%get3A_440] {strides = array<i32>} : memref<512xi32, #tpu.memory_space<vmem>>, vector<16xi32>,
        %get3A_442 = arith.constant 448 : index
        %get3A_443 = tpu.vector_load %arg13[%get3A_442] {strides = array<i32>} : memref<512xi32, #tpu.memory_space<vmem>>, vector<16xi32>,
        %mul3A_444 = arith.constant 10000 : i32
        %mul3A_445 = vector.broadcast %mul3A_444 : i32 to vector<16xi32>
        %mul3A_446 = arith.muli %get3A_441, %mul3A_445 : vector<16xi32>
        %add3A_447 = arith.addi %get3A_443, %mul3A_446 : vector<16xi32>
        %swap3A_448 = arith.constant 3 : i32
        %swap3A_449 = arith.index_cast %swap3A_448 : i32 to index
        %swap3A_450 = arith.constant 64 : index
        %swap3A_451 = tpu.vector_load %arg14[%swap3A_449, %swap3A_450] {strides = array<i32>} : memref<4x128xi32, #tpu.memory_space<vmem>>, vector<16xi32>,
        tpu.vector_store %arg14[%swap3A_449, %swap3A_450], %add3A_447 {strides = array<i32>} : memref<4x128xi32, #tpu.memory_space<vmem>>, vector<16xi32>,
        %get3A_452 = arith.constant 464 : index
        %get3A_453 = tpu.vector_load %arg12[%get3A_452] {strides = array<i32>} : memref<512xi32, #tpu.memory_space<vmem>>, vector<16xi32>,
        %get3A_454 = arith.constant 464 : index
        %get3A_455 = tpu.vector_load %arg13[%get3A_454] {strides = array<i32>} : memref<512xi32, #tpu.memory_space<vmem>>, vector<16xi32>,
        %mul3A_456 = arith.constant 10000 : i32
        %mul3A_457 = vector.broadcast %mul3A_456 : i32 to vector<16xi32>
        %mul3A_458 = arith.muli %get3A_453, %mul3A_457 : vector<16xi32>
        %add3A_459 = arith.addi %get3A_455, %mul3A_458 : vector<16xi32>
        %swap3A_460 = arith.constant 3 : i32
        %swap3A_461 = arith.index_cast %swap3A_460 : i32 to index
        %swap3A_462 = arith.constant 80 : index
        %swap3A_463 = tpu.vector_load %arg14[%swap3A_461, %swap3A_462] {strides = array<i32>} : memref<4x128xi32, #tpu.memory_space<vmem>>, vector<16xi32>,
        tpu.vector_store %arg14[%swap3A_461, %swap3A_462], %add3A_459 {strides = array<i32>} : memref<4x128xi32, #tpu.memory_space<vmem>>, vector<16xi32>,
        %get3A_464 = arith.constant 480 : index
        %get3A_465 = tpu.vector_load %arg12[%get3A_464] {strides = array<i32>} : memref<512xi32, #tpu.memory_space<vmem>>, vector<16xi32>,
        %get3A_466 = arith.constant 480 : index
        %get3A_467 = tpu.vector_load %arg13[%get3A_466] {strides = array<i32>} : memref<512xi32, #tpu.memory_space<vmem>>, vector<16xi32>,
        %mul3A_468 = arith.constant 10000 : i32
        %mul3A_469 = vector.broadcast %mul3A_468 : i32 to vector<16xi32>
        %mul3A_470 = arith.muli %get3A_465, %mul3A_469 : vector<16xi32>
        %add3A_471 = arith.addi %get3A_467, %mul3A_470 : vector<16xi32>
        %swap3A_472 = arith.constant 3 : i32
        %swap3A_473 = arith.index_cast %swap3A_472 : i32 to index
        %swap3A_474 = arith.constant 96 : index
        %swap3A_475 = tpu.vector_load %arg14[%swap3A_473, %swap3A_474] {strides = array<i32>} : memref<4x128xi32, #tpu.memory_space<vmem>>, vector<16xi32>,
        tpu.vector_store %arg14[%swap3A_473, %swap3A_474], %add3A_471 {strides = array<i32>} : memref<4x128xi32, #tpu.memory_space<vmem>>, vector<16xi32>,
        %get3A_476 = arith.constant 496 : index
        %get3A_477 = tpu.vector_load %arg12[%get3A_476] {strides = array<i32>} : memref<512xi32, #tpu.memory_space<vmem>>, vector<16xi32>,
        %get3A_478 = arith.constant 496 : index
        %get3A_479 = tpu.vector_load %arg13[%get3A_478] {strides = array<i32>} : memref<512xi32, #tpu.memory_space<vmem>>, vector<16xi32>,
        %mul3A_480 = arith.constant 10000 : i32
        %mul3A_481 = vector.broadcast %mul3A_480 : i32 to vector<16xi32>
        %mul3A_482 = arith.muli %get3A_477, %mul3A_481 : vector<16xi32>
        %add3A_483 = arith.addi %get3A_479, %mul3A_482 : vector<16xi32>
        %swap3A_484 = arith.constant 3 : i32
        %swap3A_485 = arith.index_cast %swap3A_484 : i32 to index
        %swap3A_486 = arith.constant 112 : index
        %swap3A_487 = tpu.vector_load %arg14[%swap3A_485, %swap3A_486] {strides = array<i32>} : memref<4x128xi32, #tpu.memory_space<vmem>>, vector<16xi32>,
        tpu.vector_store %arg14[%swap3A_485, %swap3A_486], %add3A_483 {strides = array<i32>} : memref<4x128xi32, #tpu.memory_space<vmem>>, vector<16xi32>,
        %dma_start3A_488 = arith.constant 0 : i32
        %dma_start3A_489 = tpu.memref_slice %arg11[%dma_start3A_488] : memref<512xi32, #tpu.memory_space<vmem>> -> memref<128xi32, #tpu.memory_space<vmem>>
        %dma_start3A_490 = arith.constant 0 : i32
        %dma_start3A_491 = arith.constant 0 : i32
        %dma_start3A_492 = tpu.memref_slice %arg3[%dma_start3A_490, %dma_start3A_491] : memref<10000x64xf32, #tpu.memory_space<hbm>> -> memref<10000x64xf32, #tpu.memory_space<hbm>>
        tpu.enqueue_indirect_dma source(%dma_start3A_492 : memref<10000x64xf32, #tpu.memory_space<hbm>>) target(%arg15 : memref<128x64xf32, #tpu.memory_space<vmem>>) offsets(%dma_start3A_489 : memref<128xi32, #tpu.memory_space<vmem>>) semaphore(%arg17 : memref<!tpu.dma_semaphore, #tpu.memory_space<semaphore_mem>>)
        %dma_wait3A_493 = arith.constant 0 : i32
        %dma_wait3A_494 = tpu.memref_slice %arg11[%dma_wait3A_493] : memref<512xi32, #tpu.memory_space<vmem>> -> memref<128xi32, #tpu.memory_space<vmem>>
        %dma_wait3A_495 = arith.constant 0 : i32
        %dma_wait3A_496 = arith.constant 0 : i32
        %dma_wait3A_497 = tpu.memref_slice %arg3[%dma_wait3A_495, %dma_wait3A_496] : memref<10000x64xf32, #tpu.memory_space<hbm>> -> memref<10000x64xf32, #tpu.memory_space<hbm>>
        tpu.wait_indirect_dma semaphore(%arg17 : memref<!tpu.dma_semaphore, #tpu.memory_space<semaphore_mem>>) src(%dma_wait3A_497 : memref<10000x64xf32, #tpu.memory_space<hbm>>) dst(%arg15 : memref<128x64xf32, #tpu.memory_space<vmem>>)
        %run_scoped3A = arith.constant 0 : i32
        "tpu.region"() ({
          %run_scoped3A_531 = tpu.sem_alloc : memref<!tpu.dma_semaphore, #tpu.memory_space<semaphore_mem>>
          %dma_start3A_532 = arith.constant 0 : i32
          %dma_start3A_533 = tpu.memref_slice %arg14[%run_scoped3A, %dma_start3A_532] : memref<4x128xi32, #tpu.memory_space<vmem>> -> memref<1x128xi32, #tpu.memory_space<vmem>>
          %dma_start3A_534 = tpu.memref_squeeze %dma_start3A_533 : memref<1x128xi32, #tpu.memory_space<vmem>> -> memref<128xi32, #tpu.memory_space<vmem>>
          %dma_start3A_535 = arith.constant 0 : i32
          %dma_start3A_536 = arith.constant 0 : i32
          %dma_start3A_537 = tpu.memref_slice %arg10[%dma_start3A_535, %dma_start3A_536] : memref<30016x64xf32, #tpu.memory_space<vmem_shared>> -> memref<30016x64xf32, #tpu.memory_space<vmem_shared>>
          tpu.enqueue_indirect_dma source(%arg15 : memref<128x64xf32, #tpu.memory_space<vmem>>) target(%dma_start3A_537 : memref<30016x64xf32, #tpu.memory_space<vmem_shared>>) offsets(%dma_start3A_534 : memref<128xi32, #tpu.memory_space<vmem>>) semaphore(%run_scoped3A_531 : memref<!tpu.dma_semaphore, #tpu.memory_space<semaphore_mem>>) {add = true}
          %dma_wait3A_538 = arith.constant 0 : i32
          %dma_wait3A_539 = tpu.memref_slice %arg14[%run_scoped3A, %dma_wait3A_538] : memref<4x128xi32, #tpu.memory_space<vmem>> -> memref<1x128xi32, #tpu.memory_space<vmem>>
          %dma_wait3A_540 = tpu.memref_squeeze %dma_wait3A_539 : memref<1x128xi32, #tpu.memory_space<vmem>> -> memref<128xi32, #tpu.memory_space<vmem>>
          %dma_wait3A_541 = arith.constant 0 : i32
          %dma_wait3A_542 = arith.constant 0 : i32
          %dma_wait3A_543 = tpu.memref_slice %arg10[%dma_wait3A_541, %dma_wait3A_542] : memref<30016x64xf32, #tpu.memory_space<vmem_shared>> -> memref<30016x64xf32, #tpu.memory_space<vmem_shared>>
          tpu.wait_indirect_dma semaphore(%run_scoped3A_531 : memref<!tpu.dma_semaphore, #tpu.memory_space<semaphore_mem>>) src(%arg15 : memref<128x64xf32, #tpu.memory_space<vmem>>) dst(%dma_wait3A_543 : memref<30016x64xf32, #tpu.memory_space<vmem_shared>>)
          tpu.yield
        }) : () -> ()
        %dma_start3A_498 = arith.constant 128 : i32
        %dma_start3A_499 = tpu.memref_slice %arg11[%dma_start3A_498] : memref<512xi32, #tpu.memory_space<vmem>> -> memref<128xi32, #tpu.memory_space<vmem>>
        %dma_start3A_500 = arith.constant 0 : i32
        %dma_start3A_501 = arith.constant 0 : i32
        %dma_start3A_502 = tpu.memref_slice %arg3[%dma_start3A_500, %dma_start3A_501] : memref<10000x64xf32, #tpu.memory_space<hbm>> -> memref<10000x64xf32, #tpu.memory_space<hbm>>
        tpu.enqueue_indirect_dma source(%dma_start3A_502 : memref<10000x64xf32, #tpu.memory_space<hbm>>) target(%arg15 : memref<128x64xf32, #tpu.memory_space<vmem>>) offsets(%dma_start3A_499 : memref<128xi32, #tpu.memory_space<vmem>>) semaphore(%arg17 : memref<!tpu.dma_semaphore, #tpu.memory_space<semaphore_mem>>)
        %dma_wait3A_503 = arith.constant 128 : i32
        %dma_wait3A_504 = tpu.memref_slice %arg11[%dma_wait3A_503] : memref<512xi32, #tpu.memory_space<vmem>> -> memref<128xi32, #tpu.memory_space<vmem>>
        %dma_wait3A_505 = arith.constant 0 : i32
        %dma_wait3A_506 = arith.constant 0 : i32
        %dma_wait3A_507 = tpu.memref_slice %arg3[%dma_wait3A_505, %dma_wait3A_506] : memref<10000x64xf32, #tpu.memory_space<hbm>> -> memref<10000x64xf32, #tpu.memory_space<hbm>>
        tpu.wait_indirect_dma semaphore(%arg17 : memref<!tpu.dma_semaphore, #tpu.memory_space<semaphore_mem>>) src(%dma_wait3A_507 : memref<10000x64xf32, #tpu.memory_space<hbm>>) dst(%arg15 : memref<128x64xf32, #tpu.memory_space<vmem>>)
        %run_scoped3A_508 = arith.constant 1 : i32
        "tpu.region"() ({
          %run_scoped3A_531 = tpu.sem_alloc : memref<!tpu.dma_semaphore, #tpu.memory_space<semaphore_mem>>
          %dma_start3A_532 = arith.constant 0 : i32
          %dma_start3A_533 = tpu.memref_slice %arg14[%run_scoped3A_508, %dma_start3A_532] : memref<4x128xi32, #tpu.memory_space<vmem>> -> memref<1x128xi32, #tpu.memory_space<vmem>>
          %dma_start3A_534 = tpu.memref_squeeze %dma_start3A_533 : memref<1x128xi32, #tpu.memory_space<vmem>> -> memref<128xi32, #tpu.memory_space<vmem>>
          %dma_start3A_535 = arith.constant 0 : i32
          %dma_start3A_536 = arith.constant 0 : i32
          %dma_start3A_537 = tpu.memref_slice %arg10[%dma_start3A_535, %dma_start3A_536] : memref<30016x64xf32, #tpu.memory_space<vmem_shared>> -> memref<30016x64xf32, #tpu.memory_space<vmem_shared>>
          tpu.enqueue_indirect_dma source(%arg15 : memref<128x64xf32, #tpu.memory_space<vmem>>) target(%dma_start3A_537 : memref<30016x64xf32, #tpu.memory_space<vmem_shared>>) offsets(%dma_start3A_534 : memref<128xi32, #tpu.memory_space<vmem>>) semaphore(%run_scoped3A_531 : memref<!tpu.dma_semaphore, #tpu.memory_space<semaphore_mem>>) {add = true}
          %dma_wait3A_538 = arith.constant 0 : i32
          %dma_wait3A_539 = tpu.memref_slice %arg14[%run_scoped3A_508, %dma_wait3A_538] : memref<4x128xi32, #tpu.memory_space<vmem>> -> memref<1x128xi32, #tpu.memory_space<vmem>>
          %dma_wait3A_540 = tpu.memref_squeeze %dma_wait3A_539 : memref<1x128xi32, #tpu.memory_space<vmem>> -> memref<128xi32, #tpu.memory_space<vmem>>
          %dma_wait3A_541 = arith.constant 0 : i32
          %dma_wait3A_542 = arith.constant 0 : i32
          %dma_wait3A_543 = tpu.memref_slice %arg10[%dma_wait3A_541, %dma_wait3A_542] : memref<30016x64xf32, #tpu.memory_space<vmem_shared>> -> memref<30016x64xf32, #tpu.memory_space<vmem_shared>>
          tpu.wait_indirect_dma semaphore(%run_scoped3A_531 : memref<!tpu.dma_semaphore, #tpu.memory_space<semaphore_mem>>) src(%arg15 : memref<128x64xf32, #tpu.memory_space<vmem>>) dst(%dma_wait3A_543 : memref<30016x64xf32, #tpu.memory_space<vmem_shared>>)
          tpu.yield
        }) : () -> ()
        %dma_start3A_509 = arith.constant 256 : i32
        %dma_start3A_510 = tpu.memref_slice %arg11[%dma_start3A_509] : memref<512xi32, #tpu.memory_space<vmem>> -> memref<128xi32, #tpu.memory_space<vmem>>
        %dma_start3A_511 = arith.constant 0 : i32
        %dma_start3A_512 = arith.constant 0 : i32
        %dma_start3A_513 = tpu.memref_slice %arg3[%dma_start3A_511, %dma_start3A_512] : memref<10000x64xf32, #tpu.memory_space<hbm>> -> memref<10000x64xf32, #tpu.memory_space<hbm>>
        tpu.enqueue_indirect_dma source(%dma_start3A_513 : memref<10000x64xf32, #tpu.memory_space<hbm>>) target(%arg15 : memref<128x64xf32, #tpu.memory_space<vmem>>) offsets(%dma_start3A_510 : memref<128xi32, #tpu.memory_space<vmem>>) semaphore(%arg17 : memref<!tpu.dma_semaphore, #tpu.memory_space<semaphore_mem>>)
        %dma_wait3A_514 = arith.constant 256 : i32
        %dma_wait3A_515 = tpu.memref_slice %arg11[%dma_wait3A_514] : memref<512xi32, #tpu.memory_space<vmem>> -> memref<128xi32, #tpu.memory_space<vmem>>
        %dma_wait3A_516 = arith.constant 0 : i32
        %dma_wait3A_517 = arith.constant 0 : i32
        %dma_wait3A_518 = tpu.memref_slice %arg3[%dma_wait3A_516, %dma_wait3A_517] : memref<10000x64xf32, #tpu.memory_space<hbm>> -> memref<10000x64xf32, #tpu.memory_space<hbm>>
        tpu.wait_indirect_dma semaphore(%arg17 : memref<!tpu.dma_semaphore, #tpu.memory_space<semaphore_mem>>) src(%dma_wait3A_518 : memref<10000x64xf32, #tpu.memory_space<hbm>>) dst(%arg15 : memref<128x64xf32, #tpu.memory_space<vmem>>)
        %run_scoped3A_519 = arith.constant 2 : i32
        "tpu.region"() ({
          %run_scoped3A_531 = tpu.sem_alloc : memref<!tpu.dma_semaphore, #tpu.memory_space<semaphore_mem>>
          %dma_start3A_532 = arith.constant 0 : i32
          %dma_start3A_533 = tpu.memref_slice %arg14[%run_scoped3A_519, %dma_start3A_532] : memref<4x128xi32, #tpu.memory_space<vmem>> -> memref<1x128xi32, #tpu.memory_space<vmem>>
          %dma_start3A_534 = tpu.memref_squeeze %dma_start3A_533 : memref<1x128xi32, #tpu.memory_space<vmem>> -> memref<128xi32, #tpu.memory_space<vmem>>
          %dma_start3A_535 = arith.constant 0 : i32
          %dma_start3A_536 = arith.constant 0 : i32
          %dma_start3A_537 = tpu.memref_slice %arg10[%dma_start3A_535, %dma_start3A_536] : memref<30016x64xf32, #tpu.memory_space<vmem_shared>> -> memref<30016x64xf32, #tpu.memory_space<vmem_shared>>
          tpu.enqueue_indirect_dma source(%arg15 : memref<128x64xf32, #tpu.memory_space<vmem>>) target(%dma_start3A_537 : memref<30016x64xf32, #tpu.memory_space<vmem_shared>>) offsets(%dma_start3A_534 : memref<128xi32, #tpu.memory_space<vmem>>) semaphore(%run_scoped3A_531 : memref<!tpu.dma_semaphore, #tpu.memory_space<semaphore_mem>>) {add = true}
          %dma_wait3A_538 = arith.constant 0 : i32
          %dma_wait3A_539 = tpu.memref_slice %arg14[%run_scoped3A_519, %dma_wait3A_538] : memref<4x128xi32, #tpu.memory_space<vmem>> -> memref<1x128xi32, #tpu.memory_space<vmem>>
          %dma_wait3A_540 = tpu.memref_squeeze %dma_wait3A_539 : memref<1x128xi32, #tpu.memory_space<vmem>> -> memref<128xi32, #tpu.memory_space<vmem>>
          %dma_wait3A_541 = arith.constant 0 : i32
          %dma_wait3A_542 = arith.constant 0 : i32
          %dma_wait3A_543 = tpu.memref_slice %arg10[%dma_wait3A_541, %dma_wait3A_542] : memref<30016x64xf32, #tpu.memory_space<vmem_shared>> -> memref<30016x64xf32, #tpu.memory_space<vmem_shared>>
          tpu.wait_indirect_dma semaphore(%run_scoped3A_531 : memref<!tpu.dma_semaphore, #tpu.memory_space<semaphore_mem>>) src(%arg15 : memref<128x64xf32, #tpu.memory_space<vmem>>) dst(%dma_wait3A_543 : memref<30016x64xf32, #tpu.memory_space<vmem_shared>>)
          tpu.yield
        }) : () -> ()
        %dma_start3A_520 = arith.constant 384 : i32
        %dma_start3A_521 = tpu.memref_slice %arg11[%dma_start3A_520] : memref<512xi32, #tpu.memory_space<vmem>> -> memref<128xi32, #tpu.memory_space<vmem>>
        %dma_start3A_522 = arith.constant 0 : i32
        %dma_start3A_523 = arith.constant 0 : i32
        %dma_start3A_524 = tpu.memref_slice %arg3[%dma_start3A_522, %dma_start3A_523] : memref<10000x64xf32, #tpu.memory_space<hbm>> -> memref<10000x64xf32, #tpu.memory_space<hbm>>
        tpu.enqueue_indirect_dma source(%dma_start3A_524 : memref<10000x64xf32, #tpu.memory_space<hbm>>) target(%arg15 : memref<128x64xf32, #tpu.memory_space<vmem>>) offsets(%dma_start3A_521 : memref<128xi32, #tpu.memory_space<vmem>>) semaphore(%arg17 : memref<!tpu.dma_semaphore, #tpu.memory_space<semaphore_mem>>)
        %dma_wait3A_525 = arith.constant 384 : i32
        %dma_wait3A_526 = tpu.memref_slice %arg11[%dma_wait3A_525] : memref<512xi32, #tpu.memory_space<vmem>> -> memref<128xi32, #tpu.memory_space<vmem>>
        %dma_wait3A_527 = arith.constant 0 : i32
        %dma_wait3A_528 = arith.constant 0 : i32
        %dma_wait3A_529 = tpu.memref_slice %arg3[%dma_wait3A_527, %dma_wait3A_528] : memref<10000x64xf32, #tpu.memory_space<hbm>> -> memref<10000x64xf32, #tpu.memory_space<hbm>>
        tpu.wait_indirect_dma semaphore(%arg17 : memref<!tpu.dma_semaphore, #tpu.memory_space<semaphore_mem>>) src(%dma_wait3A_529 : memref<10000x64xf32, #tpu.memory_space<hbm>>) dst(%arg15 : memref<128x64xf32, #tpu.memory_space<vmem>>)
        %run_scoped3A_530 = arith.constant 3 : i32
        "tpu.region"() ({
          %run_scoped3A_531 = tpu.sem_alloc : memref<!tpu.dma_semaphore, #tpu.memory_space<semaphore_mem>>
          %dma_start3A_532 = arith.constant 0 : i32
          %dma_start3A_533 = tpu.memref_slice %arg14[%run_scoped3A_530, %dma_start3A_532] : memref<4x128xi32, #tpu.memory_space<vmem>> -> memref<1x128xi32, #tpu.memory_space<vmem>>
          %dma_start3A_534 = tpu.memref_squeeze %dma_start3A_533 : memref<1x128xi32, #tpu.memory_space<vmem>> -> memref<128xi32, #tpu.memory_space<vmem>>
          %dma_start3A_535 = arith.constant 0 : i32
          %dma_start3A_536 = arith.constant 0 : i32
          %dma_start3A_537 = tpu.memref_slice %arg10[%dma_start3A_535, %dma_start3A_536] : memref<30016x64xf32, #tpu.memory_space<vmem_shared>> -> memref<30016x64xf32, #tpu.memory_space<vmem_shared>>
          tpu.enqueue_indirect_dma source(%arg15 : memref<128x64xf32, #tpu.memory_space<vmem>>) target(%dma_start3A_537 : memref<30016x64xf32, #tpu.memory_space<vmem_shared>>) offsets(%dma_start3A_534 : memref<128xi32, #tpu.memory_space<vmem>>) semaphore(%run_scoped3A_531 : memref<!tpu.dma_semaphore, #tpu.memory_space<semaphore_mem>>) {add = true}
          %dma_wait3A_538 = arith.constant 0 : i32
          %dma_wait3A_539 = tpu.memref_slice %arg14[%run_scoped3A_530, %dma_wait3A_538] : memref<4x128xi32, #tpu.memory_space<vmem>> -> memref<1x128xi32, #tpu.memory_space<vmem>>
          %dma_wait3A_540 = tpu.memref_squeeze %dma_wait3A_539 : memref<1x128xi32, #tpu.memory_space<vmem>> -> memref<128xi32, #tpu.memory_space<vmem>>
          %dma_wait3A_541 = arith.constant 0 : i32
          %dma_wait3A_542 = arith.constant 0 : i32
          %dma_wait3A_543 = tpu.memref_slice %arg10[%dma_wait3A_541, %dma_wait3A_542] : memref<30016x64xf32, #tpu.memory_space<vmem_shared>> -> memref<30016x64xf32, #tpu.memory_space<vmem_shared>>
          tpu.wait_indirect_dma semaphore(%run_scoped3A_531 : memref<!tpu.dma_semaphore, #tpu.memory_space<semaphore_mem>>) src(%arg15 : memref<128x64xf32, #tpu.memory_space<vmem>>) dst(%dma_wait3A_543 : memref<30016x64xf32, #tpu.memory_space<vmem_shared>>)
          tpu.yield
        }) : () -> ()
      }
      %while3A_60 = arith.constant 1 : i32
      scf.for %while3A_93 = %while3A_58 to %while3A_54 step %while3A_60  : i32 {
        %mul3A_94 = arith.constant 512 : i32
        %mul3A_95 = arith.muli %while3A_93, %mul3A_94 : i32
        %dma_start3A = tpu.memref_slice %arg4[%mul3A_95] : memref<320000xi32, #tpu.memory_space<hbm>> -> memref<512xi32, #tpu.memory_space<hbm>>
        %dma_start3A_96 = tpu.memref_slice %arg4[%mul3A_95] : memref<320000xi32, #tpu.memory_space<hbm>> -> memref<512xi32, #tpu.memory_space<hbm>>
        tpu.enqueue_dma source(%dma_start3A_96 : memref<512xi32, #tpu.memory_space<hbm>>) target(%arg11 : memref<512xi32, #tpu.memory_space<vmem>>) target_semaphore(%arg16 : memref<!tpu.dma_semaphore, #tpu.memory_space<semaphore_mem>>)
        %dma_start3A_97 = tpu.memref_slice %arg6[%mul3A_95] : memref<320000xi32, #tpu.memory_space<hbm>> -> memref<512xi32, #tpu.memory_space<hbm>>
        %dma_start3A_98 = tpu.memref_slice %arg6[%mul3A_95] : memref<320000xi32, #tpu.memory_space<hbm>> -> memref<512xi32, #tpu.memory_space<hbm>>
        tpu.enqueue_dma source(%dma_start3A_98 : memref<512xi32, #tpu.memory_space<hbm>>) target(%arg12 : memref<512xi32, #tpu.memory_space<vmem>>) target_semaphore(%arg16 : memref<!tpu.dma_semaphore, #tpu.memory_space<semaphore_mem>>)
        %dma_start3A_99 = tpu.memref_slice %arg5[%mul3A_95] : memref<320000xi32, #tpu.memory_space<hbm>> -> memref<512xi32, #tpu.memory_space<hbm>>
        %dma_start3A_100 = tpu.memref_slice %arg5[%mul3A_95] : memref<320000xi32, #tpu.memory_space<hbm>> -> memref<512xi32, #tpu.memory_space<hbm>>
        tpu.enqueue_dma source(%dma_start3A_100 : memref<512xi32, #tpu.memory_space<hbm>>) target(%arg13 : memref<512xi32, #tpu.memory_space<vmem>>) target_semaphore(%arg16 : memref<!tpu.dma_semaphore, #tpu.memory_space<semaphore_mem>>)
        %dma_wait3A = tpu.memref_slice %arg4[%mul3A_95] : memref<320000xi32, #tpu.memory_space<hbm>> -> memref<512xi32, #tpu.memory_space<hbm>>
        %dma_wait3A_101 = tpu.memref_slice %arg4[%mul3A_95] : memref<320000xi32, #tpu.memory_space<hbm>> -> memref<512xi32, #tpu.memory_space<hbm>>
        tpu.wait_dma2 semaphore(%arg16 : memref<!tpu.dma_semaphore, #tpu.memory_space<semaphore_mem>>) src(%dma_wait3A_101 : memref<512xi32, #tpu.memory_space<hbm>>) dst(%arg11 : memref<512xi32, #tpu.memory_space<vmem>>)
        %dma_wait3A_102 = tpu.memref_slice %arg6[%mul3A_95] : memref<320000xi32, #tpu.memory_space<hbm>> -> memref<512xi32, #tpu.memory_space<hbm>>
        %dma_wait3A_103 = tpu.memref_slice %arg6[%mul3A_95] : memref<320000xi32, #tpu.memory_space<hbm>> -> memref<512xi32, #tpu.memory_space<hbm>>
        tpu.wait_dma2 semaphore(%arg16 : memref<!tpu.dma_semaphore, #tpu.memory_space<semaphore_mem>>) src(%dma_wait3A_103 : memref<512xi32, #tpu.memory_space<hbm>>) dst(%arg12 : memref<512xi32, #tpu.memory_space<vmem>>)
        %dma_wait3A_104 = tpu.memref_slice %arg5[%mul3A_95] : memref<320000xi32, #tpu.memory_space<hbm>> -> memref<512xi32, #tpu.memory_space<hbm>>
        %dma_wait3A_105 = tpu.memref_slice %arg5[%mul3A_95] : memref<320000xi32, #tpu.memory_space<hbm>> -> memref<512xi32, #tpu.memory_space<hbm>>
        tpu.wait_dma2 semaphore(%arg16 : memref<!tpu.dma_semaphore, #tpu.memory_space<semaphore_mem>>) src(%dma_wait3A_105 : memref<512xi32, #tpu.memory_space<hbm>>) dst(%arg13 : memref<512xi32, #tpu.memory_space<vmem>>)
        %get3A = arith.constant 0 : index
        %get3A_106 = tpu.vector_load %arg12[%get3A] {strides = array<i32>} : memref<512xi32, #tpu.memory_space<vmem>>, vector<16xi32>,
        %get3A_107 = arith.constant 0 : index
        %get3A_108 = tpu.vector_load %arg13[%get3A_107] {strides = array<i32>} : memref<512xi32, #tpu.memory_space<vmem>>, vector<16xi32>,
        %mul3A_109 = arith.constant 10000 : i32
        %mul3A_110 = vector.broadcast %mul3A_109 : i32 to vector<16xi32>
        %mul3A_111 = arith.muli %get3A_106, %mul3A_110 : vector<16xi32>
        %add3A_112 = arith.addi %get3A_108, %mul3A_111 : vector<16xi32>
        %swap3A = arith.constant 0 : i32
        %swap3A_113 = arith.index_cast %swap3A : i32 to index
        %swap3A_114 = arith.constant 0 : index
        %swap3A_115 = tpu.vector_load %arg14[%swap3A_113, %swap3A_114] {strides = array<i32>} : memref<4x128xi32, #tpu.memory_space<vmem>>, vector<16xi32>,
        tpu.vector_store %arg14[%swap3A_113, %swap3A_114], %add3A_112 {strides = array<i32>} : memref<4x128xi32, #tpu.memory_space<vmem>>, vector<16xi32>,
        %get3A_116 = arith.constant 16 : index
        %get3A_117 = tpu.vector_load %arg12[%get3A_116] {strides = array<i32>} : memref<512xi32, #tpu.memory_space<vmem>>, vector<16xi32>,
        %get3A_118 = arith.constant 16 : index
        %get3A_119 = tpu.vector_load %arg13[%get3A_118] {strides = array<i32>} : memref<512xi32, #tpu.memory_space<vmem>>, vector<16xi32>,
        %mul3A_120 = arith.constant 10000 : i32
        %mul3A_121 = vector.broadcast %mul3A_120 : i32 to vector<16xi32>
        %mul3A_122 = arith.muli %get3A_117, %mul3A_121 : vector<16xi32>
        %add3A_123 = arith.addi %get3A_119, %mul3A_122 : vector<16xi32>
        %swap3A_124 = arith.constant 0 : i32
        %swap3A_125 = arith.index_cast %swap3A_124 : i32 to index
        %swap3A_126 = arith.constant 16 : index
        %swap3A_127 = tpu.vector_load %arg14[%swap3A_125, %swap3A_126] {strides = array<i32>} : memref<4x128xi32, #tpu.memory_space<vmem>>, vector<16xi32>,
        tpu.vector_store %arg14[%swap3A_125, %swap3A_126], %add3A_123 {strides = array<i32>} : memref<4x128xi32, #tpu.memory_space<vmem>>, vector<16xi32>,
        %get3A_128 = arith.constant 32 : index
        %get3A_129 = tpu.vector_load %arg12[%get3A_128] {strides = array<i32>} : memref<512xi32, #tpu.memory_space<vmem>>, vector<16xi32>,
        %get3A_130 = arith.constant 32 : index
        %get3A_131 = tpu.vector_load %arg13[%get3A_130] {strides = array<i32>} : memref<512xi32, #tpu.memory_space<vmem>>, vector<16xi32>,
        %mul3A_132 = arith.constant 10000 : i32
        %mul3A_133 = vector.broadcast %mul3A_132 : i32 to vector<16xi32>
        %mul3A_134 = arith.muli %get3A_129, %mul3A_133 : vector<16xi32>
        %add3A_135 = arith.addi %get3A_131, %mul3A_134 : vector<16xi32>
        %swap3A_136 = arith.constant 0 : i32
        %swap3A_137 = arith.index_cast %swap3A_136 : i32 to index
        %swap3A_138 = arith.constant 32 : index
        %swap3A_139 = tpu.vector_load %arg14[%swap3A_137, %swap3A_138] {strides = array<i32>} : memref<4x128xi32, #tpu.memory_space<vmem>>, vector<16xi32>,
        tpu.vector_store %arg14[%swap3A_137, %swap3A_138], %add3A_135 {strides = array<i32>} : memref<4x128xi32, #tpu.memory_space<vmem>>, vector<16xi32>,
        %get3A_140 = arith.constant 48 : index
        %get3A_141 = tpu.vector_load %arg12[%get3A_140] {strides = array<i32>} : memref<512xi32, #tpu.memory_space<vmem>>, vector<16xi32>,
        %get3A_142 = arith.constant 48 : index
        %get3A_143 = tpu.vector_load %arg13[%get3A_142] {strides = array<i32>} : memref<512xi32, #tpu.memory_space<vmem>>, vector<16xi32>,
        %mul3A_144 = arith.constant 10000 : i32
        %mul3A_145 = vector.broadcast %mul3A_144 : i32 to vector<16xi32>
        %mul3A_146 = arith.muli %get3A_141, %mul3A_145 : vector<16xi32>
        %add3A_147 = arith.addi %get3A_143, %mul3A_146 : vector<16xi32>
        %swap3A_148 = arith.constant 0 : i32
        %swap3A_149 = arith.index_cast %swap3A_148 : i32 to index
        %swap3A_150 = arith.constant 48 : index
        %swap3A_151 = tpu.vector_load %arg14[%swap3A_149, %swap3A_150] {strides = array<i32>} : memref<4x128xi32, #tpu.memory_space<vmem>>, vector<16xi32>,
        tpu.vector_store %arg14[%swap3A_149, %swap3A_150], %add3A_147 {strides = array<i32>} : memref<4x128xi32, #tpu.memory_space<vmem>>, vector<16xi32>,
        %get3A_152 = arith.constant 64 : index
        %get3A_153 = tpu.vector_load %arg12[%get3A_152] {strides = array<i32>} : memref<512xi32, #tpu.memory_space<vmem>>, vector<16xi32>,
        %get3A_154 = arith.constant 64 : index
        %get3A_155 = tpu.vector_load %arg13[%get3A_154] {strides = array<i32>} : memref<512xi32, #tpu.memory_space<vmem>>, vector<16xi32>,
        %mul3A_156 = arith.constant 10000 : i32
        %mul3A_157 = vector.broadcast %mul3A_156 : i32 to vector<16xi32>
        %mul3A_158 = arith.muli %get3A_153, %mul3A_157 : vector<16xi32>
        %add3A_159 = arith.addi %get3A_155, %mul3A_158 : vector<16xi32>
        %swap3A_160 = arith.constant 0 : i32
        %swap3A_161 = arith.index_cast %swap3A_160 : i32 to index
        %swap3A_162 = arith.constant 64 : index
        %swap3A_163 = tpu.vector_load %arg14[%swap3A_161, %swap3A_162] {strides = array<i32>} : memref<4x128xi32, #tpu.memory_space<vmem>>, vector<16xi32>,
        tpu.vector_store %arg14[%swap3A_161, %swap3A_162], %add3A_159 {strides = array<i32>} : memref<4x128xi32, #tpu.memory_space<vmem>>, vector<16xi32>,
        %get3A_164 = arith.constant 80 : index
        %get3A_165 = tpu.vector_load %arg12[%get3A_164] {strides = array<i32>} : memref<512xi32, #tpu.memory_space<vmem>>, vector<16xi32>,
        %get3A_166 = arith.constant 80 : index
        %get3A_167 = tpu.vector_load %arg13[%get3A_166] {strides = array<i32>} : memref<512xi32, #tpu.memory_space<vmem>>, vector<16xi32>,
        %mul3A_168 = arith.constant 10000 : i32
        %mul3A_169 = vector.broadcast %mul3A_168 : i32 to vector<16xi32>
        %mul3A_170 = arith.muli %get3A_165, %mul3A_169 : vector<16xi32>
        %add3A_171 = arith.addi %get3A_167, %mul3A_170 : vector<16xi32>
        %swap3A_172 = arith.constant 0 : i32
        %swap3A_173 = arith.index_cast %swap3A_172 : i32 to index
        %swap3A_174 = arith.constant 80 : index
        %swap3A_175 = tpu.vector_load %arg14[%swap3A_173, %swap3A_174] {strides = array<i32>} : memref<4x128xi32, #tpu.memory_space<vmem>>, vector<16xi32>,
        tpu.vector_store %arg14[%swap3A_173, %swap3A_174], %add3A_171 {strides = array<i32>} : memref<4x128xi32, #tpu.memory_space<vmem>>, vector<16xi32>,
        %get3A_176 = arith.constant 96 : index
        %get3A_177 = tpu.vector_load %arg12[%get3A_176] {strides = array<i32>} : memref<512xi32, #tpu.memory_space<vmem>>, vector<16xi32>,
        %get3A_178 = arith.constant 96 : index
        %get3A_179 = tpu.vector_load %arg13[%get3A_178] {strides = array<i32>} : memref<512xi32, #tpu.memory_space<vmem>>, vector<16xi32>,
        %mul3A_180 = arith.constant 10000 : i32
        %mul3A_181 = vector.broadcast %mul3A_180 : i32 to vector<16xi32>
        %mul3A_182 = arith.muli %get3A_177, %mul3A_181 : vector<16xi32>
        %add3A_183 = arith.addi %get3A_179, %mul3A_182 : vector<16xi32>
        %swap3A_184 = arith.constant 0 : i32
        %swap3A_185 = arith.index_cast %swap3A_184 : i32 to index
        %swap3A_186 = arith.constant 96 : index
        %swap3A_187 = tpu.vector_load %arg14[%swap3A_185, %swap3A_186] {strides = array<i32>} : memref<4x128xi32, #tpu.memory_space<vmem>>, vector<16xi32>,
        tpu.vector_store %arg14[%swap3A_185, %swap3A_186], %add3A_183 {strides = array<i32>} : memref<4x128xi32, #tpu.memory_space<vmem>>, vector<16xi32>,
        %get3A_188 = arith.constant 112 : index
        %get3A_189 = tpu.vector_load %arg12[%get3A_188] {strides = array<i32>} : memref<512xi32, #tpu.memory_space<vmem>>, vector<16xi32>,
        %get3A_190 = arith.constant 112 : index
        %get3A_191 = tpu.vector_load %arg13[%get3A_190] {strides = array<i32>} : memref<512xi32, #tpu.memory_space<vmem>>, vector<16xi32>,
        %mul3A_192 = arith.constant 10000 : i32
        %mul3A_193 = vector.broadcast %mul3A_192 : i32 to vector<16xi32>
        %mul3A_194 = arith.muli %get3A_189, %mul3A_193 : vector<16xi32>
        %add3A_195 = arith.addi %get3A_191, %mul3A_194 : vector<16xi32>
        %swap3A_196 = arith.constant 0 : i32
        %swap3A_197 = arith.index_cast %swap3A_196 : i32 to index
        %swap3A_198 = arith.constant 112 : index
        %swap3A_199 = tpu.vector_load %arg14[%swap3A_197, %swap3A_198] {strides = array<i32>} : memref<4x128xi32, #tpu.memory_space<vmem>>, vector<16xi32>,
        tpu.vector_store %arg14[%swap3A_197, %swap3A_198], %add3A_195 {strides = array<i32>} : memref<4x128xi32, #tpu.memory_space<vmem>>, vector<16xi32>,
        %get3A_200 = arith.constant 128 : index
        %get3A_201 = tpu.vector_load %arg12[%get3A_200] {strides = array<i32>} : memref<512xi32, #tpu.memory_space<vmem>>, vector<16xi32>,
        %get3A_202 = arith.constant 128 : index
        %get3A_203 = tpu.vector_load %arg13[%get3A_202] {strides = array<i32>} : memref<512xi32, #tpu.memory_space<vmem>>, vector<16xi32>,
        %mul3A_204 = arith.constant 10000 : i32
        %mul3A_205 = vector.broadcast %mul3A_204 : i32 to vector<16xi32>
        %mul3A_206 = arith.muli %get3A_201, %mul3A_205 : vector<16xi32>
        %add3A_207 = arith.addi %get3A_203, %mul3A_206 : vector<16xi32>
        %swap3A_208 = arith.constant 1 : i32
        %swap3A_209 = arith.index_cast %swap3A_208 : i32 to index
        %swap3A_210 = arith.constant 0 : index
        %swap3A_211 = tpu.vector_load %arg14[%swap3A_209, %swap3A_210] {strides = array<i32>} : memref<4x128xi32, #tpu.memory_space<vmem>>, vector<16xi32>,
        tpu.vector_store %arg14[%swap3A_209, %swap3A_210], %add3A_207 {strides = array<i32>} : memref<4x128xi32, #tpu.memory_space<vmem>>, vector<16xi32>,
        %get3A_212 = arith.constant 144 : index
        %get3A_213 = tpu.vector_load %arg12[%get3A_212] {strides = array<i32>} : memref<512xi32, #tpu.memory_space<vmem>>, vector<16xi32>,
        %get3A_214 = arith.constant 144 : index
        %get3A_215 = tpu.vector_load %arg13[%get3A_214] {strides = array<i32>} : memref<512xi32, #tpu.memory_space<vmem>>, vector<16xi32>,
        %mul3A_216 = arith.constant 10000 : i32
        %mul3A_217 = vector.broadcast %mul3A_216 : i32 to vector<16xi32>
        %mul3A_218 = arith.muli %get3A_213, %mul3A_217 : vector<16xi32>
        %add3A_219 = arith.addi %get3A_215, %mul3A_218 : vector<16xi32>
        %swap3A_220 = arith.constant 1 : i32
        %swap3A_221 = arith.index_cast %swap3A_220 : i32 to index
        %swap3A_222 = arith.constant 16 : index
        %swap3A_223 = tpu.vector_load %arg14[%swap3A_221, %swap3A_222] {strides = array<i32>} : memref<4x128xi32, #tpu.memory_space<vmem>>, vector<16xi32>,
        tpu.vector_store %arg14[%swap3A_221, %swap3A_222], %add3A_219 {strides = array<i32>} : memref<4x128xi32, #tpu.memory_space<vmem>>, vector<16xi32>,
        %get3A_224 = arith.constant 160 : index
        %get3A_225 = tpu.vector_load %arg12[%get3A_224] {strides = array<i32>} : memref<512xi32, #tpu.memory_space<vmem>>, vector<16xi32>,
        %get3A_226 = arith.constant 160 : index
        %get3A_227 = tpu.vector_load %arg13[%get3A_226] {strides = array<i32>} : memref<512xi32, #tpu.memory_space<vmem>>, vector<16xi32>,
        %mul3A_228 = arith.constant 10000 : i32
        %mul3A_229 = vector.broadcast %mul3A_228 : i32 to vector<16xi32>
        %mul3A_230 = arith.muli %get3A_225, %mul3A_229 : vector<16xi32>
        %add3A_231 = arith.addi %get3A_227, %mul3A_230 : vector<16xi32>
        %swap3A_232 = arith.constant 1 : i32
        %swap3A_233 = arith.index_cast %swap3A_232 : i32 to index
        %swap3A_234 = arith.constant 32 : index
        %swap3A_235 = tpu.vector_load %arg14[%swap3A_233, %swap3A_234] {strides = array<i32>} : memref<4x128xi32, #tpu.memory_space<vmem>>, vector<16xi32>,
        tpu.vector_store %arg14[%swap3A_233, %swap3A_234], %add3A_231 {strides = array<i32>} : memref<4x128xi32, #tpu.memory_space<vmem>>, vector<16xi32>,
        %get3A_236 = arith.constant 176 : index
        %get3A_237 = tpu.vector_load %arg12[%get3A_236] {strides = array<i32>} : memref<512xi32, #tpu.memory_space<vmem>>, vector<16xi32>,
        %get3A_238 = arith.constant 176 : index
        %get3A_239 = tpu.vector_load %arg13[%get3A_238] {strides = array<i32>} : memref<512xi32, #tpu.memory_space<vmem>>, vector<16xi32>,
        %mul3A_240 = arith.constant 10000 : i32
        %mul3A_241 = vector.broadcast %mul3A_240 : i32 to vector<16xi32>
        %mul3A_242 = arith.muli %get3A_237, %mul3A_241 : vector<16xi32>
        %add3A_243 = arith.addi %get3A_239, %mul3A_242 : vector<16xi32>
        %swap3A_244 = arith.constant 1 : i32
        %swap3A_245 = arith.index_cast %swap3A_244 : i32 to index
        %swap3A_246 = arith.constant 48 : index
        %swap3A_247 = tpu.vector_load %arg14[%swap3A_245, %swap3A_246] {strides = array<i32>} : memref<4x128xi32, #tpu.memory_space<vmem>>, vector<16xi32>,
        tpu.vector_store %arg14[%swap3A_245, %swap3A_246], %add3A_243 {strides = array<i32>} : memref<4x128xi32, #tpu.memory_space<vmem>>, vector<16xi32>,
        %get3A_248 = arith.constant 192 : index
        %get3A_249 = tpu.vector_load %arg12[%get3A_248] {strides = array<i32>} : memref<512xi32, #tpu.memory_space<vmem>>, vector<16xi32>,
        %get3A_250 = arith.constant 192 : index
        %get3A_251 = tpu.vector_load %arg13[%get3A_250] {strides = array<i32>} : memref<512xi32, #tpu.memory_space<vmem>>, vector<16xi32>,
        %mul3A_252 = arith.constant 10000 : i32
        %mul3A_253 = vector.broadcast %mul3A_252 : i32 to vector<16xi32>
        %mul3A_254 = arith.muli %get3A_249, %mul3A_253 : vector<16xi32>
        %add3A_255 = arith.addi %get3A_251, %mul3A_254 : vector<16xi32>
        %swap3A_256 = arith.constant 1 : i32
        %swap3A_257 = arith.index_cast %swap3A_256 : i32 to index
        %swap3A_258 = arith.constant 64 : index
        %swap3A_259 = tpu.vector_load %arg14[%swap3A_257, %swap3A_258] {strides = array<i32>} : memref<4x128xi32, #tpu.memory_space<vmem>>, vector<16xi32>,
        tpu.vector_store %arg14[%swap3A_257, %swap3A_258], %add3A_255 {strides = array<i32>} : memref<4x128xi32, #tpu.memory_space<vmem>>, vector<16xi32>,
        %get3A_260 = arith.constant 208 : index
        %get3A_261 = tpu.vector_load %arg12[%get3A_260] {strides = array<i32>} : memref<512xi32, #tpu.memory_space<vmem>>, vector<16xi32>,
        %get3A_262 = arith.constant 208 : index
        %get3A_263 = tpu.vector_load %arg13[%get3A_262] {strides = array<i32>} : memref<512xi32, #tpu.memory_space<vmem>>, vector<16xi32>,
        %mul3A_264 = arith.constant 10000 : i32
        %mul3A_265 = vector.broadcast %mul3A_264 : i32 to vector<16xi32>
        %mul3A_266 = arith.muli %get3A_261, %mul3A_265 : vector<16xi32>
        %add3A_267 = arith.addi %get3A_263, %mul3A_266 : vector<16xi32>
        %swap3A_268 = arith.constant 1 : i32
        %swap3A_269 = arith.index_cast %swap3A_268 : i32 to index
        %swap3A_270 = arith.constant 80 : index
        %swap3A_271 = tpu.vector_load %arg14[%swap3A_269, %swap3A_270] {strides = array<i32>} : memref<4x128xi32, #tpu.memory_space<vmem>>, vector<16xi32>,
        tpu.vector_store %arg14[%swap3A_269, %swap3A_270], %add3A_267 {strides = array<i32>} : memref<4x128xi32, #tpu.memory_space<vmem>>, vector<16xi32>,
        %get3A_272 = arith.constant 224 : index
        %get3A_273 = tpu.vector_load %arg12[%get3A_272] {strides = array<i32>} : memref<512xi32, #tpu.memory_space<vmem>>, vector<16xi32>,
        %get3A_274 = arith.constant 224 : index
        %get3A_275 = tpu.vector_load %arg13[%get3A_274] {strides = array<i32>} : memref<512xi32, #tpu.memory_space<vmem>>, vector<16xi32>,
        %mul3A_276 = arith.constant 10000 : i32
        %mul3A_277 = vector.broadcast %mul3A_276 : i32 to vector<16xi32>
        %mul3A_278 = arith.muli %get3A_273, %mul3A_277 : vector<16xi32>
        %add3A_279 = arith.addi %get3A_275, %mul3A_278 : vector<16xi32>
        %swap3A_280 = arith.constant 1 : i32
        %swap3A_281 = arith.index_cast %swap3A_280 : i32 to index
        %swap3A_282 = arith.constant 96 : index
        %swap3A_283 = tpu.vector_load %arg14[%swap3A_281, %swap3A_282] {strides = array<i32>} : memref<4x128xi32, #tpu.memory_space<vmem>>, vector<16xi32>,
        tpu.vector_store %arg14[%swap3A_281, %swap3A_282], %add3A_279 {strides = array<i32>} : memref<4x128xi32, #tpu.memory_space<vmem>>, vector<16xi32>,
        %get3A_284 = arith.constant 240 : index
        %get3A_285 = tpu.vector_load %arg12[%get3A_284] {strides = array<i32>} : memref<512xi32, #tpu.memory_space<vmem>>, vector<16xi32>,
        %get3A_286 = arith.constant 240 : index
        %get3A_287 = tpu.vector_load %arg13[%get3A_286] {strides = array<i32>} : memref<512xi32, #tpu.memory_space<vmem>>, vector<16xi32>,
        %mul3A_288 = arith.constant 10000 : i32
        %mul3A_289 = vector.broadcast %mul3A_288 : i32 to vector<16xi32>
        %mul3A_290 = arith.muli %get3A_285, %mul3A_289 : vector<16xi32>
        %add3A_291 = arith.addi %get3A_287, %mul3A_290 : vector<16xi32>
        %swap3A_292 = arith.constant 1 : i32
        %swap3A_293 = arith.index_cast %swap3A_292 : i32 to index
        %swap3A_294 = arith.constant 112 : index
        %swap3A_295 = tpu.vector_load %arg14[%swap3A_293, %swap3A_294] {strides = array<i32>} : memref<4x128xi32, #tpu.memory_space<vmem>>, vector<16xi32>,
        tpu.vector_store %arg14[%swap3A_293, %swap3A_294], %add3A_291 {strides = array<i32>} : memref<4x128xi32, #tpu.memory_space<vmem>>, vector<16xi32>,
        %get3A_296 = arith.constant 256 : index
        %get3A_297 = tpu.vector_load %arg12[%get3A_296] {strides = array<i32>} : memref<512xi32, #tpu.memory_space<vmem>>, vector<16xi32>,
        %get3A_298 = arith.constant 256 : index
        %get3A_299 = tpu.vector_load %arg13[%get3A_298] {strides = array<i32>} : memref<512xi32, #tpu.memory_space<vmem>>, vector<16xi32>,
        %mul3A_300 = arith.constant 10000 : i32
        %mul3A_301 = vector.broadcast %mul3A_300 : i32 to vector<16xi32>
        %mul3A_302 = arith.muli %get3A_297, %mul3A_301 : vector<16xi32>
        %add3A_303 = arith.addi %get3A_299, %mul3A_302 : vector<16xi32>
        %swap3A_304 = arith.constant 2 : i32
        %swap3A_305 = arith.index_cast %swap3A_304 : i32 to index
        %swap3A_306 = arith.constant 0 : index
        %swap3A_307 = tpu.vector_load %arg14[%swap3A_305, %swap3A_306] {strides = array<i32>} : memref<4x128xi32, #tpu.memory_space<vmem>>, vector<16xi32>,
        tpu.vector_store %arg14[%swap3A_305, %swap3A_306], %add3A_303 {strides = array<i32>} : memref<4x128xi32, #tpu.memory_space<vmem>>, vector<16xi32>,
        %get3A_308 = arith.constant 272 : index
        %get3A_309 = tpu.vector_load %arg12[%get3A_308] {strides = array<i32>} : memref<512xi32, #tpu.memory_space<vmem>>, vector<16xi32>,
        %get3A_310 = arith.constant 272 : index
        %get3A_311 = tpu.vector_load %arg13[%get3A_310] {strides = array<i32>} : memref<512xi32, #tpu.memory_space<vmem>>, vector<16xi32>,
        %mul3A_312 = arith.constant 10000 : i32
        %mul3A_313 = vector.broadcast %mul3A_312 : i32 to vector<16xi32>
        %mul3A_314 = arith.muli %get3A_309, %mul3A_313 : vector<16xi32>
        %add3A_315 = arith.addi %get3A_311, %mul3A_314 : vector<16xi32>
        %swap3A_316 = arith.constant 2 : i32
        %swap3A_317 = arith.index_cast %swap3A_316 : i32 to index
        %swap3A_318 = arith.constant 16 : index
        %swap3A_319 = tpu.vector_load %arg14[%swap3A_317, %swap3A_318] {strides = array<i32>} : memref<4x128xi32, #tpu.memory_space<vmem>>, vector<16xi32>,
        tpu.vector_store %arg14[%swap3A_317, %swap3A_318], %add3A_315 {strides = array<i32>} : memref<4x128xi32, #tpu.memory_space<vmem>>, vector<16xi32>,
        %get3A_320 = arith.constant 288 : index
        %get3A_321 = tpu.vector_load %arg12[%get3A_320] {strides = array<i32>} : memref<512xi32, #tpu.memory_space<vmem>>, vector<16xi32>,
        %get3A_322 = arith.constant 288 : index
        %get3A_323 = tpu.vector_load %arg13[%get3A_322] {strides = array<i32>} : memref<512xi32, #tpu.memory_space<vmem>>, vector<16xi32>,
        %mul3A_324 = arith.constant 10000 : i32
        %mul3A_325 = vector.broadcast %mul3A_324 : i32 to vector<16xi32>
        %mul3A_326 = arith.muli %get3A_321, %mul3A_325 : vector<16xi32>
        %add3A_327 = arith.addi %get3A_323, %mul3A_326 : vector<16xi32>
        %swap3A_328 = arith.constant 2 : i32
        %swap3A_329 = arith.index_cast %swap3A_328 : i32 to index
        %swap3A_330 = arith.constant 32 : index
        %swap3A_331 = tpu.vector_load %arg14[%swap3A_329, %swap3A_330] {strides = array<i32>} : memref<4x128xi32, #tpu.memory_space<vmem>>, vector<16xi32>,
        tpu.vector_store %arg14[%swap3A_329, %swap3A_330], %add3A_327 {strides = array<i32>} : memref<4x128xi32, #tpu.memory_space<vmem>>, vector<16xi32>,
        %get3A_332 = arith.constant 304 : index
        %get3A_333 = tpu.vector_load %arg12[%get3A_332] {strides = array<i32>} : memref<512xi32, #tpu.memory_space<vmem>>, vector<16xi32>,
        %get3A_334 = arith.constant 304 : index
        %get3A_335 = tpu.vector_load %arg13[%get3A_334] {strides = array<i32>} : memref<512xi32, #tpu.memory_space<vmem>>, vector<16xi32>,
        %mul3A_336 = arith.constant 10000 : i32
        %mul3A_337 = vector.broadcast %mul3A_336 : i32 to vector<16xi32>
        %mul3A_338 = arith.muli %get3A_333, %mul3A_337 : vector<16xi32>
        %add3A_339 = arith.addi %get3A_335, %mul3A_338 : vector<16xi32>
        %swap3A_340 = arith.constant 2 : i32
        %swap3A_341 = arith.index_cast %swap3A_340 : i32 to index
        %swap3A_342 = arith.constant 48 : index
        %swap3A_343 = tpu.vector_load %arg14[%swap3A_341, %swap3A_342] {strides = array<i32>} : memref<4x128xi32, #tpu.memory_space<vmem>>, vector<16xi32>,
        tpu.vector_store %arg14[%swap3A_341, %swap3A_342], %add3A_339 {strides = array<i32>} : memref<4x128xi32, #tpu.memory_space<vmem>>, vector<16xi32>,
        %get3A_344 = arith.constant 320 : index
        %get3A_345 = tpu.vector_load %arg12[%get3A_344] {strides = array<i32>} : memref<512xi32, #tpu.memory_space<vmem>>, vector<16xi32>,
        %get3A_346 = arith.constant 320 : index
        %get3A_347 = tpu.vector_load %arg13[%get3A_346] {strides = array<i32>} : memref<512xi32, #tpu.memory_space<vmem>>, vector<16xi32>,
        %mul3A_348 = arith.constant 10000 : i32
        %mul3A_349 = vector.broadcast %mul3A_348 : i32 to vector<16xi32>
        %mul3A_350 = arith.muli %get3A_345, %mul3A_349 : vector<16xi32>
        %add3A_351 = arith.addi %get3A_347, %mul3A_350 : vector<16xi32>
        %swap3A_352 = arith.constant 2 : i32
        %swap3A_353 = arith.index_cast %swap3A_352 : i32 to index
        %swap3A_354 = arith.constant 64 : index
        %swap3A_355 = tpu.vector_load %arg14[%swap3A_353, %swap3A_354] {strides = array<i32>} : memref<4x128xi32, #tpu.memory_space<vmem>>, vector<16xi32>,
        tpu.vector_store %arg14[%swap3A_353, %swap3A_354], %add3A_351 {strides = array<i32>} : memref<4x128xi32, #tpu.memory_space<vmem>>, vector<16xi32>,
        %get3A_356 = arith.constant 336 : index
        %get3A_357 = tpu.vector_load %arg12[%get3A_356] {strides = array<i32>} : memref<512xi32, #tpu.memory_space<vmem>>, vector<16xi32>,
        %get3A_358 = arith.constant 336 : index
        %get3A_359 = tpu.vector_load %arg13[%get3A_358] {strides = array<i32>} : memref<512xi32, #tpu.memory_space<vmem>>, vector<16xi32>,
        %mul3A_360 = arith.constant 10000 : i32
        %mul3A_361 = vector.broadcast %mul3A_360 : i32 to vector<16xi32>
        %mul3A_362 = arith.muli %get3A_357, %mul3A_361 : vector<16xi32>
        %add3A_363 = arith.addi %get3A_359, %mul3A_362 : vector<16xi32>
        %swap3A_364 = arith.constant 2 : i32
        %swap3A_365 = arith.index_cast %swap3A_364 : i32 to index
        %swap3A_366 = arith.constant 80 : index
        %swap3A_367 = tpu.vector_load %arg14[%swap3A_365, %swap3A_366] {strides = array<i32>} : memref<4x128xi32, #tpu.memory_space<vmem>>, vector<16xi32>,
        tpu.vector_store %arg14[%swap3A_365, %swap3A_366], %add3A_363 {strides = array<i32>} : memref<4x128xi32, #tpu.memory_space<vmem>>, vector<16xi32>,
        %get3A_368 = arith.constant 352 : index
        %get3A_369 = tpu.vector_load %arg12[%get3A_368] {strides = array<i32>} : memref<512xi32, #tpu.memory_space<vmem>>, vector<16xi32>,
        %get3A_370 = arith.constant 352 : index
        %get3A_371 = tpu.vector_load %arg13[%get3A_370] {strides = array<i32>} : memref<512xi32, #tpu.memory_space<vmem>>, vector<16xi32>,
        %mul3A_372 = arith.constant 10000 : i32
        %mul3A_373 = vector.broadcast %mul3A_372 : i32 to vector<16xi32>
        %mul3A_374 = arith.muli %get3A_369, %mul3A_373 : vector<16xi32>
        %add3A_375 = arith.addi %get3A_371, %mul3A_374 : vector<16xi32>
        %swap3A_376 = arith.constant 2 : i32
        %swap3A_377 = arith.index_cast %swap3A_376 : i32 to index
        %swap3A_378 = arith.constant 96 : index
        %swap3A_379 = tpu.vector_load %arg14[%swap3A_377, %swap3A_378] {strides = array<i32>} : memref<4x128xi32, #tpu.memory_space<vmem>>, vector<16xi32>,
        tpu.vector_store %arg14[%swap3A_377, %swap3A_378], %add3A_375 {strides = array<i32>} : memref<4x128xi32, #tpu.memory_space<vmem>>, vector<16xi32>,
        %get3A_380 = arith.constant 368 : index
        %get3A_381 = tpu.vector_load %arg12[%get3A_380] {strides = array<i32>} : memref<512xi32, #tpu.memory_space<vmem>>, vector<16xi32>,
        %get3A_382 = arith.constant 368 : index
        %get3A_383 = tpu.vector_load %arg13[%get3A_382] {strides = array<i32>} : memref<512xi32, #tpu.memory_space<vmem>>, vector<16xi32>,
        %mul3A_384 = arith.constant 10000 : i32
        %mul3A_385 = vector.broadcast %mul3A_384 : i32 to vector<16xi32>
        %mul3A_386 = arith.muli %get3A_381, %mul3A_385 : vector<16xi32>
        %add3A_387 = arith.addi %get3A_383, %mul3A_386 : vector<16xi32>
        %swap3A_388 = arith.constant 2 : i32
        %swap3A_389 = arith.index_cast %swap3A_388 : i32 to index
        %swap3A_390 = arith.constant 112 : index
        %swap3A_391 = tpu.vector_load %arg14[%swap3A_389, %swap3A_390] {strides = array<i32>} : memref<4x128xi32, #tpu.memory_space<vmem>>, vector<16xi32>,
        tpu.vector_store %arg14[%swap3A_389, %swap3A_390], %add3A_387 {strides = array<i32>} : memref<4x128xi32, #tpu.memory_space<vmem>>, vector<16xi32>,
        %get3A_392 = arith.constant 384 : index
        %get3A_393 = tpu.vector_load %arg12[%get3A_392] {strides = array<i32>} : memref<512xi32, #tpu.memory_space<vmem>>, vector<16xi32>,
        %get3A_394 = arith.constant 384 : index
        %get3A_395 = tpu.vector_load %arg13[%get3A_394] {strides = array<i32>} : memref<512xi32, #tpu.memory_space<vmem>>, vector<16xi32>,
        %mul3A_396 = arith.constant 10000 : i32
        %mul3A_397 = vector.broadcast %mul3A_396 : i32 to vector<16xi32>
        %mul3A_398 = arith.muli %get3A_393, %mul3A_397 : vector<16xi32>
        %add3A_399 = arith.addi %get3A_395, %mul3A_398 : vector<16xi32>
        %swap3A_400 = arith.constant 3 : i32
        %swap3A_401 = arith.index_cast %swap3A_400 : i32 to index
        %swap3A_402 = arith.constant 0 : index
        %swap3A_403 = tpu.vector_load %arg14[%swap3A_401, %swap3A_402] {strides = array<i32>} : memref<4x128xi32, #tpu.memory_space<vmem>>, vector<16xi32>,
        tpu.vector_store %arg14[%swap3A_401, %swap3A_402], %add3A_399 {strides = array<i32>} : memref<4x128xi32, #tpu.memory_space<vmem>>, vector<16xi32>,
        %get3A_404 = arith.constant 400 : index
        %get3A_405 = tpu.vector_load %arg12[%get3A_404] {strides = array<i32>} : memref<512xi32, #tpu.memory_space<vmem>>, vector<16xi32>,
        %get3A_406 = arith.constant 400 : index
        %get3A_407 = tpu.vector_load %arg13[%get3A_406] {strides = array<i32>} : memref<512xi32, #tpu.memory_space<vmem>>, vector<16xi32>,
        %mul3A_408 = arith.constant 10000 : i32
        %mul3A_409 = vector.broadcast %mul3A_408 : i32 to vector<16xi32>
        %mul3A_410 = arith.muli %get3A_405, %mul3A_409 : vector<16xi32>
        %add3A_411 = arith.addi %get3A_407, %mul3A_410 : vector<16xi32>
        %swap3A_412 = arith.constant 3 : i32
        %swap3A_413 = arith.index_cast %swap3A_412 : i32 to index
        %swap3A_414 = arith.constant 16 : index
        %swap3A_415 = tpu.vector_load %arg14[%swap3A_413, %swap3A_414] {strides = array<i32>} : memref<4x128xi32, #tpu.memory_space<vmem>>, vector<16xi32>,
        tpu.vector_store %arg14[%swap3A_413, %swap3A_414], %add3A_411 {strides = array<i32>} : memref<4x128xi32, #tpu.memory_space<vmem>>, vector<16xi32>,
        %get3A_416 = arith.constant 416 : index
        %get3A_417 = tpu.vector_load %arg12[%get3A_416] {strides = array<i32>} : memref<512xi32, #tpu.memory_space<vmem>>, vector<16xi32>,
        %get3A_418 = arith.constant 416 : index
        %get3A_419 = tpu.vector_load %arg13[%get3A_418] {strides = array<i32>} : memref<512xi32, #tpu.memory_space<vmem>>, vector<16xi32>,
        %mul3A_420 = arith.constant 10000 : i32
        %mul3A_421 = vector.broadcast %mul3A_420 : i32 to vector<16xi32>
        %mul3A_422 = arith.muli %get3A_417, %mul3A_421 : vector<16xi32>
        %add3A_423 = arith.addi %get3A_419, %mul3A_422 : vector<16xi32>
        %swap3A_424 = arith.constant 3 : i32
        %swap3A_425 = arith.index_cast %swap3A_424 : i32 to index
        %swap3A_426 = arith.constant 32 : index
        %swap3A_427 = tpu.vector_load %arg14[%swap3A_425, %swap3A_426] {strides = array<i32>} : memref<4x128xi32, #tpu.memory_space<vmem>>, vector<16xi32>,
        tpu.vector_store %arg14[%swap3A_425, %swap3A_426], %add3A_423 {strides = array<i32>} : memref<4x128xi32, #tpu.memory_space<vmem>>, vector<16xi32>,
        %get3A_428 = arith.constant 432 : index
        %get3A_429 = tpu.vector_load %arg12[%get3A_428] {strides = array<i32>} : memref<512xi32, #tpu.memory_space<vmem>>, vector<16xi32>,
        %get3A_430 = arith.constant 432 : index
        %get3A_431 = tpu.vector_load %arg13[%get3A_430] {strides = array<i32>} : memref<512xi32, #tpu.memory_space<vmem>>, vector<16xi32>,
        %mul3A_432 = arith.constant 10000 : i32
        %mul3A_433 = vector.broadcast %mul3A_432 : i32 to vector<16xi32>
        %mul3A_434 = arith.muli %get3A_429, %mul3A_433 : vector<16xi32>
        %add3A_435 = arith.addi %get3A_431, %mul3A_434 : vector<16xi32>
        %swap3A_436 = arith.constant 3 : i32
        %swap3A_437 = arith.index_cast %swap3A_436 : i32 to index
        %swap3A_438 = arith.constant 48 : index
        %swap3A_439 = tpu.vector_load %arg14[%swap3A_437, %swap3A_438] {strides = array<i32>} : memref<4x128xi32, #tpu.memory_space<vmem>>, vector<16xi32>,
        tpu.vector_store %arg14[%swap3A_437, %swap3A_438], %add3A_435 {strides = array<i32>} : memref<4x128xi32, #tpu.memory_space<vmem>>, vector<16xi32>,
        %get3A_440 = arith.constant 448 : index
        %get3A_441 = tpu.vector_load %arg12[%get3A_440] {strides = array<i32>} : memref<512xi32, #tpu.memory_space<vmem>>, vector<16xi32>,
        %get3A_442 = arith.constant 448 : index
        %get3A_443 = tpu.vector_load %arg13[%get3A_442] {strides = array<i32>} : memref<512xi32, #tpu.memory_space<vmem>>, vector<16xi32>,
        %mul3A_444 = arith.constant 10000 : i32
        %mul3A_445 = vector.broadcast %mul3A_444 : i32 to vector<16xi32>
        %mul3A_446 = arith.muli %get3A_441, %mul3A_445 : vector<16xi32>
        %add3A_447 = arith.addi %get3A_443, %mul3A_446 : vector<16xi32>
        %swap3A_448 = arith.constant 3 : i32
        %swap3A_449 = arith.index_cast %swap3A_448 : i32 to index
        %swap3A_450 = arith.constant 64 : index
        %swap3A_451 = tpu.vector_load %arg14[%swap3A_449, %swap3A_450] {strides = array<i32>} : memref<4x128xi32, #tpu.memory_space<vmem>>, vector<16xi32>,
        tpu.vector_store %arg14[%swap3A_449, %swap3A_450], %add3A_447 {strides = array<i32>} : memref<4x128xi32, #tpu.memory_space<vmem>>, vector<16xi32>,
        %get3A_452 = arith.constant 464 : index
        %get3A_453 = tpu.vector_load %arg12[%get3A_452] {strides = array<i32>} : memref<512xi32, #tpu.memory_space<vmem>>, vector<16xi32>,
        %get3A_454 = arith.constant 464 : index
        %get3A_455 = tpu.vector_load %arg13[%get3A_454] {strides = array<i32>} : memref<512xi32, #tpu.memory_space<vmem>>, vector<16xi32>,
        %mul3A_456 = arith.constant 10000 : i32
        %mul3A_457 = vector.broadcast %mul3A_456 : i32 to vector<16xi32>
        %mul3A_458 = arith.muli %get3A_453, %mul3A_457 : vector<16xi32>
        %add3A_459 = arith.addi %get3A_455, %mul3A_458 : vector<16xi32>
        %swap3A_460 = arith.constant 3 : i32
        %swap3A_461 = arith.index_cast %swap3A_460 : i32 to index
        %swap3A_462 = arith.constant 80 : index
        %swap3A_463 = tpu.vector_load %arg14[%swap3A_461, %swap3A_462] {strides = array<i32>} : memref<4x128xi32, #tpu.memory_space<vmem>>, vector<16xi32>,
        tpu.vector_store %arg14[%swap3A_461, %swap3A_462], %add3A_459 {strides = array<i32>} : memref<4x128xi32, #tpu.memory_space<vmem>>, vector<16xi32>,
        %get3A_464 = arith.constant 480 : index
        %get3A_465 = tpu.vector_load %arg12[%get3A_464] {strides = array<i32>} : memref<512xi32, #tpu.memory_space<vmem>>, vector<16xi32>,
        %get3A_466 = arith.constant 480 : index
        %get3A_467 = tpu.vector_load %arg13[%get3A_466] {strides = array<i32>} : memref<512xi32, #tpu.memory_space<vmem>>, vector<16xi32>,
        %mul3A_468 = arith.constant 10000 : i32
        %mul3A_469 = vector.broadcast %mul3A_468 : i32 to vector<16xi32>
        %mul3A_470 = arith.muli %get3A_465, %mul3A_469 : vector<16xi32>
        %add3A_471 = arith.addi %get3A_467, %mul3A_470 : vector<16xi32>
        %swap3A_472 = arith.constant 3 : i32
        %swap3A_473 = arith.index_cast %swap3A_472 : i32 to index
        %swap3A_474 = arith.constant 96 : index
        %swap3A_475 = tpu.vector_load %arg14[%swap3A_473, %swap3A_474] {strides = array<i32>} : memref<4x128xi32, #tpu.memory_space<vmem>>, vector<16xi32>,
        tpu.vector_store %arg14[%swap3A_473, %swap3A_474], %add3A_471 {strides = array<i32>} : memref<4x128xi32, #tpu.memory_space<vmem>>, vector<16xi32>,
        %get3A_476 = arith.constant 496 : index
        %get3A_477 = tpu.vector_load %arg12[%get3A_476] {strides = array<i32>} : memref<512xi32, #tpu.memory_space<vmem>>, vector<16xi32>,
        %get3A_478 = arith.constant 496 : index
        %get3A_479 = tpu.vector_load %arg13[%get3A_478] {strides = array<i32>} : memref<512xi32, #tpu.memory_space<vmem>>, vector<16xi32>,
        %mul3A_480 = arith.constant 10000 : i32
        %mul3A_481 = vector.broadcast %mul3A_480 : i32 to vector<16xi32>
        %mul3A_482 = arith.muli %get3A_477, %mul3A_481 : vector<16xi32>
        %add3A_483 = arith.addi %get3A_479, %mul3A_482 : vector<16xi32>
        %swap3A_484 = arith.constant 3 : i32
        %swap3A_485 = arith.index_cast %swap3A_484 : i32 to index
        %swap3A_486 = arith.constant 112 : index
        %swap3A_487 = tpu.vector_load %arg14[%swap3A_485, %swap3A_486] {strides = array<i32>} : memref<4x128xi32, #tpu.memory_space<vmem>>, vector<16xi32>,
        tpu.vector_store %arg14[%swap3A_485, %swap3A_486], %add3A_483 {strides = array<i32>} : memref<4x128xi32, #tpu.memory_space<vmem>>, vector<16xi32>,
        %dma_start3A_488 = arith.constant 0 : i32
        %dma_start3A_489 = tpu.memref_slice %arg11[%dma_start3A_488] : memref<512xi32, #tpu.memory_space<vmem>> -> memref<128xi32, #tpu.memory_space<vmem>>
        %dma_start3A_490 = arith.constant 0 : i32
        %dma_start3A_491 = arith.constant 0 : i32
        %dma_start3A_492 = tpu.memref_slice %arg3[%dma_start3A_490, %dma_start3A_491] : memref<10000x64xf32, #tpu.memory_space<hbm>> -> memref<10000x64xf32, #tpu.memory_space<hbm>>
        tpu.enqueue_indirect_dma source(%dma_start3A_492 : memref<10000x64xf32, #tpu.memory_space<hbm>>) target(%arg15 : memref<128x64xf32, #tpu.memory_space<vmem>>) offsets(%dma_start3A_489 : memref<128xi32, #tpu.memory_space<vmem>>) semaphore(%arg17 : memref<!tpu.dma_semaphore, #tpu.memory_space<semaphore_mem>>)
        %dma_wait3A_493 = arith.constant 0 : i32
        %dma_wait3A_494 = tpu.memref_slice %arg11[%dma_wait3A_493] : memref<512xi32, #tpu.memory_space<vmem>> -> memref<128xi32, #tpu.memory_space<vmem>>
        %dma_wait3A_495 = arith.constant 0 : i32
        %dma_wait3A_496 = arith.constant 0 : i32
        %dma_wait3A_497 = tpu.memref_slice %arg3[%dma_wait3A_495, %dma_wait3A_496] : memref<10000x64xf32, #tpu.memory_space<hbm>> -> memref<10000x64xf32, #tpu.memory_space<hbm>>
        tpu.wait_indirect_dma semaphore(%arg17 : memref<!tpu.dma_semaphore, #tpu.memory_space<semaphore_mem>>) src(%dma_wait3A_497 : memref<10000x64xf32, #tpu.memory_space<hbm>>) dst(%arg15 : memref<128x64xf32, #tpu.memory_space<vmem>>)
        %run_scoped3A = arith.constant 0 : i32
        "tpu.region"() ({
          %run_scoped3A_531 = tpu.sem_alloc : memref<!tpu.dma_semaphore, #tpu.memory_space<semaphore_mem>>
          %dma_start3A_532 = arith.constant 0 : i32
          %dma_start3A_533 = tpu.memref_slice %arg14[%run_scoped3A, %dma_start3A_532] : memref<4x128xi32, #tpu.memory_space<vmem>> -> memref<1x128xi32, #tpu.memory_space<vmem>>
          %dma_start3A_534 = tpu.memref_squeeze %dma_start3A_533 : memref<1x128xi32, #tpu.memory_space<vmem>> -> memref<128xi32, #tpu.memory_space<vmem>>
          %dma_start3A_535 = arith.constant 0 : i32
          %dma_start3A_536 = arith.constant 0 : i32
          %dma_start3A_537 = tpu.memref_slice %arg10[%dma_start3A_535, %dma_start3A_536] : memref<30016x64xf32, #tpu.memory_space<vmem_shared>> -> memref<30016x64xf32, #tpu.memory_space<vmem_shared>>
          tpu.enqueue_indirect_dma source(%arg15 : memref<128x64xf32, #tpu.memory_space<vmem>>) target(%dma_start3A_537 : memref<30016x64xf32, #tpu.memory_space<vmem_shared>>) offsets(%dma_start3A_534 : memref<128xi32, #tpu.memory_space<vmem>>) semaphore(%run_scoped3A_531 : memref<!tpu.dma_semaphore, #tpu.memory_space<semaphore_mem>>) {add = true}
          %dma_wait3A_538 = arith.constant 0 : i32
          %dma_wait3A_539 = tpu.memref_slice %arg14[%run_scoped3A, %dma_wait3A_538] : memref<4x128xi32, #tpu.memory_space<vmem>> -> memref<1x128xi32, #tpu.memory_space<vmem>>
          %dma_wait3A_540 = tpu.memref_squeeze %dma_wait3A_539 : memref<1x128xi32, #tpu.memory_space<vmem>> -> memref<128xi32, #tpu.memory_space<vmem>>
          %dma_wait3A_541 = arith.constant 0 : i32
          %dma_wait3A_542 = arith.constant 0 : i32
          %dma_wait3A_543 = tpu.memref_slice %arg10[%dma_wait3A_541, %dma_wait3A_542] : memref<30016x64xf32, #tpu.memory_space<vmem_shared>> -> memref<30016x64xf32, #tpu.memory_space<vmem_shared>>
          tpu.wait_indirect_dma semaphore(%run_scoped3A_531 : memref<!tpu.dma_semaphore, #tpu.memory_space<semaphore_mem>>) src(%arg15 : memref<128x64xf32, #tpu.memory_space<vmem>>) dst(%dma_wait3A_543 : memref<30016x64xf32, #tpu.memory_space<vmem_shared>>)
          tpu.yield
        }) : () -> ()
        %dma_start3A_498 = arith.constant 128 : i32
        %dma_start3A_499 = tpu.memref_slice %arg11[%dma_start3A_498] : memref<512xi32, #tpu.memory_space<vmem>> -> memref<128xi32, #tpu.memory_space<vmem>>
        %dma_start3A_500 = arith.constant 0 : i32
        %dma_start3A_501 = arith.constant 0 : i32
        %dma_start3A_502 = tpu.memref_slice %arg3[%dma_start3A_500, %dma_start3A_501] : memref<10000x64xf32, #tpu.memory_space<hbm>> -> memref<10000x64xf32, #tpu.memory_space<hbm>>
        tpu.enqueue_indirect_dma source(%dma_start3A_502 : memref<10000x64xf32, #tpu.memory_space<hbm>>) target(%arg15 : memref<128x64xf32, #tpu.memory_space<vmem>>) offsets(%dma_start3A_499 : memref<128xi32, #tpu.memory_space<vmem>>) semaphore(%arg17 : memref<!tpu.dma_semaphore, #tpu.memory_space<semaphore_mem>>)
        %dma_wait3A_503 = arith.constant 128 : i32
        %dma_wait3A_504 = tpu.memref_slice %arg11[%dma_wait3A_503] : memref<512xi32, #tpu.memory_space<vmem>> -> memref<128xi32, #tpu.memory_space<vmem>>
        %dma_wait3A_505 = arith.constant 0 : i32
        %dma_wait3A_506 = arith.constant 0 : i32
        %dma_wait3A_507 = tpu.memref_slice %arg3[%dma_wait3A_505, %dma_wait3A_506] : memref<10000x64xf32, #tpu.memory_space<hbm>> -> memref<10000x64xf32, #tpu.memory_space<hbm>>
        tpu.wait_indirect_dma semaphore(%arg17 : memref<!tpu.dma_semaphore, #tpu.memory_space<semaphore_mem>>) src(%dma_wait3A_507 : memref<10000x64xf32, #tpu.memory_space<hbm>>) dst(%arg15 : memref<128x64xf32, #tpu.memory_space<vmem>>)
        %run_scoped3A_508 = arith.constant 1 : i32
        "tpu.region"() ({
          %run_scoped3A_531 = tpu.sem_alloc : memref<!tpu.dma_semaphore, #tpu.memory_space<semaphore_mem>>
          %dma_start3A_532 = arith.constant 0 : i32
          %dma_start3A_533 = tpu.memref_slice %arg14[%run_scoped3A_508, %dma_start3A_532] : memref<4x128xi32, #tpu.memory_space<vmem>> -> memref<1x128xi32, #tpu.memory_space<vmem>>
          %dma_start3A_534 = tpu.memref_squeeze %dma_start3A_533 : memref<1x128xi32, #tpu.memory_space<vmem>> -> memref<128xi32, #tpu.memory_space<vmem>>
          %dma_start3A_535 = arith.constant 0 : i32
          %dma_start3A_536 = arith.constant 0 : i32
          %dma_start3A_537 = tpu.memref_slice %arg10[%dma_start3A_535, %dma_start3A_536] : memref<30016x64xf32, #tpu.memory_space<vmem_shared>> -> memref<30016x64xf32, #tpu.memory_space<vmem_shared>>
          tpu.enqueue_indirect_dma source(%arg15 : memref<128x64xf32, #tpu.memory_space<vmem>>) target(%dma_start3A_537 : memref<30016x64xf32, #tpu.memory_space<vmem_shared>>) offsets(%dma_start3A_534 : memref<128xi32, #tpu.memory_space<vmem>>) semaphore(%run_scoped3A_531 : memref<!tpu.dma_semaphore, #tpu.memory_space<semaphore_mem>>) {add = true}
          %dma_wait3A_538 = arith.constant 0 : i32
          %dma_wait3A_539 = tpu.memref_slice %arg14[%run_scoped3A_508, %dma_wait3A_538] : memref<4x128xi32, #tpu.memory_space<vmem>> -> memref<1x128xi32, #tpu.memory_space<vmem>>
          %dma_wait3A_540 = tpu.memref_squeeze %dma_wait3A_539 : memref<1x128xi32, #tpu.memory_space<vmem>> -> memref<128xi32, #tpu.memory_space<vmem>>
          %dma_wait3A_541 = arith.constant 0 : i32
          %dma_wait3A_542 = arith.constant 0 : i32
          %dma_wait3A_543 = tpu.memref_slice %arg10[%dma_wait3A_541, %dma_wait3A_542] : memref<30016x64xf32, #tpu.memory_space<vmem_shared>> -> memref<30016x64xf32, #tpu.memory_space<vmem_shared>>
          tpu.wait_indirect_dma semaphore(%run_scoped3A_531 : memref<!tpu.dma_semaphore, #tpu.memory_space<semaphore_mem>>) src(%arg15 : memref<128x64xf32, #tpu.memory_space<vmem>>) dst(%dma_wait3A_543 : memref<30016x64xf32, #tpu.memory_space<vmem_shared>>)
          tpu.yield
        }) : () -> ()
        %dma_start3A_509 = arith.constant 256 : i32
        %dma_start3A_510 = tpu.memref_slice %arg11[%dma_start3A_509] : memref<512xi32, #tpu.memory_space<vmem>> -> memref<128xi32, #tpu.memory_space<vmem>>
        %dma_start3A_511 = arith.constant 0 : i32
        %dma_start3A_512 = arith.constant 0 : i32
        %dma_start3A_513 = tpu.memref_slice %arg3[%dma_start3A_511, %dma_start3A_512] : memref<10000x64xf32, #tpu.memory_space<hbm>> -> memref<10000x64xf32, #tpu.memory_space<hbm>>
        tpu.enqueue_indirect_dma source(%dma_start3A_513 : memref<10000x64xf32, #tpu.memory_space<hbm>>) target(%arg15 : memref<128x64xf32, #tpu.memory_space<vmem>>) offsets(%dma_start3A_510 : memref<128xi32, #tpu.memory_space<vmem>>) semaphore(%arg17 : memref<!tpu.dma_semaphore, #tpu.memory_space<semaphore_mem>>)
        %dma_wait3A_514 = arith.constant 256 : i32
        %dma_wait3A_515 = tpu.memref_slice %arg11[%dma_wait3A_514] : memref<512xi32, #tpu.memory_space<vmem>> -> memref<128xi32, #tpu.memory_space<vmem>>
        %dma_wait3A_516 = arith.constant 0 : i32
        %dma_wait3A_517 = arith.constant 0 : i32
        %dma_wait3A_518 = tpu.memref_slice %arg3[%dma_wait3A_516, %dma_wait3A_517] : memref<10000x64xf32, #tpu.memory_space<hbm>> -> memref<10000x64xf32, #tpu.memory_space<hbm>>
        tpu.wait_indirect_dma semaphore(%arg17 : memref<!tpu.dma_semaphore, #tpu.memory_space<semaphore_mem>>) src(%dma_wait3A_518 : memref<10000x64xf32, #tpu.memory_space<hbm>>) dst(%arg15 : memref<128x64xf32, #tpu.memory_space<vmem>>)
        %run_scoped3A_519 = arith.constant 2 : i32
        "tpu.region"() ({
          %run_scoped3A_531 = tpu.sem_alloc : memref<!tpu.dma_semaphore, #tpu.memory_space<semaphore_mem>>
          %dma_start3A_532 = arith.constant 0 : i32
          %dma_start3A_533 = tpu.memref_slice %arg14[%run_scoped3A_519, %dma_start3A_532] : memref<4x128xi32, #tpu.memory_space<vmem>> -> memref<1x128xi32, #tpu.memory_space<vmem>>
          %dma_start3A_534 = tpu.memref_squeeze %dma_start3A_533 : memref<1x128xi32, #tpu.memory_space<vmem>> -> memref<128xi32, #tpu.memory_space<vmem>>
          %dma_start3A_535 = arith.constant 0 : i32
          %dma_start3A_536 = arith.constant 0 : i32
          %dma_start3A_537 = tpu.memref_slice %arg10[%dma_start3A_535, %dma_start3A_536] : memref<30016x64xf32, #tpu.memory_space<vmem_shared>> -> memref<30016x64xf32, #tpu.memory_space<vmem_shared>>
          tpu.enqueue_indirect_dma source(%arg15 : memref<128x64xf32, #tpu.memory_space<vmem>>) target(%dma_start3A_537 : memref<30016x64xf32, #tpu.memory_space<vmem_shared>>) offsets(%dma_start3A_534 : memref<128xi32, #tpu.memory_space<vmem>>) semaphore(%run_scoped3A_531 : memref<!tpu.dma_semaphore, #tpu.memory_space<semaphore_mem>>) {add = true}
          %dma_wait3A_538 = arith.constant 0 : i32
          %dma_wait3A_539 = tpu.memref_slice %arg14[%run_scoped3A_519, %dma_wait3A_538] : memref<4x128xi32, #tpu.memory_space<vmem>> -> memref<1x128xi32, #tpu.memory_space<vmem>>
          %dma_wait3A_540 = tpu.memref_squeeze %dma_wait3A_539 : memref<1x128xi32, #tpu.memory_space<vmem>> -> memref<128xi32, #tpu.memory_space<vmem>>
          %dma_wait3A_541 = arith.constant 0 : i32
          %dma_wait3A_542 = arith.constant 0 : i32
          %dma_wait3A_543 = tpu.memref_slice %arg10[%dma_wait3A_541, %dma_wait3A_542] : memref<30016x64xf32, #tpu.memory_space<vmem_shared>> -> memref<30016x64xf32, #tpu.memory_space<vmem_shared>>
          tpu.wait_indirect_dma semaphore(%run_scoped3A_531 : memref<!tpu.dma_semaphore, #tpu.memory_space<semaphore_mem>>) src(%arg15 : memref<128x64xf32, #tpu.memory_space<vmem>>) dst(%dma_wait3A_543 : memref<30016x64xf32, #tpu.memory_space<vmem_shared>>)
          tpu.yield
        }) : () -> ()
        %dma_start3A_520 = arith.constant 384 : i32
        %dma_start3A_521 = tpu.memref_slice %arg11[%dma_start3A_520] : memref<512xi32, #tpu.memory_space<vmem>> -> memref<128xi32, #tpu.memory_space<vmem>>
        %dma_start3A_522 = arith.constant 0 : i32
        %dma_start3A_523 = arith.constant 0 : i32
        %dma_start3A_524 = tpu.memref_slice %arg3[%dma_start3A_522, %dma_start3A_523] : memref<10000x64xf32, #tpu.memory_space<hbm>> -> memref<10000x64xf32, #tpu.memory_space<hbm>>
        tpu.enqueue_indirect_dma source(%dma_start3A_524 : memref<10000x64xf32, #tpu.memory_space<hbm>>) target(%arg15 : memref<128x64xf32, #tpu.memory_space<vmem>>) offsets(%dma_start3A_521 : memref<128xi32, #tpu.memory_space<vmem>>) semaphore(%arg17 : memref<!tpu.dma_semaphore, #tpu.memory_space<semaphore_mem>>)
        %dma_wait3A_525 = arith.constant 384 : i32
        %dma_wait3A_526 = tpu.memref_slice %arg11[%dma_wait3A_525] : memref<512xi32, #tpu.memory_space<vmem>> -> memref<128xi32, #tpu.memory_space<vmem>>
        %dma_wait3A_527 = arith.constant 0 : i32
        %dma_wait3A_528 = arith.constant 0 : i32
        %dma_wait3A_529 = tpu.memref_slice %arg3[%dma_wait3A_527, %dma_wait3A_528] : memref<10000x64xf32, #tpu.memory_space<hbm>> -> memref<10000x64xf32, #tpu.memory_space<hbm>>
        tpu.wait_indirect_dma semaphore(%arg17 : memref<!tpu.dma_semaphore, #tpu.memory_space<semaphore_mem>>) src(%dma_wait3A_529 : memref<10000x64xf32, #tpu.memory_space<hbm>>) dst(%arg15 : memref<128x64xf32, #tpu.memory_space<vmem>>)
        %run_scoped3A_530 = arith.constant 3 : i32
        "tpu.region"() ({
          %run_scoped3A_531 = tpu.sem_alloc : memref<!tpu.dma_semaphore, #tpu.memory_space<semaphore_mem>>
          %dma_start3A_532 = arith.constant 0 : i32
          %dma_start3A_533 = tpu.memref_slice %arg14[%run_scoped3A_530, %dma_start3A_532] : memref<4x128xi32, #tpu.memory_space<vmem>> -> memref<1x128xi32, #tpu.memory_space<vmem>>
          %dma_start3A_534 = tpu.memref_squeeze %dma_start3A_533 : memref<1x128xi32, #tpu.memory_space<vmem>> -> memref<128xi32, #tpu.memory_space<vmem>>
          %dma_start3A_535 = arith.constant 0 : i32
          %dma_start3A_536 = arith.constant 0 : i32
          %dma_start3A_537 = tpu.memref_slice %arg10[%dma_start3A_535, %dma_start3A_536] : memref<30016x64xf32, #tpu.memory_space<vmem_shared>> -> memref<30016x64xf32, #tpu.memory_space<vmem_shared>>
          tpu.enqueue_indirect_dma source(%arg15 : memref<128x64xf32, #tpu.memory_space<vmem>>) target(%dma_start3A_537 : memref<30016x64xf32, #tpu.memory_space<vmem_shared>>) offsets(%dma_start3A_534 : memref<128xi32, #tpu.memory_space<vmem>>) semaphore(%run_scoped3A_531 : memref<!tpu.dma_semaphore, #tpu.memory_space<semaphore_mem>>) {add = true}
          %dma_wait3A_538 = arith.constant 0 : i32
          %dma_wait3A_539 = tpu.memref_slice %arg14[%run_scoped3A_530, %dma_wait3A_538] : memref<4x128xi32, #tpu.memory_space<vmem>> -> memref<1x128xi32, #tpu.memory_space<vmem>>
          %dma_wait3A_540 = tpu.memref_squeeze %dma_wait3A_539 : memref<1x128xi32, #tpu.memory_space<vmem>> -> memref<128xi32, #tpu.memory_space<vmem>>
          %dma_wait3A_541 = arith.constant 0 : i32
          %dma_wait3A_542 = arith.constant 0 : i32
          %dma_wait3A_543 = tpu.memref_slice %arg10[%dma_wait3A_541, %dma_wait3A_542] : memref<30016x64xf32, #tpu.memory_space<vmem_shared>> -> memref<30016x64xf32, #tpu.memory_space<vmem_shared>>
          tpu.wait_indirect_dma semaphore(%run_scoped3A_531 : memref<!tpu.dma_semaphore, #tpu.memory_space<semaphore_mem>>) src(%arg15 : memref<128x64xf32, #tpu.memory_space<vmem>>) dst(%dma_wait3A_543 : memref<30016x64xf32, #tpu.memory_space<vmem_shared>>)
          tpu.yield
        }) : () -> ()
      }
      %barrier3A_61 = arith.constant 0 : index
      tpu.barrier barrier_id(%barrier3A_61)
      %mul3A_62 = arith.constant 1872 : i32
      %mul3A_63 = arith.muli %arg1, %mul3A_62 : i32
      "tpu.region"() ({
        %run_scoped3A = tpu.sem_alloc : memref<!tpu.dma_semaphore, #tpu.memory_space<semaphore_mem>>
        %dma_start3A = arith.constant 64 : i32
        %dma_start3A_93 = tpu.memref_slice %arg9[%mul3A_63, %dma_start3A] : memref<40000x128xf32, #tpu.memory_space<hbm>> -> memref<1872x64xf32, #tpu.memory_space<hbm>>
        %dma_start3A_94 = arith.constant 0 : i32
        %dma_start3A_95 = tpu.memref_slice %arg10[%mul3A_63, %dma_start3A_94] : memref<30016x64xf32, #tpu.memory_space<vmem_shared>> -> memref<1872x64xf32, #tpu.memory_space<vmem_shared>>
        tpu.enqueue_dma source(%dma_start3A_95 : memref<1872x64xf32, #tpu.memory_space<vmem_shared>>) target(%dma_start3A_93 : memref<1872x64xf32, #tpu.memory_space<hbm>>) target_semaphore(%run_scoped3A : memref<!tpu.dma_semaphore, #tpu.memory_space<semaphore_mem>>)
        %dma_wait3A = arith.constant 64 : i32
        %dma_wait3A_96 = tpu.memref_slice %arg9[%mul3A_63, %dma_wait3A] : memref<40000x128xf32, #tpu.memory_space<hbm>> -> memref<1872x64xf32, #tpu.memory_space<hbm>>
        %dma_wait3A_97 = arith.constant 0 : i32
        %dma_wait3A_98 = tpu.memref_slice %arg10[%mul3A_63, %dma_wait3A_97] : memref<30016x64xf32, #tpu.memory_space<vmem_shared>> -> memref<1872x64xf32, #tpu.memory_space<vmem_shared>>
        tpu.wait_dma2 semaphore(%run_scoped3A : memref<!tpu.dma_semaphore, #tpu.memory_space<semaphore_mem>>) src(%dma_wait3A_98 : memref<1872x64xf32, #tpu.memory_space<vmem_shared>>) dst(%dma_wait3A_96 : memref<1872x64xf32, #tpu.memory_space<hbm>>)
        tpu.yield
      }) : () -> ()
      %eq3A_64 = arith.constant 0 : i32
      %eq3A_65 = arith.cmpi eq, %arg1, %eq3A_64 : i32
      %convert_element_type3A_66 = arith.extui %eq3A_65 : i1 to i32
      %cond3A_67 = arith.constant 0 : i32
      %cond3A_68 = arith.cmpi ne, %convert_element_type3A_66, %cond3A_67 : i32
      scf.if %cond3A_68 {
        "tpu.region"() ({
          %run_scoped3A = tpu.sem_alloc : memref<!tpu.dma_semaphore, #tpu.memory_space<semaphore_mem>>
          %dma_start3A = arith.constant 29952 : i32
          %dma_start3A_93 = arith.constant 64 : i32
          %dma_start3A_94 = tpu.memref_slice %arg9[%dma_start3A, %dma_start3A_93] : memref<40000x128xf32, #tpu.memory_space<hbm>> -> memref<48x64xf32, #tpu.memory_space<hbm>>
          %dma_start3A_95 = arith.constant 29952 : i32
          %dma_start3A_96 = arith.constant 0 : i32
          %dma_start3A_97 = tpu.memref_slice %arg10[%dma_start3A_95, %dma_start3A_96] : memref<30016x64xf32, #tpu.memory_space<vmem_shared>> -> memref<48x64xf32, #tpu.memory_space<vmem_shared>>
          tpu.enqueue_dma source(%dma_start3A_97 : memref<48x64xf32, #tpu.memory_space<vmem_shared>>) target(%dma_start3A_94 : memref<48x64xf32, #tpu.memory_space<hbm>>) target_semaphore(%run_scoped3A : memref<!tpu.dma_semaphore, #tpu.memory_space<semaphore_mem>>)
          %dma_wait3A = arith.constant 29952 : i32
          %dma_wait3A_98 = arith.constant 64 : i32
          %dma_wait3A_99 = tpu.memref_slice %arg9[%dma_wait3A, %dma_wait3A_98] : memref<40000x128xf32, #tpu.memory_space<hbm>> -> memref<48x64xf32, #tpu.memory_space<hbm>>
          %dma_wait3A_100 = arith.constant 29952 : i32
          %dma_wait3A_101 = arith.constant 0 : i32
          %dma_wait3A_102 = tpu.memref_slice %arg10[%dma_wait3A_100, %dma_wait3A_101] : memref<30016x64xf32, #tpu.memory_space<vmem_shared>> -> memref<48x64xf32, #tpu.memory_space<vmem_shared>>
          tpu.wait_dma2 semaphore(%run_scoped3A : memref<!tpu.dma_semaphore, #tpu.memory_space<semaphore_mem>>) src(%dma_wait3A_102 : memref<48x64xf32, #tpu.memory_space<vmem_shared>>) dst(%dma_wait3A_99 : memref<48x64xf32, #tpu.memory_space<hbm>>)
          tpu.yield
        }) : () -> ()
      } else {
      }
      %barrier3A_69 = arith.constant 0 : index
      tpu.barrier barrier_id(%barrier3A_69)
      %mul3A_70 = arith.constant 626 : i32
      %mul3A_71 = arith.muli %arg1, %mul3A_70 : i32
      "tpu.region"() ({
        %run_scoped3A = tpu.sem_alloc : memref<!tpu.dma_semaphore, #tpu.memory_space<semaphore_mem>>
        %dma_start3A = arith.constant 0 : i32
        %dma_start3A_93 = tpu.memref_slice %arg10[%mul3A_71, %dma_start3A] : memref<30016x64xf32, #tpu.memory_space<vmem_shared>> -> memref<626x64xf32, #tpu.memory_space<vmem_shared>>
        %dma_start3A_94 = arith.constant 0 : i32
        %dma_start3A_95 = arith.constant 0 : i32
        %dma_start3A_96 = tpu.memref_slice %arg8[%dma_start3A_94, %dma_start3A_95] : memref<1876x64xf32, #tpu.memory_space<hbm>> -> memref<626x64xf32, #tpu.memory_space<hbm>>
        tpu.enqueue_dma source(%dma_start3A_96 : memref<626x64xf32, #tpu.memory_space<hbm>>) target(%dma_start3A_93 : memref<626x64xf32, #tpu.memory_space<vmem_shared>>) target_semaphore(%run_scoped3A : memref<!tpu.dma_semaphore, #tpu.memory_space<semaphore_mem>>)
        %dma_wait3A = arith.constant 0 : i32
        %dma_wait3A_97 = tpu.memref_slice %arg10[%mul3A_71, %dma_wait3A] : memref<30016x64xf32, #tpu.memory_space<vmem_shared>> -> memref<626x64xf32, #tpu.memory_space<vmem_shared>>
        %dma_wait3A_98 = arith.constant 0 : i32
        %dma_wait3A_99 = arith.constant 0 : i32
        %dma_wait3A_100 = tpu.memref_slice %arg8[%dma_wait3A_98, %dma_wait3A_99] : memref<1876x64xf32, #tpu.memory_space<hbm>> -> memref<626x64xf32, #tpu.memory_space<hbm>>
        tpu.wait_dma2 semaphore(%run_scoped3A : memref<!tpu.dma_semaphore, #tpu.memory_space<semaphore_mem>>) src(%dma_wait3A_100 : memref<626x64xf32, #tpu.memory_space<hbm>>) dst(%dma_wait3A_97 : memref<626x64xf32, #tpu.memory_space<vmem_shared>>)
        tpu.yield
      }) : () -> ()
      %barrier3A_72 = arith.constant 0 : index
      tpu.barrier barrier_id(%barrier3A_72)
      %while3A_73 = arith.constant 0 : i32
      %while3A_74 = arith.subi %select_n3A_43, %select_n3A : i32
      %while3A_75 = arith.addi %select_n3A, %while3A_74 : i32
      %while3A_76 = arith.constant 1 : i32
      %while3A_77 = arith.divsi %while3A_74, %while3A_76 : i32
      %while3A_78 = arith.muli %while3A_77, %while3A_76 : i32
      %while3A_79 = arith.addi %select_n3A, %while3A_78 : i32
      %while3A_80 = arith.constant 1 : i32
      scf.for %while3A_93 = %select_n3A to %while3A_79 step %while3A_80  : i32 {
        %mul3A_94 = arith.constant 512 : i32
        %mul3A_95 = arith.muli %while3A_93, %mul3A_94 : i32
        %dma_start3A = tpu.memref_slice %arg7[%mul3A_95] : memref<320000xi32, #tpu.memory_space<hbm>> -> memref<512xi32, #tpu.memory_space<hbm>>
        %dma_start3A_96 = tpu.memref_slice %arg7[%mul3A_95] : memref<320000xi32, #tpu.memory_space<hbm>> -> memref<512xi32, #tpu.memory_space<hbm>>
        tpu.enqueue_dma source(%dma_start3A_96 : memref<512xi32, #tpu.memory_space<hbm>>) target(%arg11 : memref<512xi32, #tpu.memory_space<vmem>>) target_semaphore(%arg16 : memref<!tpu.dma_semaphore, #tpu.memory_space<semaphore_mem>>)
        %dma_start3A_97 = tpu.memref_slice %arg6[%mul3A_95] : memref<320000xi32, #tpu.memory_space<hbm>> -> memref<512xi32, #tpu.memory_space<hbm>>
        %dma_start3A_98 = tpu.memref_slice %arg6[%mul3A_95] : memref<320000xi32, #tpu.memory_space<hbm>> -> memref<512xi32, #tpu.memory_space<hbm>>
        tpu.enqueue_dma source(%dma_start3A_98 : memref<512xi32, #tpu.memory_space<hbm>>) target(%arg12 : memref<512xi32, #tpu.memory_space<vmem>>) target_semaphore(%arg16 : memref<!tpu.dma_semaphore, #tpu.memory_space<semaphore_mem>>)
        %dma_start3A_99 = tpu.memref_slice %arg5[%mul3A_95] : memref<320000xi32, #tpu.memory_space<hbm>> -> memref<512xi32, #tpu.memory_space<hbm>>
        %dma_start3A_100 = tpu.memref_slice %arg5[%mul3A_95] : memref<320000xi32, #tpu.memory_space<hbm>> -> memref<512xi32, #tpu.memory_space<hbm>>
        tpu.enqueue_dma source(%dma_start3A_100 : memref<512xi32, #tpu.memory_space<hbm>>) target(%arg13 : memref<512xi32, #tpu.memory_space<vmem>>) target_semaphore(%arg16 : memref<!tpu.dma_semaphore, #tpu.memory_space<semaphore_mem>>)
        %dma_wait3A = tpu.memref_slice %arg7[%mul3A_95] : memref<320000xi32, #tpu.memory_space<hbm>> -> memref<512xi32, #tpu.memory_space<hbm>>
        %dma_wait3A_101 = tpu.memref_slice %arg7[%mul3A_95] : memref<320000xi32, #tpu.memory_space<hbm>> -> memref<512xi32, #tpu.memory_space<hbm>>
        tpu.wait_dma2 semaphore(%arg16 : memref<!tpu.dma_semaphore, #tpu.memory_space<semaphore_mem>>) src(%dma_wait3A_101 : memref<512xi32, #tpu.memory_space<hbm>>) dst(%arg11 : memref<512xi32, #tpu.memory_space<vmem>>)
        %dma_wait3A_102 = tpu.memref_slice %arg6[%mul3A_95] : memref<320000xi32, #tpu.memory_space<hbm>> -> memref<512xi32, #tpu.memory_space<hbm>>
        %dma_wait3A_103 = tpu.memref_slice %arg6[%mul3A_95] : memref<320000xi32, #tpu.memory_space<hbm>> -> memref<512xi32, #tpu.memory_space<hbm>>
        tpu.wait_dma2 semaphore(%arg16 : memref<!tpu.dma_semaphore, #tpu.memory_space<semaphore_mem>>) src(%dma_wait3A_103 : memref<512xi32, #tpu.memory_space<hbm>>) dst(%arg12 : memref<512xi32, #tpu.memory_space<vmem>>)
        %dma_wait3A_104 = tpu.memref_slice %arg5[%mul3A_95] : memref<320000xi32, #tpu.memory_space<hbm>> -> memref<512xi32, #tpu.memory_space<hbm>>
        %dma_wait3A_105 = tpu.memref_slice %arg5[%mul3A_95] : memref<320000xi32, #tpu.memory_space<hbm>> -> memref<512xi32, #tpu.memory_space<hbm>>
        tpu.wait_dma2 semaphore(%arg16 : memref<!tpu.dma_semaphore, #tpu.memory_space<semaphore_mem>>) src(%dma_wait3A_105 : memref<512xi32, #tpu.memory_space<hbm>>) dst(%arg13 : memref<512xi32, #tpu.memory_space<vmem>>)
        %get3A = arith.constant 0 : index
        %get3A_106 = tpu.vector_load %arg12[%get3A] {strides = array<i32>} : memref<512xi32, #tpu.memory_space<vmem>>, vector<16xi32>,
        %get3A_107 = arith.constant 0 : index
        %get3A_108 = tpu.vector_load %arg13[%get3A_107] {strides = array<i32>} : memref<512xi32, #tpu.memory_space<vmem>>, vector<16xi32>,
        %eq3A_109 = arith.constant 2 : i32
        %eq3A_110 = vector.broadcast %eq3A_109 : i32 to vector<16xi32>
        %eq3A_111 = arith.cmpi eq, %get3A_106, %eq3A_110 : vector<16xi32>
        %jit3A_112 = arith.constant 10000 : i32
        %broadcast_in_dim3A = vector.broadcast %jit3A_112 : i32 to vector<16xi32>
        %select_n3A_113 = arith.select %eq3A_111, %get3A_108, %broadcast_in_dim3A : vector<16xi1>, vector<16xi32>
        %swap3A = arith.constant 0 : i32
        %swap3A_114 = arith.index_cast %swap3A : i32 to index
        %swap3A_115 = arith.constant 0 : index
        %swap3A_116 = tpu.vector_load %arg14[%swap3A_114, %swap3A_115] {strides = array<i32>} : memref<4x128xi32, #tpu.memory_space<vmem>>, vector<16xi32>,
        tpu.vector_store %arg14[%swap3A_114, %swap3A_115], %select_n3A_113 {strides = array<i32>} : memref<4x128xi32, #tpu.memory_space<vmem>>, vector<16xi32>,
        %get3A_117 = arith.constant 16 : index
        %get3A_118 = tpu.vector_load %arg12[%get3A_117] {strides = array<i32>} : memref<512xi32, #tpu.memory_space<vmem>>, vector<16xi32>,
        %get3A_119 = arith.constant 16 : index
        %get3A_120 = tpu.vector_load %arg13[%get3A_119] {strides = array<i32>} : memref<512xi32, #tpu.memory_space<vmem>>, vector<16xi32>,
        %eq3A_121 = arith.constant 2 : i32
        %eq3A_122 = vector.broadcast %eq3A_121 : i32 to vector<16xi32>
        %eq3A_123 = arith.cmpi eq, %get3A_118, %eq3A_122 : vector<16xi32>
        %jit3A_124 = arith.constant 10000 : i32
        %broadcast_in_dim3A_125 = vector.broadcast %jit3A_124 : i32 to vector<16xi32>
        %select_n3A_126 = arith.select %eq3A_123, %get3A_120, %broadcast_in_dim3A_125 : vector<16xi1>, vector<16xi32>
        %swap3A_127 = arith.constant 0 : i32
        %swap3A_128 = arith.index_cast %swap3A_127 : i32 to index
        %swap3A_129 = arith.constant 16 : index
        %swap3A_130 = tpu.vector_load %arg14[%swap3A_128, %swap3A_129] {strides = array<i32>} : memref<4x128xi32, #tpu.memory_space<vmem>>, vector<16xi32>,
        tpu.vector_store %arg14[%swap3A_128, %swap3A_129], %select_n3A_126 {strides = array<i32>} : memref<4x128xi32, #tpu.memory_space<vmem>>, vector<16xi32>,
        %get3A_131 = arith.constant 32 : index
        %get3A_132 = tpu.vector_load %arg12[%get3A_131] {strides = array<i32>} : memref<512xi32, #tpu.memory_space<vmem>>, vector<16xi32>,
        %get3A_133 = arith.constant 32 : index
        %get3A_134 = tpu.vector_load %arg13[%get3A_133] {strides = array<i32>} : memref<512xi32, #tpu.memory_space<vmem>>, vector<16xi32>,
        %eq3A_135 = arith.constant 2 : i32
        %eq3A_136 = vector.broadcast %eq3A_135 : i32 to vector<16xi32>
        %eq3A_137 = arith.cmpi eq, %get3A_132, %eq3A_136 : vector<16xi32>
        %jit3A_138 = arith.constant 10000 : i32
        %broadcast_in_dim3A_139 = vector.broadcast %jit3A_138 : i32 to vector<16xi32>
        %select_n3A_140 = arith.select %eq3A_137, %get3A_134, %broadcast_in_dim3A_139 : vector<16xi1>, vector<16xi32>
        %swap3A_141 = arith.constant 0 : i32
        %swap3A_142 = arith.index_cast %swap3A_141 : i32 to index
        %swap3A_143 = arith.constant 32 : index
        %swap3A_144 = tpu.vector_load %arg14[%swap3A_142, %swap3A_143] {strides = array<i32>} : memref<4x128xi32, #tpu.memory_space<vmem>>, vector<16xi32>,
        tpu.vector_store %arg14[%swap3A_142, %swap3A_143], %select_n3A_140 {strides = array<i32>} : memref<4x128xi32, #tpu.memory_space<vmem>>, vector<16xi32>,
        %get3A_145 = arith.constant 48 : index
        %get3A_146 = tpu.vector_load %arg12[%get3A_145] {strides = array<i32>} : memref<512xi32, #tpu.memory_space<vmem>>, vector<16xi32>,
        %get3A_147 = arith.constant 48 : index
        %get3A_148 = tpu.vector_load %arg13[%get3A_147] {strides = array<i32>} : memref<512xi32, #tpu.memory_space<vmem>>, vector<16xi32>,
        %eq3A_149 = arith.constant 2 : i32
        %eq3A_150 = vector.broadcast %eq3A_149 : i32 to vector<16xi32>
        %eq3A_151 = arith.cmpi eq, %get3A_146, %eq3A_150 : vector<16xi32>
        %jit3A_152 = arith.constant 10000 : i32
        %broadcast_in_dim3A_153 = vector.broadcast %jit3A_152 : i32 to vector<16xi32>
        %select_n3A_154 = arith.select %eq3A_151, %get3A_148, %broadcast_in_dim3A_153 : vector<16xi1>, vector<16xi32>
        %swap3A_155 = arith.constant 0 : i32
        %swap3A_156 = arith.index_cast %swap3A_155 : i32 to index
        %swap3A_157 = arith.constant 48 : index
        %swap3A_158 = tpu.vector_load %arg14[%swap3A_156, %swap3A_157] {strides = array<i32>} : memref<4x128xi32, #tpu.memory_space<vmem>>, vector<16xi32>,
        tpu.vector_store %arg14[%swap3A_156, %swap3A_157], %select_n3A_154 {strides = array<i32>} : memref<4x128xi32, #tpu.memory_space<vmem>>, vector<16xi32>,
        %get3A_159 = arith.constant 64 : index
        %get3A_160 = tpu.vector_load %arg12[%get3A_159] {strides = array<i32>} : memref<512xi32, #tpu.memory_space<vmem>>, vector<16xi32>,
        %get3A_161 = arith.constant 64 : index
        %get3A_162 = tpu.vector_load %arg13[%get3A_161] {strides = array<i32>} : memref<512xi32, #tpu.memory_space<vmem>>, vector<16xi32>,
        %eq3A_163 = arith.constant 2 : i32
        %eq3A_164 = vector.broadcast %eq3A_163 : i32 to vector<16xi32>
        %eq3A_165 = arith.cmpi eq, %get3A_160, %eq3A_164 : vector<16xi32>
        %jit3A_166 = arith.constant 10000 : i32
        %broadcast_in_dim3A_167 = vector.broadcast %jit3A_166 : i32 to vector<16xi32>
        %select_n3A_168 = arith.select %eq3A_165, %get3A_162, %broadcast_in_dim3A_167 : vector<16xi1>, vector<16xi32>
        %swap3A_169 = arith.constant 0 : i32
        %swap3A_170 = arith.index_cast %swap3A_169 : i32 to index
        %swap3A_171 = arith.constant 64 : index
        %swap3A_172 = tpu.vector_load %arg14[%swap3A_170, %swap3A_171] {strides = array<i32>} : memref<4x128xi32, #tpu.memory_space<vmem>>, vector<16xi32>,
        tpu.vector_store %arg14[%swap3A_170, %swap3A_171], %select_n3A_168 {strides = array<i32>} : memref<4x128xi32, #tpu.memory_space<vmem>>, vector<16xi32>,
        %get3A_173 = arith.constant 80 : index
        %get3A_174 = tpu.vector_load %arg12[%get3A_173] {strides = array<i32>} : memref<512xi32, #tpu.memory_space<vmem>>, vector<16xi32>,
        %get3A_175 = arith.constant 80 : index
        %get3A_176 = tpu.vector_load %arg13[%get3A_175] {strides = array<i32>} : memref<512xi32, #tpu.memory_space<vmem>>, vector<16xi32>,
        %eq3A_177 = arith.constant 2 : i32
        %eq3A_178 = vector.broadcast %eq3A_177 : i32 to vector<16xi32>
        %eq3A_179 = arith.cmpi eq, %get3A_174, %eq3A_178 : vector<16xi32>
        %jit3A_180 = arith.constant 10000 : i32
        %broadcast_in_dim3A_181 = vector.broadcast %jit3A_180 : i32 to vector<16xi32>
        %select_n3A_182 = arith.select %eq3A_179, %get3A_176, %broadcast_in_dim3A_181 : vector<16xi1>, vector<16xi32>
        %swap3A_183 = arith.constant 0 : i32
        %swap3A_184 = arith.index_cast %swap3A_183 : i32 to index
        %swap3A_185 = arith.constant 80 : index
        %swap3A_186 = tpu.vector_load %arg14[%swap3A_184, %swap3A_185] {strides = array<i32>} : memref<4x128xi32, #tpu.memory_space<vmem>>, vector<16xi32>,
        tpu.vector_store %arg14[%swap3A_184, %swap3A_185], %select_n3A_182 {strides = array<i32>} : memref<4x128xi32, #tpu.memory_space<vmem>>, vector<16xi32>,
        %get3A_187 = arith.constant 96 : index
        %get3A_188 = tpu.vector_load %arg12[%get3A_187] {strides = array<i32>} : memref<512xi32, #tpu.memory_space<vmem>>, vector<16xi32>,
        %get3A_189 = arith.constant 96 : index
        %get3A_190 = tpu.vector_load %arg13[%get3A_189] {strides = array<i32>} : memref<512xi32, #tpu.memory_space<vmem>>, vector<16xi32>,
        %eq3A_191 = arith.constant 2 : i32
        %eq3A_192 = vector.broadcast %eq3A_191 : i32 to vector<16xi32>
        %eq3A_193 = arith.cmpi eq, %get3A_188, %eq3A_192 : vector<16xi32>
        %jit3A_194 = arith.constant 10000 : i32
        %broadcast_in_dim3A_195 = vector.broadcast %jit3A_194 : i32 to vector<16xi32>
        %select_n3A_196 = arith.select %eq3A_193, %get3A_190, %broadcast_in_dim3A_195 : vector<16xi1>, vector<16xi32>
        %swap3A_197 = arith.constant 0 : i32
        %swap3A_198 = arith.index_cast %swap3A_197 : i32 to index
        %swap3A_199 = arith.constant 96 : index
        %swap3A_200 = tpu.vector_load %arg14[%swap3A_198, %swap3A_199] {strides = array<i32>} : memref<4x128xi32, #tpu.memory_space<vmem>>, vector<16xi32>,
        tpu.vector_store %arg14[%swap3A_198, %swap3A_199], %select_n3A_196 {strides = array<i32>} : memref<4x128xi32, #tpu.memory_space<vmem>>, vector<16xi32>,
        %get3A_201 = arith.constant 112 : index
        %get3A_202 = tpu.vector_load %arg12[%get3A_201] {strides = array<i32>} : memref<512xi32, #tpu.memory_space<vmem>>, vector<16xi32>,
        %get3A_203 = arith.constant 112 : index
        %get3A_204 = tpu.vector_load %arg13[%get3A_203] {strides = array<i32>} : memref<512xi32, #tpu.memory_space<vmem>>, vector<16xi32>,
        %eq3A_205 = arith.constant 2 : i32
        %eq3A_206 = vector.broadcast %eq3A_205 : i32 to vector<16xi32>
        %eq3A_207 = arith.cmpi eq, %get3A_202, %eq3A_206 : vector<16xi32>
        %jit3A_208 = arith.constant 10000 : i32
        %broadcast_in_dim3A_209 = vector.broadcast %jit3A_208 : i32 to vector<16xi32>
        %select_n3A_210 = arith.select %eq3A_207, %get3A_204, %broadcast_in_dim3A_209 : vector<16xi1>, vector<16xi32>
        %swap3A_211 = arith.constant 0 : i32
        %swap3A_212 = arith.index_cast %swap3A_211 : i32 to index
        %swap3A_213 = arith.constant 112 : index
        %swap3A_214 = tpu.vector_load %arg14[%swap3A_212, %swap3A_213] {strides = array<i32>} : memref<4x128xi32, #tpu.memory_space<vmem>>, vector<16xi32>,
        tpu.vector_store %arg14[%swap3A_212, %swap3A_213], %select_n3A_210 {strides = array<i32>} : memref<4x128xi32, #tpu.memory_space<vmem>>, vector<16xi32>,
        %get3A_215 = arith.constant 128 : index
        %get3A_216 = tpu.vector_load %arg12[%get3A_215] {strides = array<i32>} : memref<512xi32, #tpu.memory_space<vmem>>, vector<16xi32>,
        %get3A_217 = arith.constant 128 : index
        %get3A_218 = tpu.vector_load %arg13[%get3A_217] {strides = array<i32>} : memref<512xi32, #tpu.memory_space<vmem>>, vector<16xi32>,
        %eq3A_219 = arith.constant 2 : i32
        %eq3A_220 = vector.broadcast %eq3A_219 : i32 to vector<16xi32>
        %eq3A_221 = arith.cmpi eq, %get3A_216, %eq3A_220 : vector<16xi32>
        %jit3A_222 = arith.constant 10000 : i32
        %broadcast_in_dim3A_223 = vector.broadcast %jit3A_222 : i32 to vector<16xi32>
        %select_n3A_224 = arith.select %eq3A_221, %get3A_218, %broadcast_in_dim3A_223 : vector<16xi1>, vector<16xi32>
        %swap3A_225 = arith.constant 1 : i32
        %swap3A_226 = arith.index_cast %swap3A_225 : i32 to index
        %swap3A_227 = arith.constant 0 : index
        %swap3A_228 = tpu.vector_load %arg14[%swap3A_226, %swap3A_227] {strides = array<i32>} : memref<4x128xi32, #tpu.memory_space<vmem>>, vector<16xi32>,
        tpu.vector_store %arg14[%swap3A_226, %swap3A_227], %select_n3A_224 {strides = array<i32>} : memref<4x128xi32, #tpu.memory_space<vmem>>, vector<16xi32>,
        %get3A_229 = arith.constant 144 : index
        %get3A_230 = tpu.vector_load %arg12[%get3A_229] {strides = array<i32>} : memref<512xi32, #tpu.memory_space<vmem>>, vector<16xi32>,
        %get3A_231 = arith.constant 144 : index
        %get3A_232 = tpu.vector_load %arg13[%get3A_231] {strides = array<i32>} : memref<512xi32, #tpu.memory_space<vmem>>, vector<16xi32>,
        %eq3A_233 = arith.constant 2 : i32
        %eq3A_234 = vector.broadcast %eq3A_233 : i32 to vector<16xi32>
        %eq3A_235 = arith.cmpi eq, %get3A_230, %eq3A_234 : vector<16xi32>
        %jit3A_236 = arith.constant 10000 : i32
        %broadcast_in_dim3A_237 = vector.broadcast %jit3A_236 : i32 to vector<16xi32>
        %select_n3A_238 = arith.select %eq3A_235, %get3A_232, %broadcast_in_dim3A_237 : vector<16xi1>, vector<16xi32>
        %swap3A_239 = arith.constant 1 : i32
        %swap3A_240 = arith.index_cast %swap3A_239 : i32 to index
        %swap3A_241 = arith.constant 16 : index
        %swap3A_242 = tpu.vector_load %arg14[%swap3A_240, %swap3A_241] {strides = array<i32>} : memref<4x128xi32, #tpu.memory_space<vmem>>, vector<16xi32>,
        tpu.vector_store %arg14[%swap3A_240, %swap3A_241], %select_n3A_238 {strides = array<i32>} : memref<4x128xi32, #tpu.memory_space<vmem>>, vector<16xi32>,
        %get3A_243 = arith.constant 160 : index
        %get3A_244 = tpu.vector_load %arg12[%get3A_243] {strides = array<i32>} : memref<512xi32, #tpu.memory_space<vmem>>, vector<16xi32>,
        %get3A_245 = arith.constant 160 : index
        %get3A_246 = tpu.vector_load %arg13[%get3A_245] {strides = array<i32>} : memref<512xi32, #tpu.memory_space<vmem>>, vector<16xi32>,
        %eq3A_247 = arith.constant 2 : i32
        %eq3A_248 = vector.broadcast %eq3A_247 : i32 to vector<16xi32>
        %eq3A_249 = arith.cmpi eq, %get3A_244, %eq3A_248 : vector<16xi32>
        %jit3A_250 = arith.constant 10000 : i32
        %broadcast_in_dim3A_251 = vector.broadcast %jit3A_250 : i32 to vector<16xi32>
        %select_n3A_252 = arith.select %eq3A_249, %get3A_246, %broadcast_in_dim3A_251 : vector<16xi1>, vector<16xi32>
        %swap3A_253 = arith.constant 1 : i32
        %swap3A_254 = arith.index_cast %swap3A_253 : i32 to index
        %swap3A_255 = arith.constant 32 : index
        %swap3A_256 = tpu.vector_load %arg14[%swap3A_254, %swap3A_255] {strides = array<i32>} : memref<4x128xi32, #tpu.memory_space<vmem>>, vector<16xi32>,
        tpu.vector_store %arg14[%swap3A_254, %swap3A_255], %select_n3A_252 {strides = array<i32>} : memref<4x128xi32, #tpu.memory_space<vmem>>, vector<16xi32>,
        %get3A_257 = arith.constant 176 : index
        %get3A_258 = tpu.vector_load %arg12[%get3A_257] {strides = array<i32>} : memref<512xi32, #tpu.memory_space<vmem>>, vector<16xi32>,
        %get3A_259 = arith.constant 176 : index
        %get3A_260 = tpu.vector_load %arg13[%get3A_259] {strides = array<i32>} : memref<512xi32, #tpu.memory_space<vmem>>, vector<16xi32>,
        %eq3A_261 = arith.constant 2 : i32
        %eq3A_262 = vector.broadcast %eq3A_261 : i32 to vector<16xi32>
        %eq3A_263 = arith.cmpi eq, %get3A_258, %eq3A_262 : vector<16xi32>
        %jit3A_264 = arith.constant 10000 : i32
        %broadcast_in_dim3A_265 = vector.broadcast %jit3A_264 : i32 to vector<16xi32>
        %select_n3A_266 = arith.select %eq3A_263, %get3A_260, %broadcast_in_dim3A_265 : vector<16xi1>, vector<16xi32>
        %swap3A_267 = arith.constant 1 : i32
        %swap3A_268 = arith.index_cast %swap3A_267 : i32 to index
        %swap3A_269 = arith.constant 48 : index
        %swap3A_270 = tpu.vector_load %arg14[%swap3A_268, %swap3A_269] {strides = array<i32>} : memref<4x128xi32, #tpu.memory_space<vmem>>, vector<16xi32>,
        tpu.vector_store %arg14[%swap3A_268, %swap3A_269], %select_n3A_266 {strides = array<i32>} : memref<4x128xi32, #tpu.memory_space<vmem>>, vector<16xi32>,
        %get3A_271 = arith.constant 192 : index
        %get3A_272 = tpu.vector_load %arg12[%get3A_271] {strides = array<i32>} : memref<512xi32, #tpu.memory_space<vmem>>, vector<16xi32>,
        %get3A_273 = arith.constant 192 : index
        %get3A_274 = tpu.vector_load %arg13[%get3A_273] {strides = array<i32>} : memref<512xi32, #tpu.memory_space<vmem>>, vector<16xi32>,
        %eq3A_275 = arith.constant 2 : i32
        %eq3A_276 = vector.broadcast %eq3A_275 : i32 to vector<16xi32>
        %eq3A_277 = arith.cmpi eq, %get3A_272, %eq3A_276 : vector<16xi32>
        %jit3A_278 = arith.constant 10000 : i32
        %broadcast_in_dim3A_279 = vector.broadcast %jit3A_278 : i32 to vector<16xi32>
        %select_n3A_280 = arith.select %eq3A_277, %get3A_274, %broadcast_in_dim3A_279 : vector<16xi1>, vector<16xi32>
        %swap3A_281 = arith.constant 1 : i32
        %swap3A_282 = arith.index_cast %swap3A_281 : i32 to index
        %swap3A_283 = arith.constant 64 : index
        %swap3A_284 = tpu.vector_load %arg14[%swap3A_282, %swap3A_283] {strides = array<i32>} : memref<4x128xi32, #tpu.memory_space<vmem>>, vector<16xi32>,
        tpu.vector_store %arg14[%swap3A_282, %swap3A_283], %select_n3A_280 {strides = array<i32>} : memref<4x128xi32, #tpu.memory_space<vmem>>, vector<16xi32>,
        %get3A_285 = arith.constant 208 : index
        %get3A_286 = tpu.vector_load %arg12[%get3A_285] {strides = array<i32>} : memref<512xi32, #tpu.memory_space<vmem>>, vector<16xi32>,
        %get3A_287 = arith.constant 208 : index
        %get3A_288 = tpu.vector_load %arg13[%get3A_287] {strides = array<i32>} : memref<512xi32, #tpu.memory_space<vmem>>, vector<16xi32>,
        %eq3A_289 = arith.constant 2 : i32
        %eq3A_290 = vector.broadcast %eq3A_289 : i32 to vector<16xi32>
        %eq3A_291 = arith.cmpi eq, %get3A_286, %eq3A_290 : vector<16xi32>
        %jit3A_292 = arith.constant 10000 : i32
        %broadcast_in_dim3A_293 = vector.broadcast %jit3A_292 : i32 to vector<16xi32>
        %select_n3A_294 = arith.select %eq3A_291, %get3A_288, %broadcast_in_dim3A_293 : vector<16xi1>, vector<16xi32>
        %swap3A_295 = arith.constant 1 : i32
        %swap3A_296 = arith.index_cast %swap3A_295 : i32 to index
        %swap3A_297 = arith.constant 80 : index
        %swap3A_298 = tpu.vector_load %arg14[%swap3A_296, %swap3A_297] {strides = array<i32>} : memref<4x128xi32, #tpu.memory_space<vmem>>, vector<16xi32>,
        tpu.vector_store %arg14[%swap3A_296, %swap3A_297], %select_n3A_294 {strides = array<i32>} : memref<4x128xi32, #tpu.memory_space<vmem>>, vector<16xi32>,
        %get3A_299 = arith.constant 224 : index
        %get3A_300 = tpu.vector_load %arg12[%get3A_299] {strides = array<i32>} : memref<512xi32, #tpu.memory_space<vmem>>, vector<16xi32>,
        %get3A_301 = arith.constant 224 : index
        %get3A_302 = tpu.vector_load %arg13[%get3A_301] {strides = array<i32>} : memref<512xi32, #tpu.memory_space<vmem>>, vector<16xi32>,
        %eq3A_303 = arith.constant 2 : i32
        %eq3A_304 = vector.broadcast %eq3A_303 : i32 to vector<16xi32>
        %eq3A_305 = arith.cmpi eq, %get3A_300, %eq3A_304 : vector<16xi32>
        %jit3A_306 = arith.constant 10000 : i32
        %broadcast_in_dim3A_307 = vector.broadcast %jit3A_306 : i32 to vector<16xi32>
        %select_n3A_308 = arith.select %eq3A_305, %get3A_302, %broadcast_in_dim3A_307 : vector<16xi1>, vector<16xi32>
        %swap3A_309 = arith.constant 1 : i32
        %swap3A_310 = arith.index_cast %swap3A_309 : i32 to index
        %swap3A_311 = arith.constant 96 : index
        %swap3A_312 = tpu.vector_load %arg14[%swap3A_310, %swap3A_311] {strides = array<i32>} : memref<4x128xi32, #tpu.memory_space<vmem>>, vector<16xi32>,
        tpu.vector_store %arg14[%swap3A_310, %swap3A_311], %select_n3A_308 {strides = array<i32>} : memref<4x128xi32, #tpu.memory_space<vmem>>, vector<16xi32>,
        %get3A_313 = arith.constant 240 : index
        %get3A_314 = tpu.vector_load %arg12[%get3A_313] {strides = array<i32>} : memref<512xi32, #tpu.memory_space<vmem>>, vector<16xi32>,
        %get3A_315 = arith.constant 240 : index
        %get3A_316 = tpu.vector_load %arg13[%get3A_315] {strides = array<i32>} : memref<512xi32, #tpu.memory_space<vmem>>, vector<16xi32>,
        %eq3A_317 = arith.constant 2 : i32
        %eq3A_318 = vector.broadcast %eq3A_317 : i32 to vector<16xi32>
        %eq3A_319 = arith.cmpi eq, %get3A_314, %eq3A_318 : vector<16xi32>
        %jit3A_320 = arith.constant 10000 : i32
        %broadcast_in_dim3A_321 = vector.broadcast %jit3A_320 : i32 to vector<16xi32>
        %select_n3A_322 = arith.select %eq3A_319, %get3A_316, %broadcast_in_dim3A_321 : vector<16xi1>, vector<16xi32>
        %swap3A_323 = arith.constant 1 : i32
        %swap3A_324 = arith.index_cast %swap3A_323 : i32 to index
        %swap3A_325 = arith.constant 112 : index
        %swap3A_326 = tpu.vector_load %arg14[%swap3A_324, %swap3A_325] {strides = array<i32>} : memref<4x128xi32, #tpu.memory_space<vmem>>, vector<16xi32>,
        tpu.vector_store %arg14[%swap3A_324, %swap3A_325], %select_n3A_322 {strides = array<i32>} : memref<4x128xi32, #tpu.memory_space<vmem>>, vector<16xi32>,
        %get3A_327 = arith.constant 256 : index
        %get3A_328 = tpu.vector_load %arg12[%get3A_327] {strides = array<i32>} : memref<512xi32, #tpu.memory_space<vmem>>, vector<16xi32>,
        %get3A_329 = arith.constant 256 : index
        %get3A_330 = tpu.vector_load %arg13[%get3A_329] {strides = array<i32>} : memref<512xi32, #tpu.memory_space<vmem>>, vector<16xi32>,
        %eq3A_331 = arith.constant 2 : i32
        %eq3A_332 = vector.broadcast %eq3A_331 : i32 to vector<16xi32>
        %eq3A_333 = arith.cmpi eq, %get3A_328, %eq3A_332 : vector<16xi32>
        %jit3A_334 = arith.constant 10000 : i32
        %broadcast_in_dim3A_335 = vector.broadcast %jit3A_334 : i32 to vector<16xi32>
        %select_n3A_336 = arith.select %eq3A_333, %get3A_330, %broadcast_in_dim3A_335 : vector<16xi1>, vector<16xi32>
        %swap3A_337 = arith.constant 2 : i32
        %swap3A_338 = arith.index_cast %swap3A_337 : i32 to index
        %swap3A_339 = arith.constant 0 : index
        %swap3A_340 = tpu.vector_load %arg14[%swap3A_338, %swap3A_339] {strides = array<i32>} : memref<4x128xi32, #tpu.memory_space<vmem>>, vector<16xi32>,
        tpu.vector_store %arg14[%swap3A_338, %swap3A_339], %select_n3A_336 {strides = array<i32>} : memref<4x128xi32, #tpu.memory_space<vmem>>, vector<16xi32>,
        %get3A_341 = arith.constant 272 : index
        %get3A_342 = tpu.vector_load %arg12[%get3A_341] {strides = array<i32>} : memref<512xi32, #tpu.memory_space<vmem>>, vector<16xi32>,
        %get3A_343 = arith.constant 272 : index
        %get3A_344 = tpu.vector_load %arg13[%get3A_343] {strides = array<i32>} : memref<512xi32, #tpu.memory_space<vmem>>, vector<16xi32>,
        %eq3A_345 = arith.constant 2 : i32
        %eq3A_346 = vector.broadcast %eq3A_345 : i32 to vector<16xi32>
        %eq3A_347 = arith.cmpi eq, %get3A_342, %eq3A_346 : vector<16xi32>
        %jit3A_348 = arith.constant 10000 : i32
        %broadcast_in_dim3A_349 = vector.broadcast %jit3A_348 : i32 to vector<16xi32>
        %select_n3A_350 = arith.select %eq3A_347, %get3A_344, %broadcast_in_dim3A_349 : vector<16xi1>, vector<16xi32>
        %swap3A_351 = arith.constant 2 : i32
        %swap3A_352 = arith.index_cast %swap3A_351 : i32 to index
        %swap3A_353 = arith.constant 16 : index
        %swap3A_354 = tpu.vector_load %arg14[%swap3A_352, %swap3A_353] {strides = array<i32>} : memref<4x128xi32, #tpu.memory_space<vmem>>, vector<16xi32>,
        tpu.vector_store %arg14[%swap3A_352, %swap3A_353], %select_n3A_350 {strides = array<i32>} : memref<4x128xi32, #tpu.memory_space<vmem>>, vector<16xi32>,
        %get3A_355 = arith.constant 288 : index
        %get3A_356 = tpu.vector_load %arg12[%get3A_355] {strides = array<i32>} : memref<512xi32, #tpu.memory_space<vmem>>, vector<16xi32>,
        %get3A_357 = arith.constant 288 : index
        %get3A_358 = tpu.vector_load %arg13[%get3A_357] {strides = array<i32>} : memref<512xi32, #tpu.memory_space<vmem>>, vector<16xi32>,
        %eq3A_359 = arith.constant 2 : i32
        %eq3A_360 = vector.broadcast %eq3A_359 : i32 to vector<16xi32>
        %eq3A_361 = arith.cmpi eq, %get3A_356, %eq3A_360 : vector<16xi32>
        %jit3A_362 = arith.constant 10000 : i32
        %broadcast_in_dim3A_363 = vector.broadcast %jit3A_362 : i32 to vector<16xi32>
        %select_n3A_364 = arith.select %eq3A_361, %get3A_358, %broadcast_in_dim3A_363 : vector<16xi1>, vector<16xi32>
        %swap3A_365 = arith.constant 2 : i32
        %swap3A_366 = arith.index_cast %swap3A_365 : i32 to index
        %swap3A_367 = arith.constant 32 : index
        %swap3A_368 = tpu.vector_load %arg14[%swap3A_366, %swap3A_367] {strides = array<i32>} : memref<4x128xi32, #tpu.memory_space<vmem>>, vector<16xi32>,
        tpu.vector_store %arg14[%swap3A_366, %swap3A_367], %select_n3A_364 {strides = array<i32>} : memref<4x128xi32, #tpu.memory_space<vmem>>, vector<16xi32>,
        %get3A_369 = arith.constant 304 : index
        %get3A_370 = tpu.vector_load %arg12[%get3A_369] {strides = array<i32>} : memref<512xi32, #tpu.memory_space<vmem>>, vector<16xi32>,
        %get3A_371 = arith.constant 304 : index
        %get3A_372 = tpu.vector_load %arg13[%get3A_371] {strides = array<i32>} : memref<512xi32, #tpu.memory_space<vmem>>, vector<16xi32>,
        %eq3A_373 = arith.constant 2 : i32
        %eq3A_374 = vector.broadcast %eq3A_373 : i32 to vector<16xi32>
        %eq3A_375 = arith.cmpi eq, %get3A_370, %eq3A_374 : vector<16xi32>
        %jit3A_376 = arith.constant 10000 : i32
        %broadcast_in_dim3A_377 = vector.broadcast %jit3A_376 : i32 to vector<16xi32>
        %select_n3A_378 = arith.select %eq3A_375, %get3A_372, %broadcast_in_dim3A_377 : vector<16xi1>, vector<16xi32>
        %swap3A_379 = arith.constant 2 : i32
        %swap3A_380 = arith.index_cast %swap3A_379 : i32 to index
        %swap3A_381 = arith.constant 48 : index
        %swap3A_382 = tpu.vector_load %arg14[%swap3A_380, %swap3A_381] {strides = array<i32>} : memref<4x128xi32, #tpu.memory_space<vmem>>, vector<16xi32>,
        tpu.vector_store %arg14[%swap3A_380, %swap3A_381], %select_n3A_378 {strides = array<i32>} : memref<4x128xi32, #tpu.memory_space<vmem>>, vector<16xi32>,
        %get3A_383 = arith.constant 320 : index
        %get3A_384 = tpu.vector_load %arg12[%get3A_383] {strides = array<i32>} : memref<512xi32, #tpu.memory_space<vmem>>, vector<16xi32>,
        %get3A_385 = arith.constant 320 : index
        %get3A_386 = tpu.vector_load %arg13[%get3A_385] {strides = array<i32>} : memref<512xi32, #tpu.memory_space<vmem>>, vector<16xi32>,
        %eq3A_387 = arith.constant 2 : i32
        %eq3A_388 = vector.broadcast %eq3A_387 : i32 to vector<16xi32>
        %eq3A_389 = arith.cmpi eq, %get3A_384, %eq3A_388 : vector<16xi32>
        %jit3A_390 = arith.constant 10000 : i32
        %broadcast_in_dim3A_391 = vector.broadcast %jit3A_390 : i32 to vector<16xi32>
        %select_n3A_392 = arith.select %eq3A_389, %get3A_386, %broadcast_in_dim3A_391 : vector<16xi1>, vector<16xi32>
        %swap3A_393 = arith.constant 2 : i32
        %swap3A_394 = arith.index_cast %swap3A_393 : i32 to index
        %swap3A_395 = arith.constant 64 : index
        %swap3A_396 = tpu.vector_load %arg14[%swap3A_394, %swap3A_395] {strides = array<i32>} : memref<4x128xi32, #tpu.memory_space<vmem>>, vector<16xi32>,
        tpu.vector_store %arg14[%swap3A_394, %swap3A_395], %select_n3A_392 {strides = array<i32>} : memref<4x128xi32, #tpu.memory_space<vmem>>, vector<16xi32>,
        %get3A_397 = arith.constant 336 : index
        %get3A_398 = tpu.vector_load %arg12[%get3A_397] {strides = array<i32>} : memref<512xi32, #tpu.memory_space<vmem>>, vector<16xi32>,
        %get3A_399 = arith.constant 336 : index
        %get3A_400 = tpu.vector_load %arg13[%get3A_399] {strides = array<i32>} : memref<512xi32, #tpu.memory_space<vmem>>, vector<16xi32>,
        %eq3A_401 = arith.constant 2 : i32
        %eq3A_402 = vector.broadcast %eq3A_401 : i32 to vector<16xi32>
        %eq3A_403 = arith.cmpi eq, %get3A_398, %eq3A_402 : vector<16xi32>
        %jit3A_404 = arith.constant 10000 : i32
        %broadcast_in_dim3A_405 = vector.broadcast %jit3A_404 : i32 to vector<16xi32>
        %select_n3A_406 = arith.select %eq3A_403, %get3A_400, %broadcast_in_dim3A_405 : vector<16xi1>, vector<16xi32>
        %swap3A_407 = arith.constant 2 : i32
        %swap3A_408 = arith.index_cast %swap3A_407 : i32 to index
        %swap3A_409 = arith.constant 80 : index
        %swap3A_410 = tpu.vector_load %arg14[%swap3A_408, %swap3A_409] {strides = array<i32>} : memref<4x128xi32, #tpu.memory_space<vmem>>, vector<16xi32>,
        tpu.vector_store %arg14[%swap3A_408, %swap3A_409], %select_n3A_406 {strides = array<i32>} : memref<4x128xi32, #tpu.memory_space<vmem>>, vector<16xi32>,
        %get3A_411 = arith.constant 352 : index
        %get3A_412 = tpu.vector_load %arg12[%get3A_411] {strides = array<i32>} : memref<512xi32, #tpu.memory_space<vmem>>, vector<16xi32>,
        %get3A_413 = arith.constant 352 : index
        %get3A_414 = tpu.vector_load %arg13[%get3A_413] {strides = array<i32>} : memref<512xi32, #tpu.memory_space<vmem>>, vector<16xi32>,
        %eq3A_415 = arith.constant 2 : i32
        %eq3A_416 = vector.broadcast %eq3A_415 : i32 to vector<16xi32>
        %eq3A_417 = arith.cmpi eq, %get3A_412, %eq3A_416 : vector<16xi32>
        %jit3A_418 = arith.constant 10000 : i32
        %broadcast_in_dim3A_419 = vector.broadcast %jit3A_418 : i32 to vector<16xi32>
        %select_n3A_420 = arith.select %eq3A_417, %get3A_414, %broadcast_in_dim3A_419 : vector<16xi1>, vector<16xi32>
        %swap3A_421 = arith.constant 2 : i32
        %swap3A_422 = arith.index_cast %swap3A_421 : i32 to index
        %swap3A_423 = arith.constant 96 : index
        %swap3A_424 = tpu.vector_load %arg14[%swap3A_422, %swap3A_423] {strides = array<i32>} : memref<4x128xi32, #tpu.memory_space<vmem>>, vector<16xi32>,
        tpu.vector_store %arg14[%swap3A_422, %swap3A_423], %select_n3A_420 {strides = array<i32>} : memref<4x128xi32, #tpu.memory_space<vmem>>, vector<16xi32>,
        %get3A_425 = arith.constant 368 : index
        %get3A_426 = tpu.vector_load %arg12[%get3A_425] {strides = array<i32>} : memref<512xi32, #tpu.memory_space<vmem>>, vector<16xi32>,
        %get3A_427 = arith.constant 368 : index
        %get3A_428 = tpu.vector_load %arg13[%get3A_427] {strides = array<i32>} : memref<512xi32, #tpu.memory_space<vmem>>, vector<16xi32>,
        %eq3A_429 = arith.constant 2 : i32
        %eq3A_430 = vector.broadcast %eq3A_429 : i32 to vector<16xi32>
        %eq3A_431 = arith.cmpi eq, %get3A_426, %eq3A_430 : vector<16xi32>
        %jit3A_432 = arith.constant 10000 : i32
        %broadcast_in_dim3A_433 = vector.broadcast %jit3A_432 : i32 to vector<16xi32>
        %select_n3A_434 = arith.select %eq3A_431, %get3A_428, %broadcast_in_dim3A_433 : vector<16xi1>, vector<16xi32>
        %swap3A_435 = arith.constant 2 : i32
        %swap3A_436 = arith.index_cast %swap3A_435 : i32 to index
        %swap3A_437 = arith.constant 112 : index
        %swap3A_438 = tpu.vector_load %arg14[%swap3A_436, %swap3A_437] {strides = array<i32>} : memref<4x128xi32, #tpu.memory_space<vmem>>, vector<16xi32>,
        tpu.vector_store %arg14[%swap3A_436, %swap3A_437], %select_n3A_434 {strides = array<i32>} : memref<4x128xi32, #tpu.memory_space<vmem>>, vector<16xi32>,
        %get3A_439 = arith.constant 384 : index
        %get3A_440 = tpu.vector_load %arg12[%get3A_439] {strides = array<i32>} : memref<512xi32, #tpu.memory_space<vmem>>, vector<16xi32>,
        %get3A_441 = arith.constant 384 : index
        %get3A_442 = tpu.vector_load %arg13[%get3A_441] {strides = array<i32>} : memref<512xi32, #tpu.memory_space<vmem>>, vector<16xi32>,
        %eq3A_443 = arith.constant 2 : i32
        %eq3A_444 = vector.broadcast %eq3A_443 : i32 to vector<16xi32>
        %eq3A_445 = arith.cmpi eq, %get3A_440, %eq3A_444 : vector<16xi32>
        %jit3A_446 = arith.constant 10000 : i32
        %broadcast_in_dim3A_447 = vector.broadcast %jit3A_446 : i32 to vector<16xi32>
        %select_n3A_448 = arith.select %eq3A_445, %get3A_442, %broadcast_in_dim3A_447 : vector<16xi1>, vector<16xi32>
        %swap3A_449 = arith.constant 3 : i32
        %swap3A_450 = arith.index_cast %swap3A_449 : i32 to index
        %swap3A_451 = arith.constant 0 : index
        %swap3A_452 = tpu.vector_load %arg14[%swap3A_450, %swap3A_451] {strides = array<i32>} : memref<4x128xi32, #tpu.memory_space<vmem>>, vector<16xi32>,
        tpu.vector_store %arg14[%swap3A_450, %swap3A_451], %select_n3A_448 {strides = array<i32>} : memref<4x128xi32, #tpu.memory_space<vmem>>, vector<16xi32>,
        %get3A_453 = arith.constant 400 : index
        %get3A_454 = tpu.vector_load %arg12[%get3A_453] {strides = array<i32>} : memref<512xi32, #tpu.memory_space<vmem>>, vector<16xi32>,
        %get3A_455 = arith.constant 400 : index
        %get3A_456 = tpu.vector_load %arg13[%get3A_455] {strides = array<i32>} : memref<512xi32, #tpu.memory_space<vmem>>, vector<16xi32>,
        %eq3A_457 = arith.constant 2 : i32
        %eq3A_458 = vector.broadcast %eq3A_457 : i32 to vector<16xi32>
        %eq3A_459 = arith.cmpi eq, %get3A_454, %eq3A_458 : vector<16xi32>
        %jit3A_460 = arith.constant 10000 : i32
        %broadcast_in_dim3A_461 = vector.broadcast %jit3A_460 : i32 to vector<16xi32>
        %select_n3A_462 = arith.select %eq3A_459, %get3A_456, %broadcast_in_dim3A_461 : vector<16xi1>, vector<16xi32>
        %swap3A_463 = arith.constant 3 : i32
        %swap3A_464 = arith.index_cast %swap3A_463 : i32 to index
        %swap3A_465 = arith.constant 16 : index
        %swap3A_466 = tpu.vector_load %arg14[%swap3A_464, %swap3A_465] {strides = array<i32>} : memref<4x128xi32, #tpu.memory_space<vmem>>, vector<16xi32>,
        tpu.vector_store %arg14[%swap3A_464, %swap3A_465], %select_n3A_462 {strides = array<i32>} : memref<4x128xi32, #tpu.memory_space<vmem>>, vector<16xi32>,
        %get3A_467 = arith.constant 416 : index
        %get3A_468 = tpu.vector_load %arg12[%get3A_467] {strides = array<i32>} : memref<512xi32, #tpu.memory_space<vmem>>, vector<16xi32>,
        %get3A_469 = arith.constant 416 : index
        %get3A_470 = tpu.vector_load %arg13[%get3A_469] {strides = array<i32>} : memref<512xi32, #tpu.memory_space<vmem>>, vector<16xi32>,
        %eq3A_471 = arith.constant 2 : i32
        %eq3A_472 = vector.broadcast %eq3A_471 : i32 to vector<16xi32>
        %eq3A_473 = arith.cmpi eq, %get3A_468, %eq3A_472 : vector<16xi32>
        %jit3A_474 = arith.constant 10000 : i32
        %broadcast_in_dim3A_475 = vector.broadcast %jit3A_474 : i32 to vector<16xi32>
        %select_n3A_476 = arith.select %eq3A_473, %get3A_470, %broadcast_in_dim3A_475 : vector<16xi1>, vector<16xi32>
        %swap3A_477 = arith.constant 3 : i32
        %swap3A_478 = arith.index_cast %swap3A_477 : i32 to index
        %swap3A_479 = arith.constant 32 : index
        %swap3A_480 = tpu.vector_load %arg14[%swap3A_478, %swap3A_479] {strides = array<i32>} : memref<4x128xi32, #tpu.memory_space<vmem>>, vector<16xi32>,
        tpu.vector_store %arg14[%swap3A_478, %swap3A_479], %select_n3A_476 {strides = array<i32>} : memref<4x128xi32, #tpu.memory_space<vmem>>, vector<16xi32>,
        %get3A_481 = arith.constant 432 : index
        %get3A_482 = tpu.vector_load %arg12[%get3A_481] {strides = array<i32>} : memref<512xi32, #tpu.memory_space<vmem>>, vector<16xi32>,
        %get3A_483 = arith.constant 432 : index
        %get3A_484 = tpu.vector_load %arg13[%get3A_483] {strides = array<i32>} : memref<512xi32, #tpu.memory_space<vmem>>, vector<16xi32>,
        %eq3A_485 = arith.constant 2 : i32
        %eq3A_486 = vector.broadcast %eq3A_485 : i32 to vector<16xi32>
        %eq3A_487 = arith.cmpi eq, %get3A_482, %eq3A_486 : vector<16xi32>
        %jit3A_488 = arith.constant 10000 : i32
        %broadcast_in_dim3A_489 = vector.broadcast %jit3A_488 : i32 to vector<16xi32>
        %select_n3A_490 = arith.select %eq3A_487, %get3A_484, %broadcast_in_dim3A_489 : vector<16xi1>, vector<16xi32>
        %swap3A_491 = arith.constant 3 : i32
        %swap3A_492 = arith.index_cast %swap3A_491 : i32 to index
        %swap3A_493 = arith.constant 48 : index
        %swap3A_494 = tpu.vector_load %arg14[%swap3A_492, %swap3A_493] {strides = array<i32>} : memref<4x128xi32, #tpu.memory_space<vmem>>, vector<16xi32>,
        tpu.vector_store %arg14[%swap3A_492, %swap3A_493], %select_n3A_490 {strides = array<i32>} : memref<4x128xi32, #tpu.memory_space<vmem>>, vector<16xi32>,
        %get3A_495 = arith.constant 448 : index
        %get3A_496 = tpu.vector_load %arg12[%get3A_495] {strides = array<i32>} : memref<512xi32, #tpu.memory_space<vmem>>, vector<16xi32>,
        %get3A_497 = arith.constant 448 : index
        %get3A_498 = tpu.vector_load %arg13[%get3A_497] {strides = array<i32>} : memref<512xi32, #tpu.memory_space<vmem>>, vector<16xi32>,
        %eq3A_499 = arith.constant 2 : i32
        %eq3A_500 = vector.broadcast %eq3A_499 : i32 to vector<16xi32>
        %eq3A_501 = arith.cmpi eq, %get3A_496, %eq3A_500 : vector<16xi32>
        %jit3A_502 = arith.constant 10000 : i32
        %broadcast_in_dim3A_503 = vector.broadcast %jit3A_502 : i32 to vector<16xi32>
        %select_n3A_504 = arith.select %eq3A_501, %get3A_498, %broadcast_in_dim3A_503 : vector<16xi1>, vector<16xi32>
        %swap3A_505 = arith.constant 3 : i32
        %swap3A_506 = arith.index_cast %swap3A_505 : i32 to index
        %swap3A_507 = arith.constant 64 : index
        %swap3A_508 = tpu.vector_load %arg14[%swap3A_506, %swap3A_507] {strides = array<i32>} : memref<4x128xi32, #tpu.memory_space<vmem>>, vector<16xi32>,
        tpu.vector_store %arg14[%swap3A_506, %swap3A_507], %select_n3A_504 {strides = array<i32>} : memref<4x128xi32, #tpu.memory_space<vmem>>, vector<16xi32>,
        %get3A_509 = arith.constant 464 : index
        %get3A_510 = tpu.vector_load %arg12[%get3A_509] {strides = array<i32>} : memref<512xi32, #tpu.memory_space<vmem>>, vector<16xi32>,
        %get3A_511 = arith.constant 464 : index
        %get3A_512 = tpu.vector_load %arg13[%get3A_511] {strides = array<i32>} : memref<512xi32, #tpu.memory_space<vmem>>, vector<16xi32>,
        %eq3A_513 = arith.constant 2 : i32
        %eq3A_514 = vector.broadcast %eq3A_513 : i32 to vector<16xi32>
        %eq3A_515 = arith.cmpi eq, %get3A_510, %eq3A_514 : vector<16xi32>
        %jit3A_516 = arith.constant 10000 : i32
        %broadcast_in_dim3A_517 = vector.broadcast %jit3A_516 : i32 to vector<16xi32>
        %select_n3A_518 = arith.select %eq3A_515, %get3A_512, %broadcast_in_dim3A_517 : vector<16xi1>, vector<16xi32>
        %swap3A_519 = arith.constant 3 : i32
        %swap3A_520 = arith.index_cast %swap3A_519 : i32 to index
        %swap3A_521 = arith.constant 80 : index
        %swap3A_522 = tpu.vector_load %arg14[%swap3A_520, %swap3A_521] {strides = array<i32>} : memref<4x128xi32, #tpu.memory_space<vmem>>, vector<16xi32>,
        tpu.vector_store %arg14[%swap3A_520, %swap3A_521], %select_n3A_518 {strides = array<i32>} : memref<4x128xi32, #tpu.memory_space<vmem>>, vector<16xi32>,
        %get3A_523 = arith.constant 480 : index
        %get3A_524 = tpu.vector_load %arg12[%get3A_523] {strides = array<i32>} : memref<512xi32, #tpu.memory_space<vmem>>, vector<16xi32>,
        %get3A_525 = arith.constant 480 : index
        %get3A_526 = tpu.vector_load %arg13[%get3A_525] {strides = array<i32>} : memref<512xi32, #tpu.memory_space<vmem>>, vector<16xi32>,
        %eq3A_527 = arith.constant 2 : i32
        %eq3A_528 = vector.broadcast %eq3A_527 : i32 to vector<16xi32>
        %eq3A_529 = arith.cmpi eq, %get3A_524, %eq3A_528 : vector<16xi32>
        %jit3A_530 = arith.constant 10000 : i32
        %broadcast_in_dim3A_531 = vector.broadcast %jit3A_530 : i32 to vector<16xi32>
        %select_n3A_532 = arith.select %eq3A_529, %get3A_526, %broadcast_in_dim3A_531 : vector<16xi1>, vector<16xi32>
        %swap3A_533 = arith.constant 3 : i32
        %swap3A_534 = arith.index_cast %swap3A_533 : i32 to index
        %swap3A_535 = arith.constant 96 : index
        %swap3A_536 = tpu.vector_load %arg14[%swap3A_534, %swap3A_535] {strides = array<i32>} : memref<4x128xi32, #tpu.memory_space<vmem>>, vector<16xi32>,
        tpu.vector_store %arg14[%swap3A_534, %swap3A_535], %select_n3A_532 {strides = array<i32>} : memref<4x128xi32, #tpu.memory_space<vmem>>, vector<16xi32>,
        %get3A_537 = arith.constant 496 : index
        %get3A_538 = tpu.vector_load %arg12[%get3A_537] {strides = array<i32>} : memref<512xi32, #tpu.memory_space<vmem>>, vector<16xi32>,
        %get3A_539 = arith.constant 496 : index
        %get3A_540 = tpu.vector_load %arg13[%get3A_539] {strides = array<i32>} : memref<512xi32, #tpu.memory_space<vmem>>, vector<16xi32>,
        %eq3A_541 = arith.constant 2 : i32
        %eq3A_542 = vector.broadcast %eq3A_541 : i32 to vector<16xi32>
        %eq3A_543 = arith.cmpi eq, %get3A_538, %eq3A_542 : vector<16xi32>
        %jit3A_544 = arith.constant 10000 : i32
        %broadcast_in_dim3A_545 = vector.broadcast %jit3A_544 : i32 to vector<16xi32>
        %select_n3A_546 = arith.select %eq3A_543, %get3A_540, %broadcast_in_dim3A_545 : vector<16xi1>, vector<16xi32>
        %swap3A_547 = arith.constant 3 : i32
        %swap3A_548 = arith.index_cast %swap3A_547 : i32 to index
        %swap3A_549 = arith.constant 112 : index
        %swap3A_550 = tpu.vector_load %arg14[%swap3A_548, %swap3A_549] {strides = array<i32>} : memref<4x128xi32, #tpu.memory_space<vmem>>, vector<16xi32>,
        tpu.vector_store %arg14[%swap3A_548, %swap3A_549], %select_n3A_546 {strides = array<i32>} : memref<4x128xi32, #tpu.memory_space<vmem>>, vector<16xi32>,
        %dma_start3A_551 = arith.constant 0 : i32
        %dma_start3A_552 = tpu.memref_slice %arg11[%dma_start3A_551] : memref<512xi32, #tpu.memory_space<vmem>> -> memref<128xi32, #tpu.memory_space<vmem>>
        %dma_start3A_553 = arith.constant 0 : i32
        %dma_start3A_554 = arith.constant 0 : i32
        %dma_start3A_555 = tpu.memref_slice %arg3[%dma_start3A_553, %dma_start3A_554] : memref<10000x64xf32, #tpu.memory_space<hbm>> -> memref<10000x64xf32, #tpu.memory_space<hbm>>
        tpu.enqueue_indirect_dma source(%dma_start3A_555 : memref<10000x64xf32, #tpu.memory_space<hbm>>) target(%arg15 : memref<128x64xf32, #tpu.memory_space<vmem>>) offsets(%dma_start3A_552 : memref<128xi32, #tpu.memory_space<vmem>>) semaphore(%arg17 : memref<!tpu.dma_semaphore, #tpu.memory_space<semaphore_mem>>)
        %dma_wait3A_556 = arith.constant 0 : i32
        %dma_wait3A_557 = tpu.memref_slice %arg11[%dma_wait3A_556] : memref<512xi32, #tpu.memory_space<vmem>> -> memref<128xi32, #tpu.memory_space<vmem>>
        %dma_wait3A_558 = arith.constant 0 : i32
        %dma_wait3A_559 = arith.constant 0 : i32
        %dma_wait3A_560 = tpu.memref_slice %arg3[%dma_wait3A_558, %dma_wait3A_559] : memref<10000x64xf32, #tpu.memory_space<hbm>> -> memref<10000x64xf32, #tpu.memory_space<hbm>>
        tpu.wait_indirect_dma semaphore(%arg17 : memref<!tpu.dma_semaphore, #tpu.memory_space<semaphore_mem>>) src(%dma_wait3A_560 : memref<10000x64xf32, #tpu.memory_space<hbm>>) dst(%arg15 : memref<128x64xf32, #tpu.memory_space<vmem>>)
        %run_scoped3A = arith.constant 0 : i32
        "tpu.region"() ({
          %run_scoped3A_594 = tpu.sem_alloc : memref<!tpu.dma_semaphore, #tpu.memory_space<semaphore_mem>>
          %dma_start3A_595 = arith.constant 0 : i32
          %dma_start3A_596 = tpu.memref_slice %arg14[%run_scoped3A, %dma_start3A_595] : memref<4x128xi32, #tpu.memory_space<vmem>> -> memref<1x128xi32, #tpu.memory_space<vmem>>
          %dma_start3A_597 = tpu.memref_squeeze %dma_start3A_596 : memref<1x128xi32, #tpu.memory_space<vmem>> -> memref<128xi32, #tpu.memory_space<vmem>>
          %dma_start3A_598 = arith.constant 0 : i32
          %dma_start3A_599 = arith.constant 0 : i32
          %dma_start3A_600 = tpu.memref_slice %arg10[%dma_start3A_598, %dma_start3A_599] : memref<30016x64xf32, #tpu.memory_space<vmem_shared>> -> memref<30016x64xf32, #tpu.memory_space<vmem_shared>>
          tpu.enqueue_indirect_dma source(%arg15 : memref<128x64xf32, #tpu.memory_space<vmem>>) target(%dma_start3A_600 : memref<30016x64xf32, #tpu.memory_space<vmem_shared>>) offsets(%dma_start3A_597 : memref<128xi32, #tpu.memory_space<vmem>>) semaphore(%run_scoped3A_594 : memref<!tpu.dma_semaphore, #tpu.memory_space<semaphore_mem>>) {add = true}
          %dma_wait3A_601 = arith.constant 0 : i32
          %dma_wait3A_602 = tpu.memref_slice %arg14[%run_scoped3A, %dma_wait3A_601] : memref<4x128xi32, #tpu.memory_space<vmem>> -> memref<1x128xi32, #tpu.memory_space<vmem>>
          %dma_wait3A_603 = tpu.memref_squeeze %dma_wait3A_602 : memref<1x128xi32, #tpu.memory_space<vmem>> -> memref<128xi32, #tpu.memory_space<vmem>>
          %dma_wait3A_604 = arith.constant 0 : i32
          %dma_wait3A_605 = arith.constant 0 : i32
          %dma_wait3A_606 = tpu.memref_slice %arg10[%dma_wait3A_604, %dma_wait3A_605] : memref<30016x64xf32, #tpu.memory_space<vmem_shared>> -> memref<30016x64xf32, #tpu.memory_space<vmem_shared>>
          tpu.wait_indirect_dma semaphore(%run_scoped3A_594 : memref<!tpu.dma_semaphore, #tpu.memory_space<semaphore_mem>>) src(%arg15 : memref<128x64xf32, #tpu.memory_space<vmem>>) dst(%dma_wait3A_606 : memref<30016x64xf32, #tpu.memory_space<vmem_shared>>)
          tpu.yield
        }) : () -> ()
        %dma_start3A_561 = arith.constant 128 : i32
        %dma_start3A_562 = tpu.memref_slice %arg11[%dma_start3A_561] : memref<512xi32, #tpu.memory_space<vmem>> -> memref<128xi32, #tpu.memory_space<vmem>>
        %dma_start3A_563 = arith.constant 0 : i32
        %dma_start3A_564 = arith.constant 0 : i32
        %dma_start3A_565 = tpu.memref_slice %arg3[%dma_start3A_563, %dma_start3A_564] : memref<10000x64xf32, #tpu.memory_space<hbm>> -> memref<10000x64xf32, #tpu.memory_space<hbm>>
        tpu.enqueue_indirect_dma source(%dma_start3A_565 : memref<10000x64xf32, #tpu.memory_space<hbm>>) target(%arg15 : memref<128x64xf32, #tpu.memory_space<vmem>>) offsets(%dma_start3A_562 : memref<128xi32, #tpu.memory_space<vmem>>) semaphore(%arg17 : memref<!tpu.dma_semaphore, #tpu.memory_space<semaphore_mem>>)
        %dma_wait3A_566 = arith.constant 128 : i32
        %dma_wait3A_567 = tpu.memref_slice %arg11[%dma_wait3A_566] : memref<512xi32, #tpu.memory_space<vmem>> -> memref<128xi32, #tpu.memory_space<vmem>>
        %dma_wait3A_568 = arith.constant 0 : i32
        %dma_wait3A_569 = arith.constant 0 : i32
        %dma_wait3A_570 = tpu.memref_slice %arg3[%dma_wait3A_568, %dma_wait3A_569] : memref<10000x64xf32, #tpu.memory_space<hbm>> -> memref<10000x64xf32, #tpu.memory_space<hbm>>
        tpu.wait_indirect_dma semaphore(%arg17 : memref<!tpu.dma_semaphore, #tpu.memory_space<semaphore_mem>>) src(%dma_wait3A_570 : memref<10000x64xf32, #tpu.memory_space<hbm>>) dst(%arg15 : memref<128x64xf32, #tpu.memory_space<vmem>>)
        %run_scoped3A_571 = arith.constant 1 : i32
        "tpu.region"() ({
          %run_scoped3A_594 = tpu.sem_alloc : memref<!tpu.dma_semaphore, #tpu.memory_space<semaphore_mem>>
          %dma_start3A_595 = arith.constant 0 : i32
          %dma_start3A_596 = tpu.memref_slice %arg14[%run_scoped3A_571, %dma_start3A_595] : memref<4x128xi32, #tpu.memory_space<vmem>> -> memref<1x128xi32, #tpu.memory_space<vmem>>
          %dma_start3A_597 = tpu.memref_squeeze %dma_start3A_596 : memref<1x128xi32, #tpu.memory_space<vmem>> -> memref<128xi32, #tpu.memory_space<vmem>>
          %dma_start3A_598 = arith.constant 0 : i32
          %dma_start3A_599 = arith.constant 0 : i32
          %dma_start3A_600 = tpu.memref_slice %arg10[%dma_start3A_598, %dma_start3A_599] : memref<30016x64xf32, #tpu.memory_space<vmem_shared>> -> memref<30016x64xf32, #tpu.memory_space<vmem_shared>>
          tpu.enqueue_indirect_dma source(%arg15 : memref<128x64xf32, #tpu.memory_space<vmem>>) target(%dma_start3A_600 : memref<30016x64xf32, #tpu.memory_space<vmem_shared>>) offsets(%dma_start3A_597 : memref<128xi32, #tpu.memory_space<vmem>>) semaphore(%run_scoped3A_594 : memref<!tpu.dma_semaphore, #tpu.memory_space<semaphore_mem>>) {add = true}
          %dma_wait3A_601 = arith.constant 0 : i32
          %dma_wait3A_602 = tpu.memref_slice %arg14[%run_scoped3A_571, %dma_wait3A_601] : memref<4x128xi32, #tpu.memory_space<vmem>> -> memref<1x128xi32, #tpu.memory_space<vmem>>
          %dma_wait3A_603 = tpu.memref_squeeze %dma_wait3A_602 : memref<1x128xi32, #tpu.memory_space<vmem>> -> memref<128xi32, #tpu.memory_space<vmem>>
          %dma_wait3A_604 = arith.constant 0 : i32
          %dma_wait3A_605 = arith.constant 0 : i32
          %dma_wait3A_606 = tpu.memref_slice %arg10[%dma_wait3A_604, %dma_wait3A_605] : memref<30016x64xf32, #tpu.memory_space<vmem_shared>> -> memref<30016x64xf32, #tpu.memory_space<vmem_shared>>
          tpu.wait_indirect_dma semaphore(%run_scoped3A_594 : memref<!tpu.dma_semaphore, #tpu.memory_space<semaphore_mem>>) src(%arg15 : memref<128x64xf32, #tpu.memory_space<vmem>>) dst(%dma_wait3A_606 : memref<30016x64xf32, #tpu.memory_space<vmem_shared>>)
          tpu.yield
        }) : () -> ()
        %dma_start3A_572 = arith.constant 256 : i32
        %dma_start3A_573 = tpu.memref_slice %arg11[%dma_start3A_572] : memref<512xi32, #tpu.memory_space<vmem>> -> memref<128xi32, #tpu.memory_space<vmem>>
        %dma_start3A_574 = arith.constant 0 : i32
        %dma_start3A_575 = arith.constant 0 : i32
        %dma_start3A_576 = tpu.memref_slice %arg3[%dma_start3A_574, %dma_start3A_575] : memref<10000x64xf32, #tpu.memory_space<hbm>> -> memref<10000x64xf32, #tpu.memory_space<hbm>>
        tpu.enqueue_indirect_dma source(%dma_start3A_576 : memref<10000x64xf32, #tpu.memory_space<hbm>>) target(%arg15 : memref<128x64xf32, #tpu.memory_space<vmem>>) offsets(%dma_start3A_573 : memref<128xi32, #tpu.memory_space<vmem>>) semaphore(%arg17 : memref<!tpu.dma_semaphore, #tpu.memory_space<semaphore_mem>>)
        %dma_wait3A_577 = arith.constant 256 : i32
        %dma_wait3A_578 = tpu.memref_slice %arg11[%dma_wait3A_577] : memref<512xi32, #tpu.memory_space<vmem>> -> memref<128xi32, #tpu.memory_space<vmem>>
        %dma_wait3A_579 = arith.constant 0 : i32
        %dma_wait3A_580 = arith.constant 0 : i32
        %dma_wait3A_581 = tpu.memref_slice %arg3[%dma_wait3A_579, %dma_wait3A_580] : memref<10000x64xf32, #tpu.memory_space<hbm>> -> memref<10000x64xf32, #tpu.memory_space<hbm>>
        tpu.wait_indirect_dma semaphore(%arg17 : memref<!tpu.dma_semaphore, #tpu.memory_space<semaphore_mem>>) src(%dma_wait3A_581 : memref<10000x64xf32, #tpu.memory_space<hbm>>) dst(%arg15 : memref<128x64xf32, #tpu.memory_space<vmem>>)
        %run_scoped3A_582 = arith.constant 2 : i32
        "tpu.region"() ({
          %run_scoped3A_594 = tpu.sem_alloc : memref<!tpu.dma_semaphore, #tpu.memory_space<semaphore_mem>>
          %dma_start3A_595 = arith.constant 0 : i32
          %dma_start3A_596 = tpu.memref_slice %arg14[%run_scoped3A_582, %dma_start3A_595] : memref<4x128xi32, #tpu.memory_space<vmem>> -> memref<1x128xi32, #tpu.memory_space<vmem>>
          %dma_start3A_597 = tpu.memref_squeeze %dma_start3A_596 : memref<1x128xi32, #tpu.memory_space<vmem>> -> memref<128xi32, #tpu.memory_space<vmem>>
          %dma_start3A_598 = arith.constant 0 : i32
          %dma_start3A_599 = arith.constant 0 : i32
          %dma_start3A_600 = tpu.memref_slice %arg10[%dma_start3A_598, %dma_start3A_599] : memref<30016x64xf32, #tpu.memory_space<vmem_shared>> -> memref<30016x64xf32, #tpu.memory_space<vmem_shared>>
          tpu.enqueue_indirect_dma source(%arg15 : memref<128x64xf32, #tpu.memory_space<vmem>>) target(%dma_start3A_600 : memref<30016x64xf32, #tpu.memory_space<vmem_shared>>) offsets(%dma_start3A_597 : memref<128xi32, #tpu.memory_space<vmem>>) semaphore(%run_scoped3A_594 : memref<!tpu.dma_semaphore, #tpu.memory_space<semaphore_mem>>) {add = true}
          %dma_wait3A_601 = arith.constant 0 : i32
          %dma_wait3A_602 = tpu.memref_slice %arg14[%run_scoped3A_582, %dma_wait3A_601] : memref<4x128xi32, #tpu.memory_space<vmem>> -> memref<1x128xi32, #tpu.memory_space<vmem>>
          %dma_wait3A_603 = tpu.memref_squeeze %dma_wait3A_602 : memref<1x128xi32, #tpu.memory_space<vmem>> -> memref<128xi32, #tpu.memory_space<vmem>>
          %dma_wait3A_604 = arith.constant 0 : i32
          %dma_wait3A_605 = arith.constant 0 : i32
          %dma_wait3A_606 = tpu.memref_slice %arg10[%dma_wait3A_604, %dma_wait3A_605] : memref<30016x64xf32, #tpu.memory_space<vmem_shared>> -> memref<30016x64xf32, #tpu.memory_space<vmem_shared>>
          tpu.wait_indirect_dma semaphore(%run_scoped3A_594 : memref<!tpu.dma_semaphore, #tpu.memory_space<semaphore_mem>>) src(%arg15 : memref<128x64xf32, #tpu.memory_space<vmem>>) dst(%dma_wait3A_606 : memref<30016x64xf32, #tpu.memory_space<vmem_shared>>)
          tpu.yield
        }) : () -> ()
        %dma_start3A_583 = arith.constant 384 : i32
        %dma_start3A_584 = tpu.memref_slice %arg11[%dma_start3A_583] : memref<512xi32, #tpu.memory_space<vmem>> -> memref<128xi32, #tpu.memory_space<vmem>>
        %dma_start3A_585 = arith.constant 0 : i32
        %dma_start3A_586 = arith.constant 0 : i32
        %dma_start3A_587 = tpu.memref_slice %arg3[%dma_start3A_585, %dma_start3A_586] : memref<10000x64xf32, #tpu.memory_space<hbm>> -> memref<10000x64xf32, #tpu.memory_space<hbm>>
        tpu.enqueue_indirect_dma source(%dma_start3A_587 : memref<10000x64xf32, #tpu.memory_space<hbm>>) target(%arg15 : memref<128x64xf32, #tpu.memory_space<vmem>>) offsets(%dma_start3A_584 : memref<128xi32, #tpu.memory_space<vmem>>) semaphore(%arg17 : memref<!tpu.dma_semaphore, #tpu.memory_space<semaphore_mem>>)
        %dma_wait3A_588 = arith.constant 384 : i32
        %dma_wait3A_589 = tpu.memref_slice %arg11[%dma_wait3A_588] : memref<512xi32, #tpu.memory_space<vmem>> -> memref<128xi32, #tpu.memory_space<vmem>>
        %dma_wait3A_590 = arith.constant 0 : i32
        %dma_wait3A_591 = arith.constant 0 : i32
        %dma_wait3A_592 = tpu.memref_slice %arg3[%dma_wait3A_590, %dma_wait3A_591] : memref<10000x64xf32, #tpu.memory_space<hbm>> -> memref<10000x64xf32, #tpu.memory_space<hbm>>
        tpu.wait_indirect_dma semaphore(%arg17 : memref<!tpu.dma_semaphore, #tpu.memory_space<semaphore_mem>>) src(%dma_wait3A_592 : memref<10000x64xf32, #tpu.memory_space<hbm>>) dst(%arg15 : memref<128x64xf32, #tpu.memory_space<vmem>>)
        %run_scoped3A_593 = arith.constant 3 : i32
        "tpu.region"() ({
          %run_scoped3A_594 = tpu.sem_alloc : memref<!tpu.dma_semaphore, #tpu.memory_space<semaphore_mem>>
          %dma_start3A_595 = arith.constant 0 : i32
          %dma_start3A_596 = tpu.memref_slice %arg14[%run_scoped3A_593, %dma_start3A_595] : memref<4x128xi32, #tpu.memory_space<vmem>> -> memref<1x128xi32, #tpu.memory_space<vmem>>
          %dma_start3A_597 = tpu.memref_squeeze %dma_start3A_596 : memref<1x128xi32, #tpu.memory_space<vmem>> -> memref<128xi32, #tpu.memory_space<vmem>>
          %dma_start3A_598 = arith.constant 0 : i32
          %dma_start3A_599 = arith.constant 0 : i32
          %dma_start3A_600 = tpu.memref_slice %arg10[%dma_start3A_598, %dma_start3A_599] : memref<30016x64xf32, #tpu.memory_space<vmem_shared>> -> memref<30016x64xf32, #tpu.memory_space<vmem_shared>>
          tpu.enqueue_indirect_dma source(%arg15 : memref<128x64xf32, #tpu.memory_space<vmem>>) target(%dma_start3A_600 : memref<30016x64xf32, #tpu.memory_space<vmem_shared>>) offsets(%dma_start3A_597 : memref<128xi32, #tpu.memory_space<vmem>>) semaphore(%run_scoped3A_594 : memref<!tpu.dma_semaphore, #tpu.memory_space<semaphore_mem>>) {add = true}
          %dma_wait3A_601 = arith.constant 0 : i32
          %dma_wait3A_602 = tpu.memref_slice %arg14[%run_scoped3A_593, %dma_wait3A_601] : memref<4x128xi32, #tpu.memory_space<vmem>> -> memref<1x128xi32, #tpu.memory_space<vmem>>
          %dma_wait3A_603 = tpu.memref_squeeze %dma_wait3A_602 : memref<1x128xi32, #tpu.memory_space<vmem>> -> memref<128xi32, #tpu.memory_space<vmem>>
          %dma_wait3A_604 = arith.constant 0 : i32
          %dma_wait3A_605 = arith.constant 0 : i32
          %dma_wait3A_606 = tpu.memref_slice %arg10[%dma_wait3A_604, %dma_wait3A_605] : memref<30016x64xf32, #tpu.memory_space<vmem_shared>> -> memref<30016x64xf32, #tpu.memory_space<vmem_shared>>
          tpu.wait_indirect_dma semaphore(%run_scoped3A_594 : memref<!tpu.dma_semaphore, #tpu.memory_space<semaphore_mem>>) src(%arg15 : memref<128x64xf32, #tpu.memory_space<vmem>>) dst(%dma_wait3A_606 : memref<30016x64xf32, #tpu.memory_space<vmem_shared>>)
          tpu.yield
        }) : () -> ()
      }
      %while3A_81 = arith.constant 1 : i32
      scf.for %while3A_93 = %while3A_79 to %while3A_75 step %while3A_81  : i32 {
        %mul3A_94 = arith.constant 512 : i32
        %mul3A_95 = arith.muli %while3A_93, %mul3A_94 : i32
        %dma_start3A = tpu.memref_slice %arg7[%mul3A_95] : memref<320000xi32, #tpu.memory_space<hbm>> -> memref<512xi32, #tpu.memory_space<hbm>>
        %dma_start3A_96 = tpu.memref_slice %arg7[%mul3A_95] : memref<320000xi32, #tpu.memory_space<hbm>> -> memref<512xi32, #tpu.memory_space<hbm>>
        tpu.enqueue_dma source(%dma_start3A_96 : memref<512xi32, #tpu.memory_space<hbm>>) target(%arg11 : memref<512xi32, #tpu.memory_space<vmem>>) target_semaphore(%arg16 : memref<!tpu.dma_semaphore, #tpu.memory_space<semaphore_mem>>)
        %dma_start3A_97 = tpu.memref_slice %arg6[%mul3A_95] : memref<320000xi32, #tpu.memory_space<hbm>> -> memref<512xi32, #tpu.memory_space<hbm>>
        %dma_start3A_98 = tpu.memref_slice %arg6[%mul3A_95] : memref<320000xi32, #tpu.memory_space<hbm>> -> memref<512xi32, #tpu.memory_space<hbm>>
        tpu.enqueue_dma source(%dma_start3A_98 : memref<512xi32, #tpu.memory_space<hbm>>) target(%arg12 : memref<512xi32, #tpu.memory_space<vmem>>) target_semaphore(%arg16 : memref<!tpu.dma_semaphore, #tpu.memory_space<semaphore_mem>>)
        %dma_start3A_99 = tpu.memref_slice %arg5[%mul3A_95] : memref<320000xi32, #tpu.memory_space<hbm>> -> memref<512xi32, #tpu.memory_space<hbm>>
        %dma_start3A_100 = tpu.memref_slice %arg5[%mul3A_95] : memref<320000xi32, #tpu.memory_space<hbm>> -> memref<512xi32, #tpu.memory_space<hbm>>
        tpu.enqueue_dma source(%dma_start3A_100 : memref<512xi32, #tpu.memory_space<hbm>>) target(%arg13 : memref<512xi32, #tpu.memory_space<vmem>>) target_semaphore(%arg16 : memref<!tpu.dma_semaphore, #tpu.memory_space<semaphore_mem>>)
        %dma_wait3A = tpu.memref_slice %arg7[%mul3A_95] : memref<320000xi32, #tpu.memory_space<hbm>> -> memref<512xi32, #tpu.memory_space<hbm>>
        %dma_wait3A_101 = tpu.memref_slice %arg7[%mul3A_95] : memref<320000xi32, #tpu.memory_space<hbm>> -> memref<512xi32, #tpu.memory_space<hbm>>
        tpu.wait_dma2 semaphore(%arg16 : memref<!tpu.dma_semaphore, #tpu.memory_space<semaphore_mem>>) src(%dma_wait3A_101 : memref<512xi32, #tpu.memory_space<hbm>>) dst(%arg11 : memref<512xi32, #tpu.memory_space<vmem>>)
        %dma_wait3A_102 = tpu.memref_slice %arg6[%mul3A_95] : memref<320000xi32, #tpu.memory_space<hbm>> -> memref<512xi32, #tpu.memory_space<hbm>>
        %dma_wait3A_103 = tpu.memref_slice %arg6[%mul3A_95] : memref<320000xi32, #tpu.memory_space<hbm>> -> memref<512xi32, #tpu.memory_space<hbm>>
        tpu.wait_dma2 semaphore(%arg16 : memref<!tpu.dma_semaphore, #tpu.memory_space<semaphore_mem>>) src(%dma_wait3A_103 : memref<512xi32, #tpu.memory_space<hbm>>) dst(%arg12 : memref<512xi32, #tpu.memory_space<vmem>>)
        %dma_wait3A_104 = tpu.memref_slice %arg5[%mul3A_95] : memref<320000xi32, #tpu.memory_space<hbm>> -> memref<512xi32, #tpu.memory_space<hbm>>
        %dma_wait3A_105 = tpu.memref_slice %arg5[%mul3A_95] : memref<320000xi32, #tpu.memory_space<hbm>> -> memref<512xi32, #tpu.memory_space<hbm>>
        tpu.wait_dma2 semaphore(%arg16 : memref<!tpu.dma_semaphore, #tpu.memory_space<semaphore_mem>>) src(%dma_wait3A_105 : memref<512xi32, #tpu.memory_space<hbm>>) dst(%arg13 : memref<512xi32, #tpu.memory_space<vmem>>)
        %get3A = arith.constant 0 : index
        %get3A_106 = tpu.vector_load %arg12[%get3A] {strides = array<i32>} : memref<512xi32, #tpu.memory_space<vmem>>, vector<16xi32>,
        %get3A_107 = arith.constant 0 : index
        %get3A_108 = tpu.vector_load %arg13[%get3A_107] {strides = array<i32>} : memref<512xi32, #tpu.memory_space<vmem>>, vector<16xi32>,
        %eq3A_109 = arith.constant 2 : i32
        %eq3A_110 = vector.broadcast %eq3A_109 : i32 to vector<16xi32>
        %eq3A_111 = arith.cmpi eq, %get3A_106, %eq3A_110 : vector<16xi32>
        %jit3A_112 = arith.constant 10000 : i32
        %broadcast_in_dim3A = vector.broadcast %jit3A_112 : i32 to vector<16xi32>
        %select_n3A_113 = arith.select %eq3A_111, %get3A_108, %broadcast_in_dim3A : vector<16xi1>, vector<16xi32>
        %swap3A = arith.constant 0 : i32
        %swap3A_114 = arith.index_cast %swap3A : i32 to index
        %swap3A_115 = arith.constant 0 : index
        %swap3A_116 = tpu.vector_load %arg14[%swap3A_114, %swap3A_115] {strides = array<i32>} : memref<4x128xi32, #tpu.memory_space<vmem>>, vector<16xi32>,
        tpu.vector_store %arg14[%swap3A_114, %swap3A_115], %select_n3A_113 {strides = array<i32>} : memref<4x128xi32, #tpu.memory_space<vmem>>, vector<16xi32>,
        %get3A_117 = arith.constant 16 : index
        %get3A_118 = tpu.vector_load %arg12[%get3A_117] {strides = array<i32>} : memref<512xi32, #tpu.memory_space<vmem>>, vector<16xi32>,
        %get3A_119 = arith.constant 16 : index
        %get3A_120 = tpu.vector_load %arg13[%get3A_119] {strides = array<i32>} : memref<512xi32, #tpu.memory_space<vmem>>, vector<16xi32>,
        %eq3A_121 = arith.constant 2 : i32
        %eq3A_122 = vector.broadcast %eq3A_121 : i32 to vector<16xi32>
        %eq3A_123 = arith.cmpi eq, %get3A_118, %eq3A_122 : vector<16xi32>
        %jit3A_124 = arith.constant 10000 : i32
        %broadcast_in_dim3A_125 = vector.broadcast %jit3A_124 : i32 to vector<16xi32>
        %select_n3A_126 = arith.select %eq3A_123, %get3A_120, %broadcast_in_dim3A_125 : vector<16xi1>, vector<16xi32>
        %swap3A_127 = arith.constant 0 : i32
        %swap3A_128 = arith.index_cast %swap3A_127 : i32 to index
        %swap3A_129 = arith.constant 16 : index
        %swap3A_130 = tpu.vector_load %arg14[%swap3A_128, %swap3A_129] {strides = array<i32>} : memref<4x128xi32, #tpu.memory_space<vmem>>, vector<16xi32>,
        tpu.vector_store %arg14[%swap3A_128, %swap3A_129], %select_n3A_126 {strides = array<i32>} : memref<4x128xi32, #tpu.memory_space<vmem>>, vector<16xi32>,
        %get3A_131 = arith.constant 32 : index
        %get3A_132 = tpu.vector_load %arg12[%get3A_131] {strides = array<i32>} : memref<512xi32, #tpu.memory_space<vmem>>, vector<16xi32>,
        %get3A_133 = arith.constant 32 : index
        %get3A_134 = tpu.vector_load %arg13[%get3A_133] {strides = array<i32>} : memref<512xi32, #tpu.memory_space<vmem>>, vector<16xi32>,
        %eq3A_135 = arith.constant 2 : i32
        %eq3A_136 = vector.broadcast %eq3A_135 : i32 to vector<16xi32>
        %eq3A_137 = arith.cmpi eq, %get3A_132, %eq3A_136 : vector<16xi32>
        %jit3A_138 = arith.constant 10000 : i32
        %broadcast_in_dim3A_139 = vector.broadcast %jit3A_138 : i32 to vector<16xi32>
        %select_n3A_140 = arith.select %eq3A_137, %get3A_134, %broadcast_in_dim3A_139 : vector<16xi1>, vector<16xi32>
        %swap3A_141 = arith.constant 0 : i32
        %swap3A_142 = arith.index_cast %swap3A_141 : i32 to index
        %swap3A_143 = arith.constant 32 : index
        %swap3A_144 = tpu.vector_load %arg14[%swap3A_142, %swap3A_143] {strides = array<i32>} : memref<4x128xi32, #tpu.memory_space<vmem>>, vector<16xi32>,
        tpu.vector_store %arg14[%swap3A_142, %swap3A_143], %select_n3A_140 {strides = array<i32>} : memref<4x128xi32, #tpu.memory_space<vmem>>, vector<16xi32>,
        %get3A_145 = arith.constant 48 : index
        %get3A_146 = tpu.vector_load %arg12[%get3A_145] {strides = array<i32>} : memref<512xi32, #tpu.memory_space<vmem>>, vector<16xi32>,
        %get3A_147 = arith.constant 48 : index
        %get3A_148 = tpu.vector_load %arg13[%get3A_147] {strides = array<i32>} : memref<512xi32, #tpu.memory_space<vmem>>, vector<16xi32>,
        %eq3A_149 = arith.constant 2 : i32
        %eq3A_150 = vector.broadcast %eq3A_149 : i32 to vector<16xi32>
        %eq3A_151 = arith.cmpi eq, %get3A_146, %eq3A_150 : vector<16xi32>
        %jit3A_152 = arith.constant 10000 : i32
        %broadcast_in_dim3A_153 = vector.broadcast %jit3A_152 : i32 to vector<16xi32>
        %select_n3A_154 = arith.select %eq3A_151, %get3A_148, %broadcast_in_dim3A_153 : vector<16xi1>, vector<16xi32>
        %swap3A_155 = arith.constant 0 : i32
        %swap3A_156 = arith.index_cast %swap3A_155 : i32 to index
        %swap3A_157 = arith.constant 48 : index
        %swap3A_158 = tpu.vector_load %arg14[%swap3A_156, %swap3A_157] {strides = array<i32>} : memref<4x128xi32, #tpu.memory_space<vmem>>, vector<16xi32>,
        tpu.vector_store %arg14[%swap3A_156, %swap3A_157], %select_n3A_154 {strides = array<i32>} : memref<4x128xi32, #tpu.memory_space<vmem>>, vector<16xi32>,
        %get3A_159 = arith.constant 64 : index
        %get3A_160 = tpu.vector_load %arg12[%get3A_159] {strides = array<i32>} : memref<512xi32, #tpu.memory_space<vmem>>, vector<16xi32>,
        %get3A_161 = arith.constant 64 : index
        %get3A_162 = tpu.vector_load %arg13[%get3A_161] {strides = array<i32>} : memref<512xi32, #tpu.memory_space<vmem>>, vector<16xi32>,
        %eq3A_163 = arith.constant 2 : i32
        %eq3A_164 = vector.broadcast %eq3A_163 : i32 to vector<16xi32>
        %eq3A_165 = arith.cmpi eq, %get3A_160, %eq3A_164 : vector<16xi32>
        %jit3A_166 = arith.constant 10000 : i32
        %broadcast_in_dim3A_167 = vector.broadcast %jit3A_166 : i32 to vector<16xi32>
        %select_n3A_168 = arith.select %eq3A_165, %get3A_162, %broadcast_in_dim3A_167 : vector<16xi1>, vector<16xi32>
        %swap3A_169 = arith.constant 0 : i32
        %swap3A_170 = arith.index_cast %swap3A_169 : i32 to index
        %swap3A_171 = arith.constant 64 : index
        %swap3A_172 = tpu.vector_load %arg14[%swap3A_170, %swap3A_171] {strides = array<i32>} : memref<4x128xi32, #tpu.memory_space<vmem>>, vector<16xi32>,
        tpu.vector_store %arg14[%swap3A_170, %swap3A_171], %select_n3A_168 {strides = array<i32>} : memref<4x128xi32, #tpu.memory_space<vmem>>, vector<16xi32>,
        %get3A_173 = arith.constant 80 : index
        %get3A_174 = tpu.vector_load %arg12[%get3A_173] {strides = array<i32>} : memref<512xi32, #tpu.memory_space<vmem>>, vector<16xi32>,
        %get3A_175 = arith.constant 80 : index
        %get3A_176 = tpu.vector_load %arg13[%get3A_175] {strides = array<i32>} : memref<512xi32, #tpu.memory_space<vmem>>, vector<16xi32>,
        %eq3A_177 = arith.constant 2 : i32
        %eq3A_178 = vector.broadcast %eq3A_177 : i32 to vector<16xi32>
        %eq3A_179 = arith.cmpi eq, %get3A_174, %eq3A_178 : vector<16xi32>
        %jit3A_180 = arith.constant 10000 : i32
        %broadcast_in_dim3A_181 = vector.broadcast %jit3A_180 : i32 to vector<16xi32>
        %select_n3A_182 = arith.select %eq3A_179, %get3A_176, %broadcast_in_dim3A_181 : vector<16xi1>, vector<16xi32>
        %swap3A_183 = arith.constant 0 : i32
        %swap3A_184 = arith.index_cast %swap3A_183 : i32 to index
        %swap3A_185 = arith.constant 80 : index
        %swap3A_186 = tpu.vector_load %arg14[%swap3A_184, %swap3A_185] {strides = array<i32>} : memref<4x128xi32, #tpu.memory_space<vmem>>, vector<16xi32>,
        tpu.vector_store %arg14[%swap3A_184, %swap3A_185], %select_n3A_182 {strides = array<i32>} : memref<4x128xi32, #tpu.memory_space<vmem>>, vector<16xi32>,
        %get3A_187 = arith.constant 96 : index
        %get3A_188 = tpu.vector_load %arg12[%get3A_187] {strides = array<i32>} : memref<512xi32, #tpu.memory_space<vmem>>, vector<16xi32>,
        %get3A_189 = arith.constant 96 : index
        %get3A_190 = tpu.vector_load %arg13[%get3A_189] {strides = array<i32>} : memref<512xi32, #tpu.memory_space<vmem>>, vector<16xi32>,
        %eq3A_191 = arith.constant 2 : i32
        %eq3A_192 = vector.broadcast %eq3A_191 : i32 to vector<16xi32>
        %eq3A_193 = arith.cmpi eq, %get3A_188, %eq3A_192 : vector<16xi32>
        %jit3A_194 = arith.constant 10000 : i32
        %broadcast_in_dim3A_195 = vector.broadcast %jit3A_194 : i32 to vector<16xi32>
        %select_n3A_196 = arith.select %eq3A_193, %get3A_190, %broadcast_in_dim3A_195 : vector<16xi1>, vector<16xi32>
        %swap3A_197 = arith.constant 0 : i32
        %swap3A_198 = arith.index_cast %swap3A_197 : i32 to index
        %swap3A_199 = arith.constant 96 : index
        %swap3A_200 = tpu.vector_load %arg14[%swap3A_198, %swap3A_199] {strides = array<i32>} : memref<4x128xi32, #tpu.memory_space<vmem>>, vector<16xi32>,
        tpu.vector_store %arg14[%swap3A_198, %swap3A_199], %select_n3A_196 {strides = array<i32>} : memref<4x128xi32, #tpu.memory_space<vmem>>, vector<16xi32>,
        %get3A_201 = arith.constant 112 : index
        %get3A_202 = tpu.vector_load %arg12[%get3A_201] {strides = array<i32>} : memref<512xi32, #tpu.memory_space<vmem>>, vector<16xi32>,
        %get3A_203 = arith.constant 112 : index
        %get3A_204 = tpu.vector_load %arg13[%get3A_203] {strides = array<i32>} : memref<512xi32, #tpu.memory_space<vmem>>, vector<16xi32>,
        %eq3A_205 = arith.constant 2 : i32
        %eq3A_206 = vector.broadcast %eq3A_205 : i32 to vector<16xi32>
        %eq3A_207 = arith.cmpi eq, %get3A_202, %eq3A_206 : vector<16xi32>
        %jit3A_208 = arith.constant 10000 : i32
        %broadcast_in_dim3A_209 = vector.broadcast %jit3A_208 : i32 to vector<16xi32>
        %select_n3A_210 = arith.select %eq3A_207, %get3A_204, %broadcast_in_dim3A_209 : vector<16xi1>, vector<16xi32>
        %swap3A_211 = arith.constant 0 : i32
        %swap3A_212 = arith.index_cast %swap3A_211 : i32 to index
        %swap3A_213 = arith.constant 112 : index
        %swap3A_214 = tpu.vector_load %arg14[%swap3A_212, %swap3A_213] {strides = array<i32>} : memref<4x128xi32, #tpu.memory_space<vmem>>, vector<16xi32>,
        tpu.vector_store %arg14[%swap3A_212, %swap3A_213], %select_n3A_210 {strides = array<i32>} : memref<4x128xi32, #tpu.memory_space<vmem>>, vector<16xi32>,
        %get3A_215 = arith.constant 128 : index
        %get3A_216 = tpu.vector_load %arg12[%get3A_215] {strides = array<i32>} : memref<512xi32, #tpu.memory_space<vmem>>, vector<16xi32>,
        %get3A_217 = arith.constant 128 : index
        %get3A_218 = tpu.vector_load %arg13[%get3A_217] {strides = array<i32>} : memref<512xi32, #tpu.memory_space<vmem>>, vector<16xi32>,
        %eq3A_219 = arith.constant 2 : i32
        %eq3A_220 = vector.broadcast %eq3A_219 : i32 to vector<16xi32>
        %eq3A_221 = arith.cmpi eq, %get3A_216, %eq3A_220 : vector<16xi32>
        %jit3A_222 = arith.constant 10000 : i32
        %broadcast_in_dim3A_223 = vector.broadcast %jit3A_222 : i32 to vector<16xi32>
        %select_n3A_224 = arith.select %eq3A_221, %get3A_218, %broadcast_in_dim3A_223 : vector<16xi1>, vector<16xi32>
        %swap3A_225 = arith.constant 1 : i32
        %swap3A_226 = arith.index_cast %swap3A_225 : i32 to index
        %swap3A_227 = arith.constant 0 : index
        %swap3A_228 = tpu.vector_load %arg14[%swap3A_226, %swap3A_227] {strides = array<i32>} : memref<4x128xi32, #tpu.memory_space<vmem>>, vector<16xi32>,
        tpu.vector_store %arg14[%swap3A_226, %swap3A_227], %select_n3A_224 {strides = array<i32>} : memref<4x128xi32, #tpu.memory_space<vmem>>, vector<16xi32>,
        %get3A_229 = arith.constant 144 : index
        %get3A_230 = tpu.vector_load %arg12[%get3A_229] {strides = array<i32>} : memref<512xi32, #tpu.memory_space<vmem>>, vector<16xi32>,
        %get3A_231 = arith.constant 144 : index
        %get3A_232 = tpu.vector_load %arg13[%get3A_231] {strides = array<i32>} : memref<512xi32, #tpu.memory_space<vmem>>, vector<16xi32>,
        %eq3A_233 = arith.constant 2 : i32
        %eq3A_234 = vector.broadcast %eq3A_233 : i32 to vector<16xi32>
        %eq3A_235 = arith.cmpi eq, %get3A_230, %eq3A_234 : vector<16xi32>
        %jit3A_236 = arith.constant 10000 : i32
        %broadcast_in_dim3A_237 = vector.broadcast %jit3A_236 : i32 to vector<16xi32>
        %select_n3A_238 = arith.select %eq3A_235, %get3A_232, %broadcast_in_dim3A_237 : vector<16xi1>, vector<16xi32>
        %swap3A_239 = arith.constant 1 : i32
        %swap3A_240 = arith.index_cast %swap3A_239 : i32 to index
        %swap3A_241 = arith.constant 16 : index
        %swap3A_242 = tpu.vector_load %arg14[%swap3A_240, %swap3A_241] {strides = array<i32>} : memref<4x128xi32, #tpu.memory_space<vmem>>, vector<16xi32>,
        tpu.vector_store %arg14[%swap3A_240, %swap3A_241], %select_n3A_238 {strides = array<i32>} : memref<4x128xi32, #tpu.memory_space<vmem>>, vector<16xi32>,
        %get3A_243 = arith.constant 160 : index
        %get3A_244 = tpu.vector_load %arg12[%get3A_243] {strides = array<i32>} : memref<512xi32, #tpu.memory_space<vmem>>, vector<16xi32>,
        %get3A_245 = arith.constant 160 : index
        %get3A_246 = tpu.vector_load %arg13[%get3A_245] {strides = array<i32>} : memref<512xi32, #tpu.memory_space<vmem>>, vector<16xi32>,
        %eq3A_247 = arith.constant 2 : i32
        %eq3A_248 = vector.broadcast %eq3A_247 : i32 to vector<16xi32>
        %eq3A_249 = arith.cmpi eq, %get3A_244, %eq3A_248 : vector<16xi32>
        %jit3A_250 = arith.constant 10000 : i32
        %broadcast_in_dim3A_251 = vector.broadcast %jit3A_250 : i32 to vector<16xi32>
        %select_n3A_252 = arith.select %eq3A_249, %get3A_246, %broadcast_in_dim3A_251 : vector<16xi1>, vector<16xi32>
        %swap3A_253 = arith.constant 1 : i32
        %swap3A_254 = arith.index_cast %swap3A_253 : i32 to index
        %swap3A_255 = arith.constant 32 : index
        %swap3A_256 = tpu.vector_load %arg14[%swap3A_254, %swap3A_255] {strides = array<i32>} : memref<4x128xi32, #tpu.memory_space<vmem>>, vector<16xi32>,
        tpu.vector_store %arg14[%swap3A_254, %swap3A_255], %select_n3A_252 {strides = array<i32>} : memref<4x128xi32, #tpu.memory_space<vmem>>, vector<16xi32>,
        %get3A_257 = arith.constant 176 : index
        %get3A_258 = tpu.vector_load %arg12[%get3A_257] {strides = array<i32>} : memref<512xi32, #tpu.memory_space<vmem>>, vector<16xi32>,
        %get3A_259 = arith.constant 176 : index
        %get3A_260 = tpu.vector_load %arg13[%get3A_259] {strides = array<i32>} : memref<512xi32, #tpu.memory_space<vmem>>, vector<16xi32>,
        %eq3A_261 = arith.constant 2 : i32
        %eq3A_262 = vector.broadcast %eq3A_261 : i32 to vector<16xi32>
        %eq3A_263 = arith.cmpi eq, %get3A_258, %eq3A_262 : vector<16xi32>
        %jit3A_264 = arith.constant 10000 : i32
        %broadcast_in_dim3A_265 = vector.broadcast %jit3A_264 : i32 to vector<16xi32>
        %select_n3A_266 = arith.select %eq3A_263, %get3A_260, %broadcast_in_dim3A_265 : vector<16xi1>, vector<16xi32>
        %swap3A_267 = arith.constant 1 : i32
        %swap3A_268 = arith.index_cast %swap3A_267 : i32 to index
        %swap3A_269 = arith.constant 48 : index
        %swap3A_270 = tpu.vector_load %arg14[%swap3A_268, %swap3A_269] {strides = array<i32>} : memref<4x128xi32, #tpu.memory_space<vmem>>, vector<16xi32>,
        tpu.vector_store %arg14[%swap3A_268, %swap3A_269], %select_n3A_266 {strides = array<i32>} : memref<4x128xi32, #tpu.memory_space<vmem>>, vector<16xi32>,
        %get3A_271 = arith.constant 192 : index
        %get3A_272 = tpu.vector_load %arg12[%get3A_271] {strides = array<i32>} : memref<512xi32, #tpu.memory_space<vmem>>, vector<16xi32>,
        %get3A_273 = arith.constant 192 : index
        %get3A_274 = tpu.vector_load %arg13[%get3A_273] {strides = array<i32>} : memref<512xi32, #tpu.memory_space<vmem>>, vector<16xi32>,
        %eq3A_275 = arith.constant 2 : i32
        %eq3A_276 = vector.broadcast %eq3A_275 : i32 to vector<16xi32>
        %eq3A_277 = arith.cmpi eq, %get3A_272, %eq3A_276 : vector<16xi32>
        %jit3A_278 = arith.constant 10000 : i32
        %broadcast_in_dim3A_279 = vector.broadcast %jit3A_278 : i32 to vector<16xi32>
        %select_n3A_280 = arith.select %eq3A_277, %get3A_274, %broadcast_in_dim3A_279 : vector<16xi1>, vector<16xi32>
        %swap3A_281 = arith.constant 1 : i32
        %swap3A_282 = arith.index_cast %swap3A_281 : i32 to index
        %swap3A_283 = arith.constant 64 : index
        %swap3A_284 = tpu.vector_load %arg14[%swap3A_282, %swap3A_283] {strides = array<i32>} : memref<4x128xi32, #tpu.memory_space<vmem>>, vector<16xi32>,
        tpu.vector_store %arg14[%swap3A_282, %swap3A_283], %select_n3A_280 {strides = array<i32>} : memref<4x128xi32, #tpu.memory_space<vmem>>, vector<16xi32>,
        %get3A_285 = arith.constant 208 : index
        %get3A_286 = tpu.vector_load %arg12[%get3A_285] {strides = array<i32>} : memref<512xi32, #tpu.memory_space<vmem>>, vector<16xi32>,
        %get3A_287 = arith.constant 208 : index
        %get3A_288 = tpu.vector_load %arg13[%get3A_287] {strides = array<i32>} : memref<512xi32, #tpu.memory_space<vmem>>, vector<16xi32>,
        %eq3A_289 = arith.constant 2 : i32
        %eq3A_290 = vector.broadcast %eq3A_289 : i32 to vector<16xi32>
        %eq3A_291 = arith.cmpi eq, %get3A_286, %eq3A_290 : vector<16xi32>
        %jit3A_292 = arith.constant 10000 : i32
        %broadcast_in_dim3A_293 = vector.broadcast %jit3A_292 : i32 to vector<16xi32>
        %select_n3A_294 = arith.select %eq3A_291, %get3A_288, %broadcast_in_dim3A_293 : vector<16xi1>, vector<16xi32>
        %swap3A_295 = arith.constant 1 : i32
        %swap3A_296 = arith.index_cast %swap3A_295 : i32 to index
        %swap3A_297 = arith.constant 80 : index
        %swap3A_298 = tpu.vector_load %arg14[%swap3A_296, %swap3A_297] {strides = array<i32>} : memref<4x128xi32, #tpu.memory_space<vmem>>, vector<16xi32>,
        tpu.vector_store %arg14[%swap3A_296, %swap3A_297], %select_n3A_294 {strides = array<i32>} : memref<4x128xi32, #tpu.memory_space<vmem>>, vector<16xi32>,
        %get3A_299 = arith.constant 224 : index
        %get3A_300 = tpu.vector_load %arg12[%get3A_299] {strides = array<i32>} : memref<512xi32, #tpu.memory_space<vmem>>, vector<16xi32>,
        %get3A_301 = arith.constant 224 : index
        %get3A_302 = tpu.vector_load %arg13[%get3A_301] {strides = array<i32>} : memref<512xi32, #tpu.memory_space<vmem>>, vector<16xi32>,
        %eq3A_303 = arith.constant 2 : i32
        %eq3A_304 = vector.broadcast %eq3A_303 : i32 to vector<16xi32>
        %eq3A_305 = arith.cmpi eq, %get3A_300, %eq3A_304 : vector<16xi32>
        %jit3A_306 = arith.constant 10000 : i32
        %broadcast_in_dim3A_307 = vector.broadcast %jit3A_306 : i32 to vector<16xi32>
        %select_n3A_308 = arith.select %eq3A_305, %get3A_302, %broadcast_in_dim3A_307 : vector<16xi1>, vector<16xi32>
        %swap3A_309 = arith.constant 1 : i32
        %swap3A_310 = arith.index_cast %swap3A_309 : i32 to index
        %swap3A_311 = arith.constant 96 : index
        %swap3A_312 = tpu.vector_load %arg14[%swap3A_310, %swap3A_311] {strides = array<i32>} : memref<4x128xi32, #tpu.memory_space<vmem>>, vector<16xi32>,
        tpu.vector_store %arg14[%swap3A_310, %swap3A_311], %select_n3A_308 {strides = array<i32>} : memref<4x128xi32, #tpu.memory_space<vmem>>, vector<16xi32>,
        %get3A_313 = arith.constant 240 : index
        %get3A_314 = tpu.vector_load %arg12[%get3A_313] {strides = array<i32>} : memref<512xi32, #tpu.memory_space<vmem>>, vector<16xi32>,
        %get3A_315 = arith.constant 240 : index
        %get3A_316 = tpu.vector_load %arg13[%get3A_315] {strides = array<i32>} : memref<512xi32, #tpu.memory_space<vmem>>, vector<16xi32>,
        %eq3A_317 = arith.constant 2 : i32
        %eq3A_318 = vector.broadcast %eq3A_317 : i32 to vector<16xi32>
        %eq3A_319 = arith.cmpi eq, %get3A_314, %eq3A_318 : vector<16xi32>
        %jit3A_320 = arith.constant 10000 : i32
        %broadcast_in_dim3A_321 = vector.broadcast %jit3A_320 : i32 to vector<16xi32>
        %select_n3A_322 = arith.select %eq3A_319, %get3A_316, %broadcast_in_dim3A_321 : vector<16xi1>, vector<16xi32>
        %swap3A_323 = arith.constant 1 : i32
        %swap3A_324 = arith.index_cast %swap3A_323 : i32 to index
        %swap3A_325 = arith.constant 112 : index
        %swap3A_326 = tpu.vector_load %arg14[%swap3A_324, %swap3A_325] {strides = array<i32>} : memref<4x128xi32, #tpu.memory_space<vmem>>, vector<16xi32>,
        tpu.vector_store %arg14[%swap3A_324, %swap3A_325], %select_n3A_322 {strides = array<i32>} : memref<4x128xi32, #tpu.memory_space<vmem>>, vector<16xi32>,
        %get3A_327 = arith.constant 256 : index
        %get3A_328 = tpu.vector_load %arg12[%get3A_327] {strides = array<i32>} : memref<512xi32, #tpu.memory_space<vmem>>, vector<16xi32>,
        %get3A_329 = arith.constant 256 : index
        %get3A_330 = tpu.vector_load %arg13[%get3A_329] {strides = array<i32>} : memref<512xi32, #tpu.memory_space<vmem>>, vector<16xi32>,
        %eq3A_331 = arith.constant 2 : i32
        %eq3A_332 = vector.broadcast %eq3A_331 : i32 to vector<16xi32>
        %eq3A_333 = arith.cmpi eq, %get3A_328, %eq3A_332 : vector<16xi32>
        %jit3A_334 = arith.constant 10000 : i32
        %broadcast_in_dim3A_335 = vector.broadcast %jit3A_334 : i32 to vector<16xi32>
        %select_n3A_336 = arith.select %eq3A_333, %get3A_330, %broadcast_in_dim3A_335 : vector<16xi1>, vector<16xi32>
        %swap3A_337 = arith.constant 2 : i32
        %swap3A_338 = arith.index_cast %swap3A_337 : i32 to index
        %swap3A_339 = arith.constant 0 : index
        %swap3A_340 = tpu.vector_load %arg14[%swap3A_338, %swap3A_339] {strides = array<i32>} : memref<4x128xi32, #tpu.memory_space<vmem>>, vector<16xi32>,
        tpu.vector_store %arg14[%swap3A_338, %swap3A_339], %select_n3A_336 {strides = array<i32>} : memref<4x128xi32, #tpu.memory_space<vmem>>, vector<16xi32>,
        %get3A_341 = arith.constant 272 : index
        %get3A_342 = tpu.vector_load %arg12[%get3A_341] {strides = array<i32>} : memref<512xi32, #tpu.memory_space<vmem>>, vector<16xi32>,
        %get3A_343 = arith.constant 272 : index
        %get3A_344 = tpu.vector_load %arg13[%get3A_343] {strides = array<i32>} : memref<512xi32, #tpu.memory_space<vmem>>, vector<16xi32>,
        %eq3A_345 = arith.constant 2 : i32
        %eq3A_346 = vector.broadcast %eq3A_345 : i32 to vector<16xi32>
        %eq3A_347 = arith.cmpi eq, %get3A_342, %eq3A_346 : vector<16xi32>
        %jit3A_348 = arith.constant 10000 : i32
        %broadcast_in_dim3A_349 = vector.broadcast %jit3A_348 : i32 to vector<16xi32>
        %select_n3A_350 = arith.select %eq3A_347, %get3A_344, %broadcast_in_dim3A_349 : vector<16xi1>, vector<16xi32>
        %swap3A_351 = arith.constant 2 : i32
        %swap3A_352 = arith.index_cast %swap3A_351 : i32 to index
        %swap3A_353 = arith.constant 16 : index
        %swap3A_354 = tpu.vector_load %arg14[%swap3A_352, %swap3A_353] {strides = array<i32>} : memref<4x128xi32, #tpu.memory_space<vmem>>, vector<16xi32>,
        tpu.vector_store %arg14[%swap3A_352, %swap3A_353], %select_n3A_350 {strides = array<i32>} : memref<4x128xi32, #tpu.memory_space<vmem>>, vector<16xi32>,
        %get3A_355 = arith.constant 288 : index
        %get3A_356 = tpu.vector_load %arg12[%get3A_355] {strides = array<i32>} : memref<512xi32, #tpu.memory_space<vmem>>, vector<16xi32>,
        %get3A_357 = arith.constant 288 : index
        %get3A_358 = tpu.vector_load %arg13[%get3A_357] {strides = array<i32>} : memref<512xi32, #tpu.memory_space<vmem>>, vector<16xi32>,
        %eq3A_359 = arith.constant 2 : i32
        %eq3A_360 = vector.broadcast %eq3A_359 : i32 to vector<16xi32>
        %eq3A_361 = arith.cmpi eq, %get3A_356, %eq3A_360 : vector<16xi32>
        %jit3A_362 = arith.constant 10000 : i32
        %broadcast_in_dim3A_363 = vector.broadcast %jit3A_362 : i32 to vector<16xi32>
        %select_n3A_364 = arith.select %eq3A_361, %get3A_358, %broadcast_in_dim3A_363 : vector<16xi1>, vector<16xi32>
        %swap3A_365 = arith.constant 2 : i32
        %swap3A_366 = arith.index_cast %swap3A_365 : i32 to index
        %swap3A_367 = arith.constant 32 : index
        %swap3A_368 = tpu.vector_load %arg14[%swap3A_366, %swap3A_367] {strides = array<i32>} : memref<4x128xi32, #tpu.memory_space<vmem>>, vector<16xi32>,
        tpu.vector_store %arg14[%swap3A_366, %swap3A_367], %select_n3A_364 {strides = array<i32>} : memref<4x128xi32, #tpu.memory_space<vmem>>, vector<16xi32>,
        %get3A_369 = arith.constant 304 : index
        %get3A_370 = tpu.vector_load %arg12[%get3A_369] {strides = array<i32>} : memref<512xi32, #tpu.memory_space<vmem>>, vector<16xi32>,
        %get3A_371 = arith.constant 304 : index
        %get3A_372 = tpu.vector_load %arg13[%get3A_371] {strides = array<i32>} : memref<512xi32, #tpu.memory_space<vmem>>, vector<16xi32>,
        %eq3A_373 = arith.constant 2 : i32
        %eq3A_374 = vector.broadcast %eq3A_373 : i32 to vector<16xi32>
        %eq3A_375 = arith.cmpi eq, %get3A_370, %eq3A_374 : vector<16xi32>
        %jit3A_376 = arith.constant 10000 : i32
        %broadcast_in_dim3A_377 = vector.broadcast %jit3A_376 : i32 to vector<16xi32>
        %select_n3A_378 = arith.select %eq3A_375, %get3A_372, %broadcast_in_dim3A_377 : vector<16xi1>, vector<16xi32>
        %swap3A_379 = arith.constant 2 : i32
        %swap3A_380 = arith.index_cast %swap3A_379 : i32 to index
        %swap3A_381 = arith.constant 48 : index
        %swap3A_382 = tpu.vector_load %arg14[%swap3A_380, %swap3A_381] {strides = array<i32>} : memref<4x128xi32, #tpu.memory_space<vmem>>, vector<16xi32>,
        tpu.vector_store %arg14[%swap3A_380, %swap3A_381], %select_n3A_378 {strides = array<i32>} : memref<4x128xi32, #tpu.memory_space<vmem>>, vector<16xi32>,
        %get3A_383 = arith.constant 320 : index
        %get3A_384 = tpu.vector_load %arg12[%get3A_383] {strides = array<i32>} : memref<512xi32, #tpu.memory_space<vmem>>, vector<16xi32>,
        %get3A_385 = arith.constant 320 : index
        %get3A_386 = tpu.vector_load %arg13[%get3A_385] {strides = array<i32>} : memref<512xi32, #tpu.memory_space<vmem>>, vector<16xi32>,
        %eq3A_387 = arith.constant 2 : i32
        %eq3A_388 = vector.broadcast %eq3A_387 : i32 to vector<16xi32>
        %eq3A_389 = arith.cmpi eq, %get3A_384, %eq3A_388 : vector<16xi32>
        %jit3A_390 = arith.constant 10000 : i32
        %broadcast_in_dim3A_391 = vector.broadcast %jit3A_390 : i32 to vector<16xi32>
        %select_n3A_392 = arith.select %eq3A_389, %get3A_386, %broadcast_in_dim3A_391 : vector<16xi1>, vector<16xi32>
        %swap3A_393 = arith.constant 2 : i32
        %swap3A_394 = arith.index_cast %swap3A_393 : i32 to index
        %swap3A_395 = arith.constant 64 : index
        %swap3A_396 = tpu.vector_load %arg14[%swap3A_394, %swap3A_395] {strides = array<i32>} : memref<4x128xi32, #tpu.memory_space<vmem>>, vector<16xi32>,
        tpu.vector_store %arg14[%swap3A_394, %swap3A_395], %select_n3A_392 {strides = array<i32>} : memref<4x128xi32, #tpu.memory_space<vmem>>, vector<16xi32>,
        %get3A_397 = arith.constant 336 : index
        %get3A_398 = tpu.vector_load %arg12[%get3A_397] {strides = array<i32>} : memref<512xi32, #tpu.memory_space<vmem>>, vector<16xi32>,
        %get3A_399 = arith.constant 336 : index
        %get3A_400 = tpu.vector_load %arg13[%get3A_399] {strides = array<i32>} : memref<512xi32, #tpu.memory_space<vmem>>, vector<16xi32>,
        %eq3A_401 = arith.constant 2 : i32
        %eq3A_402 = vector.broadcast %eq3A_401 : i32 to vector<16xi32>
        %eq3A_403 = arith.cmpi eq, %get3A_398, %eq3A_402 : vector<16xi32>
        %jit3A_404 = arith.constant 10000 : i32
        %broadcast_in_dim3A_405 = vector.broadcast %jit3A_404 : i32 to vector<16xi32>
        %select_n3A_406 = arith.select %eq3A_403, %get3A_400, %broadcast_in_dim3A_405 : vector<16xi1>, vector<16xi32>
        %swap3A_407 = arith.constant 2 : i32
        %swap3A_408 = arith.index_cast %swap3A_407 : i32 to index
        %swap3A_409 = arith.constant 80 : index
        %swap3A_410 = tpu.vector_load %arg14[%swap3A_408, %swap3A_409] {strides = array<i32>} : memref<4x128xi32, #tpu.memory_space<vmem>>, vector<16xi32>,
        tpu.vector_store %arg14[%swap3A_408, %swap3A_409], %select_n3A_406 {strides = array<i32>} : memref<4x128xi32, #tpu.memory_space<vmem>>, vector<16xi32>,
        %get3A_411 = arith.constant 352 : index
        %get3A_412 = tpu.vector_load %arg12[%get3A_411] {strides = array<i32>} : memref<512xi32, #tpu.memory_space<vmem>>, vector<16xi32>,
        %get3A_413 = arith.constant 352 : index
        %get3A_414 = tpu.vector_load %arg13[%get3A_413] {strides = array<i32>} : memref<512xi32, #tpu.memory_space<vmem>>, vector<16xi32>,
        %eq3A_415 = arith.constant 2 : i32
        %eq3A_416 = vector.broadcast %eq3A_415 : i32 to vector<16xi32>
        %eq3A_417 = arith.cmpi eq, %get3A_412, %eq3A_416 : vector<16xi32>
        %jit3A_418 = arith.constant 10000 : i32
        %broadcast_in_dim3A_419 = vector.broadcast %jit3A_418 : i32 to vector<16xi32>
        %select_n3A_420 = arith.select %eq3A_417, %get3A_414, %broadcast_in_dim3A_419 : vector<16xi1>, vector<16xi32>
        %swap3A_421 = arith.constant 2 : i32
        %swap3A_422 = arith.index_cast %swap3A_421 : i32 to index
        %swap3A_423 = arith.constant 96 : index
        %swap3A_424 = tpu.vector_load %arg14[%swap3A_422, %swap3A_423] {strides = array<i32>} : memref<4x128xi32, #tpu.memory_space<vmem>>, vector<16xi32>,
        tpu.vector_store %arg14[%swap3A_422, %swap3A_423], %select_n3A_420 {strides = array<i32>} : memref<4x128xi32, #tpu.memory_space<vmem>>, vector<16xi32>,
        %get3A_425 = arith.constant 368 : index
        %get3A_426 = tpu.vector_load %arg12[%get3A_425] {strides = array<i32>} : memref<512xi32, #tpu.memory_space<vmem>>, vector<16xi32>,
        %get3A_427 = arith.constant 368 : index
        %get3A_428 = tpu.vector_load %arg13[%get3A_427] {strides = array<i32>} : memref<512xi32, #tpu.memory_space<vmem>>, vector<16xi32>,
        %eq3A_429 = arith.constant 2 : i32
        %eq3A_430 = vector.broadcast %eq3A_429 : i32 to vector<16xi32>
        %eq3A_431 = arith.cmpi eq, %get3A_426, %eq3A_430 : vector<16xi32>
        %jit3A_432 = arith.constant 10000 : i32
        %broadcast_in_dim3A_433 = vector.broadcast %jit3A_432 : i32 to vector<16xi32>
        %select_n3A_434 = arith.select %eq3A_431, %get3A_428, %broadcast_in_dim3A_433 : vector<16xi1>, vector<16xi32>
        %swap3A_435 = arith.constant 2 : i32
        %swap3A_436 = arith.index_cast %swap3A_435 : i32 to index
        %swap3A_437 = arith.constant 112 : index
        %swap3A_438 = tpu.vector_load %arg14[%swap3A_436, %swap3A_437] {strides = array<i32>} : memref<4x128xi32, #tpu.memory_space<vmem>>, vector<16xi32>,
        tpu.vector_store %arg14[%swap3A_436, %swap3A_437], %select_n3A_434 {strides = array<i32>} : memref<4x128xi32, #tpu.memory_space<vmem>>, vector<16xi32>,
        %get3A_439 = arith.constant 384 : index
        %get3A_440 = tpu.vector_load %arg12[%get3A_439] {strides = array<i32>} : memref<512xi32, #tpu.memory_space<vmem>>, vector<16xi32>,
        %get3A_441 = arith.constant 384 : index
        %get3A_442 = tpu.vector_load %arg13[%get3A_441] {strides = array<i32>} : memref<512xi32, #tpu.memory_space<vmem>>, vector<16xi32>,
        %eq3A_443 = arith.constant 2 : i32
        %eq3A_444 = vector.broadcast %eq3A_443 : i32 to vector<16xi32>
        %eq3A_445 = arith.cmpi eq, %get3A_440, %eq3A_444 : vector<16xi32>
        %jit3A_446 = arith.constant 10000 : i32
        %broadcast_in_dim3A_447 = vector.broadcast %jit3A_446 : i32 to vector<16xi32>
        %select_n3A_448 = arith.select %eq3A_445, %get3A_442, %broadcast_in_dim3A_447 : vector<16xi1>, vector<16xi32>
        %swap3A_449 = arith.constant 3 : i32
        %swap3A_450 = arith.index_cast %swap3A_449 : i32 to index
        %swap3A_451 = arith.constant 0 : index
        %swap3A_452 = tpu.vector_load %arg14[%swap3A_450, %swap3A_451] {strides = array<i32>} : memref<4x128xi32, #tpu.memory_space<vmem>>, vector<16xi32>,
        tpu.vector_store %arg14[%swap3A_450, %swap3A_451], %select_n3A_448 {strides = array<i32>} : memref<4x128xi32, #tpu.memory_space<vmem>>, vector<16xi32>,
        %get3A_453 = arith.constant 400 : index
        %get3A_454 = tpu.vector_load %arg12[%get3A_453] {strides = array<i32>} : memref<512xi32, #tpu.memory_space<vmem>>, vector<16xi32>,
        %get3A_455 = arith.constant 400 : index
        %get3A_456 = tpu.vector_load %arg13[%get3A_455] {strides = array<i32>} : memref<512xi32, #tpu.memory_space<vmem>>, vector<16xi32>,
        %eq3A_457 = arith.constant 2 : i32
        %eq3A_458 = vector.broadcast %eq3A_457 : i32 to vector<16xi32>
        %eq3A_459 = arith.cmpi eq, %get3A_454, %eq3A_458 : vector<16xi32>
        %jit3A_460 = arith.constant 10000 : i32
        %broadcast_in_dim3A_461 = vector.broadcast %jit3A_460 : i32 to vector<16xi32>
        %select_n3A_462 = arith.select %eq3A_459, %get3A_456, %broadcast_in_dim3A_461 : vector<16xi1>, vector<16xi32>
        %swap3A_463 = arith.constant 3 : i32
        %swap3A_464 = arith.index_cast %swap3A_463 : i32 to index
        %swap3A_465 = arith.constant 16 : index
        %swap3A_466 = tpu.vector_load %arg14[%swap3A_464, %swap3A_465] {strides = array<i32>} : memref<4x128xi32, #tpu.memory_space<vmem>>, vector<16xi32>,
        tpu.vector_store %arg14[%swap3A_464, %swap3A_465], %select_n3A_462 {strides = array<i32>} : memref<4x128xi32, #tpu.memory_space<vmem>>, vector<16xi32>,
        %get3A_467 = arith.constant 416 : index
        %get3A_468 = tpu.vector_load %arg12[%get3A_467] {strides = array<i32>} : memref<512xi32, #tpu.memory_space<vmem>>, vector<16xi32>,
        %get3A_469 = arith.constant 416 : index
        %get3A_470 = tpu.vector_load %arg13[%get3A_469] {strides = array<i32>} : memref<512xi32, #tpu.memory_space<vmem>>, vector<16xi32>,
        %eq3A_471 = arith.constant 2 : i32
        %eq3A_472 = vector.broadcast %eq3A_471 : i32 to vector<16xi32>
        %eq3A_473 = arith.cmpi eq, %get3A_468, %eq3A_472 : vector<16xi32>
        %jit3A_474 = arith.constant 10000 : i32
        %broadcast_in_dim3A_475 = vector.broadcast %jit3A_474 : i32 to vector<16xi32>
        %select_n3A_476 = arith.select %eq3A_473, %get3A_470, %broadcast_in_dim3A_475 : vector<16xi1>, vector<16xi32>
        %swap3A_477 = arith.constant 3 : i32
        %swap3A_478 = arith.index_cast %swap3A_477 : i32 to index
        %swap3A_479 = arith.constant 32 : index
        %swap3A_480 = tpu.vector_load %arg14[%swap3A_478, %swap3A_479] {strides = array<i32>} : memref<4x128xi32, #tpu.memory_space<vmem>>, vector<16xi32>,
        tpu.vector_store %arg14[%swap3A_478, %swap3A_479], %select_n3A_476 {strides = array<i32>} : memref<4x128xi32, #tpu.memory_space<vmem>>, vector<16xi32>,
        %get3A_481 = arith.constant 432 : index
        %get3A_482 = tpu.vector_load %arg12[%get3A_481] {strides = array<i32>} : memref<512xi32, #tpu.memory_space<vmem>>, vector<16xi32>,
        %get3A_483 = arith.constant 432 : index
        %get3A_484 = tpu.vector_load %arg13[%get3A_483] {strides = array<i32>} : memref<512xi32, #tpu.memory_space<vmem>>, vector<16xi32>,
        %eq3A_485 = arith.constant 2 : i32
        %eq3A_486 = vector.broadcast %eq3A_485 : i32 to vector<16xi32>
        %eq3A_487 = arith.cmpi eq, %get3A_482, %eq3A_486 : vector<16xi32>
        %jit3A_488 = arith.constant 10000 : i32
        %broadcast_in_dim3A_489 = vector.broadcast %jit3A_488 : i32 to vector<16xi32>
        %select_n3A_490 = arith.select %eq3A_487, %get3A_484, %broadcast_in_dim3A_489 : vector<16xi1>, vector<16xi32>
        %swap3A_491 = arith.constant 3 : i32
        %swap3A_492 = arith.index_cast %swap3A_491 : i32 to index
        %swap3A_493 = arith.constant 48 : index
        %swap3A_494 = tpu.vector_load %arg14[%swap3A_492, %swap3A_493] {strides = array<i32>} : memref<4x128xi32, #tpu.memory_space<vmem>>, vector<16xi32>,
        tpu.vector_store %arg14[%swap3A_492, %swap3A_493], %select_n3A_490 {strides = array<i32>} : memref<4x128xi32, #tpu.memory_space<vmem>>, vector<16xi32>,
        %get3A_495 = arith.constant 448 : index
        %get3A_496 = tpu.vector_load %arg12[%get3A_495] {strides = array<i32>} : memref<512xi32, #tpu.memory_space<vmem>>, vector<16xi32>,
        %get3A_497 = arith.constant 448 : index
        %get3A_498 = tpu.vector_load %arg13[%get3A_497] {strides = array<i32>} : memref<512xi32, #tpu.memory_space<vmem>>, vector<16xi32>,
        %eq3A_499 = arith.constant 2 : i32
        %eq3A_500 = vector.broadcast %eq3A_499 : i32 to vector<16xi32>
        %eq3A_501 = arith.cmpi eq, %get3A_496, %eq3A_500 : vector<16xi32>
        %jit3A_502 = arith.constant 10000 : i32
        %broadcast_in_dim3A_503 = vector.broadcast %jit3A_502 : i32 to vector<16xi32>
        %select_n3A_504 = arith.select %eq3A_501, %get3A_498, %broadcast_in_dim3A_503 : vector<16xi1>, vector<16xi32>
        %swap3A_505 = arith.constant 3 : i32
        %swap3A_506 = arith.index_cast %swap3A_505 : i32 to index
        %swap3A_507 = arith.constant 64 : index
        %swap3A_508 = tpu.vector_load %arg14[%swap3A_506, %swap3A_507] {strides = array<i32>} : memref<4x128xi32, #tpu.memory_space<vmem>>, vector<16xi32>,
        tpu.vector_store %arg14[%swap3A_506, %swap3A_507], %select_n3A_504 {strides = array<i32>} : memref<4x128xi32, #tpu.memory_space<vmem>>, vector<16xi32>,
        %get3A_509 = arith.constant 464 : index
        %get3A_510 = tpu.vector_load %arg12[%get3A_509] {strides = array<i32>} : memref<512xi32, #tpu.memory_space<vmem>>, vector<16xi32>,
        %get3A_511 = arith.constant 464 : index
        %get3A_512 = tpu.vector_load %arg13[%get3A_511] {strides = array<i32>} : memref<512xi32, #tpu.memory_space<vmem>>, vector<16xi32>,
        %eq3A_513 = arith.constant 2 : i32
        %eq3A_514 = vector.broadcast %eq3A_513 : i32 to vector<16xi32>
        %eq3A_515 = arith.cmpi eq, %get3A_510, %eq3A_514 : vector<16xi32>
        %jit3A_516 = arith.constant 10000 : i32
        %broadcast_in_dim3A_517 = vector.broadcast %jit3A_516 : i32 to vector<16xi32>
        %select_n3A_518 = arith.select %eq3A_515, %get3A_512, %broadcast_in_dim3A_517 : vector<16xi1>, vector<16xi32>
        %swap3A_519 = arith.constant 3 : i32
        %swap3A_520 = arith.index_cast %swap3A_519 : i32 to index
        %swap3A_521 = arith.constant 80 : index
        %swap3A_522 = tpu.vector_load %arg14[%swap3A_520, %swap3A_521] {strides = array<i32>} : memref<4x128xi32, #tpu.memory_space<vmem>>, vector<16xi32>,
        tpu.vector_store %arg14[%swap3A_520, %swap3A_521], %select_n3A_518 {strides = array<i32>} : memref<4x128xi32, #tpu.memory_space<vmem>>, vector<16xi32>,
        %get3A_523 = arith.constant 480 : index
        %get3A_524 = tpu.vector_load %arg12[%get3A_523] {strides = array<i32>} : memref<512xi32, #tpu.memory_space<vmem>>, vector<16xi32>,
        %get3A_525 = arith.constant 480 : index
        %get3A_526 = tpu.vector_load %arg13[%get3A_525] {strides = array<i32>} : memref<512xi32, #tpu.memory_space<vmem>>, vector<16xi32>,
        %eq3A_527 = arith.constant 2 : i32
        %eq3A_528 = vector.broadcast %eq3A_527 : i32 to vector<16xi32>
        %eq3A_529 = arith.cmpi eq, %get3A_524, %eq3A_528 : vector<16xi32>
        %jit3A_530 = arith.constant 10000 : i32
        %broadcast_in_dim3A_531 = vector.broadcast %jit3A_530 : i32 to vector<16xi32>
        %select_n3A_532 = arith.select %eq3A_529, %get3A_526, %broadcast_in_dim3A_531 : vector<16xi1>, vector<16xi32>
        %swap3A_533 = arith.constant 3 : i32
        %swap3A_534 = arith.index_cast %swap3A_533 : i32 to index
        %swap3A_535 = arith.constant 96 : index
        %swap3A_536 = tpu.vector_load %arg14[%swap3A_534, %swap3A_535] {strides = array<i32>} : memref<4x128xi32, #tpu.memory_space<vmem>>, vector<16xi32>,
        tpu.vector_store %arg14[%swap3A_534, %swap3A_535], %select_n3A_532 {strides = array<i32>} : memref<4x128xi32, #tpu.memory_space<vmem>>, vector<16xi32>,
        %get3A_537 = arith.constant 496 : index
        %get3A_538 = tpu.vector_load %arg12[%get3A_537] {strides = array<i32>} : memref<512xi32, #tpu.memory_space<vmem>>, vector<16xi32>,
        %get3A_539 = arith.constant 496 : index
        %get3A_540 = tpu.vector_load %arg13[%get3A_539] {strides = array<i32>} : memref<512xi32, #tpu.memory_space<vmem>>, vector<16xi32>,
        %eq3A_541 = arith.constant 2 : i32
        %eq3A_542 = vector.broadcast %eq3A_541 : i32 to vector<16xi32>
        %eq3A_543 = arith.cmpi eq, %get3A_538, %eq3A_542 : vector<16xi32>
        %jit3A_544 = arith.constant 10000 : i32
        %broadcast_in_dim3A_545 = vector.broadcast %jit3A_544 : i32 to vector<16xi32>
        %select_n3A_546 = arith.select %eq3A_543, %get3A_540, %broadcast_in_dim3A_545 : vector<16xi1>, vector<16xi32>
        %swap3A_547 = arith.constant 3 : i32
        %swap3A_548 = arith.index_cast %swap3A_547 : i32 to index
        %swap3A_549 = arith.constant 112 : index
        %swap3A_550 = tpu.vector_load %arg14[%swap3A_548, %swap3A_549] {strides = array<i32>} : memref<4x128xi32, #tpu.memory_space<vmem>>, vector<16xi32>,
        tpu.vector_store %arg14[%swap3A_548, %swap3A_549], %select_n3A_546 {strides = array<i32>} : memref<4x128xi32, #tpu.memory_space<vmem>>, vector<16xi32>,
        %dma_start3A_551 = arith.constant 0 : i32
        %dma_start3A_552 = tpu.memref_slice %arg11[%dma_start3A_551] : memref<512xi32, #tpu.memory_space<vmem>> -> memref<128xi32, #tpu.memory_space<vmem>>
        %dma_start3A_553 = arith.constant 0 : i32
        %dma_start3A_554 = arith.constant 0 : i32
        %dma_start3A_555 = tpu.memref_slice %arg3[%dma_start3A_553, %dma_start3A_554] : memref<10000x64xf32, #tpu.memory_space<hbm>> -> memref<10000x64xf32, #tpu.memory_space<hbm>>
        tpu.enqueue_indirect_dma source(%dma_start3A_555 : memref<10000x64xf32, #tpu.memory_space<hbm>>) target(%arg15 : memref<128x64xf32, #tpu.memory_space<vmem>>) offsets(%dma_start3A_552 : memref<128xi32, #tpu.memory_space<vmem>>) semaphore(%arg17 : memref<!tpu.dma_semaphore, #tpu.memory_space<semaphore_mem>>)
        %dma_wait3A_556 = arith.constant 0 : i32
        %dma_wait3A_557 = tpu.memref_slice %arg11[%dma_wait3A_556] : memref<512xi32, #tpu.memory_space<vmem>> -> memref<128xi32, #tpu.memory_space<vmem>>
        %dma_wait3A_558 = arith.constant 0 : i32
        %dma_wait3A_559 = arith.constant 0 : i32
        %dma_wait3A_560 = tpu.memref_slice %arg3[%dma_wait3A_558, %dma_wait3A_559] : memref<10000x64xf32, #tpu.memory_space<hbm>> -> memref<10000x64xf32, #tpu.memory_space<hbm>>
        tpu.wait_indirect_dma semaphore(%arg17 : memref<!tpu.dma_semaphore, #tpu.memory_space<semaphore_mem>>) src(%dma_wait3A_560 : memref<10000x64xf32, #tpu.memory_space<hbm>>) dst(%arg15 : memref<128x64xf32, #tpu.memory_space<vmem>>)
        %run_scoped3A = arith.constant 0 : i32
        "tpu.region"() ({
          %run_scoped3A_594 = tpu.sem_alloc : memref<!tpu.dma_semaphore, #tpu.memory_space<semaphore_mem>>
          %dma_start3A_595 = arith.constant 0 : i32
          %dma_start3A_596 = tpu.memref_slice %arg14[%run_scoped3A, %dma_start3A_595] : memref<4x128xi32, #tpu.memory_space<vmem>> -> memref<1x128xi32, #tpu.memory_space<vmem>>
          %dma_start3A_597 = tpu.memref_squeeze %dma_start3A_596 : memref<1x128xi32, #tpu.memory_space<vmem>> -> memref<128xi32, #tpu.memory_space<vmem>>
          %dma_start3A_598 = arith.constant 0 : i32
          %dma_start3A_599 = arith.constant 0 : i32
          %dma_start3A_600 = tpu.memref_slice %arg10[%dma_start3A_598, %dma_start3A_599] : memref<30016x64xf32, #tpu.memory_space<vmem_shared>> -> memref<30016x64xf32, #tpu.memory_space<vmem_shared>>
          tpu.enqueue_indirect_dma source(%arg15 : memref<128x64xf32, #tpu.memory_space<vmem>>) target(%dma_start3A_600 : memref<30016x64xf32, #tpu.memory_space<vmem_shared>>) offsets(%dma_start3A_597 : memref<128xi32, #tpu.memory_space<vmem>>) semaphore(%run_scoped3A_594 : memref<!tpu.dma_semaphore, #tpu.memory_space<semaphore_mem>>) {add = true}
          %dma_wait3A_601 = arith.constant 0 : i32
          %dma_wait3A_602 = tpu.memref_slice %arg14[%run_scoped3A, %dma_wait3A_601] : memref<4x128xi32, #tpu.memory_space<vmem>> -> memref<1x128xi32, #tpu.memory_space<vmem>>
          %dma_wait3A_603 = tpu.memref_squeeze %dma_wait3A_602 : memref<1x128xi32, #tpu.memory_space<vmem>> -> memref<128xi32, #tpu.memory_space<vmem>>
          %dma_wait3A_604 = arith.constant 0 : i32
          %dma_wait3A_605 = arith.constant 0 : i32
          %dma_wait3A_606 = tpu.memref_slice %arg10[%dma_wait3A_604, %dma_wait3A_605] : memref<30016x64xf32, #tpu.memory_space<vmem_shared>> -> memref<30016x64xf32, #tpu.memory_space<vmem_shared>>
          tpu.wait_indirect_dma semaphore(%run_scoped3A_594 : memref<!tpu.dma_semaphore, #tpu.memory_space<semaphore_mem>>) src(%arg15 : memref<128x64xf32, #tpu.memory_space<vmem>>) dst(%dma_wait3A_606 : memref<30016x64xf32, #tpu.memory_space<vmem_shared>>)
          tpu.yield
        }) : () -> ()
        %dma_start3A_561 = arith.constant 128 : i32
        %dma_start3A_562 = tpu.memref_slice %arg11[%dma_start3A_561] : memref<512xi32, #tpu.memory_space<vmem>> -> memref<128xi32, #tpu.memory_space<vmem>>
        %dma_start3A_563 = arith.constant 0 : i32
        %dma_start3A_564 = arith.constant 0 : i32
        %dma_start3A_565 = tpu.memref_slice %arg3[%dma_start3A_563, %dma_start3A_564] : memref<10000x64xf32, #tpu.memory_space<hbm>> -> memref<10000x64xf32, #tpu.memory_space<hbm>>
        tpu.enqueue_indirect_dma source(%dma_start3A_565 : memref<10000x64xf32, #tpu.memory_space<hbm>>) target(%arg15 : memref<128x64xf32, #tpu.memory_space<vmem>>) offsets(%dma_start3A_562 : memref<128xi32, #tpu.memory_space<vmem>>) semaphore(%arg17 : memref<!tpu.dma_semaphore, #tpu.memory_space<semaphore_mem>>)
        %dma_wait3A_566 = arith.constant 128 : i32
        %dma_wait3A_567 = tpu.memref_slice %arg11[%dma_wait3A_566] : memref<512xi32, #tpu.memory_space<vmem>> -> memref<128xi32, #tpu.memory_space<vmem>>
        %dma_wait3A_568 = arith.constant 0 : i32
        %dma_wait3A_569 = arith.constant 0 : i32
        %dma_wait3A_570 = tpu.memref_slice %arg3[%dma_wait3A_568, %dma_wait3A_569] : memref<10000x64xf32, #tpu.memory_space<hbm>> -> memref<10000x64xf32, #tpu.memory_space<hbm>>
        tpu.wait_indirect_dma semaphore(%arg17 : memref<!tpu.dma_semaphore, #tpu.memory_space<semaphore_mem>>) src(%dma_wait3A_570 : memref<10000x64xf32, #tpu.memory_space<hbm>>) dst(%arg15 : memref<128x64xf32, #tpu.memory_space<vmem>>)
        %run_scoped3A_571 = arith.constant 1 : i32
        "tpu.region"() ({
          %run_scoped3A_594 = tpu.sem_alloc : memref<!tpu.dma_semaphore, #tpu.memory_space<semaphore_mem>>
          %dma_start3A_595 = arith.constant 0 : i32
          %dma_start3A_596 = tpu.memref_slice %arg14[%run_scoped3A_571, %dma_start3A_595] : memref<4x128xi32, #tpu.memory_space<vmem>> -> memref<1x128xi32, #tpu.memory_space<vmem>>
          %dma_start3A_597 = tpu.memref_squeeze %dma_start3A_596 : memref<1x128xi32, #tpu.memory_space<vmem>> -> memref<128xi32, #tpu.memory_space<vmem>>
          %dma_start3A_598 = arith.constant 0 : i32
          %dma_start3A_599 = arith.constant 0 : i32
          %dma_start3A_600 = tpu.memref_slice %arg10[%dma_start3A_598, %dma_start3A_599] : memref<30016x64xf32, #tpu.memory_space<vmem_shared>> -> memref<30016x64xf32, #tpu.memory_space<vmem_shared>>
          tpu.enqueue_indirect_dma source(%arg15 : memref<128x64xf32, #tpu.memory_space<vmem>>) target(%dma_start3A_600 : memref<30016x64xf32, #tpu.memory_space<vmem_shared>>) offsets(%dma_start3A_597 : memref<128xi32, #tpu.memory_space<vmem>>) semaphore(%run_scoped3A_594 : memref<!tpu.dma_semaphore, #tpu.memory_space<semaphore_mem>>) {add = true}
          %dma_wait3A_601 = arith.constant 0 : i32
          %dma_wait3A_602 = tpu.memref_slice %arg14[%run_scoped3A_571, %dma_wait3A_601] : memref<4x128xi32, #tpu.memory_space<vmem>> -> memref<1x128xi32, #tpu.memory_space<vmem>>
          %dma_wait3A_603 = tpu.memref_squeeze %dma_wait3A_602 : memref<1x128xi32, #tpu.memory_space<vmem>> -> memref<128xi32, #tpu.memory_space<vmem>>
          %dma_wait3A_604 = arith.constant 0 : i32
          %dma_wait3A_605 = arith.constant 0 : i32
          %dma_wait3A_606 = tpu.memref_slice %arg10[%dma_wait3A_604, %dma_wait3A_605] : memref<30016x64xf32, #tpu.memory_space<vmem_shared>> -> memref<30016x64xf32, #tpu.memory_space<vmem_shared>>
          tpu.wait_indirect_dma semaphore(%run_scoped3A_594 : memref<!tpu.dma_semaphore, #tpu.memory_space<semaphore_mem>>) src(%arg15 : memref<128x64xf32, #tpu.memory_space<vmem>>) dst(%dma_wait3A_606 : memref<30016x64xf32, #tpu.memory_space<vmem_shared>>)
          tpu.yield
        }) : () -> ()
        %dma_start3A_572 = arith.constant 256 : i32
        %dma_start3A_573 = tpu.memref_slice %arg11[%dma_start3A_572] : memref<512xi32, #tpu.memory_space<vmem>> -> memref<128xi32, #tpu.memory_space<vmem>>
        %dma_start3A_574 = arith.constant 0 : i32
        %dma_start3A_575 = arith.constant 0 : i32
        %dma_start3A_576 = tpu.memref_slice %arg3[%dma_start3A_574, %dma_start3A_575] : memref<10000x64xf32, #tpu.memory_space<hbm>> -> memref<10000x64xf32, #tpu.memory_space<hbm>>
        tpu.enqueue_indirect_dma source(%dma_start3A_576 : memref<10000x64xf32, #tpu.memory_space<hbm>>) target(%arg15 : memref<128x64xf32, #tpu.memory_space<vmem>>) offsets(%dma_start3A_573 : memref<128xi32, #tpu.memory_space<vmem>>) semaphore(%arg17 : memref<!tpu.dma_semaphore, #tpu.memory_space<semaphore_mem>>)
        %dma_wait3A_577 = arith.constant 256 : i32
        %dma_wait3A_578 = tpu.memref_slice %arg11[%dma_wait3A_577] : memref<512xi32, #tpu.memory_space<vmem>> -> memref<128xi32, #tpu.memory_space<vmem>>
        %dma_wait3A_579 = arith.constant 0 : i32
        %dma_wait3A_580 = arith.constant 0 : i32
        %dma_wait3A_581 = tpu.memref_slice %arg3[%dma_wait3A_579, %dma_wait3A_580] : memref<10000x64xf32, #tpu.memory_space<hbm>> -> memref<10000x64xf32, #tpu.memory_space<hbm>>
        tpu.wait_indirect_dma semaphore(%arg17 : memref<!tpu.dma_semaphore, #tpu.memory_space<semaphore_mem>>) src(%dma_wait3A_581 : memref<10000x64xf32, #tpu.memory_space<hbm>>) dst(%arg15 : memref<128x64xf32, #tpu.memory_space<vmem>>)
        %run_scoped3A_582 = arith.constant 2 : i32
        "tpu.region"() ({
          %run_scoped3A_594 = tpu.sem_alloc : memref<!tpu.dma_semaphore, #tpu.memory_space<semaphore_mem>>
          %dma_start3A_595 = arith.constant 0 : i32
          %dma_start3A_596 = tpu.memref_slice %arg14[%run_scoped3A_582, %dma_start3A_595] : memref<4x128xi32, #tpu.memory_space<vmem>> -> memref<1x128xi32, #tpu.memory_space<vmem>>
          %dma_start3A_597 = tpu.memref_squeeze %dma_start3A_596 : memref<1x128xi32, #tpu.memory_space<vmem>> -> memref<128xi32, #tpu.memory_space<vmem>>
          %dma_start3A_598 = arith.constant 0 : i32
          %dma_start3A_599 = arith.constant 0 : i32
          %dma_start3A_600 = tpu.memref_slice %arg10[%dma_start3A_598, %dma_start3A_599] : memref<30016x64xf32, #tpu.memory_space<vmem_shared>> -> memref<30016x64xf32, #tpu.memory_space<vmem_shared>>
          tpu.enqueue_indirect_dma source(%arg15 : memref<128x64xf32, #tpu.memory_space<vmem>>) target(%dma_start3A_600 : memref<30016x64xf32, #tpu.memory_space<vmem_shared>>) offsets(%dma_start3A_597 : memref<128xi32, #tpu.memory_space<vmem>>) semaphore(%run_scoped3A_594 : memref<!tpu.dma_semaphore, #tpu.memory_space<semaphore_mem>>) {add = true}
          %dma_wait3A_601 = arith.constant 0 : i32
          %dma_wait3A_602 = tpu.memref_slice %arg14[%run_scoped3A_582, %dma_wait3A_601] : memref<4x128xi32, #tpu.memory_space<vmem>> -> memref<1x128xi32, #tpu.memory_space<vmem>>
          %dma_wait3A_603 = tpu.memref_squeeze %dma_wait3A_602 : memref<1x128xi32, #tpu.memory_space<vmem>> -> memref<128xi32, #tpu.memory_space<vmem>>
          %dma_wait3A_604 = arith.constant 0 : i32
          %dma_wait3A_605 = arith.constant 0 : i32
          %dma_wait3A_606 = tpu.memref_slice %arg10[%dma_wait3A_604, %dma_wait3A_605] : memref<30016x64xf32, #tpu.memory_space<vmem_shared>> -> memref<30016x64xf32, #tpu.memory_space<vmem_shared>>
          tpu.wait_indirect_dma semaphore(%run_scoped3A_594 : memref<!tpu.dma_semaphore, #tpu.memory_space<semaphore_mem>>) src(%arg15 : memref<128x64xf32, #tpu.memory_space<vmem>>) dst(%dma_wait3A_606 : memref<30016x64xf32, #tpu.memory_space<vmem_shared>>)
          tpu.yield
        }) : () -> ()
        %dma_start3A_583 = arith.constant 384 : i32
        %dma_start3A_584 = tpu.memref_slice %arg11[%dma_start3A_583] : memref<512xi32, #tpu.memory_space<vmem>> -> memref<128xi32, #tpu.memory_space<vmem>>
        %dma_start3A_585 = arith.constant 0 : i32
        %dma_start3A_586 = arith.constant 0 : i32
        %dma_start3A_587 = tpu.memref_slice %arg3[%dma_start3A_585, %dma_start3A_586] : memref<10000x64xf32, #tpu.memory_space<hbm>> -> memref<10000x64xf32, #tpu.memory_space<hbm>>
        tpu.enqueue_indirect_dma source(%dma_start3A_587 : memref<10000x64xf32, #tpu.memory_space<hbm>>) target(%arg15 : memref<128x64xf32, #tpu.memory_space<vmem>>) offsets(%dma_start3A_584 : memref<128xi32, #tpu.memory_space<vmem>>) semaphore(%arg17 : memref<!tpu.dma_semaphore, #tpu.memory_space<semaphore_mem>>)
        %dma_wait3A_588 = arith.constant 384 : i32
        %dma_wait3A_589 = tpu.memref_slice %arg11[%dma_wait3A_588] : memref<512xi32, #tpu.memory_space<vmem>> -> memref<128xi32, #tpu.memory_space<vmem>>
        %dma_wait3A_590 = arith.constant 0 : i32
        %dma_wait3A_591 = arith.constant 0 : i32
        %dma_wait3A_592 = tpu.memref_slice %arg3[%dma_wait3A_590, %dma_wait3A_591] : memref<10000x64xf32, #tpu.memory_space<hbm>> -> memref<10000x64xf32, #tpu.memory_space<hbm>>
        tpu.wait_indirect_dma semaphore(%arg17 : memref<!tpu.dma_semaphore, #tpu.memory_space<semaphore_mem>>) src(%dma_wait3A_592 : memref<10000x64xf32, #tpu.memory_space<hbm>>) dst(%arg15 : memref<128x64xf32, #tpu.memory_space<vmem>>)
        %run_scoped3A_593 = arith.constant 3 : i32
        "tpu.region"() ({
          %run_scoped3A_594 = tpu.sem_alloc : memref<!tpu.dma_semaphore, #tpu.memory_space<semaphore_mem>>
          %dma_start3A_595 = arith.constant 0 : i32
          %dma_start3A_596 = tpu.memref_slice %arg14[%run_scoped3A_593, %dma_start3A_595] : memref<4x128xi32, #tpu.memory_space<vmem>> -> memref<1x128xi32, #tpu.memory_space<vmem>>
          %dma_start3A_597 = tpu.memref_squeeze %dma_start3A_596 : memref<1x128xi32, #tpu.memory_space<vmem>> -> memref<128xi32, #tpu.memory_space<vmem>>
          %dma_start3A_598 = arith.constant 0 : i32
          %dma_start3A_599 = arith.constant 0 : i32
          %dma_start3A_600 = tpu.memref_slice %arg10[%dma_start3A_598, %dma_start3A_599] : memref<30016x64xf32, #tpu.memory_space<vmem_shared>> -> memref<30016x64xf32, #tpu.memory_space<vmem_shared>>
          tpu.enqueue_indirect_dma source(%arg15 : memref<128x64xf32, #tpu.memory_space<vmem>>) target(%dma_start3A_600 : memref<30016x64xf32, #tpu.memory_space<vmem_shared>>) offsets(%dma_start3A_597 : memref<128xi32, #tpu.memory_space<vmem>>) semaphore(%run_scoped3A_594 : memref<!tpu.dma_semaphore, #tpu.memory_space<semaphore_mem>>) {add = true}
          %dma_wait3A_601 = arith.constant 0 : i32
          %dma_wait3A_602 = tpu.memref_slice %arg14[%run_scoped3A_593, %dma_wait3A_601] : memref<4x128xi32, #tpu.memory_space<vmem>> -> memref<1x128xi32, #tpu.memory_space<vmem>>
          %dma_wait3A_603 = tpu.memref_squeeze %dma_wait3A_602 : memref<1x128xi32, #tpu.memory_space<vmem>> -> memref<128xi32, #tpu.memory_space<vmem>>
          %dma_wait3A_604 = arith.constant 0 : i32
          %dma_wait3A_605 = arith.constant 0 : i32
          %dma_wait3A_606 = tpu.memref_slice %arg10[%dma_wait3A_604, %dma_wait3A_605] : memref<30016x64xf32, #tpu.memory_space<vmem_shared>> -> memref<30016x64xf32, #tpu.memory_space<vmem_shared>>
          tpu.wait_indirect_dma semaphore(%run_scoped3A_594 : memref<!tpu.dma_semaphore, #tpu.memory_space<semaphore_mem>>) src(%arg15 : memref<128x64xf32, #tpu.memory_space<vmem>>) dst(%dma_wait3A_606 : memref<30016x64xf32, #tpu.memory_space<vmem_shared>>)
          tpu.yield
        }) : () -> ()
      }
      %barrier3A_82 = arith.constant 0 : index
      tpu.barrier barrier_id(%barrier3A_82)
      %mul3A_83 = arith.constant 624 : i32
      %mul3A_84 = arith.muli %arg1, %mul3A_83 : i32
      %add3A_85 = arith.constant 30000 : i32
      %add3A_86 = arith.addi %add3A_85, %mul3A_84 : i32
      "tpu.region"() ({
        %run_scoped3A = tpu.sem_alloc : memref<!tpu.dma_semaphore, #tpu.memory_space<semaphore_mem>>
        %dma_start3A = arith.constant 64 : i32
        %dma_start3A_93 = tpu.memref_slice %arg9[%add3A_86, %dma_start3A] : memref<40000x128xf32, #tpu.memory_space<hbm>> -> memref<624x64xf32, #tpu.memory_space<hbm>>
        %dma_start3A_94 = arith.constant 0 : i32
        %dma_start3A_95 = tpu.memref_slice %arg10[%mul3A_84, %dma_start3A_94] : memref<30016x64xf32, #tpu.memory_space<vmem_shared>> -> memref<624x64xf32, #tpu.memory_space<vmem_shared>>
        tpu.enqueue_dma source(%dma_start3A_95 : memref<624x64xf32, #tpu.memory_space<vmem_shared>>) target(%dma_start3A_93 : memref<624x64xf32, #tpu.memory_space<hbm>>) target_semaphore(%run_scoped3A : memref<!tpu.dma_semaphore, #tpu.memory_space<semaphore_mem>>)
        %dma_wait3A = arith.constant 64 : i32
        %dma_wait3A_96 = tpu.memref_slice %arg9[%add3A_86, %dma_wait3A] : memref<40000x128xf32, #tpu.memory_space<hbm>> -> memref<624x64xf32, #tpu.memory_space<hbm>>
        %dma_wait3A_97 = arith.constant 0 : i32
        %dma_wait3A_98 = tpu.memref_slice %arg10[%mul3A_84, %dma_wait3A_97] : memref<30016x64xf32, #tpu.memory_space<vmem_shared>> -> memref<624x64xf32, #tpu.memory_space<vmem_shared>>
        tpu.wait_dma2 semaphore(%run_scoped3A : memref<!tpu.dma_semaphore, #tpu.memory_space<semaphore_mem>>) src(%dma_wait3A_98 : memref<624x64xf32, #tpu.memory_space<vmem_shared>>) dst(%dma_wait3A_96 : memref<624x64xf32, #tpu.memory_space<hbm>>)
        tpu.yield
      }) : () -> ()
      %eq3A_87 = arith.constant 0 : i32
      %eq3A_88 = arith.cmpi eq, %arg1, %eq3A_87 : i32
      %convert_element_type3A_89 = arith.extui %eq3A_88 : i1 to i32
      %cond3A_90 = arith.constant 0 : i32
      %cond3A_91 = arith.cmpi ne, %convert_element_type3A_89, %cond3A_90 : i32
      scf.if %cond3A_91 {
        "tpu.region"() ({
          %run_scoped3A = tpu.sem_alloc : memref<!tpu.dma_semaphore, #tpu.memory_space<semaphore_mem>>
          %dma_start3A = arith.constant 39984 : i32
          %dma_start3A_93 = arith.constant 64 : i32
          %dma_start3A_94 = tpu.memref_slice %arg9[%dma_start3A, %dma_start3A_93] : memref<40000x128xf32, #tpu.memory_space<hbm>> -> memref<16x64xf32, #tpu.memory_space<hbm>>
          %dma_start3A_95 = arith.constant 9984 : i32
          %dma_start3A_96 = arith.constant 0 : i32
          %dma_start3A_97 = tpu.memref_slice %arg10[%dma_start3A_95, %dma_start3A_96] : memref<30016x64xf32, #tpu.memory_space<vmem_shared>> -> memref<16x64xf32, #tpu.memory_space<vmem_shared>>
          tpu.enqueue_dma source(%dma_start3A_97 : memref<16x64xf32, #tpu.memory_space<vmem_shared>>) target(%dma_start3A_94 : memref<16x64xf32, #tpu.memory_space<hbm>>) target_semaphore(%run_scoped3A : memref<!tpu.dma_semaphore, #tpu.memory_space<semaphore_mem>>)
          %dma_wait3A = arith.constant 39984 : i32
          %dma_wait3A_98 = arith.constant 64 : i32
          %dma_wait3A_99 = tpu.memref_slice %arg9[%dma_wait3A, %dma_wait3A_98] : memref<40000x128xf32, #tpu.memory_space<hbm>> -> memref<16x64xf32, #tpu.memory_space<hbm>>
          %dma_wait3A_100 = arith.constant 9984 : i32
          %dma_wait3A_101 = arith.constant 0 : i32
          %dma_wait3A_102 = tpu.memref_slice %arg10[%dma_wait3A_100, %dma_wait3A_101] : memref<30016x64xf32, #tpu.memory_space<vmem_shared>> -> memref<16x64xf32, #tpu.memory_space<vmem_shared>>
          tpu.wait_dma2 semaphore(%run_scoped3A : memref<!tpu.dma_semaphore, #tpu.memory_space<semaphore_mem>>) src(%dma_wait3A_102 : memref<16x64xf32, #tpu.memory_space<vmem_shared>>) dst(%dma_wait3A_99 : memref<16x64xf32, #tpu.memory_space<hbm>>)
          tpu.yield
        }) : () -> ()
      } else {
      }
      %barrier3A_92 = arith.constant 0 : index
      tpu.barrier barrier_id(%barrier3A_92)
    } else {
    }
    return
  }
}

module attributes {stable_mosaic.version = 14 : i64} {
  func.func @body(%arg0: i32, %arg1: memref<1000x128xf32, #tpu.memory_space<vmem>>, %arg2: memref<4x1000x128xf32, #tpu.memory_space<vmem>>, %arg3: memref<128x128xf32, #tpu.memory_space<vmem>>, %arg4: memref<1x128xf32, #tpu.memory_space<vmem>>, %arg5: memref<128x128xf32, #tpu.memory_space<vmem>>, %arg6: memref<1x128xf32, #tpu.memory_space<vmem>>, %arg7: memref<256x128xf32, #tpu.memory_space<vmem>>, %arg8: memref<1x128xf32, #tpu.memory_space<vmem>>, %arg9: memref<128x128xf32, #tpu.memory_space<vmem>>, %arg10: memref<1x128xf32, #tpu.memory_space<vmem>>, %arg11: memref<384x128xf32, #tpu.memory_space<vmem>>, %arg12: memref<1x128xf32, #tpu.memory_space<vmem>>, %arg13: memref<1000x128xf32, #tpu.memory_space<vmem>>) attributes {dimension_semantics = [#tpu.dimension_semantics<arbitrary>], iteration_bounds = array<i64: 10>, scalar_prefetch = 0 : i64, scratch_operands = 0 : i64, tpu.core_type = #tpu.core_type<tc>, window_params = [{transform_indices = @transform_0, window_bounds = array<i64: 1000, 128>}, {transform_indices = @transform_1, window_bounds = array<i64: 4, 1000, 128>}, {pipeline_mode = #tpu.pipeline_mode<synchronous>, transform_indices = @transform_2, window_bounds = array<i64: 128, 128>}, {pipeline_mode = #tpu.pipeline_mode<synchronous>, transform_indices = @transform_3, window_bounds = array<i64: 1, 128>}, {pipeline_mode = #tpu.pipeline_mode<synchronous>, transform_indices = @transform_4, window_bounds = array<i64: 128, 128>}, {pipeline_mode = #tpu.pipeline_mode<synchronous>, transform_indices = @transform_5, window_bounds = array<i64: 1, 128>}, {pipeline_mode = #tpu.pipeline_mode<synchronous>, transform_indices = @transform_6, window_bounds = array<i64: 256, 128>}, {pipeline_mode = #tpu.pipeline_mode<synchronous>, transform_indices = @transform_7, window_bounds = array<i64: 1, 128>}, {pipeline_mode = #tpu.pipeline_mode<synchronous>, transform_indices = @transform_8, window_bounds = array<i64: 128, 128>}, {pipeline_mode = #tpu.pipeline_mode<synchronous>, transform_indices = @transform_9, window_bounds = array<i64: 1, 128>}, {pipeline_mode = #tpu.pipeline_mode<synchronous>, transform_indices = @transform_10, window_bounds = array<i64: 384, 128>}, {pipeline_mode = #tpu.pipeline_mode<synchronous>, transform_indices = @transform_11, window_bounds = array<i64: 1, 128>}, {transform_indices = @transform_12, window_bounds = array<i64: 1000, 128>}]} {
    %get3A = arith.constant 0 : index
    %get3A_0 = arith.constant 0 : index
    %get3A_1 = vector.load %arg1[%get3A, %get3A_0] : memref<1000x128xf32, #tpu.memory_space<vmem>>, vector<1000x128xf32>
    %get3A_2 = arith.constant 0 : index
    %get3A_3 = arith.constant 0 : index
    %get3A_4 = arith.constant 0 : index
    %get3A_5 = vector.load %arg2[%get3A_2, %get3A_3, %get3A_4] : memref<4x1000x128xf32, #tpu.memory_space<vmem>>, vector<1x1000x128xf32>
    %get3A_6 = vector.shape_cast %get3A_5 : vector<1x1000x128xf32> to vector<1000x128xf32>
    %get3A_7 = arith.constant 1 : index
    %get3A_8 = arith.constant 0 : index
    %get3A_9 = arith.constant 0 : index
    %get3A_10 = vector.load %arg2[%get3A_7, %get3A_8, %get3A_9] : memref<4x1000x128xf32, #tpu.memory_space<vmem>>, vector<1x1000x128xf32>
    %get3A_11 = vector.shape_cast %get3A_10 : vector<1x1000x128xf32> to vector<1000x128xf32>
    %get3A_12 = arith.constant 2 : index
    %get3A_13 = arith.constant 0 : index
    %get3A_14 = arith.constant 0 : index
    %get3A_15 = vector.load %arg2[%get3A_12, %get3A_13, %get3A_14] : memref<4x1000x128xf32, #tpu.memory_space<vmem>>, vector<1x1000x128xf32>
    %get3A_16 = vector.shape_cast %get3A_15 : vector<1x1000x128xf32> to vector<1000x128xf32>
    %get3A_17 = arith.constant 3 : index
    %get3A_18 = arith.constant 0 : index
    %get3A_19 = arith.constant 0 : index
    %get3A_20 = vector.load %arg2[%get3A_17, %get3A_18, %get3A_19] : memref<4x1000x128xf32, #tpu.memory_space<vmem>>, vector<1x1000x128xf32>
    %get3A_21 = vector.shape_cast %get3A_20 : vector<1x1000x128xf32> to vector<1000x128xf32>
    %add3A = arith.addf %get3A_1, %get3A_6 : vector<1000x128xf32>
    %get3A_22 = arith.constant 0 : index
    %get3A_23 = arith.constant 0 : index
    %get3A_24 = vector.load %arg3[%get3A_22, %get3A_23] : memref<128x128xf32, #tpu.memory_space<vmem>>, vector<128x128xf32>
    %dot_general3A = arith.constant dense<0.000000e+00> : vector<1000x128xf32>
    %dot_general3A_25 = tpu.matmul %add3A, %get3A_24, %dot_general3A {dimension_numbers = #tpu.dot_dimension_numbers<[1], [0], [0], [1], [0, 0, 1, 1], [], []>, transpose_lhs_hint = false} : vector<1000x128xf32>, vector<128x128xf32>, vector<1000x128xf32> -> vector<1000x128xf32>
    %get3A_26 = arith.constant 0 : index
    %get3A_27 = arith.constant 0 : index
    %get3A_28 = vector.load %arg4[%get3A_26, %get3A_27] : memref<1x128xf32, #tpu.memory_space<vmem>>, vector<1x128xf32>
    %add3A_29 = vector.broadcast %get3A_28 : vector<1x128xf32> to vector<1000x128xf32>
    %add3A_30 = arith.addf %dot_general3A_25, %add3A_29 : vector<1000x128xf32>
    %max3A = arith.constant 0.000000e+00 : f32
    %max3A_31 = vector.broadcast %max3A : f32 to vector<1000x128xf32>
    %max3A_32 = arith.maximumf %add3A_30, %max3A_31 : vector<1000x128xf32>
    %add3A_33 = arith.addf %get3A_1, %get3A_11 : vector<1000x128xf32>
    %get3A_34 = arith.constant 0 : index
    %get3A_35 = arith.constant 0 : index
    %get3A_36 = vector.load %arg5[%get3A_34, %get3A_35] : memref<128x128xf32, #tpu.memory_space<vmem>>, vector<128x128xf32>
    %dot_general3A_37 = arith.constant dense<0.000000e+00> : vector<1000x128xf32>
    %dot_general3A_38 = tpu.matmul %add3A_33, %get3A_36, %dot_general3A_37 {dimension_numbers = #tpu.dot_dimension_numbers<[1], [0], [0], [1], [0, 0, 1, 1], [], []>, transpose_lhs_hint = false} : vector<1000x128xf32>, vector<128x128xf32>, vector<1000x128xf32> -> vector<1000x128xf32>
    %get3A_39 = arith.constant 0 : index
    %get3A_40 = arith.constant 0 : index
    %get3A_41 = vector.load %arg6[%get3A_39, %get3A_40] : memref<1x128xf32, #tpu.memory_space<vmem>>, vector<1x128xf32>
    %add3A_42 = vector.broadcast %get3A_41 : vector<1x128xf32> to vector<1000x128xf32>
    %add3A_43 = arith.addf %dot_general3A_38, %add3A_42 : vector<1000x128xf32>
    %max3A_44 = arith.constant 0.000000e+00 : f32
    %max3A_45 = vector.broadcast %max3A_44 : f32 to vector<1000x128xf32>
    %max3A_46 = arith.maximumf %add3A_43, %max3A_45 : vector<1000x128xf32>
    %get3A_47 = arith.constant 0 : index
    %get3A_48 = arith.constant 0 : index
    %get3A_49 = vector.load %arg7[%get3A_47, %get3A_48] : memref<256x128xf32, #tpu.memory_space<vmem>>, vector<128x128xf32>
    %dot_general3A_50 = arith.constant dense<0.000000e+00> : vector<1000x128xf32>
    %dot_general3A_51 = tpu.matmul %get3A_16, %get3A_49, %dot_general3A_50 {dimension_numbers = #tpu.dot_dimension_numbers<[1], [0], [0], [1], [0, 0, 1, 1], [], []>, transpose_lhs_hint = false} : vector<1000x128xf32>, vector<128x128xf32>, vector<1000x128xf32> -> vector<1000x128xf32>
    %add3A_52 = arith.addf %get3A_1, %dot_general3A_51 : vector<1000x128xf32>
    %get3A_53 = arith.constant 128 : index
    %get3A_54 = arith.constant 0 : index
    %get3A_55 = vector.load %arg7[%get3A_53, %get3A_54] : memref<256x128xf32, #tpu.memory_space<vmem>>, vector<128x128xf32>
    %dot_general3A_56 = arith.constant dense<0.000000e+00> : vector<1000x128xf32>
    %dot_general3A_57 = tpu.matmul %get3A_21, %get3A_55, %dot_general3A_56 {dimension_numbers = #tpu.dot_dimension_numbers<[1], [0], [0], [1], [0, 0, 1, 1], [], []>, transpose_lhs_hint = false} : vector<1000x128xf32>, vector<128x128xf32>, vector<1000x128xf32> -> vector<1000x128xf32>
    %add3A_58 = arith.addf %add3A_52, %dot_general3A_57 : vector<1000x128xf32>
    %get3A_59 = arith.constant 0 : index
    %get3A_60 = arith.constant 0 : index
    %get3A_61 = vector.load %arg8[%get3A_59, %get3A_60] : memref<1x128xf32, #tpu.memory_space<vmem>>, vector<1x128xf32>
    %add3A_62 = vector.broadcast %get3A_61 : vector<1x128xf32> to vector<1000x128xf32>
    %add3A_63 = arith.addf %add3A_58, %add3A_62 : vector<1000x128xf32>
    %get3A_64 = arith.constant 0 : index
    %get3A_65 = arith.constant 0 : index
    %get3A_66 = vector.load %arg9[%get3A_64, %get3A_65] : memref<128x128xf32, #tpu.memory_space<vmem>>, vector<128x128xf32>
    %dot_general3A_67 = arith.constant dense<0.000000e+00> : vector<1000x128xf32>
    %dot_general3A_68 = tpu.matmul %add3A_63, %get3A_66, %dot_general3A_67 {dimension_numbers = #tpu.dot_dimension_numbers<[1], [0], [0], [1], [0, 0, 1, 1], [], []>, transpose_lhs_hint = false} : vector<1000x128xf32>, vector<128x128xf32>, vector<1000x128xf32> -> vector<1000x128xf32>
    %get3A_69 = arith.constant 0 : index
    %get3A_70 = arith.constant 0 : index
    %get3A_71 = vector.load %arg10[%get3A_69, %get3A_70] : memref<1x128xf32, #tpu.memory_space<vmem>>, vector<1x128xf32>
    %add3A_72 = vector.broadcast %get3A_71 : vector<1x128xf32> to vector<1000x128xf32>
    %add3A_73 = arith.addf %dot_general3A_68, %add3A_72 : vector<1000x128xf32>
    %max3A_74 = arith.constant 0.000000e+00 : f32
    %max3A_75 = vector.broadcast %max3A_74 : f32 to vector<1000x128xf32>
    %max3A_76 = arith.maximumf %add3A_73, %max3A_75 : vector<1000x128xf32>
    %get3A_77 = arith.constant 0 : index
    %get3A_78 = arith.constant 0 : index
    %get3A_79 = vector.load %arg11[%get3A_77, %get3A_78] : memref<384x128xf32, #tpu.memory_space<vmem>>, vector<128x128xf32>
    %dot_general3A_80 = arith.constant dense<0.000000e+00> : vector<1000x128xf32>
    %dot_general3A_81 = tpu.matmul %max3A_32, %get3A_79, %dot_general3A_80 {dimension_numbers = #tpu.dot_dimension_numbers<[1], [0], [0], [1], [0, 0, 1, 1], [], []>, transpose_lhs_hint = false} : vector<1000x128xf32>, vector<128x128xf32>, vector<1000x128xf32> -> vector<1000x128xf32>
    %get3A_82 = arith.constant 128 : index
    %get3A_83 = arith.constant 0 : index
    %get3A_84 = vector.load %arg11[%get3A_82, %get3A_83] : memref<384x128xf32, #tpu.memory_space<vmem>>, vector<128x128xf32>
    %dot_general3A_85 = arith.constant dense<0.000000e+00> : vector<1000x128xf32>
    %dot_general3A_86 = tpu.matmul %max3A_46, %get3A_84, %dot_general3A_85 {dimension_numbers = #tpu.dot_dimension_numbers<[1], [0], [0], [1], [0, 0, 1, 1], [], []>, transpose_lhs_hint = false} : vector<1000x128xf32>, vector<128x128xf32>, vector<1000x128xf32> -> vector<1000x128xf32>
    %add3A_87 = arith.addf %dot_general3A_81, %dot_general3A_86 : vector<1000x128xf32>
    %get3A_88 = arith.constant 256 : index
    %get3A_89 = arith.constant 0 : index
    %get3A_90 = vector.load %arg11[%get3A_88, %get3A_89] : memref<384x128xf32, #tpu.memory_space<vmem>>, vector<128x128xf32>
    %dot_general3A_91 = arith.constant dense<0.000000e+00> : vector<1000x128xf32>
    %dot_general3A_92 = tpu.matmul %max3A_76, %get3A_90, %dot_general3A_91 {dimension_numbers = #tpu.dot_dimension_numbers<[1], [0], [0], [1], [0, 0, 1, 1], [], []>, transpose_lhs_hint = false} : vector<1000x128xf32>, vector<128x128xf32>, vector<1000x128xf32> -> vector<1000x128xf32>
    %add3A_93 = arith.addf %add3A_87, %dot_general3A_92 : vector<1000x128xf32>
    %get3A_94 = arith.constant 0 : index
    %get3A_95 = arith.constant 0 : index
    %get3A_96 = vector.load %arg12[%get3A_94, %get3A_95] : memref<1x128xf32, #tpu.memory_space<vmem>>, vector<1x128xf32>
    %add3A_97 = vector.broadcast %get3A_96 : vector<1x128xf32> to vector<1000x128xf32>
    %add3A_98 = arith.addf %add3A_93, %add3A_97 : vector<1000x128xf32>
    %max3A_99 = arith.constant 0.000000e+00 : f32
    %max3A_100 = vector.broadcast %max3A_99 : f32 to vector<1000x128xf32>
    %max3A_101 = arith.maximumf %add3A_98, %max3A_100 : vector<1000x128xf32>
    %swap3A = arith.constant 0 : index
    %swap3A_102 = arith.constant 0 : index
    %swap3A_103 = vector.load %arg13[%swap3A, %swap3A_102] : memref<1000x128xf32, #tpu.memory_space<vmem>>, vector<1000x128xf32>
    tpu.vector_store %arg13[%swap3A, %swap3A_102], %max3A_101 {strides = array<i32>} : memref<1000x128xf32, #tpu.memory_space<vmem>>, vector<1000x128xf32>,
    return
  }
  func.func @transform_0(%arg0: i32) -> (i32, i32) {
    %c0_i32 = arith.constant 0 : i32
    %c0_i32_0 = arith.constant 0 : i32
    return %arg0, %c0_i32 : i32, i32
  }
  func.func @transform_1(%arg0: i32) -> (i32, i32, i32) {
    %c0_i32 = arith.constant 0 : i32
    %c0_i32_0 = arith.constant 0 : i32
    %c0_i32_1 = arith.constant 0 : i32
    return %c0_i32, %arg0, %c0_i32_0 : i32, i32, i32
  }
  func.func @transform_2(%arg0: i32) -> (i32, i32) {
    %c0_i32 = arith.constant 0 : i32
    %c0_i32_0 = arith.constant 0 : i32
    %c0_i32_1 = arith.constant 0 : i32
    return %c0_i32, %c0_i32_0 : i32, i32
  }
  func.func @transform_3(%arg0: i32) -> (i32, i32) {
    %c0_i32 = arith.constant 0 : i32
    %c0_i32_0 = arith.constant 0 : i32
    %c0_i32_1 = arith.constant 0 : i32
    return %c0_i32, %c0_i32_0 : i32, i32
  }
  func.func @transform_4(%arg0: i32) -> (i32, i32) {
    %c0_i32 = arith.constant 0 : i32
    %c0_i32_0 = arith.constant 0 : i32
    %c0_i32_1 = arith.constant 0 : i32
    return %c0_i32, %c0_i32_0 : i32, i32
  }
  func.func @transform_5(%arg0: i32) -> (i32, i32) {
    %c0_i32 = arith.constant 0 : i32
    %c0_i32_0 = arith.constant 0 : i32
    %c0_i32_1 = arith.constant 0 : i32
    return %c0_i32, %c0_i32_0 : i32, i32
  }
  func.func @transform_6(%arg0: i32) -> (i32, i32) {
    %c0_i32 = arith.constant 0 : i32
    %c0_i32_0 = arith.constant 0 : i32
    %c0_i32_1 = arith.constant 0 : i32
    return %c0_i32, %c0_i32_0 : i32, i32
  }
  func.func @transform_7(%arg0: i32) -> (i32, i32) {
    %c0_i32 = arith.constant 0 : i32
    %c0_i32_0 = arith.constant 0 : i32
    %c0_i32_1 = arith.constant 0 : i32
    return %c0_i32, %c0_i32_0 : i32, i32
  }
  func.func @transform_8(%arg0: i32) -> (i32, i32) {
    %c0_i32 = arith.constant 0 : i32
    %c0_i32_0 = arith.constant 0 : i32
    %c0_i32_1 = arith.constant 0 : i32
    return %c0_i32, %c0_i32_0 : i32, i32
  }
  func.func @transform_9(%arg0: i32) -> (i32, i32) {
    %c0_i32 = arith.constant 0 : i32
    %c0_i32_0 = arith.constant 0 : i32
    %c0_i32_1 = arith.constant 0 : i32
    return %c0_i32, %c0_i32_0 : i32, i32
  }
  func.func @transform_10(%arg0: i32) -> (i32, i32) {
    %c0_i32 = arith.constant 0 : i32
    %c0_i32_0 = arith.constant 0 : i32
    %c0_i32_1 = arith.constant 0 : i32
    return %c0_i32, %c0_i32_0 : i32, i32
  }
  func.func @transform_11(%arg0: i32) -> (i32, i32) {
    %c0_i32 = arith.constant 0 : i32
    %c0_i32_0 = arith.constant 0 : i32
    %c0_i32_1 = arith.constant 0 : i32
    return %c0_i32, %c0_i32_0 : i32, i32
  }
  func.func @transform_12(%arg0: i32) -> (i32, i32) {
    %c0_i32 = arith.constant 0 : i32
    %c0_i32_0 = arith.constant 0 : i32
    return %arg0, %c0_i32 : i32, i32
  }
}

</mosaic_0001>

<sc_bundles>
// kernel: kernel.4.cloned.1.call-start
scs
__scs_entry_jumppad:
0x0: {  	(pc) =	sbr.rel $0x88, $3  }
0x1: {  	(tag) =	ssettag $0x0;
	lr =	simm.s32 $0x1  }
0x2: {  	[smem:$0x3F93] =	sst lr;
	_ =	strace $0xD0000000  }
0x3: {  	_ = 	snop  }
0x4: {  	_ = 	snop  }
0x5: {  	_ = 	snop  }
0x6: {  	_ = 	snop  }
0x7: {  	_ = 	snop  }
__scs_overlays_trampoline_lowered:
0x8: {  	[smem:$0x3FA2] =	sst s0  }
0x9: {  	[smem:$0x3FA3] =	sst s1  }
0xa: {  	[smem:$0x3FA4] =	sst s2  }
0xb: {  	[smem:$0x3FA5] =	sst s3  }
0xc: {  	[smem:$0x3FA6] =	sst s4  }
0xd: {  	[smem:$0x3FA7] =	sst s5  }
0xe: {  	[smem:$0x3FA8] =	sst s6  }
0xf: {  	[smem:$0x3FA9] =	sst s7  }
0x10: {  	[smem:$0x3FAA] =	sst s8  }
0x11: {  	[smem:$0x3FAB] =	sst s9;
	s0 =	simm.s32 @!p0 $0x0  }
0x12: {  	s1 =	sld [smem:$0x3F91];
	s0 =	simm.s32 @p0 $0x1  }
0x13: {  	[smem:$0x3FAC] =	sst s0;
	s0 =	simm.s32 @!p1 $0x0  }
0x14: {  	s2 =	sld [smem:$0x3F90];
	s0 =	simm.s32 @p1 $0x1  }
0x15: {  	[smem:$0x3FAD] =	sst s0;
	s0 =	simm.s32 @!p2 $0x0  }
0x16: {  	s3 =	sld [smem:$0x3FDB];
	s0 =	simm.s32 @p2 $0x1  }
0x17: {  	s4 =	simm.s32 $0x1BF5;
	[smem:$0x3FAF] =	sst s0  }
0x18: {  	s0 =	sld [smem:$0x3F92];
	_ =	swait.ge [sflag:s4], $0x0  }
0x19: {  	s7 =	sld [smem:$0x3F93]  }
0x1a: {  	s8 =	sadd.s32 $0xFFFFE003, lr  }
0x1b: {  	s9 =	sadd.s32 $0xFFFFFEF7, lr;
	s5 =	simm.s32 $0xFFFFFFFF;
	p2 =	slt.u32 s8, $0xFFFFF086  }
0x1c: {  	p1 =	slt.u32 s9, $0xF7A;
	s5 =	simm.s32 @!p2 $0x0  }
0x1d: {  	s5 =	simm.s32 @p1 $0x1;
	p0 =	seq.s32 s7, s2  }
0x1e: {  	s7 =	smul.u32 @!p0 $0xF7A, s2;
	p2 =	seq.s32 @!p0 s5, $0x0  }
0x1f: {  	s9 =	smul.u32 $0xF7A, s1;
	s8 =	simm.s32 @!p0 $0x1BF5;
	p2 =	por !p2, p0  }
0x20: {  	[sflag:s8] =	ssyncset.s32 @!p0 $0xFFFFF086;
	s6 =	sadd.s32 @!p0 s3, s7;
	s7 =	simm.s32 @!p0 $0x108  }
0x21: {  	s3 =	sadd.s32 s3, s9;
	s6 =	sadd.s32 @!p0 $0x88, s6;
	s7 =	simm.s32 @p2 $0x1082  }
0x22: {  	[simem:s7], [sflag:s8] =	dma.local @!p0 [hbm:s6], $0xF7A  }
0x23: {  	s9 =	sor.u32 $0xD0000000, s2;
	s6 =	simm.s32 $0x108;
	_ =	swait.ge @!p0 [sflag:s8], $0x0  }
0x24: {  	s3 =	sadd.s32 $0x88, s3;
	s6 =	simm.s32 @!p1 $0x1082;
	[sflag:s4] =	ssyncset.s32 $0xFFFFF086  }
0x25: {  	[simem:s6], [sflag:s4] =	dma.local [hbm:s3], $0xF7A  }
0x26: {  	[smem:$0x3F93] =	sst s1;
	(tag) =	ssettag s2;
	_ =	strace s9  }
0x27: {  	s1 =	sld [smem:$0x3FA3]  }
0x28: {  	s2 =	sld [smem:$0x3FA4]  }
0x29: {  	s4 =	sld [smem:$0x3FA6]  }
0x2a: {  	p0 =	seq.s32 s5, $0x0;
	s5 =	sld [smem:$0x3FA7]  }
0x2b: {  	s6 =	sld [smem:$0x3FA8]  }
0x2c: {  	s7 =	sld [smem:$0x3FA9]  }
0x2d: {  	s3 =	simm.s32 $0x108;
	s8 =	sld [smem:$0x3FAA]  }
0x2e: {  	s3 =	simm.s32 @!p0 $0x1082;
	s9 =	sld [smem:$0x3FAB]  }
0x2f: {  	lr =	sadd.s32 s0, s3;
	s0 =	sld [smem:$0x3FA2]  }
0x30: {  	s3 =	sld [smem:$0x3FA5]  }
0x31: {  	[smem:$0x3FAE] =	sst s10  }
0x32: {  	s10 =	sld [smem:$0x3FAC];
	_ =	sdelay $0x3  }
0x33: {  	p0 =	seq.s32 s10, $0x1;
	s10 =	sld [smem:$0x3FAE];
	_ =	sdelay $0x3  }
0x34: {  	[smem:$0x3FAE] =	sst s10  }
0x35: {  	s10 =	sld [smem:$0x3FAD];
	_ =	sdelay $0x3  }
0x36: {  	p1 =	seq.s32 s10, $0x1;
	s10 =	sld [smem:$0x3FAE];
	_ =	sdelay $0x3  }
0x37: {  	[smem:$0x3FAE] =	sst s10  }
0x38: {  	s10 =	sld [smem:$0x3FAF]  }
0x39: {  	_ = 	snop;
	(pc) =	sbr.ind lr, $3  }
0x3a: {  	_ = 	snop  }
0x3b: {  	_ = 	snop  }
0x3c: {  	p2 =	seq.s32 s10, $0x1;
	s10 =	sld [smem:$0x3FAE]  }
0x3d: {  	_ =	shalt  }
0x3e: {  	_ =	shalt  }
0x3f: {  	_ =	shalt  }
0x40: {  	_ =	shalt  }
0x41: {  	_ =	shalt  }
0x42: {  	_ =	shalt  }
0x43: {  	_ =	shalt  }
0x44: {  	_ =	shalt  }
0x45: {  	_ =	shalt  }
0x46: {  	_ =	shalt  }
0x47: {  	_ =	shalt  }
0x48: {  	_ =	shalt  }
0x49: {  	_ =	shalt  }
0x4a: {  	_ =	shalt  }
0x4b: {  	_ =	shalt  }
0x4c: {  	_ =	shalt  }
0x4d: {  	_ =	shalt  }
0x4e: {  	_ =	shalt  }
0x4f: {  	_ =	shalt  }
0x50: {  	_ =	shalt  }
0x51: {  	_ =	shalt  }
0x52: {  	_ =	shalt  }
0x53: {  	_ =	shalt  }
0x54: {  	_ =	shalt  }
0x55: {  	_ =	shalt  }
0x56: {  	_ =	shalt  }
0x57: {  	_ =	shalt  }
0x58: {  	_ =	shalt  }
0x59: {  	_ =	shalt  }
0x5a: {  	_ =	shalt  }
0x5b: {  	_ =	shalt  }
0x5c: {  	_ =	shalt  }
0x5d: {  	_ =	shalt  }
0x5e: {  	_ =	shalt  }
0x5f: {  	_ =	shalt  }
0x60: {  	_ =	shalt  }
0x61: {  	_ =	shalt  }
0x62: {  	_ =	shalt  }
0x63: {  	_ =	shalt  }
0x64: {  	_ =	shalt  }
0x65: {  	_ =	shalt  }
0x66: {  	_ =	shalt  }
0x67: {  	_ =	shalt  }
0x68: {  	_ =	shalt  }
0x69: {  	_ =	shalt  }
0x6a: {  	_ =	shalt  }
0x6b: {  	_ =	shalt  }
0x6c: {  	_ =	shalt  }
0x6d: {  	_ =	shalt  }
0x6e: {  	_ =	shalt  }
0x6f: {  	_ =	shalt  }
0x70: {  	_ =	shalt  }
0x71: {  	_ =	shalt  }
0x72: {  	_ =	shalt  }
0x73: {  	_ =	shalt  }
0x74: {  	_ =	shalt  }
0x75: {  	_ =	shalt  }
0x76: {  	_ =	shalt  }
0x77: {  	_ =	shalt  }
0x78: {  	_ =	shalt  }
0x79: {  	_ =	shalt  }
0x7a: {  	_ =	shalt  }
0x7b: {  	_ =	shalt  }
0x7c: {  	_ =	shalt  }
0x7d: {  	_ =	shalt  }
0x7e: {  	_ =	shalt  }
0x7f: {  	_ =	shalt  }
0x80: {  	_ =	shalt  }
0x81: {  	_ =	shalt  }
0x82: {  	_ =	shalt  }
0x83: {  	_ =	shalt  }
0x84: {  	_ =	shalt  }
0x85: {  	_ =	shalt  }
0x86: {  	_ =	shalt  }
0x87: {  	_ =	shalt  }
.Lfunc_end0:
.L_simem_size_0:
called_computation_lowered:
.L_overlay_start_0:
0x88: {  	s2 =	sld [smem:$0x3FD9]  }
0x89: {  	s3 =	sld [smem:$0x3FFE];
	_ =	sdelay $0x1  }
0x8a: {  	s1 =	srdreg.scid  }
0x8b: {  	s0 =	sand.u32 $0x1, s1  }
0x8c: {  	s17 =	sshll.u32 s0, $0xA;
	s2 =	sadd.s32 s3, s2  }
0x8d: {  	s2 =	sadd.s32 s2, s17  }
0x8e: {  	[smem:$0x3FBA] =	sst s2  }
0x8f: {  	_ = 	snop  }
0x90: {  	s2 =	sld [smem:$0x3FC7]  }
0x91: {  	s18 =	sld [smem:$0x3FC6]  }
0x92: {  	s4 =	sld [smem:$0x3FD0];
	(tm) =	ssettm $0x1  }
0x93: {  	s5 =	sld [smem:$0x3FFB];
	_ =	sdelay $0x3  }
0x94: {  	_ =	strace s5  }
0x95: {  	s5 =	sld [smem:$0x3FFC];
	_ =	sdelay $0x3  }
0x96: {  	_ =	strace s5  }
0x97: {  	s5 =	sld [smem:$0x3FFD];
	_ =	sdelay $0x3  }
0x98: {  	_ =	strace s5  }
0x99: {  	_ =	strace $0x8FFFFFFF  }
0x9a: {  	s19 =	sld [smem:$0x3FDB];
	_ =	sdelay $0x1  }
0x9b: {  	s6 =	simm.s32 $_scs_section_size  }
0x9c: {  	s7 =	simm.s32 $_size__tile_overlayer_lowered;
	s8 =	simm.s32 $_tile_overlayer_lowered  }
0x9d: {  	s22 =	simm.s32 $0x1BFF;
	s21 =	sshll.u32 s8, $0x1;
	s5 =	sadd.s32 s6, s19  }
0x9e: {  	s9 =	simm.s32 $0x0;
	s20 =	sshll.u32 s7, $0x1;
	s7 =	sadd.s32 s21, s5  }
0x9f: {  	[timem:s9], [sflag:s22] =	dma.local [hbm:s7], s20  }
0xa0: {  	_ =	swait.ge [sflag:s22], s20  }
0xa1: {  	s6 =	ssub.s32 $0x0, s20;
	[sflag:s22] =	ssyncset.done $0x0  }
0xa2: {  	[sflag:s22] =	ssyncadd.s32 s6;
	_ =	sdelay $0x1  }
0xa3: {  	s23 =	simm.s32 $0x1B8B  }
0xa4: {  	_ =	swait.ge [sflag:s23], $0x1  }
0xa5: {  	[sflag:s23] =	ssyncset.done $0x0  }
0xa6: {  	s25 =	simm.s32 $0x1B8E;
	s24 =	sld [smem:$0x3FFE];
	[sflag:s23] =	ssyncadd.s32 $0xFFFFFFFF  }
0xa7: {  	s26 =	simm.s32 $execute0_lowered;
	[smem:$0x3FD2] =	sst s25  }
0xa8: {  	s7 =	sshll.u32 s26, $0x1;
	_ =	strace $0x80000046;
	[dreg:$0x1] =	wrdreg $0xFFFFFFFF  }
0xa9: {  	s28 =	simm.s32 $_size_execute0_lowered;
	s5 =	sadd.s32 s5, s7;
	[dreg:$0x0] =	wrdreg $0x0  }
0xaa: {  	s7 =	sshll.u32 s28, $0x1;
	[dreg:$0x2] =	wrdreg s5  }
0xab: {  	[dreg:$0x3] =	wrdreg s7  }
0xac: {  	[dreg:$0x4] =	wrdreg $0xC0  }
0xad: {  	_ =	task [dreg:s9], $0x5FFFF  }
0xae: {  	[dreg:$0x1] =	wrdreg $0xFFFFFFFF  }
0xaf: {  	[dreg:$0x0] =	wrdreg $0x60  }
0xb0: {  	[dreg:$0x2] =	wrdreg s4  }
0xb1: {  	[dreg:$0x3] =	wrdreg s24  }
0xb2: {  	[dreg:$0x4] =	wrdreg s2  }
0xb3: {  	[dreg:$0x5] =	wrdreg s18  }
0xb4: {  	[dreg:$0x6] =	wrdreg $0x0  }
0xb5: {  	[dreg:$0x7] =	wrdreg $0x9  }
0xb6: {  	_ =	task.clear_ibuf [dreg:s9], $0x8FFFF;
	_ =	strace $0x90000046  }
0xb7: {  	s29 =	simm.s32 $0x9;
	_ =	strace $0x80000048  }
0xb8: {  	_ =	swait.ge [sflag:s29], $0x1  }
0xb9: {  	[sflag:s29] =	ssyncadd.s32 $0xFFFFFFFF  }
0xba: {  	_ =	strace $0x90000048  }
0xbb: {  	_ =	sfence  }
0xbc: {  	s30 =	sld [smem:$0x0];
	_ =	sdelay $0x2  }
0xbd: {  	s31 =	sshll.u32 s1, $0xD;
	s1 =	sshrl.u32 s1, $0x2  }
0xbe: {  	s3 =	sand.u32 $0x4000, s31;
	s1 =	sadd.s32 s1, s30  }
0xbf: {  	s0 =	sor.u32 s3, s0;
	s1 =	sshll.u32 s1, $0x11  }
0xc0: {  	s0 =	sor.u32 s1, s0  }
0xc1: {  	s0 =	sadd.s32 $0x8F2B, s0  }
0xc2: {  	[sflag:s0] =	ssyncadd.remote.s32 $0x1  }
0xc3: {  	_ =	sfence.sel $0xFFFF  }
0xc4: {  	[dreg:$0x0] =	wrdreg $0xFFFFFFFF;
	(pc) =	sbr.abs _section_cstart, $3  }
0xc5: {  	[dreg:$0x1] =	wrdreg $0xFFFFFFFF  }
0xc6: {  	_ =	task.clear_ibuf [dreg:s9], $0x2FFFF;
	_ =	strace $0x9FFFFFFF  }
0xc7: {  	(tm) =	ssettm $0x7FFFFFFF  }
tec
execute0_lowered:
.L_overlay_start_1:
0x0: {  	(tag) =	ssettag $0x1  }
0x1: {  	s0 =	rddreg [dreg:$0x0]  }
0x2: {  	s1 =	rddreg [dreg:$0x1]  }
0x3: {  	s6 =	rddreg [dreg:$0x2]  }
0x4: {  	s7 =	rddreg [dreg:$0x3];
	s8 =	stileid.u32  }
0x5: {  	s2 =	rddreg [dreg:$0x4];
	s3 =	simm.s32 $0x0;
	s9 =	smul.u32 $0x271, s8  }
0x6: {  	s5 =	srdreg.scid;
	s28 =	simm.s32 $0x3;
	s17 =	smul.u32 $0x75400, s8  }
0x7: {  	s29 =	simm.s32 $0x1D500;
	s30 =	simm.s32 $0x1D700;
	s23 =	smul.u32 $0x7500, s8  }
0x8: {  	s31 =	simm.s32 $0x1D900;
	[smem:$0x7FF] =	sst s3;
	s18 =	smul.u32 $0x75000, s8  }
0x9: {  	s4 =	sadd.s32 $0x15000, s1;
	s12 =	sand.u32 $0x1, s5;
	s24 =	smul.u32 $0x27200, s8  }
0xa: {  	s5 =	sadd.s32 $0x28A00, s1;
	s15 =	sadd.s32 $0x2C600, s1;
	s26 =	smul.u32 $0x13800, s8  }
0xb: {  	s21 =	sadd.s32 $0xA1600, s1;
	s22 =	smul.u32 $0x27000, s8;
	s19 =	sadd.s32 $0x1D4000, s2  }
0xc: {  	p2 =	sne.s32 s8, $0x0;
	p3 =	seq.s32 s8, $0x0;
	_ =	strace $0x80000047  }
0xd: {  	s14 =	ssub.s32 $0x2, s12;
	p0 =	seq.s32 s12, $0x1;
	[dreg:$0x8] =	wrdreg s21  }
0xe: {  	[dreg:$0x9] =	wrdreg s19;
	s10 =	sshrl.u32 s9, $0x4;
	s16 =	sshrl.u32 s14, $0x1  }
0xf: {  	s9 =	sadd.s32 $0x271, s9;
	s17 =	sshrl.u32 s17, $0x2;
	s20 =	sadd.s32 s15, s23  }
0x10: {  	s25 =	sshrl.u32 s18, $0x2;
	s18 =	sshrl.u32 s26, $0x3;
	s26 =	sadd.s32 $0xA1608, s1  }
0x11: {  	s11 =	sshll.u32 s10, $0x6;
	s14 =	ssub.s32 s14, s16;
	s9 =	sshrl.u32 s9, $0x4  }
0x12: {  	s12 =	sadd.s32 s17, s2;
	s16 =	sadd.s32 s25, s2;
	s17 =	sshrl.u32 s24, $0x2  }
0x13: {  	s15 =	sadd.s32 s15, s18;
	s24 =	sadd.s32 $0xC8900, s1;
	[dreg:$0xe] =	wrdreg s26  }
0x14: {  	s25 =	sadd.s32 $0x9C000, s2;
	s18 =	sshll.u32 s8, $0x6;
	[dreg:$0x6] =	wrdreg s20  }
0x15: {  	s26 =	sadd.s32 $0x8, s20;
	s8 =	simm.s32 $0x1DD00;
	s13 =	sadd.s32 s11, s1  }
0x16: {  	[dreg:$0x7] =	wrdreg s16;
	s17 =	sadd.s32 s17, s2;
	s16 =	sshrl.u32 s22, $0x2  }
0x17: {  	s23 =	sadd.s32 $0x75300, s15;
	[dreg:$0xd] =	wrdreg s24;
	p1 =	sle.u32 s9, s10  }
0x18: {  	s9 =	ssub.s32 s9, s10;
	s15 =	sadd.s32 $0x75308, s15;
	[dreg:$0x16] =	wrdreg s26  }
0x19: {  	s1 =	sadd.s32 $0xC8908, s1;
	s19 =	sadd.s32 s11, s6;
	[dreg:$0xa] =	wrdreg s17  }
0x1a: {  	s21 =	smax.u32 s14, $0x1;
	s25 =	sshrl.u32 s25, $0x3;
	[dreg:$0xb] =	wrdreg s23  }
0x1b: {  	s26 =	simm.s32 $0x1DC00;
	s6 =	simm.s32 $0x1D680;
	[dreg:$0xf] =	wrdreg s15  }
0x1c: {  	s10 =	simm.s32 $0x8;
	s16 =	sadd.s32 s16, s2;
	[dreg:$0x10] =	wrdreg s1  }
0x1d: {  	s17 =	sadd.s32 s11, s7;
	[dreg:$0x12] =	wrdreg s21;
	s21 =	sor.u32 $0x1C03, s18  }
0x1e: {  	s24 =	sadd.s32 $0x1400, s13;
	s22 =	sadd.s32 $0xB200, s13;
	s23 =	sshrl.u32 s12, $0x3  }
.Ltmp0:
0x1f: {  	[dreg:$0x15] =	wrdreg s25;
	s1 =	simm.s32 $0x1;
	(pc) =	sbr.rel .LBB2_1-.Ltmp0, $4  }
0x20: {  	s25 =	simm.s32 $0x80;
	s11 =	simm.s32 $0x2;
	[dreg:$0xc] =	wrdreg s16  }
0x21: {  	s15 =	simm.s32 $0x1DB00;
	s13 =	simm.s32 $0x1DB80;
	[dreg:$0x11] =	wrdreg s17  }
0x22: {  	s7 =	simm.s32 $0x1DC80;
	s12 =	simm.s32 $0x0;
	[dreg:$0x13] =	wrdreg s22  }
0x23: {  	[dreg:$0x14] =	wrdreg s23;
	s16 =	simm.s32 $0x1D580;
	s17 =	simm.s32 $0x1D600  }
.LBB2_12:
0x24: {  	s18 =	rddreg [dreg:$0x15];
	s20 =	simm.s32 $0x10  }
0x25: {  	[hbm:s14@s20], [sflag:s21] =	dma.strided [spmem:s18@s10], $0x80, s1, $0x8   }
0x26: {  	_ =	swait.ge [sflag:s28], $0x80  }
0x27: {  	[sflag:s28] =	ssyncset.done $0x0  }
0x28: {  	[sflag:s28] =	ssyncadd.s32 $0xFFFFFF80  }
.LBB2_13:
0x29: {  	s12 =	sadd.s32 $0x1, s12;
	s14 =	rddreg [dreg:$0x12]  }
0x2a: {  	p4 =	sne.s32 s12, s14  }
.Ltmp1:
0x2b: {  	_ = 	snop;
	(pc) =	sbr.rel @!p4 .LBB2_14-.Ltmp1, $2  }
0x2c: {  	_ =	sdelay $0x1  }
0x2d: {  	[bflag:$0x0] =	sbarrier.arrive $0xFFFF;
	_ =	sdelay $0x1  }
.LBB2_1:
0x2e: {  	s14 =	rddreg [dreg:$0x14]  }
0x2f: {  	[spmem:s14], [sflag:s21] =	dma.local [hbm:s5], $0x3AA0  }
0x30: {  	_ =	swait.ge [sflag:s28], $0x3AA0  }
.Ltmp2:
0x31: {  	[sflag:s28] =	ssyncset.done $0x0;
	(pc) =	sbr.rel @!p0 .LBB2_2-.Ltmp2, $4  }
0x32: {  	[sflag:s28] =	ssyncadd.s32 $0xFFFFC560  }
0x33: {  	[bflag:$0x0] =	sbarrier.arrive $0xFFFF  }
0x34: {  	s14 =	rddreg [dreg:$0x9]  }
0x35: {  	s20 =	sshrl.u32 @!p2 s14, $0x3  }
.Ltmp3:
0x36: {  	(pc) =	sbr.rel @p1 .LBB2_9-.Ltmp3, $3  }
0x37: {  	_ =	sdelay $0x1  }
0x38: {  	s23 =	rddreg [dreg:$0x13]  }
0x39: {  	s18 =	smov.u32 s19;
	s22 =	smov.u32 s24;
	s14 =	smov.u32 s9  }
.LBB2_8:
0x3a: {  	[tilespmem:s29], [sflag:$0x1] =	stream.linear.gather [hbm4b:s23+s3], $0x200, $0x38;
	[tilespmem:$0x1FD00] =	vst v63  }
0x3b: {  	_ = 	snop  }
0x3c: {  	[tilespmem:s30], [sflag:$0x1] =	stream.linear.gather [hbm4b:s18+s3], $0x200, $0x38;
	[tilespmem:$0x1FD00] =	vst v63  }
0x3d: {  	_ = 	snop  }
0x3e: {  	[tilespmem:s31], [sflag:$0x1] =	stream.linear.gather [hbm4b:s22+s3], $0x200, $0x38;
	[tilespmem:$0x1FD00] =	vst v63  }
0x3f: {  	_ =	swait.ge [sflag:s1], $0x200  }
0x40: {  	[sflag:s1] =	ssyncset.done $0x0  }
0x41: {  	[sflag:s1] =	ssyncadd.s32 $0xFFFFFE00  }
0x42: {  	_ =	swait.ge [sflag:s1], $0x200  }
0x43: {  	[sflag:s1] =	ssyncset.done $0x0  }
0x44: {  	[sflag:s1] =	ssyncadd.s32 $0xFFFFFE00  }
0x45: {  	_ =	swait.ge [sflag:s1], $0x200  }
0x46: {  	[sflag:s1] =	ssyncset.done $0x0  }
0x47: {  	[sflag:s1] =	ssyncadd.s32 $0xFFFFFE00  }
0x48: {  	v0 =	vld [tilespmem:$0x1D700]  }
0x49: {  	v1 =	vld [tilespmem:$0x1D900]  }
0x4a: {  	v2 =	vld [tilespmem:$0x1D710]  }
0x4b: {  	v3 =	vld [tilespmem:$0x1D910]  }
0x4c: {  	v4 =	vld [tilespmem:$0x1D720]  }
0x4d: {  	v5 =	vld [tilespmem:$0x1D920]  }
0x4e: {  	v6 =	vld [tilespmem:$0x1D730]  }
0x4f: {  	v7 =	vld [tilespmem:$0x1D930]  }
0x50: {  	v8 =	vld [tilespmem:$0x1D740]  }
0x51: {  	v9 =	vld [tilespmem:$0x1D940]  }
0x52: {  	v10 =	vld [tilespmem:$0x1D750]  }
0x53: {  	v11 =	vld [tilespmem:$0x1D950]  }
0x54: {  	v12 =	vld [tilespmem:$0x1D760]  }
0x55: {  	v13 =	vld [tilespmem:$0x1D960]  }
0x56: {  	v14 =	vld [tilespmem:$0x1D770]  }
0x57: {  	v15 =	vld [tilespmem:$0x1D970]  }
0x58: {  	v16 =	vld [tilespmem:$0x1D780]  }
0x59: {  	v17 =	vld [tilespmem:$0x1D980]  }
0x5a: {  	v18 =	vld [tilespmem:$0x1D790]  }
0x5b: {  	v19 =	vld [tilespmem:$0x1D990]  }
0x5c: {  	v20 =	vld [tilespmem:$0x1D7A0]  }
0x5d: {  	v21 =	vld [tilespmem:$0x1D9A0]  }
0x5e: {  	v22 =	vld [tilespmem:$0x1D7B0]  }
0x5f: {  	v23 =	vld [tilespmem:$0x1D9B0]  }
0x60: {  	v24 =	vld [tilespmem:$0x1D7C0]  }
0x61: {  	v25 =	vld [tilespmem:$0x1D9C0]  }
0x62: {  	v26 =	vld [tilespmem:$0x1D7D0]  }
0x63: {  	v27 =	vld [tilespmem:$0x1D9D0]  }
0x64: {  	v28 =	vld [tilespmem:$0x1D7E0]  }
0x65: {  	v29 =	vld [tilespmem:$0x1D9E0]  }
0x66: {  	v30 =	vld [tilespmem:$0x1D7F0]  }
0x67: {  	v31 =	vld [tilespmem:$0x1D9F0]  }
0x68: {  	v32 =	vld [tilespmem:$0x1D800]  }
0x69: {  	v33 =	vld [tilespmem:$0x1DA00]  }
0x6a: {  	v34 =	vld [tilespmem:$0x1D810]  }
0x6b: {  	v35 =	vld [tilespmem:$0x1DA10];
	v0 =	vmul.u32 $0x2710, v0  }
0x6c: {  	v36 =	vld [tilespmem:$0x1D820];
	v2 =	vmul.u32 $0x2710, v2  }
0x6d: {  	v38 =	vld [tilespmem:$0x1DA50];
	v54 =	vmul.u32 $0x2710, v4;
	v0 =	vadd.s32 v0, v1  }
0x6e: {  	v41 =	vld [tilespmem:$0x1D860];
	v56 =	vmul.u32 $0x2710, v6;
	v55 =	vadd.s32 v2, v3;
	[tilespmem:$0x1DB00] =	vst v0  }
0x6f: {  	v44 =	vld [tilespmem:$0x1DA60];
	v58 =	vmul.u32 $0x2710, v8;
	v57 =	vadd.s32 v54, v5;
	[tilespmem:$0x1DB10] =	vst v55  }
0x70: {  	v47 =	vld [tilespmem:$0x1D870];
	v60 =	vmul.u32 $0x2710, v10;
	v59 =	vadd.s32 v56, v7;
	[tilespmem:$0x1DB20] =	vst v57  }
0x71: {  	v50 =	vld [tilespmem:$0x1DA70];
	v62 =	vmul.u32 $0x2710, v12;
	v61 =	vadd.s32 v58, v9;
	[tilespmem:$0x1DB30] =	vst v59  }
0x72: {  	v53 =	vld [tilespmem:$0x1D880];
	v12 =	vmul.u32 $0x2710, v14;
	v63 =	vadd.s32 v60, v11;
	[tilespmem:$0x1DB40] =	vst v61  }
0x73: {  	v4 =	vld [tilespmem:$0x1DA20];
	v37 =	vmul.u32 $0x2710, v16;
	v14 =	vadd.s32 v62, v13;
	[tilespmem:$0x1DB50] =	vst v63  }
0x74: {  	v6 =	vld [tilespmem:$0x1D840];
	v40 =	vmul.u32 $0x2710, v18;
	v39 =	vadd.s32 v12, v15;
	[tilespmem:$0x1DB60] =	vst v14  }
0x75: {  	v8 =	vld [tilespmem:$0x1D850];
	v43 =	vmul.u32 $0x2710, v20;
	v42 =	vadd.s32 v37, v17;
	[tilespmem:$0x1DB70] =	vst v39  }
0x76: {  	v46 =	vmul.u32 $0x2710, v22;
	v22 =	vld [tilespmem:$0x1D8A0];
	v45 =	vadd.s32 v40, v19;
	[tilespmem:$0x1DB80] =	vst v42  }
0x77: {  	v49 =	vmul.u32 $0x2710, v24;
	v3 =	vld [tilespmem:$0x1D830];
	v48 =	vadd.s32 v43, v21;
	[tilespmem:$0x1DB90] =	vst v45  }
0x78: {  	v24 =	vmul.u32 $0x2710, v36;
	v36 =	vmul.u32 $0x2710, v41;
	v5 =	vld [tilespmem:$0x1DA30];
	v51 =	vadd.s32 v46, v23;
	[tilespmem:$0x1DBA0] =	vst v48  }
0x79: {  	v52 =	vmul.u32 $0x2710, v26;
	v7 =	vld [tilespmem:$0x1DA40];
	v54 =	vadd.s32 v49, v25;
	[tilespmem:$0x1DBB0] =	vst v51  }
0x7a: {  	v56 =	vld [tilespmem:$0x1DA80];
	v58 =	vmul.u32 $0x2710, v30;
	v41 =	vadd.s32 v36, v44;
	[tilespmem:$0x1DBC0] =	vst v54  }
0x7b: {  	v62 =	vld [tilespmem:$0x1DA90];
	v21 =	vmul.u32 $0x2710, v34;
	v57 =	vadd.s32 v52, v27;
	[tilespmem:$0x1DC60] =	vst v41  }
0x7c: {  	v25 =	vld [tilespmem:$0x1DAA0];
	v55 =	vmul.u32 $0x2710, v28;
	[tilespmem:$0x1DBD0] =	vst v57;
	v63 =	vadd.s32 v58, v31  }
0x7d: {  	v34 =	vld [tilespmem:$0x1D8C0];
	v61 =	vmul.u32 $0x2710, v32;
	v26 =	vadd.s32 v21, v35;
	[tilespmem:$0x1DBF0] =	vst v63  }
0x7e: {  	v37 =	vld [tilespmem:$0x1DAC0];
	v60 =	vadd.s32 v55, v29;
	[tilespmem:$0x1DC10] =	vst v26  }
0x7f: {  	v40 =	vld [tilespmem:$0x1D8D0];
	v39 =	vmul.u32 $0x2710, v47;
	v23 =	vadd.s32 v61, v33;
	[tilespmem:$0x1DBE0] =	vst v60  }
0x80: {  	v43 =	vld [tilespmem:$0x1DAD0];
	v29 =	vadd.s32 v24, v4;
	v30 =	vmul.u32 $0x2710, v6;
	[tilespmem:$0x1DC00] =	vst v23  }
0x81: {  	v46 =	vld [tilespmem:$0x1D8E0];
	v33 =	vmul.u32 $0x2710, v8;
	v44 =	vadd.s32 v39, v50;
	[tilespmem:$0x1DC20] =	vst v29  }
0x82: {  	v59 =	vld [tilespmem:$0x1D890];
	v42 =	vmul.u32 $0x2710, v53;
	[tilespmem:$0x1DC70] =	vst v44;
	v35 =	vadd.s32 v30, v7  }
0x83: {  	v28 =	vld [tilespmem:$0x1D8B0];
	v48 =	vmul.u32 $0x2710, v22;
	v38 =	vadd.s32 v33, v38;
	[tilespmem:$0x1DC40] =	vst v35  }
0x84: {  	v49 =	vld [tilespmem:$0x1D8F0];
	v27 =	vmul.u32 $0x2710, v3;
	v47 =	vadd.s32 v42, v56;
	[tilespmem:$0x1DC50] =	vst v38  }
0x85: {  	v31 =	vld [tilespmem:$0x1DAB0];
	v53 =	vadd.s32 v48, v25;
	v54 =	vmul.u32 $0x2710, v34;
	[tilespmem:$0x1DC80] =	vst v47  }
0x86: {  	v52 =	vld [tilespmem:$0x1DAE0];
	v57 =	vmul.u32 $0x2710, v40;
	[tilespmem:$0x1DCA0] =	vst v53;
	v32 =	vadd.s32 v27, v5  }
0x87: {  	v55 =	vld [tilespmem:$0x1DAF0];
	v45 =	vmul.u32 $0x2710, v59;
	v58 =	vadd.s32 v54, v37;
	[tilespmem:$0x1DC30] =	vst v32  }
0x88: {  	v51 =	vmul.u32 $0x2710, v28;
	v60 =	vadd.s32 v57, v43;
	[tilespmem:$0x1DCC0] =	vst v58  }
0x89: {  	v59 =	vmul.u32 $0x2710, v46;
	v50 =	vadd.s32 v45, v62;
	[tilespmem:$0x1DCD0] =	vst v60  }
0x8a: {  	v61 =	vmul.u32 $0x2710, v49;
	v56 =	vadd.s32 v51, v31;
	[tilespmem:$0x1DC90] =	vst v50  }
0x8b: {  	v62 =	vadd.s32 v59, v52;
	[tilespmem:$0x1DCB0] =	vst v56  }
0x8c: {  	v63 =	vadd.s32 v61, v55;
	[tilespmem:$0x1DCE0] =	vst v62  }
0x8d: {  	[tilespmem:$0x1DCF0] =	vst v63  }
0x8e: {  	[tilespmem:s8], [sflag:$0x2] =	stream.indirect.gather [hbm4b:s4+s25], $0x40, s29, s25, $0xb8;
	[tilespmem:$0x1FD00] =	vst v63  }
0x8f: {  	_ =	swait.ge [sflag:s11], $0x2000  }
0x90: {  	[sflag:s11] =	ssyncset.done $0x0  }
0x91: {  	[sflag:s11] =	ssyncadd.s32 $0xFFFFE000  }
0x92: {  	[spmem:s2] =	stream.indirect.scatter.add.f32 [tilespmem:s8], [sflag:$0x3], $0x40, s15, s25, $0xb8;
	[tilespmem:$0x1FD00] =	vst v63  }
0x93: {  	_ =	swait.ge [sflag:s28], $0x2000  }
0x94: {  	[sflag:s28] =	ssyncset.done $0x0  }
0x95: {  	[sflag:s28] =	ssyncadd.s32 $0xFFFFE000  }
0x96: {  	[tilespmem:s8], [sflag:$0x2] =	stream.indirect.gather [hbm4b:s4+s25], $0x40, s16, s25, $0xb8;
	[tilespmem:$0x1FD00] =	vst v63  }
0x97: {  	_ =	swait.ge [sflag:s11], $0x2000  }
0x98: {  	[sflag:s11] =	ssyncset.done $0x0  }
0x99: {  	[sflag:s11] =	ssyncadd.s32 $0xFFFFE000  }
0x9a: {  	[spmem:s2] =	stream.indirect.scatter.add.f32 [tilespmem:s8], [sflag:$0x3], $0x40, s13, s25, $0xb8;
	[tilespmem:$0x1FD00] =	vst v63  }
0x9b: {  	_ =	swait.ge [sflag:s28], $0x2000  }
0x9c: {  	[sflag:s28] =	ssyncset.done $0x0  }
0x9d: {  	[sflag:s28] =	ssyncadd.s32 $0xFFFFE000  }
0x9e: {  	[tilespmem:s8], [sflag:$0x2] =	stream.indirect.gather [hbm4b:s4+s25], $0x40, s17, s25, $0xb8;
	[tilespmem:$0x1FD00] =	vst v63  }
0x9f: {  	_ =	swait.ge [sflag:s11], $0x2000  }
0xa0: {  	[sflag:s11] =	ssyncset.done $0x0  }
0xa1: {  	[sflag:s11] =	ssyncadd.s32 $0xFFFFE000  }
0xa2: {  	[spmem:s2] =	stream.indirect.scatter.add.f32 [tilespmem:s8], [sflag:$0x3], $0x40, s26, s25, $0xb8;
	[tilespmem:$0x1FD00] =	vst v63  }
0xa3: {  	_ =	swait.ge [sflag:s28], $0x2000  }
0xa4: {  	[sflag:s28] =	ssyncset.done $0x0  }
0xa5: {  	[sflag:s28] =	ssyncadd.s32 $0xFFFFE000  }
0xa6: {  	[tilespmem:s8], [sflag:$0x2] =	stream.indirect.gather [hbm4b:s4+s25], $0x40, s6, s25, $0xb8;
	[tilespmem:$0x1FD00] =	vst v63  }
0xa7: {  	_ =	swait.ge [sflag:s11], $0x2000  }
0xa8: {  	p4 =	sne.s32 s14, $0x1;
	[sflag:s11] =	ssyncset.done $0x0  }
.Ltmp4:
0xa9: {  	[sflag:s11] =	ssyncadd.s32 $0xFFFFE000;
	(pc) =	sbr.rel @p4 .LBB2_8-.Ltmp4, $4  }
0xaa: {  	[spmem:s2] =	stream.indirect.scatter.add.f32 [tilespmem:s8], [sflag:$0x3], $0x40, s7, s25, $0xb8;
	[tilespmem:$0x1FD00] =	vst v63  }
0xab: {  	_ =	swait.ge [sflag:s28], $0x2000  }
0xac: {  	s23 =	sadd.s32 $0x40, s23;
	s14 =	sadd.s32 $0xFFFFFFFF, s14;
	[sflag:s28] =	ssyncset.done $0x0  }
0xad: {  	s18 =	sadd.s32 $0x40, s18;
	s22 =	sadd.s32 $0x40, s22;
	[sflag:s28] =	ssyncadd.s32 $0xFFFFE000  }
.LBB2_9:
0xae: {  	[bflag:$0x0] =	sbarrier.arrive $0xFFFF  }
0xaf: {  	s14 =	rddreg [dreg:$0x7]  }
0xb0: {  	s22 =	simm.s32 $0x10;
	s18 =	rddreg [dreg:$0x16];
	s14 =	sshrl.u32 s14, $0x3  }
0xb1: {  	[hbm:s18@s22], [sflag:s21] =	dma.strided [spmem:s14@s10], $0x3A80, s1, $0x8   }
0xb2: {  	_ =	swait.ge [sflag:s28], $0x3A80  }
0xb3: {  	s14 =	simm.s32 @!p2 $0x1;
	s18 =	simm.s32 @!p2 $0x10;
	[sflag:s28] =	ssyncset.done $0x0  }
0xb4: {  	s22 =	simm.s32 @!p2 $0x8;
	s23 =	rddreg [dreg:$0xe];
	[sflag:s28] =	ssyncadd.s32 $0xFFFFC580  }
0xb5: {  	[hbm:s23@s18], [sflag:s21] =	dma.strided @!p2 [spmem:s20@s22], $0x180, s14, $0x8   }
0xb6: {  	s14 =	simm.s32 @!p2 $0x3  }
0xb7: {  	_ =	swait.ge @!p2 [sflag:s14], $0x180  }
0xb8: {  	[sflag:s14] =	ssyncset.done @!p2 $0x0  }
0xb9: {  	[sflag:s14] =	ssyncadd.s32 @!p2 $0xFFFFFE80  }
0xba: {  	[bflag:$0x0] =	sbarrier.arrive $0xFFFF  }
0xbb: {  	s23 =	rddreg [dreg:$0xa]  }
0xbc: {  	s14 =	sshrl.u32 s23, $0x3  }
0xbd: {  	[spmem:s14], [sflag:s21] =	dma.local [hbm:s5], $0x1390  }
.Ltmp5:
0xbe: {  	_ =	swait.ge [sflag:s28], $0x1390;
	(pc) =	sbr.rel @p1 .LBB2_11-.Ltmp5, $4  }
0xbf: {  	[sflag:s28] =	ssyncset.done $0x0  }
0xc0: {  	[sflag:s28] =	ssyncadd.s32 $0xFFFFEC70  }
0xc1: {  	s18 =	smov.u32 s19;
	[bflag:$0x0] =	sbarrier.arrive $0xFFFF  }
0xc2: {  	s22 =	smov.u32 s24;
	s14 =	smov.u32 s9;
	s20 =	rddreg [dreg:$0x11]  }
.LBB2_10:
0xc3: {  	[tilespmem:s29], [sflag:$0x1] =	stream.linear.gather [hbm4b:s20+s3], $0x200, $0x38;
	[tilespmem:$0x1FD00] =	vst v63  }
0xc4: {  	_ = 	snop  }
0xc5: {  	[tilespmem:s30], [sflag:$0x1] =	stream.linear.gather [hbm4b:s18+s3], $0x200, $0x38;
	[tilespmem:$0x1FD00] =	vst v63  }
0xc6: {  	_ = 	snop  }
0xc7: {  	[tilespmem:s31], [sflag:$0x1] =	stream.linear.gather [hbm4b:s22+s3], $0x200, $0x38;
	[tilespmem:$0x1FD00] =	vst v63  }
0xc8: {  	_ =	swait.ge [sflag:s1], $0x200  }
0xc9: {  	[sflag:s1] =	ssyncset.done $0x0  }
0xca: {  	[sflag:s1] =	ssyncadd.s32 $0xFFFFFE00  }
0xcb: {  	_ =	swait.ge [sflag:s1], $0x200  }
0xcc: {  	[sflag:s1] =	ssyncset.done $0x0  }
0xcd: {  	[sflag:s1] =	ssyncadd.s32 $0xFFFFFE00  }
0xce: {  	_ =	swait.ge [sflag:s1], $0x200  }
0xcf: {  	[sflag:s1] =	ssyncset.done $0x0  }
0xd0: {  	[sflag:s1] =	ssyncadd.s32 $0xFFFFFE00  }
0xd1: {  	v0 =	vld [tilespmem:$0x1D700]  }
0xd2: {  	v1 =	vld [tilespmem:$0x1D900]  }
0xd3: {  	v2 =	vld [tilespmem:$0x1D710]  }
0xd4: {  	v3 =	vld [tilespmem:$0x1D910]  }
0xd5: {  	v4 =	vld [tilespmem:$0x1D720]  }
0xd6: {  	v5 =	vld [tilespmem:$0x1D920]  }
0xd7: {  	v6 =	vld [tilespmem:$0x1D730]  }
0xd8: {  	v7 =	vld [tilespmem:$0x1D930]  }
0xd9: {  	v8 =	vld [tilespmem:$0x1D740]  }
0xda: {  	v9 =	vld [tilespmem:$0x1D940]  }
0xdb: {  	v10 =	vld [tilespmem:$0x1D750]  }
0xdc: {  	v11 =	vld [tilespmem:$0x1D950]  }
0xdd: {  	v12 =	vld [tilespmem:$0x1D760]  }
0xde: {  	v13 =	vld [tilespmem:$0x1D960]  }
0xdf: {  	v14 =	vld [tilespmem:$0x1D770]  }
0xe0: {  	v15 =	vld [tilespmem:$0x1D970]  }
0xe1: {  	v16 =	vld [tilespmem:$0x1D780]  }
0xe2: {  	v17 =	vld [tilespmem:$0x1D980]  }
0xe3: {  	v18 =	vld [tilespmem:$0x1D790]  }
0xe4: {  	v19 =	vld [tilespmem:$0x1D990]  }
0xe5: {  	v20 =	vld [tilespmem:$0x1D7A0]  }
0xe6: {  	v21 =	vld [tilespmem:$0x1D9A0]  }
0xe7: {  	v22 =	vld [tilespmem:$0x1D7B0]  }
0xe8: {  	v23 =	vld [tilespmem:$0x1D9B0]  }
0xe9: {  	v24 =	vld [tilespmem:$0x1D7C0]  }
0xea: {  	v25 =	vld [tilespmem:$0x1D9C0]  }
0xeb: {  	v26 =	vld [tilespmem:$0x1D7D0]  }
0xec: {  	v27 =	vld [tilespmem:$0x1D9D0]  }
0xed: {  	v28 =	vld [tilespmem:$0x1D7E0]  }
0xee: {  	v29 =	vld [tilespmem:$0x1D9E0]  }
0xef: {  	v30 =	vld [tilespmem:$0x1D7F0]  }
0xf0: {  	v31 =	vld [tilespmem:$0x1D9F0]  }
0xf1: {  	v32 =	vld [tilespmem:$0x1D800]  }
0xf2: {  	v33 =	vld [tilespmem:$0x1DA00]  }
0xf3: {  	v34 =	vld [tilespmem:$0x1D810]  }
0xf4: {  	v35 =	vld [tilespmem:$0x1DA10]  }
0xf5: {  	v44 =	vld [tilespmem:$0x1D820];
	vm0 =	veq.s32 v0, $0x2  }
0xf6: {  	v45 =	vld [tilespmem:$0x1DA20];
	vm9 =	veq.s32 v2, $0x2;
	v1 =	vnsel vm0, $0x2710, v1  }
0xf7: {  	v47 =	vld [tilespmem:$0x1D830];
	vm10 =	veq.s32 v4, $0x2;
	v46 =	vnsel vm9, $0x2710, v3;
	[tilespmem:$0x1DB00] =	vst v1  }
0xf8: {  	v49 =	vld [tilespmem:$0x1DA30];
	vm11 =	veq.s32 v6, $0x2;
	v48 =	vnsel vm10, $0x2710, v5;
	[tilespmem:$0x1DB10] =	vst v46  }
0xf9: {  	v51 =	vld [tilespmem:$0x1D840];
	vm12 =	veq.s32 v8, $0x2;
	v50 =	vnsel vm11, $0x2710, v7;
	[tilespmem:$0x1DB20] =	vst v48  }
0xfa: {  	v53 =	vld [tilespmem:$0x1DA40];
	vm13 =	veq.s32 v10, $0x2;
	v52 =	vnsel vm12, $0x2710, v9;
	[tilespmem:$0x1DB30] =	vst v50  }
0xfb: {  	v55 =	vld [tilespmem:$0x1D850];
	vm14 =	veq.s32 v12, $0x2;
	v54 =	vnsel vm13, $0x2710, v11;
	[tilespmem:$0x1DB40] =	vst v52  }
0xfc: {  	v57 =	vld [tilespmem:$0x1DA50];
	vm15 =	veq.s32 v14, $0x2;
	v56 =	vnsel vm14, $0x2710, v13;
	[tilespmem:$0x1DB50] =	vst v54  }
0xfd: {  	v59 =	vld [tilespmem:$0x1D860];
	vm4 =	veq.s32 v16, $0x2;
	v58 =	vnsel vm15, $0x2710, v15;
	[tilespmem:$0x1DB60] =	vst v56  }
0xfe: {  	v61 =	vld [tilespmem:$0x1DA60];
	vm5 =	veq.s32 v18, $0x2;
	v60 =	vnsel vm4, $0x2710, v17;
	[tilespmem:$0x1DB70] =	vst v58  }
0xff: {  	v63 =	vld [tilespmem:$0x1D870];
	vm6 =	veq.s32 v20, $0x2;
	v62 =	vnsel vm5, $0x2710, v19;
	[tilespmem:$0x1DB80] =	vst v60  }
0x100: {  	v37 =	vld [tilespmem:$0x1D8A0];
	vm7 =	veq.s32 v22, $0x2;
	v21 =	vnsel vm6, $0x2710, v21;
	[tilespmem:$0x1DB90] =	vst v62  }
0x101: {  	v39 =	vld [tilespmem:$0x1DAA0];
	vm8 =	veq.s32 v24, $0x2;
	v23 =	vnsel vm7, $0x2710, v23;
	[tilespmem:$0x1DBA0] =	vst v21  }
0x102: {  	v41 =	vld [tilespmem:$0x1D8B0];
	v25 =	vnsel vm8, $0x2710, v25;
	vm9 =	veq.s32 v26, $0x2;
	[tilespmem:$0x1DBB0] =	vst v23  }
0x103: {  	v43 =	vld [tilespmem:$0x1DAB0];
	vm10 =	veq.s32 v28, $0x2;
	[tilespmem:$0x1DBC0] =	vst v25;
	v27 =	vnsel vm9, $0x2710, v27  }
0x104: {  	v22 =	vld [tilespmem:$0x1DA70];
	vm11 =	veq.s32 v30, $0x2;
	v29 =	vnsel vm10, $0x2710, v29;
	[tilespmem:$0x1DBD0] =	vst v27  }
0x105: {  	v24 =	vld [tilespmem:$0x1D880];
	vm12 =	veq.s32 v32, $0x2;
	v36 =	vnsel vm11, $0x2710, v31;
	[tilespmem:$0x1DBE0] =	vst v29  }
0x106: {  	v26 =	vld [tilespmem:$0x1DA80];
	vm13 =	veq.s32 v34, $0x2;
	v38 =	vnsel vm12, $0x2710, v33;
	[tilespmem:$0x1DBF0] =	vst v36  }
0x107: {  	v28 =	vld [tilespmem:$0x1D890];
	vm14 =	veq.s32 v44, $0x2;
	v40 =	vnsel vm13, $0x2710, v35;
	[tilespmem:$0x1DC00] =	vst v38  }
0x108: {  	v30 =	vld [tilespmem:$0x1DA90];
	vm15 =	veq.s32 v47, $0x2;
	v42 =	vnsel vm14, $0x2710, v45;
	[tilespmem:$0x1DC10] =	vst v40  }
0x109: {  	vm4 =	veq.s32 v51, $0x2;
	v47 =	vld [tilespmem:$0x1DAC0];
	v44 =	vnsel vm15, $0x2710, v49;
	[tilespmem:$0x1DC20] =	vst v42  }
0x10a: {  	vm5 =	veq.s32 v55, $0x2;
	v51 =	vld [tilespmem:$0x1DAD0];
	v46 =	vnsel vm4, $0x2710, v53;
	[tilespmem:$0x1DC30] =	vst v44  }
0x10b: {  	vm6 =	veq.s32 v59, $0x2;
	v55 =	vld [tilespmem:$0x1DAE0];
	v48 =	vnsel vm5, $0x2710, v57;
	[tilespmem:$0x1DC40] =	vst v46  }
0x10c: {  	v45 =	vld [tilespmem:$0x1D8C0];
	v50 =	vnsel vm6, $0x2710, v61;
	vm10 =	veq.s32 v37, $0x2;
	[tilespmem:$0x1DC50] =	vst v48  }
0x10d: {  	v49 =	vld [tilespmem:$0x1D8D0];
	vm11 =	veq.s32 v41, $0x2;
	[tilespmem:$0x1DC60] =	vst v50;
	v58 =	vnsel vm10, $0x2710, v39  }
0x10e: {  	vm7 =	veq.s32 v63, $0x2;
	v53 =	vld [tilespmem:$0x1D8E0];
	v60 =	vnsel vm11, $0x2710, v43;
	[tilespmem:$0x1DCA0] =	vst v58  }
0x10f: {  	v57 =	vld [tilespmem:$0x1D8F0];
	[tilespmem:$0x1DCB0] =	vst v60;
	v52 =	vnsel vm7, $0x2710, v22;
	vm8 =	veq.s32 v24, $0x2  }
0x110: {  	v59 =	vld [tilespmem:$0x1DAF0];
	[tilespmem:$0x1DC70] =	vst v52;
	v54 =	vnsel vm8, $0x2710, v26;
	vm9 =	veq.s32 v28, $0x2  }
0x111: {  	[tilespmem:$0x1DC80] =	vst v54;
	v56 =	vnsel vm9, $0x2710, v30;
	vm12 =	veq.s32 v45, $0x2  }
0x112: {  	vm13 =	veq.s32 v49, $0x2;
	[tilespmem:$0x1DC90] =	vst v56;
	v61 =	vnsel vm12, $0x2710, v47  }
0x113: {  	vm14 =	veq.s32 v53, $0x2;
	v62 =	vnsel vm13, $0x2710, v51;
	[tilespmem:$0x1DCC0] =	vst v61  }
0x114: {  	vm15 =	veq.s32 v57, $0x2;
	v63 =	vnsel vm14, $0x2710, v55;
	[tilespmem:$0x1DCD0] =	vst v62  }
0x115: {  	v0 =	vnsel vm15, $0x2710, v59;
	[tilespmem:$0x1DCE0] =	vst v63  }
0x116: {  	[tilespmem:$0x1DCF0] =	vst v0  }
0x117: {  	[tilespmem:s8], [sflag:$0x2] =	stream.indirect.gather [hbm4b:s4+s25], $0x40, s29, s25, $0xb8;
	[tilespmem:$0x1FD00] =	vst v63  }
0x118: {  	_ =	swait.ge [sflag:s11], $0x2000  }
0x119: {  	[sflag:s11] =	ssyncset.done $0x0  }
0x11a: {  	[sflag:s11] =	ssyncadd.s32 $0xFFFFE000  }
0x11b: {  	[spmem:s2] =	stream.indirect.scatter.add.f32 [tilespmem:s8], [sflag:$0x3], $0x40, s15, s25, $0xb8;
	[tilespmem:$0x1FD00] =	vst v63  }
0x11c: {  	_ =	swait.ge [sflag:s28], $0x2000  }
0x11d: {  	[sflag:s28] =	ssyncset.done $0x0  }
0x11e: {  	[sflag:s28] =	ssyncadd.s32 $0xFFFFE000  }
0x11f: {  	[tilespmem:s8], [sflag:$0x2] =	stream.indirect.gather [hbm4b:s4+s25], $0x40, s16, s25, $0xb8;
	[tilespmem:$0x1FD00] =	vst v63  }
0x120: {  	_ =	swait.ge [sflag:s11], $0x2000  }
0x121: {  	[sflag:s11] =	ssyncset.done $0x0  }
0x122: {  	[sflag:s11] =	ssyncadd.s32 $0xFFFFE000  }
0x123: {  	[spmem:s2] =	stream.indirect.scatter.add.f32 [tilespmem:s8], [sflag:$0x3], $0x40, s13, s25, $0xb8;
	[tilespmem:$0x1FD00] =	vst v63  }
0x124: {  	_ =	swait.ge [sflag:s28], $0x2000  }
0x125: {  	[sflag:s28] =	ssyncset.done $0x0  }
0x126: {  	[sflag:s28] =	ssyncadd.s32 $0xFFFFE000  }
0x127: {  	[tilespmem:s8], [sflag:$0x2] =	stream.indirect.gather [hbm4b:s4+s25], $0x40, s17, s25, $0xb8;
	[tilespmem:$0x1FD00] =	vst v63  }
0x128: {  	_ =	swait.ge [sflag:s11], $0x2000  }
0x129: {  	[sflag:s11] =	ssyncset.done $0x0  }
0x12a: {  	[sflag:s11] =	ssyncadd.s32 $0xFFFFE000  }
0x12b: {  	[spmem:s2] =	stream.indirect.scatter.add.f32 [tilespmem:s8], [sflag:$0x3], $0x40, s26, s25, $0xb8;
	[tilespmem:$0x1FD00] =	vst v63  }
0x12c: {  	_ =	swait.ge [sflag:s28], $0x2000  }
0x12d: {  	[sflag:s28] =	ssyncset.done $0x0  }
0x12e: {  	[sflag:s28] =	ssyncadd.s32 $0xFFFFE000  }
0x12f: {  	[tilespmem:s8], [sflag:$0x2] =	stream.indirect.gather [hbm4b:s4+s25], $0x40, s6, s25, $0xb8;
	[tilespmem:$0x1FD00] =	vst v63  }
0x130: {  	_ =	swait.ge [sflag:s11], $0x2000  }
0x131: {  	p4 =	sne.s32 s14, $0x1;
	[sflag:s11] =	ssyncset.done $0x0  }
.Ltmp6:
0x132: {  	[sflag:s11] =	ssyncadd.s32 $0xFFFFE000;
	(pc) =	sbr.rel @p4 .LBB2_10-.Ltmp6, $4  }
0x133: {  	[spmem:s2] =	stream.indirect.scatter.add.f32 [tilespmem:s8], [sflag:$0x3], $0x40, s7, s25, $0xb8;
	[tilespmem:$0x1FD00] =	vst v63  }
0x134: {  	_ =	swait.ge [sflag:s28], $0x2000  }
0x135: {  	s20 =	sadd.s32 $0x40, s20;
	s14 =	sadd.s32 $0xFFFFFFFF, s14;
	[sflag:s28] =	ssyncset.done $0x0  }
0x136: {  	s18 =	sadd.s32 $0x40, s18;
	s22 =	sadd.s32 $0x40, s22;
	[sflag:s28] =	ssyncadd.s32 $0xFFFFE000  }
.LBB2_11:
0x137: {  	[bflag:$0x0] =	sbarrier.arrive $0xFFFF  }
0x138: {  	s14 =	rddreg [dreg:$0xc]  }
0x139: {  	s20 =	simm.s32 $0x10;
	s18 =	rddreg [dreg:$0xf];
	s14 =	sshrl.u32 s14, $0x3  }
0x13a: {  	[hbm:s18@s20], [sflag:s21] =	dma.strided [spmem:s14@s10], $0x1380, s1, $0x8   }
.Ltmp7:
0x13b: {  	_ = 	snop;
	(pc) =	sbr.rel @p2 .LBB2_13-.Ltmp7, $4  }
.Ltmp8:
0x13c: {  	_ = 	snop;
	(pc) =	sbr.rel @!p2 .LBB2_12-.Ltmp8, $4  }
0x13d: {  	_ =	swait.ge [sflag:s28], $0x1380  }
0x13e: {  	[sflag:s28] =	ssyncset.done $0x0  }
0x13f: {  	s14 =	rddreg [dreg:$0x10];
	[sflag:s28] =	ssyncadd.s32 $0xFFFFEC80  }
0x140: {  	_ = 	snop  }
.LBB2_2:
.Ltmp9:
0x141: {  	(pc) =	sbr.rel @p1 .LBB2_4-.Ltmp9, $3  }
0x142: {  	_ =	sdelay $0x1  }
0x143: {  	s23 =	rddreg [dreg:$0x13]  }
0x144: {  	s18 =	smov.u32 s19;
	s22 =	smov.u32 s24;
	s14 =	smov.u32 s9  }
.LBB2_3:
0x145: {  	[tilespmem:s29], [sflag:$0x1] =	stream.linear.gather [hbm4b:s23+s3], $0x200, $0x38;
	[tilespmem:$0x1FD00] =	vst v63  }
0x146: {  	_ = 	snop  }
0x147: {  	[tilespmem:s30], [sflag:$0x1] =	stream.linear.gather [hbm4b:s18+s3], $0x200, $0x38;
	[tilespmem:$0x1FD00] =	vst v63  }
0x148: {  	_ = 	snop  }
0x149: {  	[tilespmem:s31], [sflag:$0x1] =	stream.linear.gather [hbm4b:s22+s3], $0x200, $0x38;
	[tilespmem:$0x1FD00] =	vst v63  }
0x14a: {  	_ =	swait.ge [sflag:s1], $0x200  }
0x14b: {  	[sflag:s1] =	ssyncset.done $0x0  }
0x14c: {  	[sflag:s1] =	ssyncadd.s32 $0xFFFFFE00  }
0x14d: {  	_ =	swait.ge [sflag:s1], $0x200  }
0x14e: {  	[sflag:s1] =	ssyncset.done $0x0  }
0x14f: {  	[sflag:s1] =	ssyncadd.s32 $0xFFFFFE00  }
0x150: {  	_ =	swait.ge [sflag:s1], $0x200  }
0x151: {  	[sflag:s1] =	ssyncset.done $0x0  }
0x152: {  	[sflag:s1] =	ssyncadd.s32 $0xFFFFFE00  }
0x153: {  	v0 =	vld [tilespmem:$0x1D700]  }
0x154: {  	v1 =	vld [tilespmem:$0x1D900]  }
0x155: {  	v2 =	vld [tilespmem:$0x1D710]  }
0x156: {  	v3 =	vld [tilespmem:$0x1D910]  }
0x157: {  	v4 =	vld [tilespmem:$0x1D720]  }
0x158: {  	v5 =	vld [tilespmem:$0x1D920]  }
0x159: {  	v6 =	vld [tilespmem:$0x1D730]  }
0x15a: {  	v7 =	vld [tilespmem:$0x1D930]  }
0x15b: {  	v8 =	vld [tilespmem:$0x1D740]  }
0x15c: {  	v9 =	vld [tilespmem:$0x1D940]  }
0x15d: {  	v10 =	vld [tilespmem:$0x1D750]  }
0x15e: {  	v11 =	vld [tilespmem:$0x1D950]  }
0x15f: {  	v12 =	vld [tilespmem:$0x1D760]  }
0x160: {  	v13 =	vld [tilespmem:$0x1D960]  }
0x161: {  	v14 =	vld [tilespmem:$0x1D770]  }
0x162: {  	v15 =	vld [tilespmem:$0x1D970]  }
0x163: {  	v16 =	vld [tilespmem:$0x1D780]  }
0x164: {  	v17 =	vld [tilespmem:$0x1D980]  }
0x165: {  	v18 =	vld [tilespmem:$0x1D790]  }
0x166: {  	v19 =	vld [tilespmem:$0x1D990]  }
0x167: {  	v20 =	vld [tilespmem:$0x1D7A0]  }
0x168: {  	v21 =	vld [tilespmem:$0x1D9A0]  }
0x169: {  	v22 =	vld [tilespmem:$0x1D7B0]  }
0x16a: {  	v23 =	vld [tilespmem:$0x1D9B0]  }
0x16b: {  	v24 =	vld [tilespmem:$0x1D7C0]  }
0x16c: {  	v25 =	vld [tilespmem:$0x1D9C0]  }
0x16d: {  	v26 =	vld [tilespmem:$0x1D7D0]  }
0x16e: {  	v27 =	vld [tilespmem:$0x1D9D0]  }
0x16f: {  	v28 =	vld [tilespmem:$0x1D7E0]  }
0x170: {  	v29 =	vld [tilespmem:$0x1D9E0]  }
0x171: {  	v30 =	vld [tilespmem:$0x1D7F0]  }
0x172: {  	v31 =	vld [tilespmem:$0x1D9F0]  }
0x173: {  	v32 =	vld [tilespmem:$0x1D800]  }
0x174: {  	v33 =	vld [tilespmem:$0x1DA00]  }
0x175: {  	v34 =	vld [tilespmem:$0x1D810]  }
0x176: {  	v35 =	vld [tilespmem:$0x1DA10];
	v0 =	vmul.u32 $0x2710, v0  }
0x177: {  	v36 =	vld [tilespmem:$0x1D820];
	v2 =	vmul.u32 $0x2710, v2  }
0x178: {  	v38 =	vld [tilespmem:$0x1DA50];
	v54 =	vmul.u32 $0x2710, v4;
	v0 =	vadd.s32 v0, v1  }
0x179: {  	v41 =	vld [tilespmem:$0x1D860];
	v56 =	vmul.u32 $0x2710, v6;
	v55 =	vadd.s32 v2, v3;
	[tilespmem:$0x1DB00] =	vst v0  }
0x17a: {  	v44 =	vld [tilespmem:$0x1DA60];
	v58 =	vmul.u32 $0x2710, v8;
	v57 =	vadd.s32 v54, v5;
	[tilespmem:$0x1DB10] =	vst v55  }
0x17b: {  	v47 =	vld [tilespmem:$0x1D870];
	v60 =	vmul.u32 $0x2710, v10;
	v59 =	vadd.s32 v56, v7;
	[tilespmem:$0x1DB20] =	vst v57  }
0x17c: {  	v50 =	vld [tilespmem:$0x1DA70];
	v62 =	vmul.u32 $0x2710, v12;
	v61 =	vadd.s32 v58, v9;
	[tilespmem:$0x1DB30] =	vst v59  }
0x17d: {  	v53 =	vld [tilespmem:$0x1D880];
	v12 =	vmul.u32 $0x2710, v14;
	v63 =	vadd.s32 v60, v11;
	[tilespmem:$0x1DB40] =	vst v61  }
0x17e: {  	v4 =	vld [tilespmem:$0x1DA20];
	v37 =	vmul.u32 $0x2710, v16;
	v14 =	vadd.s32 v62, v13;
	[tilespmem:$0x1DB50] =	vst v63  }
0x17f: {  	v6 =	vld [tilespmem:$0x1D840];
	v40 =	vmul.u32 $0x2710, v18;
	v39 =	vadd.s32 v12, v15;
	[tilespmem:$0x1DB60] =	vst v14  }
0x180: {  	v8 =	vld [tilespmem:$0x1D850];
	v43 =	vmul.u32 $0x2710, v20;
	v42 =	vadd.s32 v37, v17;
	[tilespmem:$0x1DB70] =	vst v39  }
0x181: {  	v46 =	vmul.u32 $0x2710, v22;
	v22 =	vld [tilespmem:$0x1D8A0];
	v45 =	vadd.s32 v40, v19;
	[tilespmem:$0x1DB80] =	vst v42  }
0x182: {  	v49 =	vmul.u32 $0x2710, v24;
	v3 =	vld [tilespmem:$0x1D830];
	v48 =	vadd.s32 v43, v21;
	[tilespmem:$0x1DB90] =	vst v45  }
0x183: {  	v24 =	vmul.u32 $0x2710, v36;
	v36 =	vmul.u32 $0x2710, v41;
	v5 =	vld [tilespmem:$0x1DA30];
	v51 =	vadd.s32 v46, v23;
	[tilespmem:$0x1DBA0] =	vst v48  }
0x184: {  	v52 =	vmul.u32 $0x2710, v26;
	v7 =	vld [tilespmem:$0x1DA40];
	v54 =	vadd.s32 v49, v25;
	[tilespmem:$0x1DBB0] =	vst v51  }
0x185: {  	v56 =	vld [tilespmem:$0x1DA80];
	v58 =	vmul.u32 $0x2710, v30;
	v41 =	vadd.s32 v36, v44;
	[tilespmem:$0x1DBC0] =	vst v54  }
0x186: {  	v62 =	vld [tilespmem:$0x1DA90];
	v21 =	vmul.u32 $0x2710, v34;
	v57 =	vadd.s32 v52, v27;
	[tilespmem:$0x1DC60] =	vst v41  }
0x187: {  	v25 =	vld [tilespmem:$0x1DAA0];
	v55 =	vmul.u32 $0x2710, v28;
	[tilespmem:$0x1DBD0] =	vst v57;
	v63 =	vadd.s32 v58, v31  }
0x188: {  	v34 =	vld [tilespmem:$0x1D8C0];
	v61 =	vmul.u32 $0x2710, v32;
	v26 =	vadd.s32 v21, v35;
	[tilespmem:$0x1DBF0] =	vst v63  }
0x189: {  	v37 =	vld [tilespmem:$0x1DAC0];
	v60 =	vadd.s32 v55, v29;
	[tilespmem:$0x1DC10] =	vst v26  }
0x18a: {  	v40 =	vld [tilespmem:$0x1D8D0];
	v39 =	vmul.u32 $0x2710, v47;
	v23 =	vadd.s32 v61, v33;
	[tilespmem:$0x1DBE0] =	vst v60  }
0x18b: {  	v43 =	vld [tilespmem:$0x1DAD0];
	v29 =	vadd.s32 v24, v4;
	v30 =	vmul.u32 $0x2710, v6;
	[tilespmem:$0x1DC00] =	vst v23  }
0x18c: {  	v46 =	vld [tilespmem:$0x1D8E0];
	v33 =	vmul.u32 $0x2710, v8;
	v44 =	vadd.s32 v39, v50;
	[tilespmem:$0x1DC20] =	vst v29  }
0x18d: {  	v59 =	vld [tilespmem:$0x1D890];
	v42 =	vmul.u32 $0x2710, v53;
	[tilespmem:$0x1DC70] =	vst v44;
	v35 =	vadd.s32 v30, v7  }
0x18e: {  	v28 =	vld [tilespmem:$0x1D8B0];
	v48 =	vmul.u32 $0x2710, v22;
	v38 =	vadd.s32 v33, v38;
	[tilespmem:$0x1DC40] =	vst v35  }
0x18f: {  	v49 =	vld [tilespmem:$0x1D8F0];
	v27 =	vmul.u32 $0x2710, v3;
	v47 =	vadd.s32 v42, v56;
	[tilespmem:$0x1DC50] =	vst v38  }
0x190: {  	v31 =	vld [tilespmem:$0x1DAB0];
	v53 =	vadd.s32 v48, v25;
	v54 =	vmul.u32 $0x2710, v34;
	[tilespmem:$0x1DC80] =	vst v47  }
0x191: {  	v52 =	vld [tilespmem:$0x1DAE0];
	v57 =	vmul.u32 $0x2710, v40;
	[tilespmem:$0x1DCA0] =	vst v53;
	v32 =	vadd.s32 v27, v5  }
0x192: {  	v55 =	vld [tilespmem:$0x1DAF0];
	v45 =	vmul.u32 $0x2710, v59;
	v58 =	vadd.s32 v54, v37;
	[tilespmem:$0x1DC30] =	vst v32  }
0x193: {  	v51 =	vmul.u32 $0x2710, v28;
	v60 =	vadd.s32 v57, v43;
	[tilespmem:$0x1DCC0] =	vst v58  }
0x194: {  	v59 =	vmul.u32 $0x2710, v46;
	v50 =	vadd.s32 v45, v62;
	[tilespmem:$0x1DCD0] =	vst v60  }
0x195: {  	v61 =	vmul.u32 $0x2710, v49;
	v56 =	vadd.s32 v51, v31;
	[tilespmem:$0x1DC90] =	vst v50  }
0x196: {  	v62 =	vadd.s32 v59, v52;
	[tilespmem:$0x1DCB0] =	vst v56  }
0x197: {  	v63 =	vadd.s32 v61, v55;
	[tilespmem:$0x1DCE0] =	vst v62  }
0x198: {  	[tilespmem:$0x1DCF0] =	vst v63  }
0x199: {  	[tilespmem:s8], [sflag:$0x2] =	stream.indirect.gather [hbm4b:s0+s25], $0x40, s29, s25, $0xb8;
	[tilespmem:$0x1FD00] =	vst v63  }
0x19a: {  	_ =	swait.ge [sflag:s11], $0x2000  }
0x19b: {  	[sflag:s11] =	ssyncset.done $0x0  }
0x19c: {  	[sflag:s11] =	ssyncadd.s32 $0xFFFFE000  }
0x19d: {  	[spmem:s2] =	stream.indirect.scatter.add.f32 [tilespmem:s8], [sflag:$0x3], $0x40, s15, s25, $0xb8;
	[tilespmem:$0x1FD00] =	vst v63  }
0x19e: {  	_ =	swait.ge [sflag:s28], $0x2000  }
0x19f: {  	[sflag:s28] =	ssyncset.done $0x0  }
0x1a0: {  	[sflag:s28] =	ssyncadd.s32 $0xFFFFE000  }
0x1a1: {  	[tilespmem:s8], [sflag:$0x2] =	stream.indirect.gather [hbm4b:s0+s25], $0x40, s16, s25, $0xb8;
	[tilespmem:$0x1FD00] =	vst v63  }
0x1a2: {  	_ =	swait.ge [sflag:s11], $0x2000  }
0x1a3: {  	[sflag:s11] =	ssyncset.done $0x0  }
0x1a4: {  	[sflag:s11] =	ssyncadd.s32 $0xFFFFE000  }
0x1a5: {  	[spmem:s2] =	stream.indirect.scatter.add.f32 [tilespmem:s8], [sflag:$0x3], $0x40, s13, s25, $0xb8;
	[tilespmem:$0x1FD00] =	vst v63  }
0x1a6: {  	_ =	swait.ge [sflag:s28], $0x2000  }
0x1a7: {  	[sflag:s28] =	ssyncset.done $0x0  }
0x1a8: {  	[sflag:s28] =	ssyncadd.s32 $0xFFFFE000  }
0x1a9: {  	[tilespmem:s8], [sflag:$0x2] =	stream.indirect.gather [hbm4b:s0+s25], $0x40, s17, s25, $0xb8;
	[tilespmem:$0x1FD00] =	vst v63  }
0x1aa: {  	_ =	swait.ge [sflag:s11], $0x2000  }
0x1ab: {  	[sflag:s11] =	ssyncset.done $0x0  }
0x1ac: {  	[sflag:s11] =	ssyncadd.s32 $0xFFFFE000  }
0x1ad: {  	[spmem:s2] =	stream.indirect.scatter.add.f32 [tilespmem:s8], [sflag:$0x3], $0x40, s26, s25, $0xb8;
	[tilespmem:$0x1FD00] =	vst v63  }
0x1ae: {  	_ =	swait.ge [sflag:s28], $0x2000  }
0x1af: {  	[sflag:s28] =	ssyncset.done $0x0  }
0x1b0: {  	[sflag:s28] =	ssyncadd.s32 $0xFFFFE000  }
0x1b1: {  	[tilespmem:s8], [sflag:$0x2] =	stream.indirect.gather [hbm4b:s0+s25], $0x40, s6, s25, $0xb8;
	[tilespmem:$0x1FD00] =	vst v63  }
0x1b2: {  	_ =	swait.ge [sflag:s11], $0x2000  }
0x1b3: {  	p4 =	sne.s32 s14, $0x1;
	[sflag:s11] =	ssyncset.done $0x0  }
.Ltmp10:
0x1b4: {  	[sflag:s11] =	ssyncadd.s32 $0xFFFFE000;
	(pc) =	sbr.rel @p4 .LBB2_3-.Ltmp10, $4  }
0x1b5: {  	[spmem:s2] =	stream.indirect.scatter.add.f32 [tilespmem:s8], [sflag:$0x3], $0x40, s7, s25, $0xb8;
	[tilespmem:$0x1FD00] =	vst v63  }
0x1b6: {  	_ =	swait.ge [sflag:s28], $0x2000  }
0x1b7: {  	s23 =	sadd.s32 $0x40, s23;
	s14 =	sadd.s32 $0xFFFFFFFF, s14;
	[sflag:s28] =	ssyncset.done $0x0  }
0x1b8: {  	s18 =	sadd.s32 $0x40, s18;
	s22 =	sadd.s32 $0x40, s22;
	[sflag:s28] =	ssyncadd.s32 $0xFFFFE000  }
.LBB2_4:
0x1b9: {  	[bflag:$0x0] =	sbarrier.arrive $0xFFFF  }
0x1ba: {  	s14 =	rddreg [dreg:$0x7]  }
0x1bb: {  	s22 =	simm.s32 $0x10;
	s18 =	rddreg [dreg:$0x6];
	s14 =	sshrl.u32 s14, $0x3  }
0x1bc: {  	[hbm:s18@s22], [sflag:s21] =	dma.strided [spmem:s14@s10], $0x3A80, s1, $0x8   }
0x1bd: {  	_ =	swait.ge [sflag:s28], $0x3A80  }
0x1be: {  	s14 =	simm.s32 @!p2 $0x1;
	s18 =	simm.s32 @!p2 $0x10;
	[sflag:s28] =	ssyncset.done $0x0  }
0x1bf: {  	s22 =	simm.s32 @!p2 $0x8;
	s23 =	rddreg [dreg:$0x8];
	[sflag:s28] =	ssyncadd.s32 $0xFFFFC580  }
0x1c0: {  	[hbm:s23@s18], [sflag:s21] =	dma.strided @!p2 [spmem:s20@s22], $0x180, s14, $0x8   }
0x1c1: {  	s14 =	simm.s32 @!p2 $0x3  }
0x1c2: {  	_ =	swait.ge @!p2 [sflag:s14], $0x180  }
0x1c3: {  	[sflag:s14] =	ssyncset.done @!p2 $0x0  }
0x1c4: {  	[sflag:s14] =	ssyncadd.s32 @!p2 $0xFFFFFE80  }
0x1c5: {  	[bflag:$0x0] =	sbarrier.arrive $0xFFFF  }
0x1c6: {  	s23 =	rddreg [dreg:$0xa]  }
0x1c7: {  	s14 =	sshrl.u32 s23, $0x3  }
0x1c8: {  	[spmem:s14], [sflag:s21] =	dma.local [hbm:s5], $0x1390  }
.Ltmp11:
0x1c9: {  	_ =	swait.ge [sflag:s28], $0x1390;
	(pc) =	sbr.rel @p1 .LBB2_6-.Ltmp11, $4  }
0x1ca: {  	[sflag:s28] =	ssyncset.done $0x0  }
0x1cb: {  	[sflag:s28] =	ssyncadd.s32 $0xFFFFEC70  }
0x1cc: {  	s18 =	smov.u32 s19;
	[bflag:$0x0] =	sbarrier.arrive $0xFFFF  }
0x1cd: {  	s22 =	smov.u32 s24;
	s14 =	smov.u32 s9;
	s20 =	rddreg [dreg:$0x11]  }
.LBB2_5:
0x1ce: {  	[tilespmem:s29], [sflag:$0x1] =	stream.linear.gather [hbm4b:s20+s3], $0x200, $0x38;
	[tilespmem:$0x1FD00] =	vst v63  }
0x1cf: {  	_ = 	snop  }
0x1d0: {  	[tilespmem:s30], [sflag:$0x1] =	stream.linear.gather [hbm4b:s18+s3], $0x200, $0x38;
	[tilespmem:$0x1FD00] =	vst v63  }
0x1d1: {  	_ = 	snop  }
0x1d2: {  	[tilespmem:s31], [sflag:$0x1] =	stream.linear.gather [hbm4b:s22+s3], $0x200, $0x38;
	[tilespmem:$0x1FD00] =	vst v63  }
0x1d3: {  	_ =	swait.ge [sflag:s1], $0x200  }
0x1d4: {  	[sflag:s1] =	ssyncset.done $0x0  }
0x1d5: {  	[sflag:s1] =	ssyncadd.s32 $0xFFFFFE00  }
0x1d6: {  	_ =	swait.ge [sflag:s1], $0x200  }
0x1d7: {  	[sflag:s1] =	ssyncset.done $0x0  }
0x1d8: {  	[sflag:s1] =	ssyncadd.s32 $0xFFFFFE00  }
0x1d9: {  	_ =	swait.ge [sflag:s1], $0x200  }
0x1da: {  	[sflag:s1] =	ssyncset.done $0x0  }
0x1db: {  	[sflag:s1] =	ssyncadd.s32 $0xFFFFFE00  }
0x1dc: {  	v0 =	vld [tilespmem:$0x1D700]  }
0x1dd: {  	v1 =	vld [tilespmem:$0x1D900]  }
0x1de: {  	v2 =	vld [tilespmem:$0x1D710]  }
0x1df: {  	v3 =	vld [tilespmem:$0x1D910]  }
0x1e0: {  	v4 =	vld [tilespmem:$0x1D720]  }
0x1e1: {  	v5 =	vld [tilespmem:$0x1D920]  }
0x1e2: {  	v6 =	vld [tilespmem:$0x1D730]  }
0x1e3: {  	v7 =	vld [tilespmem:$0x1D930]  }
0x1e4: {  	v8 =	vld [tilespmem:$0x1D740]  }
0x1e5: {  	v9 =	vld [tilespmem:$0x1D940]  }
0x1e6: {  	v10 =	vld [tilespmem:$0x1D750]  }
0x1e7: {  	v11 =	vld [tilespmem:$0x1D950]  }
0x1e8: {  	v12 =	vld [tilespmem:$0x1D760]  }
0x1e9: {  	v13 =	vld [tilespmem:$0x1D960]  }
0x1ea: {  	v14 =	vld [tilespmem:$0x1D770]  }
0x1eb: {  	v15 =	vld [tilespmem:$0x1D970]  }
0x1ec: {  	v16 =	vld [tilespmem:$0x1D780]  }
0x1ed: {  	v17 =	vld [tilespmem:$0x1D980]  }
0x1ee: {  	v18 =	vld [tilespmem:$0x1D790]  }
0x1ef: {  	v19 =	vld [tilespmem:$0x1D990]  }
0x1f0: {  	v20 =	vld [tilespmem:$0x1D7A0]  }
0x1f1: {  	v21 =	vld [tilespmem:$0x1D9A0]  }
0x1f2: {  	v22 =	vld [tilespmem:$0x1D7B0]  }
0x1f3: {  	v23 =	vld [tilespmem:$0x1D9B0]  }
0x1f4: {  	v24 =	vld [tilespmem:$0x1D7C0]  }
0x1f5: {  	v25 =	vld [tilespmem:$0x1D9C0]  }
0x1f6: {  	v26 =	vld [tilespmem:$0x1D7D0]  }
0x1f7: {  	v27 =	vld [tilespmem:$0x1D9D0]  }
0x1f8: {  	v28 =	vld [tilespmem:$0x1D7E0]  }
0x1f9: {  	v29 =	vld [tilespmem:$0x1D9E0]  }
0x1fa: {  	v30 =	vld [tilespmem:$0x1D7F0]  }
0x1fb: {  	v31 =	vld [tilespmem:$0x1D9F0]  }
0x1fc: {  	v32 =	vld [tilespmem:$0x1D800]  }
0x1fd: {  	v33 =	vld [tilespmem:$0x1DA00]  }
0x1fe: {  	v34 =	vld [tilespmem:$0x1D810]  }
0x1ff: {  	v35 =	vld [tilespmem:$0x1DA10]  }
0x200: {  	v44 =	vld [tilespmem:$0x1D820];
	vm0 =	veq.s32 v0, $0x2  }
0x201: {  	v45 =	vld [tilespmem:$0x1DA20];
	vm9 =	veq.s32 v2, $0x2;
	v1 =	vnsel vm0, $0x2710, v1  }
0x202: {  	v47 =	vld [tilespmem:$0x1D830];
	vm10 =	veq.s32 v4, $0x2;
	v46 =	vnsel vm9, $0x2710, v3;
	[tilespmem:$0x1DB00] =	vst v1  }
0x203: {  	v49 =	vld [tilespmem:$0x1DA30];
	vm11 =	veq.s32 v6, $0x2;
	v48 =	vnsel vm10, $0x2710, v5;
	[tilespmem:$0x1DB10] =	vst v46  }
0x204: {  	v51 =	vld [tilespmem:$0x1D840];
	vm12 =	veq.s32 v8, $0x2;
	v50 =	vnsel vm11, $0x2710, v7;
	[tilespmem:$0x1DB20] =	vst v48  }
0x205: {  	v53 =	vld [tilespmem:$0x1DA40];
	vm13 =	veq.s32 v10, $0x2;
	v52 =	vnsel vm12, $0x2710, v9;
	[tilespmem:$0x1DB30] =	vst v50  }
0x206: {  	v55 =	vld [tilespmem:$0x1D850];
	vm14 =	veq.s32 v12, $0x2;
	v54 =	vnsel vm13, $0x2710, v11;
	[tilespmem:$0x1DB40] =	vst v52  }
0x207: {  	v57 =	vld [tilespmem:$0x1DA50];
	vm15 =	veq.s32 v14, $0x2;
	v56 =	vnsel vm14, $0x2710, v13;
	[tilespmem:$0x1DB50] =	vst v54  }
0x208: {  	v59 =	vld [tilespmem:$0x1D860];
	vm4 =	veq.s32 v16, $0x2;
	v58 =	vnsel vm15, $0x2710, v15;
	[tilespmem:$0x1DB60] =	vst v56  }
0x209: {  	v61 =	vld [tilespmem:$0x1DA60];
	vm5 =	veq.s32 v18, $0x2;
	v60 =	vnsel vm4, $0x2710, v17;
	[tilespmem:$0x1DB70] =	vst v58  }
0x20a: {  	v63 =	vld [tilespmem:$0x1D870];
	vm6 =	veq.s32 v20, $0x2;
	v62 =	vnsel vm5, $0x2710, v19;
	[tilespmem:$0x1DB80] =	vst v60  }
0x20b: {  	v37 =	vld [tilespmem:$0x1D8A0];
	vm7 =	veq.s32 v22, $0x2;
	v21 =	vnsel vm6, $0x2710, v21;
	[tilespmem:$0x1DB90] =	vst v62  }
0x20c: {  	v39 =	vld [tilespmem:$0x1DAA0];
	vm8 =	veq.s32 v24, $0x2;
	v23 =	vnsel vm7, $0x2710, v23;
	[tilespmem:$0x1DBA0] =	vst v21  }
0x20d: {  	v41 =	vld [tilespmem:$0x1D8B0];
	v25 =	vnsel vm8, $0x2710, v25;
	vm9 =	veq.s32 v26, $0x2;
	[tilespmem:$0x1DBB0] =	vst v23  }
0x20e: {  	v43 =	vld [tilespmem:$0x1DAB0];
	vm10 =	veq.s32 v28, $0x2;
	[tilespmem:$0x1DBC0] =	vst v25;
	v27 =	vnsel vm9, $0x2710, v27  }
0x20f: {  	v22 =	vld [tilespmem:$0x1DA70];
	vm11 =	veq.s32 v30, $0x2;
	v29 =	vnsel vm10, $0x2710, v29;
	[tilespmem:$0x1DBD0] =	vst v27  }
0x210: {  	v24 =	vld [tilespmem:$0x1D880];
	vm12 =	veq.s32 v32, $0x2;
	v36 =	vnsel vm11, $0x2710, v31;
	[tilespmem:$0x1DBE0] =	vst v29  }
0x211: {  	v26 =	vld [tilespmem:$0x1DA80];
	vm13 =	veq.s32 v34, $0x2;
	v38 =	vnsel vm12, $0x2710, v33;
	[tilespmem:$0x1DBF0] =	vst v36  }
0x212: {  	v28 =	vld [tilespmem:$0x1D890];
	vm14 =	veq.s32 v44, $0x2;
	v40 =	vnsel vm13, $0x2710, v35;
	[tilespmem:$0x1DC00] =	vst v38  }
0x213: {  	v30 =	vld [tilespmem:$0x1DA90];
	vm15 =	veq.s32 v47, $0x2;
	v42 =	vnsel vm14, $0x2710, v45;
	[tilespmem:$0x1DC10] =	vst v40  }
0x214: {  	vm4 =	veq.s32 v51, $0x2;
	v47 =	vld [tilespmem:$0x1DAC0];
	v44 =	vnsel vm15, $0x2710, v49;
	[tilespmem:$0x1DC20] =	vst v42  }
0x215: {  	vm5 =	veq.s32 v55, $0x2;
	v51 =	vld [tilespmem:$0x1DAD0];
	v46 =	vnsel vm4, $0x2710, v53;
	[tilespmem:$0x1DC30] =	vst v44  }
0x216: {  	vm6 =	veq.s32 v59, $0x2;
	v55 =	vld [tilespmem:$0x1DAE0];
	v48 =	vnsel vm5, $0x2710, v57;
	[tilespmem:$0x1DC40] =	vst v46  }
0x217: {  	v45 =	vld [tilespmem:$0x1D8C0];
	v50 =	vnsel vm6, $0x2710, v61;
	vm10 =	veq.s32 v37, $0x2;
	[tilespmem:$0x1DC50] =	vst v48  }
0x218: {  	v49 =	vld [tilespmem:$0x1D8D0];
	vm11 =	veq.s32 v41, $0x2;
	[tilespmem:$0x1DC60] =	vst v50;
	v58 =	vnsel vm10, $0x2710, v39  }
0x219: {  	vm7 =	veq.s32 v63, $0x2;
	v53 =	vld [tilespmem:$0x1D8E0];
	v60 =	vnsel vm11, $0x2710, v43;
	[tilespmem:$0x1DCA0] =	vst v58  }
0x21a: {  	v57 =	vld [tilespmem:$0x1D8F0];
	[tilespmem:$0x1DCB0] =	vst v60;
	v52 =	vnsel vm7, $0x2710, v22;
	vm8 =	veq.s32 v24, $0x2  }
0x21b: {  	v59 =	vld [tilespmem:$0x1DAF0];
	[tilespmem:$0x1DC70] =	vst v52;
	v54 =	vnsel vm8, $0x2710, v26;
	vm9 =	veq.s32 v28, $0x2  }
0x21c: {  	[tilespmem:$0x1DC80] =	vst v54;
	v56 =	vnsel vm9, $0x2710, v30;
	vm12 =	veq.s32 v45, $0x2  }
0x21d: {  	vm13 =	veq.s32 v49, $0x2;
	[tilespmem:$0x1DC90] =	vst v56;
	v61 =	vnsel vm12, $0x2710, v47  }
0x21e: {  	vm14 =	veq.s32 v53, $0x2;
	v62 =	vnsel vm13, $0x2710, v51;
	[tilespmem:$0x1DCC0] =	vst v61  }
0x21f: {  	vm15 =	veq.s32 v57, $0x2;
	v63 =	vnsel vm14, $0x2710, v55;
	[tilespmem:$0x1DCD0] =	vst v62  }
0x220: {  	v0 =	vnsel vm15, $0x2710, v59;
	[tilespmem:$0x1DCE0] =	vst v63  }
0x221: {  	[tilespmem:$0x1DCF0] =	vst v0  }
0x222: {  	[tilespmem:s8], [sflag:$0x2] =	stream.indirect.gather [hbm4b:s0+s25], $0x40, s29, s25, $0xb8;
	[tilespmem:$0x1FD00] =	vst v63  }
0x223: {  	_ =	swait.ge [sflag:s11], $0x2000  }
0x224: {  	[sflag:s11] =	ssyncset.done $0x0  }
0x225: {  	[sflag:s11] =	ssyncadd.s32 $0xFFFFE000  }
0x226: {  	[spmem:s2] =	stream.indirect.scatter.add.f32 [tilespmem:s8], [sflag:$0x3], $0x40, s15, s25, $0xb8;
	[tilespmem:$0x1FD00] =	vst v63  }
0x227: {  	_ =	swait.ge [sflag:s28], $0x2000  }
0x228: {  	[sflag:s28] =	ssyncset.done $0x0  }
0x229: {  	[sflag:s28] =	ssyncadd.s32 $0xFFFFE000  }
0x22a: {  	[tilespmem:s8], [sflag:$0x2] =	stream.indirect.gather [hbm4b:s0+s25], $0x40, s16, s25, $0xb8;
	[tilespmem:$0x1FD00] =	vst v63  }
0x22b: {  	_ =	swait.ge [sflag:s11], $0x2000  }
0x22c: {  	[sflag:s11] =	ssyncset.done $0x0  }
0x22d: {  	[sflag:s11] =	ssyncadd.s32 $0xFFFFE000  }
0x22e: {  	[spmem:s2] =	stream.indirect.scatter.add.f32 [tilespmem:s8], [sflag:$0x3], $0x40, s13, s25, $0xb8;
	[tilespmem:$0x1FD00] =	vst v63  }
0x22f: {  	_ =	swait.ge [sflag:s28], $0x2000  }
0x230: {  	[sflag:s28] =	ssyncset.done $0x0  }
0x231: {  	[sflag:s28] =	ssyncadd.s32 $0xFFFFE000  }
0x232: {  	[tilespmem:s8], [sflag:$0x2] =	stream.indirect.gather [hbm4b:s0+s25], $0x40, s17, s25, $0xb8;
	[tilespmem:$0x1FD00] =	vst v63  }
0x233: {  	_ =	swait.ge [sflag:s11], $0x2000  }
0x234: {  	[sflag:s11] =	ssyncset.done $0x0  }
0x235: {  	[sflag:s11] =	ssyncadd.s32 $0xFFFFE000  }
0x236: {  	[spmem:s2] =	stream.indirect.scatter.add.f32 [tilespmem:s8], [sflag:$0x3], $0x40, s26, s25, $0xb8;
	[tilespmem:$0x1FD00] =	vst v63  }
0x237: {  	_ =	swait.ge [sflag:s28], $0x2000  }
0x238: {  	[sflag:s28] =	ssyncset.done $0x0  }
0x239: {  	[sflag:s28] =	ssyncadd.s32 $0xFFFFE000  }
0x23a: {  	[tilespmem:s8], [sflag:$0x2] =	stream.indirect.gather [hbm4b:s0+s25], $0x40, s6, s25, $0xb8;
	[tilespmem:$0x1FD00] =	vst v63  }
0x23b: {  	_ =	swait.ge [sflag:s11], $0x2000  }
0x23c: {  	p4 =	sne.s32 s14, $0x1;
	[sflag:s11] =	ssyncset.done $0x0  }
.Ltmp12:
0x23d: {  	[sflag:s11] =	ssyncadd.s32 $0xFFFFE000;
	(pc) =	sbr.rel @p4 .LBB2_5-.Ltmp12, $4  }
0x23e: {  	[spmem:s2] =	stream.indirect.scatter.add.f32 [tilespmem:s8], [sflag:$0x3], $0x40, s7, s25, $0xb8;
	[tilespmem:$0x1FD00] =	vst v63  }
0x23f: {  	_ =	swait.ge [sflag:s28], $0x2000  }
0x240: {  	s20 =	sadd.s32 $0x40, s20;
	s14 =	sadd.s32 $0xFFFFFFFF, s14;
	[sflag:s28] =	ssyncset.done $0x0  }
0x241: {  	s18 =	sadd.s32 $0x40, s18;
	s22 =	sadd.s32 $0x40, s22;
	[sflag:s28] =	ssyncadd.s32 $0xFFFFE000  }
.LBB2_6:
0x242: {  	[bflag:$0x0] =	sbarrier.arrive $0xFFFF  }
0x243: {  	s14 =	rddreg [dreg:$0xc]  }
0x244: {  	s20 =	simm.s32 $0x10;
	s18 =	rddreg [dreg:$0xb];
	s14 =	sshrl.u32 s14, $0x3  }
0x245: {  	[hbm:s18@s20], [sflag:s21] =	dma.strided [spmem:s14@s10], $0x1380, s1, $0x8   }
.Ltmp13:
0x246: {  	_ = 	snop;
	(pc) =	sbr.rel @!p3 .LBB2_13-.Ltmp13, $4  }
.Ltmp14:
0x247: {  	_ = 	snop;
	(pc) =	sbr.rel @p3 .LBB2_12-.Ltmp14, $4  }
0x248: {  	_ =	swait.ge [sflag:s28], $0x1380  }
0x249: {  	[sflag:s28] =	ssyncset.done $0x0  }
0x24a: {  	s14 =	rddreg [dreg:$0xd];
	[sflag:s28] =	ssyncadd.s32 $0xFFFFEC80  }
0x24b: {  	_ = 	snop  }
.LBB2_14:
0x24c: {  	_ =	sfence.sel $0x180000  }
0x24d: {  	[bflag:$0x0] =	sbarrier.arrive $0xFFFF  }
0x24e: {  	_ =	strace $0x90000047  }
0x24f: {  	[bflag:$0x2] =	sbarrier.arrive $0xFFFF  }
0x250: {  	s0 =	rddreg [dreg:$0x5]  }
0x251: {  	s0 =	sadd.s32 @!p2 $0x100000, s0  }
0x252: {  	[sflag:s0] =	ssyncadd.tile.s32 @!p2 $0x1;
	_ =	shalt  }
.Lfunc_end2:
_tile_overlayer_lowered:
.L_overlay_start_2:
0x253: {  	(tag) =	ssettag $0x2  }
0x254: {  	s0 =	rddreg [dreg:$0x0];
	s2 =	stileid.u32  }
0x255: {  	s1 =	rddreg [dreg:$0x1];
	p0 =	sne.s32 s2, $0x0  }
0x256: {  	s3 =	rddreg [dreg:$0x2];
	[bflag:$0x3] =	sbarrier.arrive $0xFFFF;
	s2 =	simm.s32 @!p0 $0x1C03  }
0x257: {  	[timem:s3], [sflag:s2] =	dma.local @!p0 [hbm:s0], s1  }
0x258: {  	s0 =	simm.s32 @!p0 $0x3  }
0x259: {  	_ =	swait.ge @!p0 [sflag:s0], s1  }
0x25a: {  	s1 =	ssub.s32 @!p0 $0x0, s1;
	[sflag:s0] =	ssyncset.done @!p0 $0x0  }
0x25b: {  	[sflag:s0] =	ssyncadd.s32 @!p0 s1  }
0x25c: {  	[bflag:$0x3] =	sbarrier.arrive $0xFFFF  }
0x25d: {  	_ =	shalt  }

</sc_bundles>
